<compile_context>
chip_gen: v7x
topology: tpu7x:2x2x1
jax: 0.10.2.dev20260603
libtpu: 0.0.44.dev20260713+nightly
codegen_flags: <defaults>
</compile_context>

<pallas_src>
import functools

import jax
import jax.numpy as jnp
from jax import lax
from jax.experimental import pallas as pl
from jax.experimental.pallas import tpu as pltpu
from jax.experimental.pallas import tpu_sc as plsc

E = 23
K = 3
D = 768
H = 768
N = 8192
EL = 128
BLK = 256
G = 118
NSLOT = G * BLK
TN = 1024
RB = 2048
PB = (N * K) // RB

NEG = -1e30

_INV_SQRT2 = 0.7071067811865476


def _gelu_exact(v):
    return 0.5 * v * (1.0 + lax.erf(v * _INV_SQRT2))



def _gating_body(x_ref, gw_ref, gb_ref, bias_ref, ti_ref, tw_ref, cnt_ref,
                 ps_ref):
    step = pl.program_id(0)
    x = x_ref[...]
    logits = jnp.dot(x, gw_ref[...], preferred_element_type=jnp.float32)
    logits = logits + gb_ref[...]
    lane = lax.broadcasted_iota(jnp.int32, (TN, EL), 1)
    valid = lane < E
    g = jnp.where(valid, jax.nn.sigmoid(logits), 0.0)
    cur = jnp.where(valid, g + bias_ref[...], NEG)
    ams = []
    wks = []
    for _ in range(K):
        m = jnp.max(cur, axis=1, keepdims=True)
        am = jnp.min(jnp.where(cur == m, lane, EL), axis=1, keepdims=True)
        sel = lane == am
        wk = jnp.sum(jnp.where(sel, g, 0.0), axis=1, keepdims=True)
        ams.append(am)
        wks.append(wk)
        cur = jnp.where(sel, NEG, cur)
    wsum = wks[0] + wks[1] + wks[2]
    col8 = lax.broadcasted_iota(jnp.int32, (TN, 8), 1)
    ti = jnp.where(col8 == 0, ams[0],
                   jnp.where(col8 == 1, ams[1],
                             jnp.where(col8 == 2, ams[2], 0)))
    tw = jnp.where(col8 == 0, wks[0] / wsum,
                   jnp.where(col8 == 1, wks[1] / wsum,
                             jnp.where(col8 == 2, wks[2] / wsum, 0.0)))
    ti_ref[...] = ti.astype(jnp.int32)
    tw_ref[...] = tw
    cnts = jnp.zeros((1, EL), jnp.int32)
    for k in range(K):
        oh = (lane == ams[k]).astype(jnp.int32)
        cnts = cnts + jnp.sum(oh, axis=0, keepdims=True)
    cntb = jnp.broadcast_to(cnts, (8, EL)).astype(jnp.int32)
    gn = g / jnp.sum(g, axis=1, keepdims=True)
    psb = jnp.broadcast_to(jnp.sum(gn, axis=0, keepdims=True), (8, EL))

    @pl.when(step == 0)
    def _():
        cnt_ref[...] = cntb
        ps_ref[...] = psb

    @pl.when(step != 0)
    def _():
        cnt_ref[...] = cnt_ref[...] + cntb
        ps_ref[...] = ps_ref[...] + psb


def _gating(xf, gate_w_p, gate_b_p, bias_p):
    nb = N // TN
    return pl.pallas_call(
        _gating_body,
        grid=(nb,),
        in_specs=[
            pl.BlockSpec((TN, D), lambda i: (i, 0)),
            pl.BlockSpec((D, EL), lambda i: (0, 0)),
            pl.BlockSpec((1, EL), lambda i: (0, 0)),
            pl.BlockSpec((1, EL), lambda i: (0, 0)),
        ],
        out_specs=[
            pl.BlockSpec((TN, 8), lambda i: (i, 0)),
            pl.BlockSpec((TN, 8), lambda i: (i, 0)),
            pl.BlockSpec((8, EL), lambda i: (0, 0)),
            pl.BlockSpec((8, EL), lambda i: (0, 0)),
        ],
        out_shape=[
            jax.ShapeDtypeStruct((N, 8), jnp.int32),
            jax.ShapeDtypeStruct((N, 8), jnp.float32),
            jax.ShapeDtypeStruct((8, EL), jnp.int32),
            jax.ShapeDtypeStruct((8, EL), jnp.float32),
        ],
    )(xf, gate_w_p, gate_b_p, bias_p)



def _routing_body(ti_ref, cnt_ref, ps_ref, slots_ref, be_ref, aux_ref,
                  carry_ref, offs_ref):
    step = pl.program_id(0)

    @pl.when(step == 0)
    def _():
        cnt_row = cnt_ref[0:1, :].astype(jnp.float32)
        padded = jnp.ceil(cnt_row / BLK) * BLK
        r0 = lax.broadcasted_iota(jnp.int32, (EL, EL), 0)
        r1 = lax.broadcasted_iota(jnp.int32, (EL, EL), 1)
        eye = (r0 == r1).astype(jnp.float32)
        padded_col = lax.dot_general(
            eye, padded, (((1,), (1,)), ((), ())),
            preferred_element_type=jnp.float32)
        pc32 = padded_col[:32, :]
        s0 = lax.broadcasted_iota(jnp.int32, (32, 32), 0)
        s1 = lax.broadcasted_iota(jnp.int32, (32, 32), 1)
        tri = (s1 < s0).astype(jnp.float32)
        offs_col = jnp.dot(tri, pc32,
                           preferred_element_type=jnp.float32)
        offs_ref[...] = jnp.broadcast_to(offs_col, (32, EL))
        carry_ref[...] = jnp.zeros((32, EL), jnp.float32)
        offs_e = jnp.broadcast_to(offs_col[:E + 9, :], (32, EL))
        gmul = lax.broadcasted_iota(jnp.int32, (32, EL), 1).astype(
            jnp.float32) * BLK
        sub = lax.broadcasted_iota(jnp.int32, (32, EL), 0)
        cmp = jnp.where((sub < E) & (offs_ref[...] <= gmul), 1.0, 0.0)
        be_row = jnp.sum(cmp, axis=0, keepdims=True) - 1.0
        be_row = jnp.clip(be_row, 0.0, float(E - 1))
        be_ref[...] = jnp.broadcast_to(be_row, (8, EL)).astype(jnp.int32)
        lane = lax.broadcasted_iota(jnp.int32, (1, EL), 1)
        p_mean = ps_ref[0:1, :] / N
        fv = (E * cnt_row) / (K * N)
        aux = jnp.sum(jnp.where(lane < E, p_mean * fv, 0.0))
        aux_ref[...] = jnp.full((8, EL), aux, jnp.float32)

    e_row = ti_ref[...].reshape(1, RB)
    sub_e = lax.broadcasted_iota(jnp.int32, (32, RB), 0)
    oh = (sub_e == e_row).astype(jnp.float32)
    p0 = lax.broadcasted_iota(jnp.int32, (RB, RB), 0)
    p1 = lax.broadcasted_iota(jnp.int32, (RB, RB), 1)
    tri = (p0 < p1).astype(jnp.float32)
    prefix = jnp.dot(oh, tri, preferred_element_type=jnp.float32)
    rank_in = jnp.sum(oh * prefix, axis=0, keepdims=True)
    base = jnp.sum(
        oh * (carry_ref[:, 0:1] + offs_ref[:, 0:1]), axis=0, keepdims=True)
    slot = (rank_in + base).astype(jnp.int32)
    slots_ref[...] = slot.reshape(1, 1, RB)
    carry_new = carry_ref[:, 0:1] + jnp.sum(oh, axis=1, keepdims=True)
    carry_ref[...] = jnp.broadcast_to(carry_new, (32, EL))


def _routing(ti_k, cnt8, ps8):
    return pl.pallas_call(
        _routing_body,
        grid=(PB,),
        in_specs=[
            pl.BlockSpec((1, 1, RB), lambda s: (s, 0, 0)),
            pl.BlockSpec((8, EL), lambda s: (0, 0)),
            pl.BlockSpec((8, EL), lambda s: (0, 0)),
        ],
        out_specs=[
            pl.BlockSpec((1, 1, RB), lambda s: (s, 0, 0)),
            pl.BlockSpec((8, EL), lambda s: (0, 0)),
            pl.BlockSpec((8, EL), lambda s: (0, 0)),
        ],
        out_shape=[
            jax.ShapeDtypeStruct((PB, 1, RB), jnp.int32),
            jax.ShapeDtypeStruct((8, EL), jnp.int32),
            jax.ShapeDtypeStruct((8, EL), jnp.float32),
        ],
        scratch_shapes=[
            pltpu.VMEM((32, EL), jnp.float32),
            pltpu.VMEM((32, EL), jnp.float32),
        ],
    )(ti_k, cnt8, ps8)



def _expert_body(be_ref, x_ref, w1_ref, b1_ref, w2_ref, b2_ref, y_ref):
    x = x_ref[...]
    h = jnp.dot(x, w1_ref[0], preferred_element_type=jnp.float32) + b1_ref[0]
    h = _gelu_exact(h)
    y = (jnp.dot(h, w2_ref[0], preferred_element_type=jnp.float32)
         + b2_ref[0])
    y_ref[...] = y


def _expert_mlp(be, padded_x, uw1, ub1r, uw2, ub2r):
    grid_spec = pltpu.PrefetchScalarGridSpec(
        num_scalar_prefetch=1,
        grid=(G,),
        in_specs=[
            pl.BlockSpec((BLK, D), lambda g, be: (g, 0)),
            pl.BlockSpec((1, D, H), lambda g, be: (be[g], 0, 0)),
            pl.BlockSpec((1, 1, H), lambda g, be: (be[g], 0, 0)),
            pl.BlockSpec((1, H, D), lambda g, be: (be[g], 0, 0)),
            pl.BlockSpec((1, 1, D), lambda g, be: (be[g], 0, 0)),
        ],
        out_specs=pl.BlockSpec((BLK, D), lambda g, be: (g, 0)),
    )
    return pl.pallas_call(
        _expert_body,
        grid_spec=grid_spec,
        out_shape=jax.ShapeDtypeStruct((NSLOT, D), jnp.float32),
    )(be, padded_x, uw1, ub1r, uw2, ub2r)



_SB = 512


def _final_body(x_ref, w1_ref, b1_ref, w2_ref, b2_ref, yg_ref, tw_ref, o_ref):
    x = x_ref[...]
    h = jnp.dot(x, w1_ref[...], preferred_element_type=jnp.float32) + b1_ref[...]
    h = _gelu_exact(h)
    s = (jnp.dot(h, w2_ref[...], preferred_element_type=jnp.float32)
         + b2_ref[...])
    tw = tw_ref[...]
    o_ref[...] = (s
                  + tw[:, 0:1] * yg_ref[0].astype(jnp.float32)
                  + tw[:, 1:2] * yg_ref[1].astype(jnp.float32)
                  + tw[:, 2:3] * yg_ref[2].astype(jnp.float32))


def _final(xf, sw1, sb1r, sw2, sb2r, yg, tw8):
    return pl.pallas_call(
        _final_body,
        grid=(N // _SB,),
        in_specs=[
            pl.BlockSpec((_SB, D), lambda i: (i, 0)),
            pl.BlockSpec((D, H), lambda i: (0, 0)),
            pl.BlockSpec((1, H), lambda i: (0, 0)),
            pl.BlockSpec((H, D), lambda i: (0, 0)),
            pl.BlockSpec((1, D), lambda i: (0, 0)),
            pl.BlockSpec((K, _SB, D), lambda i: (0, i, 0)),
            pl.BlockSpec((_SB, 8), lambda i: (i, 0)),
        ],
        out_specs=pl.BlockSpec((_SB, D), lambda i: (i, 0)),
        out_shape=jax.ShapeDtypeStruct((N, D), jnp.float32),
    )(xf, sw1, sb1r, sw2, sb2r, yg, tw8)



_NC = 2
_NS = 16
_NW = _NC * _NS
TPW = N // _NW
CT = 64


def _dispatch_body(x_hbm, slots_hbm, out_hbm, rows0, rows1, idx_all, sem0,
                   sem1):
    wid = lax.axis_index("s") * _NC + lax.axis_index("c")
    base = wid * TPW
    for k in range(K):
        pltpu.sync_copy(slots_hbm.at[pl.ds(k * N + base, TPW)],
                        idx_all.at[pl.ds(k * TPW, TPW)])
    bufs = (rows0, rows1)
    sems = (sem0, sem1)
    pend = [None, None]
    for c in range(TPW // CT):
        b = c % 2
        if pend[b] is not None:
            for h in pend[b]:
                h.wait()
        pltpu.sync_copy(x_hbm.at[pl.ds(base + c * CT, CT), :], bufs[b])
        hs = []
        for k in range(K):
            idx = idx_all.at[pl.ds(k * TPW + c * CT, CT)]
            hs.append(pltpu.async_copy(bufs[b], out_hbm.at[idx], sems[b]))
        pend[b] = hs
    for p in pend:
        if p is not None:
            for h in p:
                h.wait()


_dispatch = functools.partial(
    pl.kernel,
    mesh=plsc.VectorSubcoreMesh(core_axis_name="c", subcore_axis_name="s"),
    out_type=jax.ShapeDtypeStruct((NSLOT, D), jnp.float32),
    scratch_types=[
        pltpu.VMEM((CT, D), jnp.float32),
        pltpu.VMEM((CT, D), jnp.float32),
        pltpu.VMEM((K * TPW,), jnp.int32),
        pltpu.SemaphoreType.DMA,
        pltpu.SemaphoreType.DMA,
    ],
)(_dispatch_body)



def _combine_body(y_hbm, slots_hbm, out_hbm, idx_all, rows0, rows1, gsem0,
                  gsem1, wsem0, wsem1):
    wid = lax.axis_index("s") * _NC + lax.axis_index("c")
    base = wid * TPW
    for k in range(K):
        pltpu.sync_copy(slots_hbm.at[pl.ds(k * N + base, TPW)],
                        idx_all.at[pl.ds(k * TPW, TPW)])
    bufs = (rows0, rows1)
    gsems = (gsem0, gsem1)
    wsems = (wsem0, wsem1)
    gpend = [None, None]
    wpend = [None, None]
    steps = [(c, k) for c in range(TPW // CT) for k in range(K)]
    for i, (c, k) in enumerate(steps):
        b = i % 2
        if wpend[b] is not None:
            wpend[b].wait()
            wpend[b] = None
        idx = idx_all.at[pl.ds(k * TPW + c * CT, CT)]
        g = pltpu.async_copy(y_hbm.at[idx], bufs[b], gsems[b])
        o = 1 - b
        if gpend[o] is not None:
            h, pc, pk = gpend[o]
            h.wait()
            wpend[o] = pltpu.async_copy(
                bufs[o], out_hbm.at[pk, pl.ds(base + pc * CT, CT), :],
                wsems[o])
            gpend[o] = None
        gpend[b] = (g, c, k)
    for b in range(2):
        if gpend[b] is not None:
            h, pc, pk = gpend[b]
            h.wait()
            wpend[b] = pltpu.async_copy(
                bufs[b], out_hbm.at[pk, pl.ds(base + pc * CT, CT), :],
                wsems[b])
    for b in range(2):
        if wpend[b] is not None:
            wpend[b].wait()


_combine = functools.partial(
    pl.kernel,
    mesh=plsc.VectorSubcoreMesh(core_axis_name="c", subcore_axis_name="s"),
    out_type=jax.ShapeDtypeStruct((K, N, D), jnp.float32),
    scratch_types=[
        pltpu.VMEM((K * TPW,), jnp.int32),
        pltpu.VMEM((CT, D), jnp.float32),
        pltpu.VMEM((CT, D), jnp.float32),
        pltpu.SemaphoreType.DMA,
        pltpu.SemaphoreType.DMA,
        pltpu.SemaphoreType.DMA,
        pltpu.SemaphoreType.DMA,
    ],
)(_combine_body)



def kernel(x, gate_w, gate_b, bias_buf, uw1, ub1, uw2, ub2, sw1, sb1, sw2,
           sb2):
    o_shape = x.shape
    xf = x.reshape(N, D)

    gate_w_p = jnp.zeros((D, EL), jnp.float32).at[:, :E].set(gate_w)
    gate_b_p = jnp.zeros((1, EL), jnp.float32).at[:, :E].set(gate_b)
    bias_p = jnp.full((1, EL), NEG, jnp.float32).at[:, :E].set(bias_buf)

    ti8, tw8, cnt8, ps8 = _gating(xf, gate_w_p, gate_b_p, bias_p)

    ti_k = jnp.transpose(ti8[:, :K]).reshape(PB, 1, RB)
    slots_b, be8, aux8 = _routing(ti_k, cnt8, ps8)
    slots = slots_b.reshape(K, N)
    be = be8[0, :G]

    slots_flat = slots.reshape(K * N)
    padded_x = _dispatch(xf, slots_flat)
    y = _expert_mlp(be, padded_x, uw1, ub1.reshape(E, 1, H), uw2,
                    ub2.reshape(E, 1, D))
    yg = _combine(y, slots_flat)
    out = _final(xf, sw1, sb1.reshape(1, H), sw2, sb2.reshape(1, D), yg, tw8)

    return (out.reshape(o_shape), aux8[0, 0], cnt8[0, :E])

# --- scband reference (transcript-rebuilt; emitter-appended) ---
"""Pipeline reference for scband-moemlp-84920093376644 (READ-ONLY COPY).

The authoritative reference and input builder live on the scoring server;
editing this copy changes nothing except your own understanding.
"""

import jax, jax.numpy as jnp
import numpy as np

E_UNIQUE = 23
TOP_K = 3
D = 768
H = 768
B, S = 4, 2048


def mlp(x, w1, b1, w2, b2):
    h = jax.nn.gelu(x @ w1 + b1, approximate=False)
    return h @ w2 + b2


def setup_inputs(seed: int = 0) -> dict:
    key = jax.random.key(seed)
    ks = jax.random.split(key, 8)
    s = 0.02
    return {
        "x": jax.random.normal(ks[0], (B, S, D), dtype=jnp.float32),
        "gate_w": jax.random.normal(ks[1], (D, E_UNIQUE), dtype=jnp.float32) * s,
        "gate_b": jnp.zeros((E_UNIQUE,), dtype=jnp.float32),
        "bias_buf": jnp.zeros((E_UNIQUE,), dtype=jnp.float32),
        "uw1": jax.random.normal(ks[2], (E_UNIQUE, D, H), dtype=jnp.float32) * s,
        "ub1": jnp.zeros((E_UNIQUE, H), dtype=jnp.float32),
        "uw2": jax.random.normal(ks[3], (E_UNIQUE, H, D), dtype=jnp.float32) * s,
        "ub2": jnp.zeros((E_UNIQUE, D), dtype=jnp.float32),
        "sw1": jax.random.normal(ks[4], (D, H), dtype=jnp.float32) * s,
        "sb1": jnp.zeros((H,), dtype=jnp.float32),
        "sw2": jax.random.normal(ks[5], (H, D), dtype=jnp.float32) * s,
        "sb2": jnp.zeros((D,), dtype=jnp.float32),
    }


def reference(x, gate_w, gate_b, bias_buf, uw1, ub1, uw2, ub2, sw1, sb1, sw2, sb2):
    o_shape = x.shape
    xf = x.reshape(-1, o_shape[-1])
    n_tok = xf.shape[0]
    gate_weights = jax.nn.sigmoid(xf @ gate_w + gate_b)
    _, top_indices = jax.lax.top_k(gate_weights + bias_buf, TOP_K)
    top_weight = jnp.take_along_axis(gate_weights, top_indices, axis=-1)
    top_weight = top_weight / top_weight.sum(axis=-1, keepdims=True)
    flat_idx = top_indices.reshape(-1)
    flat_w = top_weight.reshape(-1)
    expert_num = jnp.bincount(flat_idx, length=E_UNIQUE)
    token_indices = jnp.repeat(jnp.arange(n_tok), TOP_K)
    perm = jnp.argsort(flat_idx)
    perm_token_indices = token_indices[perm]
    sorted_experts = flat_idx[perm]
    gathered = xf[perm_token_indices]
    output = jnp.zeros_like(gathered)
    for i in range(E_UNIQUE):
        out_i = mlp(gathered, uw1[i], ub1[i], uw2[i], ub2[i])
        output = jnp.where((sorted_experts == i)[:, None], out_i, output)
    xs = mlp(xf, sw1, sb1, sw2, sb2)
    xs = xs.at[perm_token_indices].add(output * flat_w[perm][:, None])
    gw_norm = gate_weights / gate_weights.sum(axis=-1, keepdims=True)
    P = gw_norm.mean(axis=0)
    Fv = E_UNIQUE * expert_num.astype(jnp.float32) / (TOP_K * n_tok)
    aux = (P * Fv).sum()
    return (xs.reshape(o_shape), aux, expert_num)

if __name__ == "__main__":
    import jax
    _d = setup_inputs()
    print(jax.jit(kernel)(*tuple(_d.values())))

</pallas_src>

<mosaic_0001>
#map = affine_map<(d0, d1) -> (0, 0)>
#map1 = affine_map<(d0, d1) -> (0)>
#map2 = affine_map<(d0, d1) -> (0, 0, 0)>
module attributes {stable_mosaic.version = 14 : i64} {
  func.func @_combine_body(%arg0: i32, %arg1: i32, %arg2: memref<30208x768xf32, #tpu.memory_space<hbm>>, %arg3: memref<24576xi32, #tpu.memory_space<hbm>>, %arg4: memref<3x8192x768xf32, #tpu.memory_space<hbm>>, %arg5: memref<768xi32, #tpu.memory_space<vmem>>, %arg6: memref<64x768xf32, #tpu.memory_space<vmem>>, %arg7: memref<64x768xf32, #tpu.memory_space<vmem>>, %arg8: memref<!tpu.dma_semaphore, #tpu.memory_space<semaphore_mem>>, %arg9: memref<!tpu.dma_semaphore, #tpu.memory_space<semaphore_mem>>, %arg10: memref<!tpu.dma_semaphore, #tpu.memory_space<semaphore_mem>>, %arg11: memref<!tpu.dma_semaphore, #tpu.memory_space<semaphore_mem>>) attributes {dimension_semantics = [#tpu.dimension_semantics<core_parallel>, #tpu.dimension_semantics<subcore_parallel>], iteration_bounds = array<i64: 2, 16>, scalar_prefetch = 0 : i64, scratch_operands = 7 : i64, tpu.core_type = #tpu.core_type<sc_vector_subcore>, window_params = [{transform_indices = #map}, {transform_indices = #map1}, {transform_indices = #map2}]} {
    %mul3A = arith.constant 2 : i32
    %mul3A_0 = arith.muli %arg1, %mul3A : i32
    %add3A = arith.addi %mul3A_0, %arg0 : i32
    %mul3A_1 = arith.constant 256 : i32
    %mul3A_2 = arith.muli %add3A, %mul3A_1 : i32
    %add3A_3 = arith.constant 0 : i32
    %add3A_4 = arith.addi %add3A_3, %mul3A_2 : i32
    "tpu.region"() ({
      %run_scoped3A = tpu.sem_alloc : memref<!tpu.dma_semaphore, #tpu.memory_space<semaphore_mem>>
      %dma_start3A_319 = arith.constant 0 : i32
      %dma_start3A_320 = tpu.memref_slice %arg5[%dma_start3A_319] : memref<768xi32, #tpu.memory_space<vmem>> -> memref<256xi32, #tpu.memory_space<vmem>>
      %dma_start3A_321 = tpu.memref_slice %arg3[%add3A_4] : memref<24576xi32, #tpu.memory_space<hbm>> -> memref<256xi32, #tpu.memory_space<hbm>>
      %dma_start3A_322 = arith.constant 0 : i32
      %dma_start3A_323 = tpu.memref_slice %arg5[%dma_start3A_322] : memref<768xi32, #tpu.memory_space<vmem>> -> memref<256xi32, #tpu.memory_space<vmem>>
      %dma_start3A_324 = tpu.memref_slice %arg3[%add3A_4] : memref<24576xi32, #tpu.memory_space<hbm>> -> memref<256xi32, #tpu.memory_space<hbm>>
      tpu.enqueue_dma source(%dma_start3A_324 : memref<256xi32, #tpu.memory_space<hbm>>) target(%dma_start3A_323 : memref<256xi32, #tpu.memory_space<vmem>>) target_semaphore(%run_scoped3A : memref<!tpu.dma_semaphore, #tpu.memory_space<semaphore_mem>>)
      %dma_wait3A_325 = arith.constant 0 : i32
      %dma_wait3A_326 = tpu.memref_slice %arg5[%dma_wait3A_325] : memref<768xi32, #tpu.memory_space<vmem>> -> memref<256xi32, #tpu.memory_space<vmem>>
      %dma_wait3A_327 = tpu.memref_slice %arg3[%add3A_4] : memref<24576xi32, #tpu.memory_space<hbm>> -> memref<256xi32, #tpu.memory_space<hbm>>
      %dma_wait3A_328 = arith.constant 0 : i32
      %dma_wait3A_329 = tpu.memref_slice %arg5[%dma_wait3A_328] : memref<768xi32, #tpu.memory_space<vmem>> -> memref<256xi32, #tpu.memory_space<vmem>>
      %dma_wait3A_330 = tpu.memref_slice %arg3[%add3A_4] : memref<24576xi32, #tpu.memory_space<hbm>> -> memref<256xi32, #tpu.memory_space<hbm>>
      tpu.wait_dma2 semaphore(%run_scoped3A : memref<!tpu.dma_semaphore, #tpu.memory_space<semaphore_mem>>) src(%dma_wait3A_330 : memref<256xi32, #tpu.memory_space<hbm>>) dst(%dma_wait3A_329 : memref<256xi32, #tpu.memory_space<vmem>>)
      tpu.yield
    }) : () -> ()
    %add3A_5 = arith.constant 8192 : i32
    %add3A_6 = arith.addi %add3A_5, %mul3A_2 : i32
    "tpu.region"() ({
      %run_scoped3A = tpu.sem_alloc : memref<!tpu.dma_semaphore, #tpu.memory_space<semaphore_mem>>
      %dma_start3A_319 = arith.constant 256 : i32
      %dma_start3A_320 = tpu.memref_slice %arg5[%dma_start3A_319] : memref<768xi32, #tpu.memory_space<vmem>> -> memref<256xi32, #tpu.memory_space<vmem>>
      %dma_start3A_321 = tpu.memref_slice %arg3[%add3A_6] : memref<24576xi32, #tpu.memory_space<hbm>> -> memref<256xi32, #tpu.memory_space<hbm>>
      %dma_start3A_322 = arith.constant 256 : i32
      %dma_start3A_323 = tpu.memref_slice %arg5[%dma_start3A_322] : memref<768xi32, #tpu.memory_space<vmem>> -> memref<256xi32, #tpu.memory_space<vmem>>
      %dma_start3A_324 = tpu.memref_slice %arg3[%add3A_6] : memref<24576xi32, #tpu.memory_space<hbm>> -> memref<256xi32, #tpu.memory_space<hbm>>
      tpu.enqueue_dma source(%dma_start3A_324 : memref<256xi32, #tpu.memory_space<hbm>>) target(%dma_start3A_323 : memref<256xi32, #tpu.memory_space<vmem>>) target_semaphore(%run_scoped3A : memref<!tpu.dma_semaphore, #tpu.memory_space<semaphore_mem>>)
      %dma_wait3A_325 = arith.constant 256 : i32
      %dma_wait3A_326 = tpu.memref_slice %arg5[%dma_wait3A_325] : memref<768xi32, #tpu.memory_space<vmem>> -> memref<256xi32, #tpu.memory_space<vmem>>
      %dma_wait3A_327 = tpu.memref_slice %arg3[%add3A_6] : memref<24576xi32, #tpu.memory_space<hbm>> -> memref<256xi32, #tpu.memory_space<hbm>>
      %dma_wait3A_328 = arith.constant 256 : i32
      %dma_wait3A_329 = tpu.memref_slice %arg5[%dma_wait3A_328] : memref<768xi32, #tpu.memory_space<vmem>> -> memref<256xi32, #tpu.memory_space<vmem>>
      %dma_wait3A_330 = tpu.memref_slice %arg3[%add3A_6] : memref<24576xi32, #tpu.memory_space<hbm>> -> memref<256xi32, #tpu.memory_space<hbm>>
      tpu.wait_dma2 semaphore(%run_scoped3A : memref<!tpu.dma_semaphore, #tpu.memory_space<semaphore_mem>>) src(%dma_wait3A_330 : memref<256xi32, #tpu.memory_space<hbm>>) dst(%dma_wait3A_329 : memref<256xi32, #tpu.memory_space<vmem>>)
      tpu.yield
    }) : () -> ()
    %add3A_7 = arith.constant 16384 : i32
    %add3A_8 = arith.addi %add3A_7, %mul3A_2 : i32
    "tpu.region"() ({
      %run_scoped3A = tpu.sem_alloc : memref<!tpu.dma_semaphore, #tpu.memory_space<semaphore_mem>>
      %dma_start3A_319 = arith.constant 512 : i32
      %dma_start3A_320 = tpu.memref_slice %arg5[%dma_start3A_319] : memref<768xi32, #tpu.memory_space<vmem>> -> memref<256xi32, #tpu.memory_space<vmem>>
      %dma_start3A_321 = tpu.memref_slice %arg3[%add3A_8] : memref<24576xi32, #tpu.memory_space<hbm>> -> memref<256xi32, #tpu.memory_space<hbm>>
      %dma_start3A_322 = arith.constant 512 : i32
      %dma_start3A_323 = tpu.memref_slice %arg5[%dma_start3A_322] : memref<768xi32, #tpu.memory_space<vmem>> -> memref<256xi32, #tpu.memory_space<vmem>>
      %dma_start3A_324 = tpu.memref_slice %arg3[%add3A_8] : memref<24576xi32, #tpu.memory_space<hbm>> -> memref<256xi32, #tpu.memory_space<hbm>>
      tpu.enqueue_dma source(%dma_start3A_324 : memref<256xi32, #tpu.memory_space<hbm>>) target(%dma_start3A_323 : memref<256xi32, #tpu.memory_space<vmem>>) target_semaphore(%run_scoped3A : memref<!tpu.dma_semaphore, #tpu.memory_space<semaphore_mem>>)
      %dma_wait3A_325 = arith.constant 512 : i32
      %dma_wait3A_326 = tpu.memref_slice %arg5[%dma_wait3A_325] : memref<768xi32, #tpu.memory_space<vmem>> -> memref<256xi32, #tpu.memory_space<vmem>>
      %dma_wait3A_327 = tpu.memref_slice %arg3[%add3A_8] : memref<24576xi32, #tpu.memory_space<hbm>> -> memref<256xi32, #tpu.memory_space<hbm>>
      %dma_wait3A_328 = arith.constant 512 : i32
      %dma_wait3A_329 = tpu.memref_slice %arg5[%dma_wait3A_328] : memref<768xi32, #tpu.memory_space<vmem>> -> memref<256xi32, #tpu.memory_space<vmem>>
      %dma_wait3A_330 = tpu.memref_slice %arg3[%add3A_8] : memref<24576xi32, #tpu.memory_space<hbm>> -> memref<256xi32, #tpu.memory_space<hbm>>
      tpu.wait_dma2 semaphore(%run_scoped3A : memref<!tpu.dma_semaphore, #tpu.memory_space<semaphore_mem>>) src(%dma_wait3A_330 : memref<256xi32, #tpu.memory_space<hbm>>) dst(%dma_wait3A_329 : memref<256xi32, #tpu.memory_space<vmem>>)
      tpu.yield
    }) : () -> ()
    %dma_start3A = arith.constant 0 : i32
    %dma_start3A_9 = tpu.memref_slice %arg5[%dma_start3A] : memref<768xi32, #tpu.memory_space<vmem>> -> memref<64xi32, #tpu.memory_space<vmem>>
    %dma_start3A_10 = arith.constant 0 : i32
    %dma_start3A_11 = arith.constant 0 : i32
    %dma_start3A_12 = tpu.memref_slice %arg2[%dma_start3A_10, %dma_start3A_11] : memref<30208x768xf32, #tpu.memory_space<hbm>> -> memref<30208x768xf32, #tpu.memory_space<hbm>>
    tpu.enqueue_indirect_dma source(%dma_start3A_12 : memref<30208x768xf32, #tpu.memory_space<hbm>>) target(%arg6 : memref<64x768xf32, #tpu.memory_space<vmem>>) offsets(%dma_start3A_9 : memref<64xi32, #tpu.memory_space<vmem>>) semaphore(%arg8 : memref<!tpu.dma_semaphore, #tpu.memory_space<semaphore_mem>>)
    %dma_start3A_13 = arith.constant 256 : i32
    %dma_start3A_14 = tpu.memref_slice %arg5[%dma_start3A_13] : memref<768xi32, #tpu.memory_space<vmem>> -> memref<64xi32, #tpu.memory_space<vmem>>
    %dma_start3A_15 = arith.constant 0 : i32
    %dma_start3A_16 = arith.constant 0 : i32
    %dma_start3A_17 = tpu.memref_slice %arg2[%dma_start3A_15, %dma_start3A_16] : memref<30208x768xf32, #tpu.memory_space<hbm>> -> memref<30208x768xf32, #tpu.memory_space<hbm>>
    tpu.enqueue_indirect_dma source(%dma_start3A_17 : memref<30208x768xf32, #tpu.memory_space<hbm>>) target(%arg7 : memref<64x768xf32, #tpu.memory_space<vmem>>) offsets(%dma_start3A_14 : memref<64xi32, #tpu.memory_space<vmem>>) semaphore(%arg9 : memref<!tpu.dma_semaphore, #tpu.memory_space<semaphore_mem>>)
    %dma_wait3A = arith.constant 0 : i32
    %dma_wait3A_18 = tpu.memref_slice %arg5[%dma_wait3A] : memref<768xi32, #tpu.memory_space<vmem>> -> memref<64xi32, #tpu.memory_space<vmem>>
    %dma_wait3A_19 = arith.constant 0 : i32
    %dma_wait3A_20 = arith.constant 0 : i32
    %dma_wait3A_21 = tpu.memref_slice %arg2[%dma_wait3A_19, %dma_wait3A_20] : memref<30208x768xf32, #tpu.memory_space<hbm>> -> memref<30208x768xf32, #tpu.memory_space<hbm>>
    tpu.wait_indirect_dma semaphore(%arg8 : memref<!tpu.dma_semaphore, #tpu.memory_space<semaphore_mem>>) src(%dma_wait3A_21 : memref<30208x768xf32, #tpu.memory_space<hbm>>) dst(%arg6 : memref<64x768xf32, #tpu.memory_space<vmem>>)
    %add3A_22 = arith.constant 0 : i32
    %add3A_23 = arith.addi %mul3A_2, %add3A_22 : i32
    %dma_start3A_24 = arith.constant 0 : i32
    %dma_start3A_25 = arith.constant 0 : i32
    %dma_start3A_26 = tpu.memref_slice %arg4[%dma_start3A_24, %add3A_23, %dma_start3A_25] : memref<3x8192x768xf32, #tpu.memory_space<hbm>> -> memref<1x64x768xf32, #tpu.memory_space<hbm>>
    %dma_start3A_27 = tpu.memref_squeeze %dma_start3A_26 : memref<1x64x768xf32, #tpu.memory_space<hbm>> -> memref<64x768xf32, #tpu.memory_space<hbm>>
    %dma_start3A_28 = arith.constant 0 : i32
    %dma_start3A_29 = tpu.memref_slice %arg4[%dma_start3A_24, %add3A_23, %dma_start3A_28] : memref<3x8192x768xf32, #tpu.memory_space<hbm>> -> memref<1x64x768xf32, #tpu.memory_space<hbm>>
    %dma_start3A_30 = tpu.memref_squeeze %dma_start3A_29 : memref<1x64x768xf32, #tpu.memory_space<hbm>> -> memref<64x768xf32, #tpu.memory_space<hbm>>
    tpu.enqueue_dma source(%arg6 : memref<64x768xf32, #tpu.memory_space<vmem>>) target(%dma_start3A_30 : memref<64x768xf32, #tpu.memory_space<hbm>>) target_semaphore(%arg10 : memref<!tpu.dma_semaphore, #tpu.memory_space<semaphore_mem>>)
    %dma_wait3A_31 = arith.constant 0 : i32
    %dma_wait3A_32 = arith.constant 0 : i32
    %dma_wait3A_33 = tpu.memref_slice %arg4[%dma_wait3A_31, %add3A_23, %dma_wait3A_32] : memref<3x8192x768xf32, #tpu.memory_space<hbm>> -> memref<1x64x768xf32, #tpu.memory_space<hbm>>
    %dma_wait3A_34 = tpu.memref_squeeze %dma_wait3A_33 : memref<1x64x768xf32, #tpu.memory_space<hbm>> -> memref<64x768xf32, #tpu.memory_space<hbm>>
    %dma_wait3A_35 = arith.constant 0 : i32
    %dma_wait3A_36 = tpu.memref_slice %arg4[%dma_wait3A_31, %add3A_23, %dma_wait3A_35] : memref<3x8192x768xf32, #tpu.memory_space<hbm>> -> memref<1x64x768xf32, #tpu.memory_space<hbm>>
    %dma_wait3A_37 = tpu.memref_squeeze %dma_wait3A_36 : memref<1x64x768xf32, #tpu.memory_space<hbm>> -> memref<64x768xf32, #tpu.memory_space<hbm>>
    tpu.wait_dma2 semaphore(%arg10 : memref<!tpu.dma_semaphore, #tpu.memory_space<semaphore_mem>>) src(%arg6 : memref<64x768xf32, #tpu.memory_space<vmem>>) dst(%dma_wait3A_37 : memref<64x768xf32, #tpu.memory_space<hbm>>)
    %dma_start3A_38 = arith.constant 512 : i32
    %dma_start3A_39 = tpu.memref_slice %arg5[%dma_start3A_38] : memref<768xi32, #tpu.memory_space<vmem>> -> memref<64xi32, #tpu.memory_space<vmem>>
    %dma_start3A_40 = arith.constant 0 : i32
    %dma_start3A_41 = arith.constant 0 : i32
    %dma_start3A_42 = tpu.memref_slice %arg2[%dma_start3A_40, %dma_start3A_41] : memref<30208x768xf32, #tpu.memory_space<hbm>> -> memref<30208x768xf32, #tpu.memory_space<hbm>>
    tpu.enqueue_indirect_dma source(%dma_start3A_42 : memref<30208x768xf32, #tpu.memory_space<hbm>>) target(%arg6 : memref<64x768xf32, #tpu.memory_space<vmem>>) offsets(%dma_start3A_39 : memref<64xi32, #tpu.memory_space<vmem>>) semaphore(%arg8 : memref<!tpu.dma_semaphore, #tpu.memory_space<semaphore_mem>>)
    %dma_wait3A_43 = arith.constant 256 : i32
    %dma_wait3A_44 = tpu.memref_slice %arg5[%dma_wait3A_43] : memref<768xi32, #tpu.memory_space<vmem>> -> memref<64xi32, #tpu.memory_space<vmem>>
    %dma_wait3A_45 = arith.constant 0 : i32
    %dma_wait3A_46 = arith.constant 0 : i32
    %dma_wait3A_47 = tpu.memref_slice %arg2[%dma_wait3A_45, %dma_wait3A_46] : memref<30208x768xf32, #tpu.memory_space<hbm>> -> memref<30208x768xf32, #tpu.memory_space<hbm>>
    tpu.wait_indirect_dma semaphore(%arg9 : memref<!tpu.dma_semaphore, #tpu.memory_space<semaphore_mem>>) src(%dma_wait3A_47 : memref<30208x768xf32, #tpu.memory_space<hbm>>) dst(%arg7 : memref<64x768xf32, #tpu.memory_space<vmem>>)
    %add3A_48 = arith.constant 0 : i32
    %add3A_49 = arith.addi %mul3A_2, %add3A_48 : i32
    %dma_start3A_50 = arith.constant 1 : i32
    %dma_start3A_51 = arith.constant 0 : i32
    %dma_start3A_52 = tpu.memref_slice %arg4[%dma_start3A_50, %add3A_49, %dma_start3A_51] : memref<3x8192x768xf32, #tpu.memory_space<hbm>> -> memref<1x64x768xf32, #tpu.memory_space<hbm>>
    %dma_start3A_53 = tpu.memref_squeeze %dma_start3A_52 : memref<1x64x768xf32, #tpu.memory_space<hbm>> -> memref<64x768xf32, #tpu.memory_space<hbm>>
    %dma_start3A_54 = arith.constant 0 : i32
    %dma_start3A_55 = tpu.memref_slice %arg4[%dma_start3A_50, %add3A_49, %dma_start3A_54] : memref<3x8192x768xf32, #tpu.memory_space<hbm>> -> memref<1x64x768xf32, #tpu.memory_space<hbm>>
    %dma_start3A_56 = tpu.memref_squeeze %dma_start3A_55 : memref<1x64x768xf32, #tpu.memory_space<hbm>> -> memref<64x768xf32, #tpu.memory_space<hbm>>
    tpu.enqueue_dma source(%arg7 : memref<64x768xf32, #tpu.memory_space<vmem>>) target(%dma_start3A_56 : memref<64x768xf32, #tpu.memory_space<hbm>>) target_semaphore(%arg11 : memref<!tpu.dma_semaphore, #tpu.memory_space<semaphore_mem>>)
    %dma_wait3A_57 = arith.constant 1 : i32
    %dma_wait3A_58 = arith.constant 0 : i32
    %dma_wait3A_59 = tpu.memref_slice %arg4[%dma_wait3A_57, %add3A_49, %dma_wait3A_58] : memref<3x8192x768xf32, #tpu.memory_space<hbm>> -> memref<1x64x768xf32, #tpu.memory_space<hbm>>
    %dma_wait3A_60 = tpu.memref_squeeze %dma_wait3A_59 : memref<1x64x768xf32, #tpu.memory_space<hbm>> -> memref<64x768xf32, #tpu.memory_space<hbm>>
    %dma_wait3A_61 = arith.constant 0 : i32
    %dma_wait3A_62 = tpu.memref_slice %arg4[%dma_wait3A_57, %add3A_49, %dma_wait3A_61] : memref<3x8192x768xf32, #tpu.memory_space<hbm>> -> memref<1x64x768xf32, #tpu.memory_space<hbm>>
    %dma_wait3A_63 = tpu.memref_squeeze %dma_wait3A_62 : memref<1x64x768xf32, #tpu.memory_space<hbm>> -> memref<64x768xf32, #tpu.memory_space<hbm>>
    tpu.wait_dma2 semaphore(%arg11 : memref<!tpu.dma_semaphore, #tpu.memory_space<semaphore_mem>>) src(%arg7 : memref<64x768xf32, #tpu.memory_space<vmem>>) dst(%dma_wait3A_63 : memref<64x768xf32, #tpu.memory_space<hbm>>)
    %dma_start3A_64 = arith.constant 64 : i32
    %dma_start3A_65 = tpu.memref_slice %arg5[%dma_start3A_64] : memref<768xi32, #tpu.memory_space<vmem>> -> memref<64xi32, #tpu.memory_space<vmem>>
    %dma_start3A_66 = arith.constant 0 : i32
    %dma_start3A_67 = arith.constant 0 : i32
    %dma_start3A_68 = tpu.memref_slice %arg2[%dma_start3A_66, %dma_start3A_67] : memref<30208x768xf32, #tpu.memory_space<hbm>> -> memref<30208x768xf32, #tpu.memory_space<hbm>>
    tpu.enqueue_indirect_dma source(%dma_start3A_68 : memref<30208x768xf32, #tpu.memory_space<hbm>>) target(%arg7 : memref<64x768xf32, #tpu.memory_space<vmem>>) offsets(%dma_start3A_65 : memref<64xi32, #tpu.memory_space<vmem>>) semaphore(%arg9 : memref<!tpu.dma_semaphore, #tpu.memory_space<semaphore_mem>>)
    %dma_wait3A_69 = arith.constant 512 : i32
    %dma_wait3A_70 = tpu.memref_slice %arg5[%dma_wait3A_69] : memref<768xi32, #tpu.memory_space<vmem>> -> memref<64xi32, #tpu.memory_space<vmem>>
    %dma_wait3A_71 = arith.constant 0 : i32
    %dma_wait3A_72 = arith.constant 0 : i32
    %dma_wait3A_73 = tpu.memref_slice %arg2[%dma_wait3A_71, %dma_wait3A_72] : memref<30208x768xf32, #tpu.memory_space<hbm>> -> memref<30208x768xf32, #tpu.memory_space<hbm>>
    tpu.wait_indirect_dma semaphore(%arg8 : memref<!tpu.dma_semaphore, #tpu.memory_space<semaphore_mem>>) src(%dma_wait3A_73 : memref<30208x768xf32, #tpu.memory_space<hbm>>) dst(%arg6 : memref<64x768xf32, #tpu.memory_space<vmem>>)
    %add3A_74 = arith.constant 0 : i32
    %add3A_75 = arith.addi %mul3A_2, %add3A_74 : i32
    %dma_start3A_76 = arith.constant 2 : i32
    %dma_start3A_77 = arith.constant 0 : i32
    %dma_start3A_78 = tpu.memref_slice %arg4[%dma_start3A_76, %add3A_75, %dma_start3A_77] : memref<3x8192x768xf32, #tpu.memory_space<hbm>> -> memref<1x64x768xf32, #tpu.memory_space<hbm>>
    %dma_start3A_79 = tpu.memref_squeeze %dma_start3A_78 : memref<1x64x768xf32, #tpu.memory_space<hbm>> -> memref<64x768xf32, #tpu.memory_space<hbm>>
    %dma_start3A_80 = arith.constant 0 : i32
    %dma_start3A_81 = tpu.memref_slice %arg4[%dma_start3A_76, %add3A_75, %dma_start3A_80] : memref<3x8192x768xf32, #tpu.memory_space<hbm>> -> memref<1x64x768xf32, #tpu.memory_space<hbm>>
    %dma_start3A_82 = tpu.memref_squeeze %dma_start3A_81 : memref<1x64x768xf32, #tpu.memory_space<hbm>> -> memref<64x768xf32, #tpu.memory_space<hbm>>
    tpu.enqueue_dma source(%arg6 : memref<64x768xf32, #tpu.memory_space<vmem>>) target(%dma_start3A_82 : memref<64x768xf32, #tpu.memory_space<hbm>>) target_semaphore(%arg10 : memref<!tpu.dma_semaphore, #tpu.memory_space<semaphore_mem>>)
    %dma_wait3A_83 = arith.constant 2 : i32
    %dma_wait3A_84 = arith.constant 0 : i32
    %dma_wait3A_85 = tpu.memref_slice %arg4[%dma_wait3A_83, %add3A_75, %dma_wait3A_84] : memref<3x8192x768xf32, #tpu.memory_space<hbm>> -> memref<1x64x768xf32, #tpu.memory_space<hbm>>
    %dma_wait3A_86 = tpu.memref_squeeze %dma_wait3A_85 : memref<1x64x768xf32, #tpu.memory_space<hbm>> -> memref<64x768xf32, #tpu.memory_space<hbm>>
    %dma_wait3A_87 = arith.constant 0 : i32
    %dma_wait3A_88 = tpu.memref_slice %arg4[%dma_wait3A_83, %add3A_75, %dma_wait3A_87] : memref<3x8192x768xf32, #tpu.memory_space<hbm>> -> memref<1x64x768xf32, #tpu.memory_space<hbm>>
    %dma_wait3A_89 = tpu.memref_squeeze %dma_wait3A_88 : memref<1x64x768xf32, #tpu.memory_space<hbm>> -> memref<64x768xf32, #tpu.memory_space<hbm>>
    tpu.wait_dma2 semaphore(%arg10 : memref<!tpu.dma_semaphore, #tpu.memory_space<semaphore_mem>>) src(%arg6 : memref<64x768xf32, #tpu.memory_space<vmem>>) dst(%dma_wait3A_89 : memref<64x768xf32, #tpu.memory_space<hbm>>)
    %dma_start3A_90 = arith.constant 320 : i32
    %dma_start3A_91 = tpu.memref_slice %arg5[%dma_start3A_90] : memref<768xi32, #tpu.memory_space<vmem>> -> memref<64xi32, #tpu.memory_space<vmem>>
    %dma_start3A_92 = arith.constant 0 : i32
    %dma_start3A_93 = arith.constant 0 : i32
    %dma_start3A_94 = tpu.memref_slice %arg2[%dma_start3A_92, %dma_start3A_93] : memref<30208x768xf32, #tpu.memory_space<hbm>> -> memref<30208x768xf32, #tpu.memory_space<hbm>>
    tpu.enqueue_indirect_dma source(%dma_start3A_94 : memref<30208x768xf32, #tpu.memory_space<hbm>>) target(%arg6 : memref<64x768xf32, #tpu.memory_space<vmem>>) offsets(%dma_start3A_91 : memref<64xi32, #tpu.memory_space<vmem>>) semaphore(%arg8 : memref<!tpu.dma_semaphore, #tpu.memory_space<semaphore_mem>>)
    %dma_wait3A_95 = arith.constant 64 : i32
    %dma_wait3A_96 = tpu.memref_slice %arg5[%dma_wait3A_95] : memref<768xi32, #tpu.memory_space<vmem>> -> memref<64xi32, #tpu.memory_space<vmem>>
    %dma_wait3A_97 = arith.constant 0 : i32
    %dma_wait3A_98 = arith.constant 0 : i32
    %dma_wait3A_99 = tpu.memref_slice %arg2[%dma_wait3A_97, %dma_wait3A_98] : memref<30208x768xf32, #tpu.memory_space<hbm>> -> memref<30208x768xf32, #tpu.memory_space<hbm>>
    tpu.wait_indirect_dma semaphore(%arg9 : memref<!tpu.dma_semaphore, #tpu.memory_space<semaphore_mem>>) src(%dma_wait3A_99 : memref<30208x768xf32, #tpu.memory_space<hbm>>) dst(%arg7 : memref<64x768xf32, #tpu.memory_space<vmem>>)
    %add3A_100 = arith.constant 64 : i32
    %add3A_101 = arith.addi %mul3A_2, %add3A_100 : i32
    %dma_start3A_102 = arith.constant 0 : i32
    %dma_start3A_103 = arith.constant 0 : i32
    %dma_start3A_104 = tpu.memref_slice %arg4[%dma_start3A_102, %add3A_101, %dma_start3A_103] : memref<3x8192x768xf32, #tpu.memory_space<hbm>> -> memref<1x64x768xf32, #tpu.memory_space<hbm>>
    %dma_start3A_105 = tpu.memref_squeeze %dma_start3A_104 : memref<1x64x768xf32, #tpu.memory_space<hbm>> -> memref<64x768xf32, #tpu.memory_space<hbm>>
    %dma_start3A_106 = arith.constant 0 : i32
    %dma_start3A_107 = tpu.memref_slice %arg4[%dma_start3A_102, %add3A_101, %dma_start3A_106] : memref<3x8192x768xf32, #tpu.memory_space<hbm>> -> memref<1x64x768xf32, #tpu.memory_space<hbm>>
    %dma_start3A_108 = tpu.memref_squeeze %dma_start3A_107 : memref<1x64x768xf32, #tpu.memory_space<hbm>> -> memref<64x768xf32, #tpu.memory_space<hbm>>
    tpu.enqueue_dma source(%arg7 : memref<64x768xf32, #tpu.memory_space<vmem>>) target(%dma_start3A_108 : memref<64x768xf32, #tpu.memory_space<hbm>>) target_semaphore(%arg11 : memref<!tpu.dma_semaphore, #tpu.memory_space<semaphore_mem>>)
    %dma_wait3A_109 = arith.constant 0 : i32
    %dma_wait3A_110 = arith.constant 0 : i32
    %dma_wait3A_111 = tpu.memref_slice %arg4[%dma_wait3A_109, %add3A_101, %dma_wait3A_110] : memref<3x8192x768xf32, #tpu.memory_space<hbm>> -> memref<1x64x768xf32, #tpu.memory_space<hbm>>
    %dma_wait3A_112 = tpu.memref_squeeze %dma_wait3A_111 : memref<1x64x768xf32, #tpu.memory_space<hbm>> -> memref<64x768xf32, #tpu.memory_space<hbm>>
    %dma_wait3A_113 = arith.constant 0 : i32
    %dma_wait3A_114 = tpu.memref_slice %arg4[%dma_wait3A_109, %add3A_101, %dma_wait3A_113] : memref<3x8192x768xf32, #tpu.memory_space<hbm>> -> memref<1x64x768xf32, #tpu.memory_space<hbm>>
    %dma_wait3A_115 = tpu.memref_squeeze %dma_wait3A_114 : memref<1x64x768xf32, #tpu.memory_space<hbm>> -> memref<64x768xf32, #tpu.memory_space<hbm>>
    tpu.wait_dma2 semaphore(%arg11 : memref<!tpu.dma_semaphore, #tpu.memory_space<semaphore_mem>>) src(%arg7 : memref<64x768xf32, #tpu.memory_space<vmem>>) dst(%dma_wait3A_115 : memref<64x768xf32, #tpu.memory_space<hbm>>)
    %dma_start3A_116 = arith.constant 576 : i32
    %dma_start3A_117 = tpu.memref_slice %arg5[%dma_start3A_116] : memref<768xi32, #tpu.memory_space<vmem>> -> memref<64xi32, #tpu.memory_space<vmem>>
    %dma_start3A_118 = arith.constant 0 : i32
    %dma_start3A_119 = arith.constant 0 : i32
    %dma_start3A_120 = tpu.memref_slice %arg2[%dma_start3A_118, %dma_start3A_119] : memref<30208x768xf32, #tpu.memory_space<hbm>> -> memref<30208x768xf32, #tpu.memory_space<hbm>>
    tpu.enqueue_indirect_dma source(%dma_start3A_120 : memref<30208x768xf32, #tpu.memory_space<hbm>>) target(%arg7 : memref<64x768xf32, #tpu.memory_space<vmem>>) offsets(%dma_start3A_117 : memref<64xi32, #tpu.memory_space<vmem>>) semaphore(%arg9 : memref<!tpu.dma_semaphore, #tpu.memory_space<semaphore_mem>>)
    %dma_wait3A_121 = arith.constant 320 : i32
    %dma_wait3A_122 = tpu.memref_slice %arg5[%dma_wait3A_121] : memref<768xi32, #tpu.memory_space<vmem>> -> memref<64xi32, #tpu.memory_space<vmem>>
    %dma_wait3A_123 = arith.constant 0 : i32
    %dma_wait3A_124 = arith.constant 0 : i32
    %dma_wait3A_125 = tpu.memref_slice %arg2[%dma_wait3A_123, %dma_wait3A_124] : memref<30208x768xf32, #tpu.memory_space<hbm>> -> memref<30208x768xf32, #tpu.memory_space<hbm>>
    tpu.wait_indirect_dma semaphore(%arg8 : memref<!tpu.dma_semaphore, #tpu.memory_space<semaphore_mem>>) src(%dma_wait3A_125 : memref<30208x768xf32, #tpu.memory_space<hbm>>) dst(%arg6 : memref<64x768xf32, #tpu.memory_space<vmem>>)
    %add3A_126 = arith.constant 64 : i32
    %add3A_127 = arith.addi %mul3A_2, %add3A_126 : i32
    %dma_start3A_128 = arith.constant 1 : i32
    %dma_start3A_129 = arith.constant 0 : i32
    %dma_start3A_130 = tpu.memref_slice %arg4[%dma_start3A_128, %add3A_127, %dma_start3A_129] : memref<3x8192x768xf32, #tpu.memory_space<hbm>> -> memref<1x64x768xf32, #tpu.memory_space<hbm>>
    %dma_start3A_131 = tpu.memref_squeeze %dma_start3A_130 : memref<1x64x768xf32, #tpu.memory_space<hbm>> -> memref<64x768xf32, #tpu.memory_space<hbm>>
    %dma_start3A_132 = arith.constant 0 : i32
    %dma_start3A_133 = tpu.memref_slice %arg4[%dma_start3A_128, %add3A_127, %dma_start3A_132] : memref<3x8192x768xf32, #tpu.memory_space<hbm>> -> memref<1x64x768xf32, #tpu.memory_space<hbm>>
    %dma_start3A_134 = tpu.memref_squeeze %dma_start3A_133 : memref<1x64x768xf32, #tpu.memory_space<hbm>> -> memref<64x768xf32, #tpu.memory_space<hbm>>
    tpu.enqueue_dma source(%arg6 : memref<64x768xf32, #tpu.memory_space<vmem>>) target(%dma_start3A_134 : memref<64x768xf32, #tpu.memory_space<hbm>>) target_semaphore(%arg10 : memref<!tpu.dma_semaphore, #tpu.memory_space<semaphore_mem>>)
    %dma_wait3A_135 = arith.constant 1 : i32
    %dma_wait3A_136 = arith.constant 0 : i32
    %dma_wait3A_137 = tpu.memref_slice %arg4[%dma_wait3A_135, %add3A_127, %dma_wait3A_136] : memref<3x8192x768xf32, #tpu.memory_space<hbm>> -> memref<1x64x768xf32, #tpu.memory_space<hbm>>
    %dma_wait3A_138 = tpu.memref_squeeze %dma_wait3A_137 : memref<1x64x768xf32, #tpu.memory_space<hbm>> -> memref<64x768xf32, #tpu.memory_space<hbm>>
    %dma_wait3A_139 = arith.constant 0 : i32
    %dma_wait3A_140 = tpu.memref_slice %arg4[%dma_wait3A_135, %add3A_127, %dma_wait3A_139] : memref<3x8192x768xf32, #tpu.memory_space<hbm>> -> memref<1x64x768xf32, #tpu.memory_space<hbm>>
    %dma_wait3A_141 = tpu.memref_squeeze %dma_wait3A_140 : memref<1x64x768xf32, #tpu.memory_space<hbm>> -> memref<64x768xf32, #tpu.memory_space<hbm>>
    tpu.wait_dma2 semaphore(%arg10 : memref<!tpu.dma_semaphore, #tpu.memory_space<semaphore_mem>>) src(%arg6 : memref<64x768xf32, #tpu.memory_space<vmem>>) dst(%dma_wait3A_141 : memref<64x768xf32, #tpu.memory_space<hbm>>)
    %dma_start3A_142 = arith.constant 128 : i32
    %dma_start3A_143 = tpu.memref_slice %arg5[%dma_start3A_142] : memref<768xi32, #tpu.memory_space<vmem>> -> memref<64xi32, #tpu.memory_space<vmem>>
    %dma_start3A_144 = arith.constant 0 : i32
    %dma_start3A_145 = arith.constant 0 : i32
    %dma_start3A_146 = tpu.memref_slice %arg2[%dma_start3A_144, %dma_start3A_145] : memref<30208x768xf32, #tpu.memory_space<hbm>> -> memref<30208x768xf32, #tpu.memory_space<hbm>>
    tpu.enqueue_indirect_dma source(%dma_start3A_146 : memref<30208x768xf32, #tpu.memory_space<hbm>>) target(%arg6 : memref<64x768xf32, #tpu.memory_space<vmem>>) offsets(%dma_start3A_143 : memref<64xi32, #tpu.memory_space<vmem>>) semaphore(%arg8 : memref<!tpu.dma_semaphore, #tpu.memory_space<semaphore_mem>>)
    %dma_wait3A_147 = arith.constant 576 : i32
    %dma_wait3A_148 = tpu.memref_slice %arg5[%dma_wait3A_147] : memref<768xi32, #tpu.memory_space<vmem>> -> memref<64xi32, #tpu.memory_space<vmem>>
    %dma_wait3A_149 = arith.constant 0 : i32
    %dma_wait3A_150 = arith.constant 0 : i32
    %dma_wait3A_151 = tpu.memref_slice %arg2[%dma_wait3A_149, %dma_wait3A_150] : memref<30208x768xf32, #tpu.memory_space<hbm>> -> memref<30208x768xf32, #tpu.memory_space<hbm>>
    tpu.wait_indirect_dma semaphore(%arg9 : memref<!tpu.dma_semaphore, #tpu.memory_space<semaphore_mem>>) src(%dma_wait3A_151 : memref<30208x768xf32, #tpu.memory_space<hbm>>) dst(%arg7 : memref<64x768xf32, #tpu.memory_space<vmem>>)
    %add3A_152 = arith.constant 64 : i32
    %add3A_153 = arith.addi %mul3A_2, %add3A_152 : i32
    %dma_start3A_154 = arith.constant 2 : i32
    %dma_start3A_155 = arith.constant 0 : i32
    %dma_start3A_156 = tpu.memref_slice %arg4[%dma_start3A_154, %add3A_153, %dma_start3A_155] : memref<3x8192x768xf32, #tpu.memory_space<hbm>> -> memref<1x64x768xf32, #tpu.memory_space<hbm>>
    %dma_start3A_157 = tpu.memref_squeeze %dma_start3A_156 : memref<1x64x768xf32, #tpu.memory_space<hbm>> -> memref<64x768xf32, #tpu.memory_space<hbm>>
    %dma_start3A_158 = arith.constant 0 : i32
    %dma_start3A_159 = tpu.memref_slice %arg4[%dma_start3A_154, %add3A_153, %dma_start3A_158] : memref<3x8192x768xf32, #tpu.memory_space<hbm>> -> memref<1x64x768xf32, #tpu.memory_space<hbm>>
    %dma_start3A_160 = tpu.memref_squeeze %dma_start3A_159 : memref<1x64x768xf32, #tpu.memory_space<hbm>> -> memref<64x768xf32, #tpu.memory_space<hbm>>
    tpu.enqueue_dma source(%arg7 : memref<64x768xf32, #tpu.memory_space<vmem>>) target(%dma_start3A_160 : memref<64x768xf32, #tpu.memory_space<hbm>>) target_semaphore(%arg11 : memref<!tpu.dma_semaphore, #tpu.memory_space<semaphore_mem>>)
    %dma_wait3A_161 = arith.constant 2 : i32
    %dma_wait3A_162 = arith.constant 0 : i32
    %dma_wait3A_163 = tpu.memref_slice %arg4[%dma_wait3A_161, %add3A_153, %dma_wait3A_162] : memref<3x8192x768xf32, #tpu.memory_space<hbm>> -> memref<1x64x768xf32, #tpu.memory_space<hbm>>
    %dma_wait3A_164 = tpu.memref_squeeze %dma_wait3A_163 : memref<1x64x768xf32, #tpu.memory_space<hbm>> -> memref<64x768xf32, #tpu.memory_space<hbm>>
    %dma_wait3A_165 = arith.constant 0 : i32
    %dma_wait3A_166 = tpu.memref_slice %arg4[%dma_wait3A_161, %add3A_153, %dma_wait3A_165] : memref<3x8192x768xf32, #tpu.memory_space<hbm>> -> memref<1x64x768xf32, #tpu.memory_space<hbm>>
    %dma_wait3A_167 = tpu.memref_squeeze %dma_wait3A_166 : memref<1x64x768xf32, #tpu.memory_space<hbm>> -> memref<64x768xf32, #tpu.memory_space<hbm>>
    tpu.wait_dma2 semaphore(%arg11 : memref<!tpu.dma_semaphore, #tpu.memory_space<semaphore_mem>>) src(%arg7 : memref<64x768xf32, #tpu.memory_space<vmem>>) dst(%dma_wait3A_167 : memref<64x768xf32, #tpu.memory_space<hbm>>)
    %dma_start3A_168 = arith.constant 384 : i32
    %dma_start3A_169 = tpu.memref_slice %arg5[%dma_start3A_168] : memref<768xi32, #tpu.memory_space<vmem>> -> memref<64xi32, #tpu.memory_space<vmem>>
    %dma_start3A_170 = arith.constant 0 : i32
    %dma_start3A_171 = arith.constant 0 : i32
    %dma_start3A_172 = tpu.memref_slice %arg2[%dma_start3A_170, %dma_start3A_171] : memref<30208x768xf32, #tpu.memory_space<hbm>> -> memref<30208x768xf32, #tpu.memory_space<hbm>>
    tpu.enqueue_indirect_dma source(%dma_start3A_172 : memref<30208x768xf32, #tpu.memory_space<hbm>>) target(%arg7 : memref<64x768xf32, #tpu.memory_space<vmem>>) offsets(%dma_start3A_169 : memref<64xi32, #tpu.memory_space<vmem>>) semaphore(%arg9 : memref<!tpu.dma_semaphore, #tpu.memory_space<semaphore_mem>>)
    %dma_wait3A_173 = arith.constant 128 : i32
    %dma_wait3A_174 = tpu.memref_slice %arg5[%dma_wait3A_173] : memref<768xi32, #tpu.memory_space<vmem>> -> memref<64xi32, #tpu.memory_space<vmem>>
    %dma_wait3A_175 = arith.constant 0 : i32
    %dma_wait3A_176 = arith.constant 0 : i32
    %dma_wait3A_177 = tpu.memref_slice %arg2[%dma_wait3A_175, %dma_wait3A_176] : memref<30208x768xf32, #tpu.memory_space<hbm>> -> memref<30208x768xf32, #tpu.memory_space<hbm>>
    tpu.wait_indirect_dma semaphore(%arg8 : memref<!tpu.dma_semaphore, #tpu.memory_space<semaphore_mem>>) src(%dma_wait3A_177 : memref<30208x768xf32, #tpu.memory_space<hbm>>) dst(%arg6 : memref<64x768xf32, #tpu.memory_space<vmem>>)
    %add3A_178 = arith.constant 128 : i32
    %add3A_179 = arith.addi %mul3A_2, %add3A_178 : i32
    %dma_start3A_180 = arith.constant 0 : i32
    %dma_start3A_181 = arith.constant 0 : i32
    %dma_start3A_182 = tpu.memref_slice %arg4[%dma_start3A_180, %add3A_179, %dma_start3A_181] : memref<3x8192x768xf32, #tpu.memory_space<hbm>> -> memref<1x64x768xf32, #tpu.memory_space<hbm>>
    %dma_start3A_183 = tpu.memref_squeeze %dma_start3A_182 : memref<1x64x768xf32, #tpu.memory_space<hbm>> -> memref<64x768xf32, #tpu.memory_space<hbm>>
    %dma_start3A_184 = arith.constant 0 : i32
    %dma_start3A_185 = tpu.memref_slice %arg4[%dma_start3A_180, %add3A_179, %dma_start3A_184] : memref<3x8192x768xf32, #tpu.memory_space<hbm>> -> memref<1x64x768xf32, #tpu.memory_space<hbm>>
    %dma_start3A_186 = tpu.memref_squeeze %dma_start3A_185 : memref<1x64x768xf32, #tpu.memory_space<hbm>> -> memref<64x768xf32, #tpu.memory_space<hbm>>
    tpu.enqueue_dma source(%arg6 : memref<64x768xf32, #tpu.memory_space<vmem>>) target(%dma_start3A_186 : memref<64x768xf32, #tpu.memory_space<hbm>>) target_semaphore(%arg10 : memref<!tpu.dma_semaphore, #tpu.memory_space<semaphore_mem>>)
    %dma_wait3A_187 = arith.constant 0 : i32
    %dma_wait3A_188 = arith.constant 0 : i32
    %dma_wait3A_189 = tpu.memref_slice %arg4[%dma_wait3A_187, %add3A_179, %dma_wait3A_188] : memref<3x8192x768xf32, #tpu.memory_space<hbm>> -> memref<1x64x768xf32, #tpu.memory_space<hbm>>
    %dma_wait3A_190 = tpu.memref_squeeze %dma_wait3A_189 : memref<1x64x768xf32, #tpu.memory_space<hbm>> -> memref<64x768xf32, #tpu.memory_space<hbm>>
    %dma_wait3A_191 = arith.constant 0 : i32
    %dma_wait3A_192 = tpu.memref_slice %arg4[%dma_wait3A_187, %add3A_179, %dma_wait3A_191] : memref<3x8192x768xf32, #tpu.memory_space<hbm>> -> memref<1x64x768xf32, #tpu.memory_space<hbm>>
    %dma_wait3A_193 = tpu.memref_squeeze %dma_wait3A_192 : memref<1x64x768xf32, #tpu.memory_space<hbm>> -> memref<64x768xf32, #tpu.memory_space<hbm>>
    tpu.wait_dma2 semaphore(%arg10 : memref<!tpu.dma_semaphore, #tpu.memory_space<semaphore_mem>>) src(%arg6 : memref<64x768xf32, #tpu.memory_space<vmem>>) dst(%dma_wait3A_193 : memref<64x768xf32, #tpu.memory_space<hbm>>)
    %dma_start3A_194 = arith.constant 640 : i32
    %dma_start3A_195 = tpu.memref_slice %arg5[%dma_start3A_194] : memref<768xi32, #tpu.memory_space<vmem>> -> memref<64xi32, #tpu.memory_space<vmem>>
    %dma_start3A_196 = arith.constant 0 : i32
    %dma_start3A_197 = arith.constant 0 : i32
    %dma_start3A_198 = tpu.memref_slice %arg2[%dma_start3A_196, %dma_start3A_197] : memref<30208x768xf32, #tpu.memory_space<hbm>> -> memref<30208x768xf32, #tpu.memory_space<hbm>>
    tpu.enqueue_indirect_dma source(%dma_start3A_198 : memref<30208x768xf32, #tpu.memory_space<hbm>>) target(%arg6 : memref<64x768xf32, #tpu.memory_space<vmem>>) offsets(%dma_start3A_195 : memref<64xi32, #tpu.memory_space<vmem>>) semaphore(%arg8 : memref<!tpu.dma_semaphore, #tpu.memory_space<semaphore_mem>>)
    %dma_wait3A_199 = arith.constant 384 : i32
    %dma_wait3A_200 = tpu.memref_slice %arg5[%dma_wait3A_199] : memref<768xi32, #tpu.memory_space<vmem>> -> memref<64xi32, #tpu.memory_space<vmem>>
    %dma_wait3A_201 = arith.constant 0 : i32
    %dma_wait3A_202 = arith.constant 0 : i32
    %dma_wait3A_203 = tpu.memref_slice %arg2[%dma_wait3A_201, %dma_wait3A_202] : memref<30208x768xf32, #tpu.memory_space<hbm>> -> memref<30208x768xf32, #tpu.memory_space<hbm>>
    tpu.wait_indirect_dma semaphore(%arg9 : memref<!tpu.dma_semaphore, #tpu.memory_space<semaphore_mem>>) src(%dma_wait3A_203 : memref<30208x768xf32, #tpu.memory_space<hbm>>) dst(%arg7 : memref<64x768xf32, #tpu.memory_space<vmem>>)
    %add3A_204 = arith.constant 128 : i32
    %add3A_205 = arith.addi %mul3A_2, %add3A_204 : i32
    %dma_start3A_206 = arith.constant 1 : i32
    %dma_start3A_207 = arith.constant 0 : i32
    %dma_start3A_208 = tpu.memref_slice %arg4[%dma_start3A_206, %add3A_205, %dma_start3A_207] : memref<3x8192x768xf32, #tpu.memory_space<hbm>> -> memref<1x64x768xf32, #tpu.memory_space<hbm>>
    %dma_start3A_209 = tpu.memref_squeeze %dma_start3A_208 : memref<1x64x768xf32, #tpu.memory_space<hbm>> -> memref<64x768xf32, #tpu.memory_space<hbm>>
    %dma_start3A_210 = arith.constant 0 : i32
    %dma_start3A_211 = tpu.memref_slice %arg4[%dma_start3A_206, %add3A_205, %dma_start3A_210] : memref<3x8192x768xf32, #tpu.memory_space<hbm>> -> memref<1x64x768xf32, #tpu.memory_space<hbm>>
    %dma_start3A_212 = tpu.memref_squeeze %dma_start3A_211 : memref<1x64x768xf32, #tpu.memory_space<hbm>> -> memref<64x768xf32, #tpu.memory_space<hbm>>
    tpu.enqueue_dma source(%arg7 : memref<64x768xf32, #tpu.memory_space<vmem>>) target(%dma_start3A_212 : memref<64x768xf32, #tpu.memory_space<hbm>>) target_semaphore(%arg11 : memref<!tpu.dma_semaphore, #tpu.memory_space<semaphore_mem>>)
    %dma_wait3A_213 = arith.constant 1 : i32
    %dma_wait3A_214 = arith.constant 0 : i32
    %dma_wait3A_215 = tpu.memref_slice %arg4[%dma_wait3A_213, %add3A_205, %dma_wait3A_214] : memref<3x8192x768xf32, #tpu.memory_space<hbm>> -> memref<1x64x768xf32, #tpu.memory_space<hbm>>
    %dma_wait3A_216 = tpu.memref_squeeze %dma_wait3A_215 : memref<1x64x768xf32, #tpu.memory_space<hbm>> -> memref<64x768xf32, #tpu.memory_space<hbm>>
    %dma_wait3A_217 = arith.constant 0 : i32
    %dma_wait3A_218 = tpu.memref_slice %arg4[%dma_wait3A_213, %add3A_205, %dma_wait3A_217] : memref<3x8192x768xf32, #tpu.memory_space<hbm>> -> memref<1x64x768xf32, #tpu.memory_space<hbm>>
    %dma_wait3A_219 = tpu.memref_squeeze %dma_wait3A_218 : memref<1x64x768xf32, #tpu.memory_space<hbm>> -> memref<64x768xf32, #tpu.memory_space<hbm>>
    tpu.wait_dma2 semaphore(%arg11 : memref<!tpu.dma_semaphore, #tpu.memory_space<semaphore_mem>>) src(%arg7 : memref<64x768xf32, #tpu.memory_space<vmem>>) dst(%dma_wait3A_219 : memref<64x768xf32, #tpu.memory_space<hbm>>)
    %dma_start3A_220 = arith.constant 192 : i32
    %dma_start3A_221 = tpu.memref_slice %arg5[%dma_start3A_220] : memref<768xi32, #tpu.memory_space<vmem>> -> memref<64xi32, #tpu.memory_space<vmem>>
    %dma_start3A_222 = arith.constant 0 : i32
    %dma_start3A_223 = arith.constant 0 : i32
    %dma_start3A_224 = tpu.memref_slice %arg2[%dma_start3A_222, %dma_start3A_223] : memref<30208x768xf32, #tpu.memory_space<hbm>> -> memref<30208x768xf32, #tpu.memory_space<hbm>>
    tpu.enqueue_indirect_dma source(%dma_start3A_224 : memref<30208x768xf32, #tpu.memory_space<hbm>>) target(%arg7 : memref<64x768xf32, #tpu.memory_space<vmem>>) offsets(%dma_start3A_221 : memref<64xi32, #tpu.memory_space<vmem>>) semaphore(%arg9 : memref<!tpu.dma_semaphore, #tpu.memory_space<semaphore_mem>>)
    %dma_wait3A_225 = arith.constant 640 : i32
    %dma_wait3A_226 = tpu.memref_slice %arg5[%dma_wait3A_225] : memref<768xi32, #tpu.memory_space<vmem>> -> memref<64xi32, #tpu.memory_space<vmem>>
    %dma_wait3A_227 = arith.constant 0 : i32
    %dma_wait3A_228 = arith.constant 0 : i32
    %dma_wait3A_229 = tpu.memref_slice %arg2[%dma_wait3A_227, %dma_wait3A_228] : memref<30208x768xf32, #tpu.memory_space<hbm>> -> memref<30208x768xf32, #tpu.memory_space<hbm>>
    tpu.wait_indirect_dma semaphore(%arg8 : memref<!tpu.dma_semaphore, #tpu.memory_space<semaphore_mem>>) src(%dma_wait3A_229 : memref<30208x768xf32, #tpu.memory_space<hbm>>) dst(%arg6 : memref<64x768xf32, #tpu.memory_space<vmem>>)
    %add3A_230 = arith.constant 128 : i32
    %add3A_231 = arith.addi %mul3A_2, %add3A_230 : i32
    %dma_start3A_232 = arith.constant 2 : i32
    %dma_start3A_233 = arith.constant 0 : i32
    %dma_start3A_234 = tpu.memref_slice %arg4[%dma_start3A_232, %add3A_231, %dma_start3A_233] : memref<3x8192x768xf32, #tpu.memory_space<hbm>> -> memref<1x64x768xf32, #tpu.memory_space<hbm>>
    %dma_start3A_235 = tpu.memref_squeeze %dma_start3A_234 : memref<1x64x768xf32, #tpu.memory_space<hbm>> -> memref<64x768xf32, #tpu.memory_space<hbm>>
    %dma_start3A_236 = arith.constant 0 : i32
    %dma_start3A_237 = tpu.memref_slice %arg4[%dma_start3A_232, %add3A_231, %dma_start3A_236] : memref<3x8192x768xf32, #tpu.memory_space<hbm>> -> memref<1x64x768xf32, #tpu.memory_space<hbm>>
    %dma_start3A_238 = tpu.memref_squeeze %dma_start3A_237 : memref<1x64x768xf32, #tpu.memory_space<hbm>> -> memref<64x768xf32, #tpu.memory_space<hbm>>
    tpu.enqueue_dma source(%arg6 : memref<64x768xf32, #tpu.memory_space<vmem>>) target(%dma_start3A_238 : memref<64x768xf32, #tpu.memory_space<hbm>>) target_semaphore(%arg10 : memref<!tpu.dma_semaphore, #tpu.memory_space<semaphore_mem>>)
    %dma_wait3A_239 = arith.constant 2 : i32
    %dma_wait3A_240 = arith.constant 0 : i32
    %dma_wait3A_241 = tpu.memref_slice %arg4[%dma_wait3A_239, %add3A_231, %dma_wait3A_240] : memref<3x8192x768xf32, #tpu.memory_space<hbm>> -> memref<1x64x768xf32, #tpu.memory_space<hbm>>
    %dma_wait3A_242 = tpu.memref_squeeze %dma_wait3A_241 : memref<1x64x768xf32, #tpu.memory_space<hbm>> -> memref<64x768xf32, #tpu.memory_space<hbm>>
    %dma_wait3A_243 = arith.constant 0 : i32
    %dma_wait3A_244 = tpu.memref_slice %arg4[%dma_wait3A_239, %add3A_231, %dma_wait3A_243] : memref<3x8192x768xf32, #tpu.memory_space<hbm>> -> memref<1x64x768xf32, #tpu.memory_space<hbm>>
    %dma_wait3A_245 = tpu.memref_squeeze %dma_wait3A_244 : memref<1x64x768xf32, #tpu.memory_space<hbm>> -> memref<64x768xf32, #tpu.memory_space<hbm>>
    tpu.wait_dma2 semaphore(%arg10 : memref<!tpu.dma_semaphore, #tpu.memory_space<semaphore_mem>>) src(%arg6 : memref<64x768xf32, #tpu.memory_space<vmem>>) dst(%dma_wait3A_245 : memref<64x768xf32, #tpu.memory_space<hbm>>)
    %dma_start3A_246 = arith.constant 448 : i32
    %dma_start3A_247 = tpu.memref_slice %arg5[%dma_start3A_246] : memref<768xi32, #tpu.memory_space<vmem>> -> memref<64xi32, #tpu.memory_space<vmem>>
    %dma_start3A_248 = arith.constant 0 : i32
    %dma_start3A_249 = arith.constant 0 : i32
    %dma_start3A_250 = tpu.memref_slice %arg2[%dma_start3A_248, %dma_start3A_249] : memref<30208x768xf32, #tpu.memory_space<hbm>> -> memref<30208x768xf32, #tpu.memory_space<hbm>>
    tpu.enqueue_indirect_dma source(%dma_start3A_250 : memref<30208x768xf32, #tpu.memory_space<hbm>>) target(%arg6 : memref<64x768xf32, #tpu.memory_space<vmem>>) offsets(%dma_start3A_247 : memref<64xi32, #tpu.memory_space<vmem>>) semaphore(%arg8 : memref<!tpu.dma_semaphore, #tpu.memory_space<semaphore_mem>>)
    %dma_wait3A_251 = arith.constant 192 : i32
    %dma_wait3A_252 = tpu.memref_slice %arg5[%dma_wait3A_251] : memref<768xi32, #tpu.memory_space<vmem>> -> memref<64xi32, #tpu.memory_space<vmem>>
    %dma_wait3A_253 = arith.constant 0 : i32
    %dma_wait3A_254 = arith.constant 0 : i32
    %dma_wait3A_255 = tpu.memref_slice %arg2[%dma_wait3A_253, %dma_wait3A_254] : memref<30208x768xf32, #tpu.memory_space<hbm>> -> memref<30208x768xf32, #tpu.memory_space<hbm>>
    tpu.wait_indirect_dma semaphore(%arg9 : memref<!tpu.dma_semaphore, #tpu.memory_space<semaphore_mem>>) src(%dma_wait3A_255 : memref<30208x768xf32, #tpu.memory_space<hbm>>) dst(%arg7 : memref<64x768xf32, #tpu.memory_space<vmem>>)
    %add3A_256 = arith.constant 192 : i32
    %add3A_257 = arith.addi %mul3A_2, %add3A_256 : i32
    %dma_start3A_258 = arith.constant 0 : i32
    %dma_start3A_259 = arith.constant 0 : i32
    %dma_start3A_260 = tpu.memref_slice %arg4[%dma_start3A_258, %add3A_257, %dma_start3A_259] : memref<3x8192x768xf32, #tpu.memory_space<hbm>> -> memref<1x64x768xf32, #tpu.memory_space<hbm>>
    %dma_start3A_261 = tpu.memref_squeeze %dma_start3A_260 : memref<1x64x768xf32, #tpu.memory_space<hbm>> -> memref<64x768xf32, #tpu.memory_space<hbm>>
    %dma_start3A_262 = arith.constant 0 : i32
    %dma_start3A_263 = tpu.memref_slice %arg4[%dma_start3A_258, %add3A_257, %dma_start3A_262] : memref<3x8192x768xf32, #tpu.memory_space<hbm>> -> memref<1x64x768xf32, #tpu.memory_space<hbm>>
    %dma_start3A_264 = tpu.memref_squeeze %dma_start3A_263 : memref<1x64x768xf32, #tpu.memory_space<hbm>> -> memref<64x768xf32, #tpu.memory_space<hbm>>
    tpu.enqueue_dma source(%arg7 : memref<64x768xf32, #tpu.memory_space<vmem>>) target(%dma_start3A_264 : memref<64x768xf32, #tpu.memory_space<hbm>>) target_semaphore(%arg11 : memref<!tpu.dma_semaphore, #tpu.memory_space<semaphore_mem>>)
    %dma_wait3A_265 = arith.constant 0 : i32
    %dma_wait3A_266 = arith.constant 0 : i32
    %dma_wait3A_267 = tpu.memref_slice %arg4[%dma_wait3A_265, %add3A_257, %dma_wait3A_266] : memref<3x8192x768xf32, #tpu.memory_space<hbm>> -> memref<1x64x768xf32, #tpu.memory_space<hbm>>
    %dma_wait3A_268 = tpu.memref_squeeze %dma_wait3A_267 : memref<1x64x768xf32, #tpu.memory_space<hbm>> -> memref<64x768xf32, #tpu.memory_space<hbm>>
    %dma_wait3A_269 = arith.constant 0 : i32
    %dma_wait3A_270 = tpu.memref_slice %arg4[%dma_wait3A_265, %add3A_257, %dma_wait3A_269] : memref<3x8192x768xf32, #tpu.memory_space<hbm>> -> memref<1x64x768xf32, #tpu.memory_space<hbm>>
    %dma_wait3A_271 = tpu.memref_squeeze %dma_wait3A_270 : memref<1x64x768xf32, #tpu.memory_space<hbm>> -> memref<64x768xf32, #tpu.memory_space<hbm>>
    tpu.wait_dma2 semaphore(%arg11 : memref<!tpu.dma_semaphore, #tpu.memory_space<semaphore_mem>>) src(%arg7 : memref<64x768xf32, #tpu.memory_space<vmem>>) dst(%dma_wait3A_271 : memref<64x768xf32, #tpu.memory_space<hbm>>)
    %dma_start3A_272 = arith.constant 704 : i32
    %dma_start3A_273 = tpu.memref_slice %arg5[%dma_start3A_272] : memref<768xi32, #tpu.memory_space<vmem>> -> memref<64xi32, #tpu.memory_space<vmem>>
    %dma_start3A_274 = arith.constant 0 : i32
    %dma_start3A_275 = arith.constant 0 : i32
    %dma_start3A_276 = tpu.memref_slice %arg2[%dma_start3A_274, %dma_start3A_275] : memref<30208x768xf32, #tpu.memory_space<hbm>> -> memref<30208x768xf32, #tpu.memory_space<hbm>>
    tpu.enqueue_indirect_dma source(%dma_start3A_276 : memref<30208x768xf32, #tpu.memory_space<hbm>>) target(%arg7 : memref<64x768xf32, #tpu.memory_space<vmem>>) offsets(%dma_start3A_273 : memref<64xi32, #tpu.memory_space<vmem>>) semaphore(%arg9 : memref<!tpu.dma_semaphore, #tpu.memory_space<semaphore_mem>>)
    %dma_wait3A_277 = arith.constant 448 : i32
    %dma_wait3A_278 = tpu.memref_slice %arg5[%dma_wait3A_277] : memref<768xi32, #tpu.memory_space<vmem>> -> memref<64xi32, #tpu.memory_space<vmem>>
    %dma_wait3A_279 = arith.constant 0 : i32
    %dma_wait3A_280 = arith.constant 0 : i32
    %dma_wait3A_281 = tpu.memref_slice %arg2[%dma_wait3A_279, %dma_wait3A_280] : memref<30208x768xf32, #tpu.memory_space<hbm>> -> memref<30208x768xf32, #tpu.memory_space<hbm>>
    tpu.wait_indirect_dma semaphore(%arg8 : memref<!tpu.dma_semaphore, #tpu.memory_space<semaphore_mem>>) src(%dma_wait3A_281 : memref<30208x768xf32, #tpu.memory_space<hbm>>) dst(%arg6 : memref<64x768xf32, #tpu.memory_space<vmem>>)
    %add3A_282 = arith.constant 192 : i32
    %add3A_283 = arith.addi %mul3A_2, %add3A_282 : i32
    %dma_start3A_284 = arith.constant 1 : i32
    %dma_start3A_285 = arith.constant 0 : i32
    %dma_start3A_286 = tpu.memref_slice %arg4[%dma_start3A_284, %add3A_283, %dma_start3A_285] : memref<3x8192x768xf32, #tpu.memory_space<hbm>> -> memref<1x64x768xf32, #tpu.memory_space<hbm>>
    %dma_start3A_287 = tpu.memref_squeeze %dma_start3A_286 : memref<1x64x768xf32, #tpu.memory_space<hbm>> -> memref<64x768xf32, #tpu.memory_space<hbm>>
    %dma_start3A_288 = arith.constant 0 : i32
    %dma_start3A_289 = tpu.memref_slice %arg4[%dma_start3A_284, %add3A_283, %dma_start3A_288] : memref<3x8192x768xf32, #tpu.memory_space<hbm>> -> memref<1x64x768xf32, #tpu.memory_space<hbm>>
    %dma_start3A_290 = tpu.memref_squeeze %dma_start3A_289 : memref<1x64x768xf32, #tpu.memory_space<hbm>> -> memref<64x768xf32, #tpu.memory_space<hbm>>
    tpu.enqueue_dma source(%arg6 : memref<64x768xf32, #tpu.memory_space<vmem>>) target(%dma_start3A_290 : memref<64x768xf32, #tpu.memory_space<hbm>>) target_semaphore(%arg10 : memref<!tpu.dma_semaphore, #tpu.memory_space<semaphore_mem>>)
    %dma_wait3A_291 = arith.constant 704 : i32
    %dma_wait3A_292 = tpu.memref_slice %arg5[%dma_wait3A_291] : memref<768xi32, #tpu.memory_space<vmem>> -> memref<64xi32, #tpu.memory_space<vmem>>
    %dma_wait3A_293 = arith.constant 0 : i32
    %dma_wait3A_294 = arith.constant 0 : i32
    %dma_wait3A_295 = tpu.memref_slice %arg2[%dma_wait3A_293, %dma_wait3A_294] : memref<30208x768xf32, #tpu.memory_space<hbm>> -> memref<30208x768xf32, #tpu.memory_space<hbm>>
    tpu.wait_indirect_dma semaphore(%arg9 : memref<!tpu.dma_semaphore, #tpu.memory_space<semaphore_mem>>) src(%dma_wait3A_295 : memref<30208x768xf32, #tpu.memory_space<hbm>>) dst(%arg7 : memref<64x768xf32, #tpu.memory_space<vmem>>)
    %add3A_296 = arith.constant 192 : i32
    %add3A_297 = arith.addi %mul3A_2, %add3A_296 : i32
    %dma_start3A_298 = arith.constant 2 : i32
    %dma_start3A_299 = arith.constant 0 : i32
    %dma_start3A_300 = tpu.memref_slice %arg4[%dma_start3A_298, %add3A_297, %dma_start3A_299] : memref<3x8192x768xf32, #tpu.memory_space<hbm>> -> memref<1x64x768xf32, #tpu.memory_space<hbm>>
    %dma_start3A_301 = tpu.memref_squeeze %dma_start3A_300 : memref<1x64x768xf32, #tpu.memory_space<hbm>> -> memref<64x768xf32, #tpu.memory_space<hbm>>
    %dma_start3A_302 = arith.constant 0 : i32
    %dma_start3A_303 = tpu.memref_slice %arg4[%dma_start3A_298, %add3A_297, %dma_start3A_302] : memref<3x8192x768xf32, #tpu.memory_space<hbm>> -> memref<1x64x768xf32, #tpu.memory_space<hbm>>
    %dma_start3A_304 = tpu.memref_squeeze %dma_start3A_303 : memref<1x64x768xf32, #tpu.memory_space<hbm>> -> memref<64x768xf32, #tpu.memory_space<hbm>>
    tpu.enqueue_dma source(%arg7 : memref<64x768xf32, #tpu.memory_space<vmem>>) target(%dma_start3A_304 : memref<64x768xf32, #tpu.memory_space<hbm>>) target_semaphore(%arg11 : memref<!tpu.dma_semaphore, #tpu.memory_space<semaphore_mem>>)
    %dma_wait3A_305 = arith.constant 1 : i32
    %dma_wait3A_306 = arith.constant 0 : i32
    %dma_wait3A_307 = tpu.memref_slice %arg4[%dma_wait3A_305, %add3A_283, %dma_wait3A_306] : memref<3x8192x768xf32, #tpu.memory_space<hbm>> -> memref<1x64x768xf32, #tpu.memory_space<hbm>>
    %dma_wait3A_308 = tpu.memref_squeeze %dma_wait3A_307 : memref<1x64x768xf32, #tpu.memory_space<hbm>> -> memref<64x768xf32, #tpu.memory_space<hbm>>
    %dma_wait3A_309 = arith.constant 0 : i32
    %dma_wait3A_310 = tpu.memref_slice %arg4[%dma_wait3A_305, %add3A_283, %dma_wait3A_309] : memref<3x8192x768xf32, #tpu.memory_space<hbm>> -> memref<1x64x768xf32, #tpu.memory_space<hbm>>
    %dma_wait3A_311 = tpu.memref_squeeze %dma_wait3A_310 : memref<1x64x768xf32, #tpu.memory_space<hbm>> -> memref<64x768xf32, #tpu.memory_space<hbm>>
    tpu.wait_dma2 semaphore(%arg10 : memref<!tpu.dma_semaphore, #tpu.memory_space<semaphore_mem>>) src(%arg6 : memref<64x768xf32, #tpu.memory_space<vmem>>) dst(%dma_wait3A_311 : memref<64x768xf32, #tpu.memory_space<hbm>>)
    %dma_wait3A_312 = arith.constant 2 : i32
    %dma_wait3A_313 = arith.constant 0 : i32
    %dma_wait3A_314 = tpu.memref_slice %arg4[%dma_wait3A_312, %add3A_297, %dma_wait3A_313] : memref<3x8192x768xf32, #tpu.memory_space<hbm>> -> memref<1x64x768xf32, #tpu.memory_space<hbm>>
    %dma_wait3A_315 = tpu.memref_squeeze %dma_wait3A_314 : memref<1x64x768xf32, #tpu.memory_space<hbm>> -> memref<64x768xf32, #tpu.memory_space<hbm>>
    %dma_wait3A_316 = arith.constant 0 : i32
    %dma_wait3A_317 = tpu.memref_slice %arg4[%dma_wait3A_312, %add3A_297, %dma_wait3A_316] : memref<3x8192x768xf32, #tpu.memory_space<hbm>> -> memref<1x64x768xf32, #tpu.memory_space<hbm>>
    %dma_wait3A_318 = tpu.memref_squeeze %dma_wait3A_317 : memref<1x64x768xf32, #tpu.memory_space<hbm>> -> memref<64x768xf32, #tpu.memory_space<hbm>>
    tpu.wait_dma2 semaphore(%arg11 : memref<!tpu.dma_semaphore, #tpu.memory_space<semaphore_mem>>) src(%arg7 : memref<64x768xf32, #tpu.memory_space<vmem>>) dst(%dma_wait3A_318 : memref<64x768xf32, #tpu.memory_space<hbm>>)
    return
  }
}

#map = affine_map<(d0, d1) -> (0, 0)>
#map1 = affine_map<(d0, d1) -> (0)>
module attributes {stable_mosaic.version = 14 : i64} {
  func.func @_dispatch_body(%arg0: i32, %arg1: i32, %arg2: memref<8192x768xf32, #tpu.memory_space<hbm>>, %arg3: memref<24576xi32, #tpu.memory_space<hbm>>, %arg4: memref<30208x768xf32, #tpu.memory_space<hbm>>, %arg5: memref<64x768xf32, #tpu.memory_space<vmem>>, %arg6: memref<64x768xf32, #tpu.memory_space<vmem>>, %arg7: memref<768xi32, #tpu.memory_space<vmem>>, %arg8: memref<!tpu.dma_semaphore, #tpu.memory_space<semaphore_mem>>, %arg9: memref<!tpu.dma_semaphore, #tpu.memory_space<semaphore_mem>>) attributes {dimension_semantics = [#tpu.dimension_semantics<core_parallel>, #tpu.dimension_semantics<subcore_parallel>], iteration_bounds = array<i64: 2, 16>, scalar_prefetch = 0 : i64, scratch_operands = 5 : i64, tpu.core_type = #tpu.core_type<sc_vector_subcore>, window_params = [{transform_indices = #map}, {transform_indices = #map1}, {transform_indices = #map}]} {
    %mul3A = arith.constant 2 : i32
    %mul3A_0 = arith.muli %arg1, %mul3A : i32
    %add3A = arith.addi %mul3A_0, %arg0 : i32
    %mul3A_1 = arith.constant 256 : i32
    %mul3A_2 = arith.muli %add3A, %mul3A_1 : i32
    %add3A_3 = arith.constant 0 : i32
    %add3A_4 = arith.addi %add3A_3, %mul3A_2 : i32
    "tpu.region"() ({
      %run_scoped3A = tpu.sem_alloc : memref<!tpu.dma_semaphore, #tpu.memory_space<semaphore_mem>>
      %dma_start3A_135 = arith.constant 0 : i32
      %dma_start3A_136 = tpu.memref_slice %arg7[%dma_start3A_135] : memref<768xi32, #tpu.memory_space<vmem>> -> memref<256xi32, #tpu.memory_space<vmem>>
      %dma_start3A_137 = tpu.memref_slice %arg3[%add3A_4] : memref<24576xi32, #tpu.memory_space<hbm>> -> memref<256xi32, #tpu.memory_space<hbm>>
      %dma_start3A_138 = arith.constant 0 : i32
      %dma_start3A_139 = tpu.memref_slice %arg7[%dma_start3A_138] : memref<768xi32, #tpu.memory_space<vmem>> -> memref<256xi32, #tpu.memory_space<vmem>>
      %dma_start3A_140 = tpu.memref_slice %arg3[%add3A_4] : memref<24576xi32, #tpu.memory_space<hbm>> -> memref<256xi32, #tpu.memory_space<hbm>>
      tpu.enqueue_dma source(%dma_start3A_140 : memref<256xi32, #tpu.memory_space<hbm>>) target(%dma_start3A_139 : memref<256xi32, #tpu.memory_space<vmem>>) target_semaphore(%run_scoped3A : memref<!tpu.dma_semaphore, #tpu.memory_space<semaphore_mem>>)
      %dma_wait3A_141 = arith.constant 0 : i32
      %dma_wait3A_142 = tpu.memref_slice %arg7[%dma_wait3A_141] : memref<768xi32, #tpu.memory_space<vmem>> -> memref<256xi32, #tpu.memory_space<vmem>>
      %dma_wait3A_143 = tpu.memref_slice %arg3[%add3A_4] : memref<24576xi32, #tpu.memory_space<hbm>> -> memref<256xi32, #tpu.memory_space<hbm>>
      %dma_wait3A_144 = arith.constant 0 : i32
      %dma_wait3A_145 = tpu.memref_slice %arg7[%dma_wait3A_144] : memref<768xi32, #tpu.memory_space<vmem>> -> memref<256xi32, #tpu.memory_space<vmem>>
      %dma_wait3A_146 = tpu.memref_slice %arg3[%add3A_4] : memref<24576xi32, #tpu.memory_space<hbm>> -> memref<256xi32, #tpu.memory_space<hbm>>
      tpu.wait_dma2 semaphore(%run_scoped3A : memref<!tpu.dma_semaphore, #tpu.memory_space<semaphore_mem>>) src(%dma_wait3A_146 : memref<256xi32, #tpu.memory_space<hbm>>) dst(%dma_wait3A_145 : memref<256xi32, #tpu.memory_space<vmem>>)
      tpu.yield
    }) : () -> ()
    %add3A_5 = arith.constant 8192 : i32
    %add3A_6 = arith.addi %add3A_5, %mul3A_2 : i32
    "tpu.region"() ({
      %run_scoped3A = tpu.sem_alloc : memref<!tpu.dma_semaphore, #tpu.memory_space<semaphore_mem>>
      %dma_start3A_135 = arith.constant 256 : i32
      %dma_start3A_136 = tpu.memref_slice %arg7[%dma_start3A_135] : memref<768xi32, #tpu.memory_space<vmem>> -> memref<256xi32, #tpu.memory_space<vmem>>
      %dma_start3A_137 = tpu.memref_slice %arg3[%add3A_6] : memref<24576xi32, #tpu.memory_space<hbm>> -> memref<256xi32, #tpu.memory_space<hbm>>
      %dma_start3A_138 = arith.constant 256 : i32
      %dma_start3A_139 = tpu.memref_slice %arg7[%dma_start3A_138] : memref<768xi32, #tpu.memory_space<vmem>> -> memref<256xi32, #tpu.memory_space<vmem>>
      %dma_start3A_140 = tpu.memref_slice %arg3[%add3A_6] : memref<24576xi32, #tpu.memory_space<hbm>> -> memref<256xi32, #tpu.memory_space<hbm>>
      tpu.enqueue_dma source(%dma_start3A_140 : memref<256xi32, #tpu.memory_space<hbm>>) target(%dma_start3A_139 : memref<256xi32, #tpu.memory_space<vmem>>) target_semaphore(%run_scoped3A : memref<!tpu.dma_semaphore, #tpu.memory_space<semaphore_mem>>)
      %dma_wait3A_141 = arith.constant 256 : i32
      %dma_wait3A_142 = tpu.memref_slice %arg7[%dma_wait3A_141] : memref<768xi32, #tpu.memory_space<vmem>> -> memref<256xi32, #tpu.memory_space<vmem>>
      %dma_wait3A_143 = tpu.memref_slice %arg3[%add3A_6] : memref<24576xi32, #tpu.memory_space<hbm>> -> memref<256xi32, #tpu.memory_space<hbm>>
      %dma_wait3A_144 = arith.constant 256 : i32
      %dma_wait3A_145 = tpu.memref_slice %arg7[%dma_wait3A_144] : memref<768xi32, #tpu.memory_space<vmem>> -> memref<256xi32, #tpu.memory_space<vmem>>
      %dma_wait3A_146 = tpu.memref_slice %arg3[%add3A_6] : memref<24576xi32, #tpu.memory_space<hbm>> -> memref<256xi32, #tpu.memory_space<hbm>>
      tpu.wait_dma2 semaphore(%run_scoped3A : memref<!tpu.dma_semaphore, #tpu.memory_space<semaphore_mem>>) src(%dma_wait3A_146 : memref<256xi32, #tpu.memory_space<hbm>>) dst(%dma_wait3A_145 : memref<256xi32, #tpu.memory_space<vmem>>)
      tpu.yield
    }) : () -> ()
    %add3A_7 = arith.constant 16384 : i32
    %add3A_8 = arith.addi %add3A_7, %mul3A_2 : i32
    "tpu.region"() ({
      %run_scoped3A = tpu.sem_alloc : memref<!tpu.dma_semaphore, #tpu.memory_space<semaphore_mem>>
      %dma_start3A_135 = arith.constant 512 : i32
      %dma_start3A_136 = tpu.memref_slice %arg7[%dma_start3A_135] : memref<768xi32, #tpu.memory_space<vmem>> -> memref<256xi32, #tpu.memory_space<vmem>>
      %dma_start3A_137 = tpu.memref_slice %arg3[%add3A_8] : memref<24576xi32, #tpu.memory_space<hbm>> -> memref<256xi32, #tpu.memory_space<hbm>>
      %dma_start3A_138 = arith.constant 512 : i32
      %dma_start3A_139 = tpu.memref_slice %arg7[%dma_start3A_138] : memref<768xi32, #tpu.memory_space<vmem>> -> memref<256xi32, #tpu.memory_space<vmem>>
      %dma_start3A_140 = tpu.memref_slice %arg3[%add3A_8] : memref<24576xi32, #tpu.memory_space<hbm>> -> memref<256xi32, #tpu.memory_space<hbm>>
      tpu.enqueue_dma source(%dma_start3A_140 : memref<256xi32, #tpu.memory_space<hbm>>) target(%dma_start3A_139 : memref<256xi32, #tpu.memory_space<vmem>>) target_semaphore(%run_scoped3A : memref<!tpu.dma_semaphore, #tpu.memory_space<semaphore_mem>>)
      %dma_wait3A_141 = arith.constant 512 : i32
      %dma_wait3A_142 = tpu.memref_slice %arg7[%dma_wait3A_141] : memref<768xi32, #tpu.memory_space<vmem>> -> memref<256xi32, #tpu.memory_space<vmem>>
      %dma_wait3A_143 = tpu.memref_slice %arg3[%add3A_8] : memref<24576xi32, #tpu.memory_space<hbm>> -> memref<256xi32, #tpu.memory_space<hbm>>
      %dma_wait3A_144 = arith.constant 512 : i32
      %dma_wait3A_145 = tpu.memref_slice %arg7[%dma_wait3A_144] : memref<768xi32, #tpu.memory_space<vmem>> -> memref<256xi32, #tpu.memory_space<vmem>>
      %dma_wait3A_146 = tpu.memref_slice %arg3[%add3A_8] : memref<24576xi32, #tpu.memory_space<hbm>> -> memref<256xi32, #tpu.memory_space<hbm>>
      tpu.wait_dma2 semaphore(%run_scoped3A : memref<!tpu.dma_semaphore, #tpu.memory_space<semaphore_mem>>) src(%dma_wait3A_146 : memref<256xi32, #tpu.memory_space<hbm>>) dst(%dma_wait3A_145 : memref<256xi32, #tpu.memory_space<vmem>>)
      tpu.yield
    }) : () -> ()
    %add3A_9 = arith.constant 0 : i32
    %add3A_10 = arith.addi %mul3A_2, %add3A_9 : i32
    "tpu.region"() ({
      %run_scoped3A = tpu.sem_alloc : memref<!tpu.dma_semaphore, #tpu.memory_space<semaphore_mem>>
      %dma_start3A_135 = arith.constant 0 : i32
      %dma_start3A_136 = tpu.memref_slice %arg2[%add3A_10, %dma_start3A_135] : memref<8192x768xf32, #tpu.memory_space<hbm>> -> memref<64x768xf32, #tpu.memory_space<hbm>>
      %dma_start3A_137 = arith.constant 0 : i32
      %dma_start3A_138 = tpu.memref_slice %arg2[%add3A_10, %dma_start3A_137] : memref<8192x768xf32, #tpu.memory_space<hbm>> -> memref<64x768xf32, #tpu.memory_space<hbm>>
      tpu.enqueue_dma source(%dma_start3A_138 : memref<64x768xf32, #tpu.memory_space<hbm>>) target(%arg5 : memref<64x768xf32, #tpu.memory_space<vmem>>) target_semaphore(%run_scoped3A : memref<!tpu.dma_semaphore, #tpu.memory_space<semaphore_mem>>)
      %dma_wait3A_139 = arith.constant 0 : i32
      %dma_wait3A_140 = tpu.memref_slice %arg2[%add3A_10, %dma_wait3A_139] : memref<8192x768xf32, #tpu.memory_space<hbm>> -> memref<64x768xf32, #tpu.memory_space<hbm>>
      %dma_wait3A_141 = arith.constant 0 : i32
      %dma_wait3A_142 = tpu.memref_slice %arg2[%add3A_10, %dma_wait3A_141] : memref<8192x768xf32, #tpu.memory_space<hbm>> -> memref<64x768xf32, #tpu.memory_space<hbm>>
      tpu.wait_dma2 semaphore(%run_scoped3A : memref<!tpu.dma_semaphore, #tpu.memory_space<semaphore_mem>>) src(%dma_wait3A_142 : memref<64x768xf32, #tpu.memory_space<hbm>>) dst(%arg5 : memref<64x768xf32, #tpu.memory_space<vmem>>)
      tpu.yield
    }) : () -> ()
    %dma_start3A = arith.constant 0 : i32
    %dma_start3A_11 = tpu.memref_slice %arg7[%dma_start3A] : memref<768xi32, #tpu.memory_space<vmem>> -> memref<64xi32, #tpu.memory_space<vmem>>
    %dma_start3A_12 = arith.constant 0 : i32
    %dma_start3A_13 = arith.constant 0 : i32
    %dma_start3A_14 = tpu.memref_slice %arg4[%dma_start3A_12, %dma_start3A_13] : memref<30208x768xf32, #tpu.memory_space<hbm>> -> memref<30208x768xf32, #tpu.memory_space<hbm>>
    tpu.enqueue_indirect_dma source(%arg5 : memref<64x768xf32, #tpu.memory_space<vmem>>) target(%dma_start3A_14 : memref<30208x768xf32, #tpu.memory_space<hbm>>) offsets(%dma_start3A_11 : memref<64xi32, #tpu.memory_space<vmem>>) semaphore(%arg8 : memref<!tpu.dma_semaphore, #tpu.memory_space<semaphore_mem>>)
    %dma_start3A_15 = arith.constant 256 : i32
    %dma_start3A_16 = tpu.memref_slice %arg7[%dma_start3A_15] : memref<768xi32, #tpu.memory_space<vmem>> -> memref<64xi32, #tpu.memory_space<vmem>>
    %dma_start3A_17 = arith.constant 0 : i32
    %dma_start3A_18 = arith.constant 0 : i32
    %dma_start3A_19 = tpu.memref_slice %arg4[%dma_start3A_17, %dma_start3A_18] : memref<30208x768xf32, #tpu.memory_space<hbm>> -> memref<30208x768xf32, #tpu.memory_space<hbm>>
    tpu.enqueue_indirect_dma source(%arg5 : memref<64x768xf32, #tpu.memory_space<vmem>>) target(%dma_start3A_19 : memref<30208x768xf32, #tpu.memory_space<hbm>>) offsets(%dma_start3A_16 : memref<64xi32, #tpu.memory_space<vmem>>) semaphore(%arg8 : memref<!tpu.dma_semaphore, #tpu.memory_space<semaphore_mem>>)
    %dma_start3A_20 = arith.constant 512 : i32
    %dma_start3A_21 = tpu.memref_slice %arg7[%dma_start3A_20] : memref<768xi32, #tpu.memory_space<vmem>> -> memref<64xi32, #tpu.memory_space<vmem>>
    %dma_start3A_22 = arith.constant 0 : i32
    %dma_start3A_23 = arith.constant 0 : i32
    %dma_start3A_24 = tpu.memref_slice %arg4[%dma_start3A_22, %dma_start3A_23] : memref<30208x768xf32, #tpu.memory_space<hbm>> -> memref<30208x768xf32, #tpu.memory_space<hbm>>
    tpu.enqueue_indirect_dma source(%arg5 : memref<64x768xf32, #tpu.memory_space<vmem>>) target(%dma_start3A_24 : memref<30208x768xf32, #tpu.memory_space<hbm>>) offsets(%dma_start3A_21 : memref<64xi32, #tpu.memory_space<vmem>>) semaphore(%arg8 : memref<!tpu.dma_semaphore, #tpu.memory_space<semaphore_mem>>)
    %add3A_25 = arith.constant 64 : i32
    %add3A_26 = arith.addi %mul3A_2, %add3A_25 : i32
    "tpu.region"() ({
      %run_scoped3A = tpu.sem_alloc : memref<!tpu.dma_semaphore, #tpu.memory_space<semaphore_mem>>
      %dma_start3A_135 = arith.constant 0 : i32
      %dma_start3A_136 = tpu.memref_slice %arg2[%add3A_26, %dma_start3A_135] : memref<8192x768xf32, #tpu.memory_space<hbm>> -> memref<64x768xf32, #tpu.memory_space<hbm>>
      %dma_start3A_137 = arith.constant 0 : i32
      %dma_start3A_138 = tpu.memref_slice %arg2[%add3A_26, %dma_start3A_137] : memref<8192x768xf32, #tpu.memory_space<hbm>> -> memref<64x768xf32, #tpu.memory_space<hbm>>
      tpu.enqueue_dma source(%dma_start3A_138 : memref<64x768xf32, #tpu.memory_space<hbm>>) target(%arg6 : memref<64x768xf32, #tpu.memory_space<vmem>>) target_semaphore(%run_scoped3A : memref<!tpu.dma_semaphore, #tpu.memory_space<semaphore_mem>>)
      %dma_wait3A_139 = arith.constant 0 : i32
      %dma_wait3A_140 = tpu.memref_slice %arg2[%add3A_26, %dma_wait3A_139] : memref<8192x768xf32, #tpu.memory_space<hbm>> -> memref<64x768xf32, #tpu.memory_space<hbm>>
      %dma_wait3A_141 = arith.constant 0 : i32
      %dma_wait3A_142 = tpu.memref_slice %arg2[%add3A_26, %dma_wait3A_141] : memref<8192x768xf32, #tpu.memory_space<hbm>> -> memref<64x768xf32, #tpu.memory_space<hbm>>
      tpu.wait_dma2 semaphore(%run_scoped3A : memref<!tpu.dma_semaphore, #tpu.memory_space<semaphore_mem>>) src(%dma_wait3A_142 : memref<64x768xf32, #tpu.memory_space<hbm>>) dst(%arg6 : memref<64x768xf32, #tpu.memory_space<vmem>>)
      tpu.yield
    }) : () -> ()
    %dma_start3A_27 = arith.constant 64 : i32
    %dma_start3A_28 = tpu.memref_slice %arg7[%dma_start3A_27] : memref<768xi32, #tpu.memory_space<vmem>> -> memref<64xi32, #tpu.memory_space<vmem>>
    %dma_start3A_29 = arith.constant 0 : i32
    %dma_start3A_30 = arith.constant 0 : i32
    %dma_start3A_31 = tpu.memref_slice %arg4[%dma_start3A_29, %dma_start3A_30] : memref<30208x768xf32, #tpu.memory_space<hbm>> -> memref<30208x768xf32, #tpu.memory_space<hbm>>
    tpu.enqueue_indirect_dma source(%arg6 : memref<64x768xf32, #tpu.memory_space<vmem>>) target(%dma_start3A_31 : memref<30208x768xf32, #tpu.memory_space<hbm>>) offsets(%dma_start3A_28 : memref<64xi32, #tpu.memory_space<vmem>>) semaphore(%arg9 : memref<!tpu.dma_semaphore, #tpu.memory_space<semaphore_mem>>)
    %dma_start3A_32 = arith.constant 320 : i32
    %dma_start3A_33 = tpu.memref_slice %arg7[%dma_start3A_32] : memref<768xi32, #tpu.memory_space<vmem>> -> memref<64xi32, #tpu.memory_space<vmem>>
    %dma_start3A_34 = arith.constant 0 : i32
    %dma_start3A_35 = arith.constant 0 : i32
    %dma_start3A_36 = tpu.memref_slice %arg4[%dma_start3A_34, %dma_start3A_35] : memref<30208x768xf32, #tpu.memory_space<hbm>> -> memref<30208x768xf32, #tpu.memory_space<hbm>>
    tpu.enqueue_indirect_dma source(%arg6 : memref<64x768xf32, #tpu.memory_space<vmem>>) target(%dma_start3A_36 : memref<30208x768xf32, #tpu.memory_space<hbm>>) offsets(%dma_start3A_33 : memref<64xi32, #tpu.memory_space<vmem>>) semaphore(%arg9 : memref<!tpu.dma_semaphore, #tpu.memory_space<semaphore_mem>>)
    %dma_start3A_37 = arith.constant 576 : i32
    %dma_start3A_38 = tpu.memref_slice %arg7[%dma_start3A_37] : memref<768xi32, #tpu.memory_space<vmem>> -> memref<64xi32, #tpu.memory_space<vmem>>
    %dma_start3A_39 = arith.constant 0 : i32
    %dma_start3A_40 = arith.constant 0 : i32
    %dma_start3A_41 = tpu.memref_slice %arg4[%dma_start3A_39, %dma_start3A_40] : memref<30208x768xf32, #tpu.memory_space<hbm>> -> memref<30208x768xf32, #tpu.memory_space<hbm>>
    tpu.enqueue_indirect_dma source(%arg6 : memref<64x768xf32, #tpu.memory_space<vmem>>) target(%dma_start3A_41 : memref<30208x768xf32, #tpu.memory_space<hbm>>) offsets(%dma_start3A_38 : memref<64xi32, #tpu.memory_space<vmem>>) semaphore(%arg9 : memref<!tpu.dma_semaphore, #tpu.memory_space<semaphore_mem>>)
    %dma_wait3A = arith.constant 0 : i32
    %dma_wait3A_42 = tpu.memref_slice %arg7[%dma_wait3A] : memref<768xi32, #tpu.memory_space<vmem>> -> memref<64xi32, #tpu.memory_space<vmem>>
    %dma_wait3A_43 = arith.constant 0 : i32
    %dma_wait3A_44 = arith.constant 0 : i32
    %dma_wait3A_45 = tpu.memref_slice %arg4[%dma_wait3A_43, %dma_wait3A_44] : memref<30208x768xf32, #tpu.memory_space<hbm>> -> memref<30208x768xf32, #tpu.memory_space<hbm>>
    tpu.wait_indirect_dma semaphore(%arg8 : memref<!tpu.dma_semaphore, #tpu.memory_space<semaphore_mem>>) src(%arg5 : memref<64x768xf32, #tpu.memory_space<vmem>>) dst(%dma_wait3A_45 : memref<30208x768xf32, #tpu.memory_space<hbm>>)
    %dma_wait3A_46 = arith.constant 256 : i32
    %dma_wait3A_47 = tpu.memref_slice %arg7[%dma_wait3A_46] : memref<768xi32, #tpu.memory_space<vmem>> -> memref<64xi32, #tpu.memory_space<vmem>>
    %dma_wait3A_48 = arith.constant 0 : i32
    %dma_wait3A_49 = arith.constant 0 : i32
    %dma_wait3A_50 = tpu.memref_slice %arg4[%dma_wait3A_48, %dma_wait3A_49] : memref<30208x768xf32, #tpu.memory_space<hbm>> -> memref<30208x768xf32, #tpu.memory_space<hbm>>
    tpu.wait_indirect_dma semaphore(%arg8 : memref<!tpu.dma_semaphore, #tpu.memory_space<semaphore_mem>>) src(%arg5 : memref<64x768xf32, #tpu.memory_space<vmem>>) dst(%dma_wait3A_50 : memref<30208x768xf32, #tpu.memory_space<hbm>>)
    %dma_wait3A_51 = arith.constant 512 : i32
    %dma_wait3A_52 = tpu.memref_slice %arg7[%dma_wait3A_51] : memref<768xi32, #tpu.memory_space<vmem>> -> memref<64xi32, #tpu.memory_space<vmem>>
    %dma_wait3A_53 = arith.constant 0 : i32
    %dma_wait3A_54 = arith.constant 0 : i32
    %dma_wait3A_55 = tpu.memref_slice %arg4[%dma_wait3A_53, %dma_wait3A_54] : memref<30208x768xf32, #tpu.memory_space<hbm>> -> memref<30208x768xf32, #tpu.memory_space<hbm>>
    tpu.wait_indirect_dma semaphore(%arg8 : memref<!tpu.dma_semaphore, #tpu.memory_space<semaphore_mem>>) src(%arg5 : memref<64x768xf32, #tpu.memory_space<vmem>>) dst(%dma_wait3A_55 : memref<30208x768xf32, #tpu.memory_space<hbm>>)
    %add3A_56 = arith.constant 128 : i32
    %add3A_57 = arith.addi %mul3A_2, %add3A_56 : i32
    "tpu.region"() ({
      %run_scoped3A = tpu.sem_alloc : memref<!tpu.dma_semaphore, #tpu.memory_space<semaphore_mem>>
      %dma_start3A_135 = arith.constant 0 : i32
      %dma_start3A_136 = tpu.memref_slice %arg2[%add3A_57, %dma_start3A_135] : memref<8192x768xf32, #tpu.memory_space<hbm>> -> memref<64x768xf32, #tpu.memory_space<hbm>>
      %dma_start3A_137 = arith.constant 0 : i32
      %dma_start3A_138 = tpu.memref_slice %arg2[%add3A_57, %dma_start3A_137] : memref<8192x768xf32, #tpu.memory_space<hbm>> -> memref<64x768xf32, #tpu.memory_space<hbm>>
      tpu.enqueue_dma source(%dma_start3A_138 : memref<64x768xf32, #tpu.memory_space<hbm>>) target(%arg5 : memref<64x768xf32, #tpu.memory_space<vmem>>) target_semaphore(%run_scoped3A : memref<!tpu.dma_semaphore, #tpu.memory_space<semaphore_mem>>)
      %dma_wait3A_139 = arith.constant 0 : i32
      %dma_wait3A_140 = tpu.memref_slice %arg2[%add3A_57, %dma_wait3A_139] : memref<8192x768xf32, #tpu.memory_space<hbm>> -> memref<64x768xf32, #tpu.memory_space<hbm>>
      %dma_wait3A_141 = arith.constant 0 : i32
      %dma_wait3A_142 = tpu.memref_slice %arg2[%add3A_57, %dma_wait3A_141] : memref<8192x768xf32, #tpu.memory_space<hbm>> -> memref<64x768xf32, #tpu.memory_space<hbm>>
      tpu.wait_dma2 semaphore(%run_scoped3A : memref<!tpu.dma_semaphore, #tpu.memory_space<semaphore_mem>>) src(%dma_wait3A_142 : memref<64x768xf32, #tpu.memory_space<hbm>>) dst(%arg5 : memref<64x768xf32, #tpu.memory_space<vmem>>)
      tpu.yield
    }) : () -> ()
    %dma_start3A_58 = arith.constant 128 : i32
    %dma_start3A_59 = tpu.memref_slice %arg7[%dma_start3A_58] : memref<768xi32, #tpu.memory_space<vmem>> -> memref<64xi32, #tpu.memory_space<vmem>>
    %dma_start3A_60 = arith.constant 0 : i32
    %dma_start3A_61 = arith.constant 0 : i32
    %dma_start3A_62 = tpu.memref_slice %arg4[%dma_start3A_60, %dma_start3A_61] : memref<30208x768xf32, #tpu.memory_space<hbm>> -> memref<30208x768xf32, #tpu.memory_space<hbm>>
    tpu.enqueue_indirect_dma source(%arg5 : memref<64x768xf32, #tpu.memory_space<vmem>>) target(%dma_start3A_62 : memref<30208x768xf32, #tpu.memory_space<hbm>>) offsets(%dma_start3A_59 : memref<64xi32, #tpu.memory_space<vmem>>) semaphore(%arg8 : memref<!tpu.dma_semaphore, #tpu.memory_space<semaphore_mem>>)
    %dma_start3A_63 = arith.constant 384 : i32
    %dma_start3A_64 = tpu.memref_slice %arg7[%dma_start3A_63] : memref<768xi32, #tpu.memory_space<vmem>> -> memref<64xi32, #tpu.memory_space<vmem>>
    %dma_start3A_65 = arith.constant 0 : i32
    %dma_start3A_66 = arith.constant 0 : i32
    %dma_start3A_67 = tpu.memref_slice %arg4[%dma_start3A_65, %dma_start3A_66] : memref<30208x768xf32, #tpu.memory_space<hbm>> -> memref<30208x768xf32, #tpu.memory_space<hbm>>
    tpu.enqueue_indirect_dma source(%arg5 : memref<64x768xf32, #tpu.memory_space<vmem>>) target(%dma_start3A_67 : memref<30208x768xf32, #tpu.memory_space<hbm>>) offsets(%dma_start3A_64 : memref<64xi32, #tpu.memory_space<vmem>>) semaphore(%arg8 : memref<!tpu.dma_semaphore, #tpu.memory_space<semaphore_mem>>)
    %dma_start3A_68 = arith.constant 640 : i32
    %dma_start3A_69 = tpu.memref_slice %arg7[%dma_start3A_68] : memref<768xi32, #tpu.memory_space<vmem>> -> memref<64xi32, #tpu.memory_space<vmem>>
    %dma_start3A_70 = arith.constant 0 : i32
    %dma_start3A_71 = arith.constant 0 : i32
    %dma_start3A_72 = tpu.memref_slice %arg4[%dma_start3A_70, %dma_start3A_71] : memref<30208x768xf32, #tpu.memory_space<hbm>> -> memref<30208x768xf32, #tpu.memory_space<hbm>>
    tpu.enqueue_indirect_dma source(%arg5 : memref<64x768xf32, #tpu.memory_space<vmem>>) target(%dma_start3A_72 : memref<30208x768xf32, #tpu.memory_space<hbm>>) offsets(%dma_start3A_69 : memref<64xi32, #tpu.memory_space<vmem>>) semaphore(%arg8 : memref<!tpu.dma_semaphore, #tpu.memory_space<semaphore_mem>>)
    %dma_wait3A_73 = arith.constant 64 : i32
    %dma_wait3A_74 = tpu.memref_slice %arg7[%dma_wait3A_73] : memref<768xi32, #tpu.memory_space<vmem>> -> memref<64xi32, #tpu.memory_space<vmem>>
    %dma_wait3A_75 = arith.constant 0 : i32
    %dma_wait3A_76 = arith.constant 0 : i32
    %dma_wait3A_77 = tpu.memref_slice %arg4[%dma_wait3A_75, %dma_wait3A_76] : memref<30208x768xf32, #tpu.memory_space<hbm>> -> memref<30208x768xf32, #tpu.memory_space<hbm>>
    tpu.wait_indirect_dma semaphore(%arg9 : memref<!tpu.dma_semaphore, #tpu.memory_space<semaphore_mem>>) src(%arg6 : memref<64x768xf32, #tpu.memory_space<vmem>>) dst(%dma_wait3A_77 : memref<30208x768xf32, #tpu.memory_space<hbm>>)
    %dma_wait3A_78 = arith.constant 320 : i32
    %dma_wait3A_79 = tpu.memref_slice %arg7[%dma_wait3A_78] : memref<768xi32, #tpu.memory_space<vmem>> -> memref<64xi32, #tpu.memory_space<vmem>>
    %dma_wait3A_80 = arith.constant 0 : i32
    %dma_wait3A_81 = arith.constant 0 : i32
    %dma_wait3A_82 = tpu.memref_slice %arg4[%dma_wait3A_80, %dma_wait3A_81] : memref<30208x768xf32, #tpu.memory_space<hbm>> -> memref<30208x768xf32, #tpu.memory_space<hbm>>
    tpu.wait_indirect_dma semaphore(%arg9 : memref<!tpu.dma_semaphore, #tpu.memory_space<semaphore_mem>>) src(%arg6 : memref<64x768xf32, #tpu.memory_space<vmem>>) dst(%dma_wait3A_82 : memref<30208x768xf32, #tpu.memory_space<hbm>>)
    %dma_wait3A_83 = arith.constant 576 : i32
    %dma_wait3A_84 = tpu.memref_slice %arg7[%dma_wait3A_83] : memref<768xi32, #tpu.memory_space<vmem>> -> memref<64xi32, #tpu.memory_space<vmem>>
    %dma_wait3A_85 = arith.constant 0 : i32
    %dma_wait3A_86 = arith.constant 0 : i32
    %dma_wait3A_87 = tpu.memref_slice %arg4[%dma_wait3A_85, %dma_wait3A_86] : memref<30208x768xf32, #tpu.memory_space<hbm>> -> memref<30208x768xf32, #tpu.memory_space<hbm>>
    tpu.wait_indirect_dma semaphore(%arg9 : memref<!tpu.dma_semaphore, #tpu.memory_space<semaphore_mem>>) src(%arg6 : memref<64x768xf32, #tpu.memory_space<vmem>>) dst(%dma_wait3A_87 : memref<30208x768xf32, #tpu.memory_space<hbm>>)
    %add3A_88 = arith.constant 192 : i32
    %add3A_89 = arith.addi %mul3A_2, %add3A_88 : i32
    "tpu.region"() ({
      %run_scoped3A = tpu.sem_alloc : memref<!tpu.dma_semaphore, #tpu.memory_space<semaphore_mem>>
      %dma_start3A_135 = arith.constant 0 : i32
      %dma_start3A_136 = tpu.memref_slice %arg2[%add3A_89, %dma_start3A_135] : memref<8192x768xf32, #tpu.memory_space<hbm>> -> memref<64x768xf32, #tpu.memory_space<hbm>>
      %dma_start3A_137 = arith.constant 0 : i32
      %dma_start3A_138 = tpu.memref_slice %arg2[%add3A_89, %dma_start3A_137] : memref<8192x768xf32, #tpu.memory_space<hbm>> -> memref<64x768xf32, #tpu.memory_space<hbm>>
      tpu.enqueue_dma source(%dma_start3A_138 : memref<64x768xf32, #tpu.memory_space<hbm>>) target(%arg6 : memref<64x768xf32, #tpu.memory_space<vmem>>) target_semaphore(%run_scoped3A : memref<!tpu.dma_semaphore, #tpu.memory_space<semaphore_mem>>)
      %dma_wait3A_139 = arith.constant 0 : i32
      %dma_wait3A_140 = tpu.memref_slice %arg2[%add3A_89, %dma_wait3A_139] : memref<8192x768xf32, #tpu.memory_space<hbm>> -> memref<64x768xf32, #tpu.memory_space<hbm>>
      %dma_wait3A_141 = arith.constant 0 : i32
      %dma_wait3A_142 = tpu.memref_slice %arg2[%add3A_89, %dma_wait3A_141] : memref<8192x768xf32, #tpu.memory_space<hbm>> -> memref<64x768xf32, #tpu.memory_space<hbm>>
      tpu.wait_dma2 semaphore(%run_scoped3A : memref<!tpu.dma_semaphore, #tpu.memory_space<semaphore_mem>>) src(%dma_wait3A_142 : memref<64x768xf32, #tpu.memory_space<hbm>>) dst(%arg6 : memref<64x768xf32, #tpu.memory_space<vmem>>)
      tpu.yield
    }) : () -> ()
    %dma_start3A_90 = arith.constant 192 : i32
    %dma_start3A_91 = tpu.memref_slice %arg7[%dma_start3A_90] : memref<768xi32, #tpu.memory_space<vmem>> -> memref<64xi32, #tpu.memory_space<vmem>>
    %dma_start3A_92 = arith.constant 0 : i32
    %dma_start3A_93 = arith.constant 0 : i32
    %dma_start3A_94 = tpu.memref_slice %arg4[%dma_start3A_92, %dma_start3A_93] : memref<30208x768xf32, #tpu.memory_space<hbm>> -> memref<30208x768xf32, #tpu.memory_space<hbm>>
    tpu.enqueue_indirect_dma source(%arg6 : memref<64x768xf32, #tpu.memory_space<vmem>>) target(%dma_start3A_94 : memref<30208x768xf32, #tpu.memory_space<hbm>>) offsets(%dma_start3A_91 : memref<64xi32, #tpu.memory_space<vmem>>) semaphore(%arg9 : memref<!tpu.dma_semaphore, #tpu.memory_space<semaphore_mem>>)
    %dma_start3A_95 = arith.constant 448 : i32
    %dma_start3A_96 = tpu.memref_slice %arg7[%dma_start3A_95] : memref<768xi32, #tpu.memory_space<vmem>> -> memref<64xi32, #tpu.memory_space<vmem>>
    %dma_start3A_97 = arith.constant 0 : i32
    %dma_start3A_98 = arith.constant 0 : i32
    %dma_start3A_99 = tpu.memref_slice %arg4[%dma_start3A_97, %dma_start3A_98] : memref<30208x768xf32, #tpu.memory_space<hbm>> -> memref<30208x768xf32, #tpu.memory_space<hbm>>
    tpu.enqueue_indirect_dma source(%arg6 : memref<64x768xf32, #tpu.memory_space<vmem>>) target(%dma_start3A_99 : memref<30208x768xf32, #tpu.memory_space<hbm>>) offsets(%dma_start3A_96 : memref<64xi32, #tpu.memory_space<vmem>>) semaphore(%arg9 : memref<!tpu.dma_semaphore, #tpu.memory_space<semaphore_mem>>)
    %dma_start3A_100 = arith.constant 704 : i32
    %dma_start3A_101 = tpu.memref_slice %arg7[%dma_start3A_100] : memref<768xi32, #tpu.memory_space<vmem>> -> memref<64xi32, #tpu.memory_space<vmem>>
    %dma_start3A_102 = arith.constant 0 : i32
    %dma_start3A_103 = arith.constant 0 : i32
    %dma_start3A_104 = tpu.memref_slice %arg4[%dma_start3A_102, %dma_start3A_103] : memref<30208x768xf32, #tpu.memory_space<hbm>> -> memref<30208x768xf32, #tpu.memory_space<hbm>>
    tpu.enqueue_indirect_dma source(%arg6 : memref<64x768xf32, #tpu.memory_space<vmem>>) target(%dma_start3A_104 : memref<30208x768xf32, #tpu.memory_space<hbm>>) offsets(%dma_start3A_101 : memref<64xi32, #tpu.memory_space<vmem>>) semaphore(%arg9 : memref<!tpu.dma_semaphore, #tpu.memory_space<semaphore_mem>>)
    %dma_wait3A_105 = arith.constant 128 : i32
    %dma_wait3A_106 = tpu.memref_slice %arg7[%dma_wait3A_105] : memref<768xi32, #tpu.memory_space<vmem>> -> memref<64xi32, #tpu.memory_space<vmem>>
    %dma_wait3A_107 = arith.constant 0 : i32
    %dma_wait3A_108 = arith.constant 0 : i32
    %dma_wait3A_109 = tpu.memref_slice %arg4[%dma_wait3A_107, %dma_wait3A_108] : memref<30208x768xf32, #tpu.memory_space<hbm>> -> memref<30208x768xf32, #tpu.memory_space<hbm>>
    tpu.wait_indirect_dma semaphore(%arg8 : memref<!tpu.dma_semaphore, #tpu.memory_space<semaphore_mem>>) src(%arg5 : memref<64x768xf32, #tpu.memory_space<vmem>>) dst(%dma_wait3A_109 : memref<30208x768xf32, #tpu.memory_space<hbm>>)
    %dma_wait3A_110 = arith.constant 384 : i32
    %dma_wait3A_111 = tpu.memref_slice %arg7[%dma_wait3A_110] : memref<768xi32, #tpu.memory_space<vmem>> -> memref<64xi32, #tpu.memory_space<vmem>>
    %dma_wait3A_112 = arith.constant 0 : i32
    %dma_wait3A_113 = arith.constant 0 : i32
    %dma_wait3A_114 = tpu.memref_slice %arg4[%dma_wait3A_112, %dma_wait3A_113] : memref<30208x768xf32, #tpu.memory_space<hbm>> -> memref<30208x768xf32, #tpu.memory_space<hbm>>
    tpu.wait_indirect_dma semaphore(%arg8 : memref<!tpu.dma_semaphore, #tpu.memory_space<semaphore_mem>>) src(%arg5 : memref<64x768xf32, #tpu.memory_space<vmem>>) dst(%dma_wait3A_114 : memref<30208x768xf32, #tpu.memory_space<hbm>>)
    %dma_wait3A_115 = arith.constant 640 : i32
    %dma_wait3A_116 = tpu.memref_slice %arg7[%dma_wait3A_115] : memref<768xi32, #tpu.memory_space<vmem>> -> memref<64xi32, #tpu.memory_space<vmem>>
    %dma_wait3A_117 = arith.constant 0 : i32
    %dma_wait3A_118 = arith.constant 0 : i32
    %dma_wait3A_119 = tpu.memref_slice %arg4[%dma_wait3A_117, %dma_wait3A_118] : memref<30208x768xf32, #tpu.memory_space<hbm>> -> memref<30208x768xf32, #tpu.memory_space<hbm>>
    tpu.wait_indirect_dma semaphore(%arg8 : memref<!tpu.dma_semaphore, #tpu.memory_space<semaphore_mem>>) src(%arg5 : memref<64x768xf32, #tpu.memory_space<vmem>>) dst(%dma_wait3A_119 : memref<30208x768xf32, #tpu.memory_space<hbm>>)
    %dma_wait3A_120 = arith.constant 192 : i32
    %dma_wait3A_121 = tpu.memref_slice %arg7[%dma_wait3A_120] : memref<768xi32, #tpu.memory_space<vmem>> -> memref<64xi32, #tpu.memory_space<vmem>>
    %dma_wait3A_122 = arith.constant 0 : i32
    %dma_wait3A_123 = arith.constant 0 : i32
    %dma_wait3A_124 = tpu.memref_slice %arg4[%dma_wait3A_122, %dma_wait3A_123] : memref<30208x768xf32, #tpu.memory_space<hbm>> -> memref<30208x768xf32, #tpu.memory_space<hbm>>
    tpu.wait_indirect_dma semaphore(%arg9 : memref<!tpu.dma_semaphore, #tpu.memory_space<semaphore_mem>>) src(%arg6 : memref<64x768xf32, #tpu.memory_space<vmem>>) dst(%dma_wait3A_124 : memref<30208x768xf32, #tpu.memory_space<hbm>>)
    %dma_wait3A_125 = arith.constant 448 : i32
    %dma_wait3A_126 = tpu.memref_slice %arg7[%dma_wait3A_125] : memref<768xi32, #tpu.memory_space<vmem>> -> memref<64xi32, #tpu.memory_space<vmem>>
    %dma_wait3A_127 = arith.constant 0 : i32
    %dma_wait3A_128 = arith.constant 0 : i32
    %dma_wait3A_129 = tpu.memref_slice %arg4[%dma_wait3A_127, %dma_wait3A_128] : memref<30208x768xf32, #tpu.memory_space<hbm>> -> memref<30208x768xf32, #tpu.memory_space<hbm>>
    tpu.wait_indirect_dma semaphore(%arg9 : memref<!tpu.dma_semaphore, #tpu.memory_space<semaphore_mem>>) src(%arg6 : memref<64x768xf32, #tpu.memory_space<vmem>>) dst(%dma_wait3A_129 : memref<30208x768xf32, #tpu.memory_space<hbm>>)
    %dma_wait3A_130 = arith.constant 704 : i32
    %dma_wait3A_131 = tpu.memref_slice %arg7[%dma_wait3A_130] : memref<768xi32, #tpu.memory_space<vmem>> -> memref<64xi32, #tpu.memory_space<vmem>>
    %dma_wait3A_132 = arith.constant 0 : i32
    %dma_wait3A_133 = arith.constant 0 : i32
    %dma_wait3A_134 = tpu.memref_slice %arg4[%dma_wait3A_132, %dma_wait3A_133] : memref<30208x768xf32, #tpu.memory_space<hbm>> -> memref<30208x768xf32, #tpu.memory_space<hbm>>
    tpu.wait_indirect_dma semaphore(%arg9 : memref<!tpu.dma_semaphore, #tpu.memory_space<semaphore_mem>>) src(%arg6 : memref<64x768xf32, #tpu.memory_space<vmem>>) dst(%dma_wait3A_134 : memref<30208x768xf32, #tpu.memory_space<hbm>>)
    return
  }
}

module attributes {stable_mosaic.version = 14 : i64} {
  func.func @_gating_body(%arg0: i32, %arg1: memref<1024x768xf32, #tpu.memory_space<vmem>>, %arg2: memref<768x128xf32, #tpu.memory_space<vmem>>, %arg3: memref<1x128xf32, #tpu.memory_space<vmem>>, %arg4: memref<1x128xf32, #tpu.memory_space<vmem>>, %arg5: memref<1024x8xi32, #tpu.memory_space<vmem>>, %arg6: memref<1024x8xf32, #tpu.memory_space<vmem>>, %arg7: memref<8x128xi32, #tpu.memory_space<vmem>>, %arg8: memref<8x128xf32, #tpu.memory_space<vmem>>) attributes {dimension_semantics = [#tpu.dimension_semantics<arbitrary>], iteration_bounds = array<i64: 8>, scalar_prefetch = 0 : i64, scratch_operands = 0 : i64, tpu.core_type = #tpu.core_type<tc>, window_params = [{transform_indices = @transform_0, window_bounds = array<i64: 1024, 768>}, {pipeline_mode = #tpu.pipeline_mode<synchronous>, transform_indices = @transform_1, window_bounds = array<i64: 768, 128>}, {pipeline_mode = #tpu.pipeline_mode<synchronous>, transform_indices = @transform_2, window_bounds = array<i64: 1, 128>}, {pipeline_mode = #tpu.pipeline_mode<synchronous>, transform_indices = @transform_3, window_bounds = array<i64: 1, 128>}, {transform_indices = @transform_4, window_bounds = array<i64: 1024, 8>}, {transform_indices = @transform_5, window_bounds = array<i64: 1024, 8>}, {pipeline_mode = #tpu.pipeline_mode<synchronous>, transform_indices = @transform_6, window_bounds = array<i64: 8, 128>}, {pipeline_mode = #tpu.pipeline_mode<synchronous>, transform_indices = @transform_7, window_bounds = array<i64: 8, 128>}]} {
    %get3A = arith.constant 0 : index
    %get3A_0 = arith.constant 0 : index
    %get3A_1 = vector.load %arg1[%get3A, %get3A_0] : memref<1024x768xf32, #tpu.memory_space<vmem>>, vector<1024x768xf32>
    %get3A_2 = arith.constant 0 : index
    %get3A_3 = arith.constant 0 : index
    %get3A_4 = vector.load %arg2[%get3A_2, %get3A_3] : memref<768x128xf32, #tpu.memory_space<vmem>>, vector<768x128xf32>
    %dot_general3A = arith.constant dense<0.000000e+00> : vector<1024x128xf32>
    %dot_general3A_5 = tpu.matmul %get3A_1, %get3A_4, %dot_general3A {dimension_numbers = #tpu.dot_dimension_numbers<[1], [0], [0], [1], [0, 0, 1, 1], [], []>, transpose_lhs_hint = false} : vector<1024x768xf32>, vector<768x128xf32>, vector<1024x128xf32> -> vector<1024x128xf32>
    %get3A_6 = arith.constant 0 : index
    %get3A_7 = arith.constant 0 : index
    %get3A_8 = vector.load %arg3[%get3A_6, %get3A_7] : memref<1x128xf32, #tpu.memory_space<vmem>>, vector<1x128xf32>
    %add3A = vector.broadcast %get3A_8 : vector<1x128xf32> to vector<1024x128xf32>
    %add3A_9 = arith.addf %dot_general3A_5, %add3A : vector<1024x128xf32>
    %iota3A = tpu.iota {dimensions = array<i32: 1>} : vector<1024x128xi32>
    %lt3A = arith.constant 23 : i32
    %lt3A_10 = vector.broadcast %lt3A : i32 to vector<1024x128xi32>
    %lt3A_11 = arith.cmpi slt, %iota3A, %lt3A_10 : vector<1024x128xi32>
    %logistic3A = arith.negf %add3A_9 : vector<1024x128xf32>
    %logistic3A_12 = math.exp %logistic3A : vector<1024x128xf32>
    %logistic3A_13 = arith.constant 1.000000e+00 : f32
    %logistic3A_14 = vector.broadcast %logistic3A_13 : f32 to vector<1024x128xf32>
    %logistic3A_15 = arith.addf %logistic3A_14, %logistic3A_12 : vector<1024x128xf32>
    %logistic3A_16 = arith.divf %logistic3A_14, %logistic3A_15 : vector<1024x128xf32>
    %jit3A = arith.constant 0.000000e+00 : f32
    %broadcast_in_dim3A = vector.broadcast %jit3A : f32 to vector<1024x128xf32>
    %select_n3A = arith.select %lt3A_11, %logistic3A_16, %broadcast_in_dim3A : vector<1024x128xi1>, vector<1024x128xf32>
    %get3A_17 = arith.constant 0 : index
    %get3A_18 = arith.constant 0 : index
    %get3A_19 = vector.load %arg4[%get3A_17, %get3A_18] : memref<1x128xf32, #tpu.memory_space<vmem>>, vector<1x128xf32>
    %add3A_20 = vector.broadcast %get3A_19 : vector<1x128xf32> to vector<1024x128xf32>
    %add3A_21 = arith.addf %select_n3A, %add3A_20 : vector<1024x128xf32>
    %jit3A_22 = arith.constant -1.000000e+30 : f32
    %broadcast_in_dim3A_23 = vector.broadcast %jit3A_22 : f32 to vector<1024x128xf32>
    %select_n3A_24 = arith.select %lt3A_11, %add3A_21, %broadcast_in_dim3A_23 : vector<1024x128xi1>, vector<1024x128xf32>
    %reduce_max3A = arith.constant dense<0xFF800000> : vector<1024xf32>
    %reduce_max3A_25 = vector.multi_reduction <maximumf>, %select_n3A_24, %reduce_max3A [1] : vector<1024x128xf32> to vector<1024xf32>
    %broadcast_in_dim3A_26 = vector.shape_cast %reduce_max3A_25 : vector<1024xf32> to vector<1024x1xf32>
    %eq3A = vector.broadcast %broadcast_in_dim3A_26 : vector<1024x1xf32> to vector<1024x128xf32>
    %eq3A_27 = arith.cmpf oeq, %select_n3A_24, %eq3A : vector<1024x128xf32>
    %jit3A_28 = arith.constant 128 : i32
    %broadcast_in_dim3A_29 = vector.broadcast %jit3A_28 : i32 to vector<1024x128xi32>
    %select_n3A_30 = arith.select %eq3A_27, %iota3A, %broadcast_in_dim3A_29 : vector<1024x128xi1>, vector<1024x128xi32>
    %reduce_min3A = arith.constant dense<2147483647> : vector<1024xi32>
    %reduce_min3A_31 = vector.multi_reduction <minsi>, %select_n3A_30, %reduce_min3A [1] : vector<1024x128xi32> to vector<1024xi32>
    %broadcast_in_dim3A_32 = vector.shape_cast %reduce_min3A_31 : vector<1024xi32> to vector<1024x1xi32>
    %eq3A_33 = vector.broadcast %broadcast_in_dim3A_32 : vector<1024x1xi32> to vector<1024x128xi32>
    %eq3A_34 = arith.cmpi eq, %iota3A, %eq3A_33 : vector<1024x128xi32>
    %jit3A_35 = arith.constant 0.000000e+00 : f32
    %broadcast_in_dim3A_36 = vector.broadcast %jit3A_35 : f32 to vector<1024x128xf32>
    %select_n3A_37 = arith.select %eq3A_34, %select_n3A, %broadcast_in_dim3A_36 : vector<1024x128xi1>, vector<1024x128xf32>
    %reduce_sum3A = arith.constant dense<0.000000e+00> : vector<1024xf32>
    %reduce_sum3A_38 = vector.multi_reduction <add>, %select_n3A_37, %reduce_sum3A [1] : vector<1024x128xf32> to vector<1024xf32>
    %broadcast_in_dim3A_39 = vector.shape_cast %reduce_sum3A_38 : vector<1024xf32> to vector<1024x1xf32>
    %jit3A_40 = arith.constant -1.000000e+30 : f32
    %broadcast_in_dim3A_41 = vector.broadcast %jit3A_40 : f32 to vector<1024x128xf32>
    %select_n3A_42 = arith.select %eq3A_34, %broadcast_in_dim3A_41, %select_n3A_24 : vector<1024x128xi1>, vector<1024x128xf32>
    %reduce_max3A_43 = arith.constant dense<0xFF800000> : vector<1024xf32>
    %reduce_max3A_44 = vector.multi_reduction <maximumf>, %select_n3A_42, %reduce_max3A_43 [1] : vector<1024x128xf32> to vector<1024xf32>
    %broadcast_in_dim3A_45 = vector.shape_cast %reduce_max3A_44 : vector<1024xf32> to vector<1024x1xf32>
    %eq3A_46 = vector.broadcast %broadcast_in_dim3A_45 : vector<1024x1xf32> to vector<1024x128xf32>
    %eq3A_47 = arith.cmpf oeq, %select_n3A_42, %eq3A_46 : vector<1024x128xf32>
    %jit3A_48 = arith.constant 128 : i32
    %broadcast_in_dim3A_49 = vector.broadcast %jit3A_48 : i32 to vector<1024x128xi32>
    %select_n3A_50 = arith.select %eq3A_47, %iota3A, %broadcast_in_dim3A_49 : vector<1024x128xi1>, vector<1024x128xi32>
    %reduce_min3A_51 = arith.constant dense<2147483647> : vector<1024xi32>
    %reduce_min3A_52 = vector.multi_reduction <minsi>, %select_n3A_50, %reduce_min3A_51 [1] : vector<1024x128xi32> to vector<1024xi32>
    %broadcast_in_dim3A_53 = vector.shape_cast %reduce_min3A_52 : vector<1024xi32> to vector<1024x1xi32>
    %eq3A_54 = vector.broadcast %broadcast_in_dim3A_53 : vector<1024x1xi32> to vector<1024x128xi32>
    %eq3A_55 = arith.cmpi eq, %iota3A, %eq3A_54 : vector<1024x128xi32>
    %jit3A_56 = arith.constant 0.000000e+00 : f32
    %broadcast_in_dim3A_57 = vector.broadcast %jit3A_56 : f32 to vector<1024x128xf32>
    %select_n3A_58 = arith.select %eq3A_55, %select_n3A, %broadcast_in_dim3A_57 : vector<1024x128xi1>, vector<1024x128xf32>
    %reduce_sum3A_59 = arith.constant dense<0.000000e+00> : vector<1024xf32>
    %reduce_sum3A_60 = vector.multi_reduction <add>, %select_n3A_58, %reduce_sum3A_59 [1] : vector<1024x128xf32> to vector<1024xf32>
    %broadcast_in_dim3A_61 = vector.shape_cast %reduce_sum3A_60 : vector<1024xf32> to vector<1024x1xf32>
    %jit3A_62 = arith.constant -1.000000e+30 : f32
    %broadcast_in_dim3A_63 = vector.broadcast %jit3A_62 : f32 to vector<1024x128xf32>
    %select_n3A_64 = arith.select %eq3A_55, %broadcast_in_dim3A_63, %select_n3A_42 : vector<1024x128xi1>, vector<1024x128xf32>
    %reduce_max3A_65 = arith.constant dense<0xFF800000> : vector<1024xf32>
    %reduce_max3A_66 = vector.multi_reduction <maximumf>, %select_n3A_64, %reduce_max3A_65 [1] : vector<1024x128xf32> to vector<1024xf32>
    %broadcast_in_dim3A_67 = vector.shape_cast %reduce_max3A_66 : vector<1024xf32> to vector<1024x1xf32>
    %eq3A_68 = vector.broadcast %broadcast_in_dim3A_67 : vector<1024x1xf32> to vector<1024x128xf32>
    %eq3A_69 = arith.cmpf oeq, %select_n3A_64, %eq3A_68 : vector<1024x128xf32>
    %jit3A_70 = arith.constant 128 : i32
    %broadcast_in_dim3A_71 = vector.broadcast %jit3A_70 : i32 to vector<1024x128xi32>
    %select_n3A_72 = arith.select %eq3A_69, %iota3A, %broadcast_in_dim3A_71 : vector<1024x128xi1>, vector<1024x128xi32>
    %reduce_min3A_73 = arith.constant dense<2147483647> : vector<1024xi32>
    %reduce_min3A_74 = vector.multi_reduction <minsi>, %select_n3A_72, %reduce_min3A_73 [1] : vector<1024x128xi32> to vector<1024xi32>
    %broadcast_in_dim3A_75 = vector.shape_cast %reduce_min3A_74 : vector<1024xi32> to vector<1024x1xi32>
    %eq3A_76 = vector.broadcast %broadcast_in_dim3A_75 : vector<1024x1xi32> to vector<1024x128xi32>
    %eq3A_77 = arith.cmpi eq, %iota3A, %eq3A_76 : vector<1024x128xi32>
    %jit3A_78 = arith.constant 0.000000e+00 : f32
    %broadcast_in_dim3A_79 = vector.broadcast %jit3A_78 : f32 to vector<1024x128xf32>
    %select_n3A_80 = arith.select %eq3A_77, %select_n3A, %broadcast_in_dim3A_79 : vector<1024x128xi1>, vector<1024x128xf32>
    %reduce_sum3A_81 = arith.constant dense<0.000000e+00> : vector<1024xf32>
    %reduce_sum3A_82 = vector.multi_reduction <add>, %select_n3A_80, %reduce_sum3A_81 [1] : vector<1024x128xf32> to vector<1024xf32>
    %broadcast_in_dim3A_83 = vector.shape_cast %reduce_sum3A_82 : vector<1024xf32> to vector<1024x1xf32>
    %add3A_84 = arith.addf %broadcast_in_dim3A_39, %broadcast_in_dim3A_61 : vector<1024x1xf32>
    %add3A_85 = arith.addf %add3A_84, %broadcast_in_dim3A_83 : vector<1024x1xf32>
    %iota3A_86 = tpu.iota {dimensions = array<i32: 1>} : vector<1024x8xi32>
    %eq3A_87 = arith.constant 0 : i32
    %eq3A_88 = vector.broadcast %eq3A_87 : i32 to vector<1024x8xi32>
    %eq3A_89 = arith.cmpi eq, %iota3A_86, %eq3A_88 : vector<1024x8xi32>
    %eq3A_90 = arith.constant 1 : i32
    %eq3A_91 = vector.broadcast %eq3A_90 : i32 to vector<1024x8xi32>
    %eq3A_92 = arith.cmpi eq, %iota3A_86, %eq3A_91 : vector<1024x8xi32>
    %eq3A_93 = arith.constant 2 : i32
    %eq3A_94 = vector.broadcast %eq3A_93 : i32 to vector<1024x8xi32>
    %eq3A_95 = arith.cmpi eq, %iota3A_86, %eq3A_94 : vector<1024x8xi32>
    %jit3A_96 = arith.constant 0 : i32
    %broadcast_in_dim3A_97 = vector.shape_cast %broadcast_in_dim3A_75 : vector<1024x1xi32> to vector<1024x1xi32>
    %broadcast_in_dim3A_98 = vector.broadcast %broadcast_in_dim3A_97 : vector<1024x1xi32> to vector<1024x8xi32>
    %broadcast_in_dim3A_99 = vector.broadcast %jit3A_96 : i32 to vector<1024x8xi32>
    %select_n3A_100 = arith.select %eq3A_95, %broadcast_in_dim3A_98, %broadcast_in_dim3A_99 : vector<1024x8xi1>, vector<1024x8xi32>
    %broadcast_in_dim3A_101 = vector.shape_cast %broadcast_in_dim3A_53 : vector<1024x1xi32> to vector<1024x1xi32>
    %broadcast_in_dim3A_102 = vector.broadcast %broadcast_in_dim3A_101 : vector<1024x1xi32> to vector<1024x8xi32>
    %select_n3A_103 = arith.select %eq3A_92, %broadcast_in_dim3A_102, %select_n3A_100 : vector<1024x8xi1>, vector<1024x8xi32>
    %broadcast_in_dim3A_104 = vector.shape_cast %broadcast_in_dim3A_32 : vector<1024x1xi32> to vector<1024x1xi32>
    %broadcast_in_dim3A_105 = vector.broadcast %broadcast_in_dim3A_104 : vector<1024x1xi32> to vector<1024x8xi32>
    %select_n3A_106 = arith.select %eq3A_89, %broadcast_in_dim3A_105, %select_n3A_103 : vector<1024x8xi1>, vector<1024x8xi32>
    %eq3A_107 = arith.constant 0 : i32
    %eq3A_108 = vector.broadcast %eq3A_107 : i32 to vector<1024x8xi32>
    %eq3A_109 = arith.cmpi eq, %iota3A_86, %eq3A_108 : vector<1024x8xi32>
    %div3A = arith.divf %broadcast_in_dim3A_39, %add3A_85 : vector<1024x1xf32>
    %eq3A_110 = arith.constant 1 : i32
    %eq3A_111 = vector.broadcast %eq3A_110 : i32 to vector<1024x8xi32>
    %eq3A_112 = arith.cmpi eq, %iota3A_86, %eq3A_111 : vector<1024x8xi32>
    %div3A_113 = arith.divf %broadcast_in_dim3A_61, %add3A_85 : vector<1024x1xf32>
    %eq3A_114 = arith.constant 2 : i32
    %eq3A_115 = vector.broadcast %eq3A_114 : i32 to vector<1024x8xi32>
    %eq3A_116 = arith.cmpi eq, %iota3A_86, %eq3A_115 : vector<1024x8xi32>
    %div3A_117 = arith.divf %broadcast_in_dim3A_83, %add3A_85 : vector<1024x1xf32>
    %jit3A_118 = arith.constant 0.000000e+00 : f32
    %broadcast_in_dim3A_119 = vector.shape_cast %div3A_117 : vector<1024x1xf32> to vector<1024x1xf32>
    %broadcast_in_dim3A_120 = vector.broadcast %broadcast_in_dim3A_119 : vector<1024x1xf32> to vector<1024x8xf32>
    %broadcast_in_dim3A_121 = vector.broadcast %jit3A_118 : f32 to vector<1024x8xf32>
    %select_n3A_122 = arith.select %eq3A_116, %broadcast_in_dim3A_120, %broadcast_in_dim3A_121 : vector<1024x8xi1>, vector<1024x8xf32>
    %broadcast_in_dim3A_123 = vector.shape_cast %div3A_113 : vector<1024x1xf32> to vector<1024x1xf32>
    %broadcast_in_dim3A_124 = vector.broadcast %broadcast_in_dim3A_123 : vector<1024x1xf32> to vector<1024x8xf32>
    %select_n3A_125 = arith.select %eq3A_112, %broadcast_in_dim3A_124, %select_n3A_122 : vector<1024x8xi1>, vector<1024x8xf32>
    %broadcast_in_dim3A_126 = vector.shape_cast %div3A : vector<1024x1xf32> to vector<1024x1xf32>
    %broadcast_in_dim3A_127 = vector.broadcast %broadcast_in_dim3A_126 : vector<1024x1xf32> to vector<1024x8xf32>
    %select_n3A_128 = arith.select %eq3A_109, %broadcast_in_dim3A_127, %select_n3A_125 : vector<1024x8xi1>, vector<1024x8xf32>
    %swap3A = arith.constant 0 : index
    %swap3A_129 = arith.constant 0 : index
    %swap3A_130 = vector.load %arg5[%swap3A, %swap3A_129] : memref<1024x8xi32, #tpu.memory_space<vmem>>, vector<1024x8xi32>
    tpu.vector_store %arg5[%swap3A, %swap3A_129], %select_n3A_106 {strides = array<i32>} : memref<1024x8xi32, #tpu.memory_space<vmem>>, vector<1024x8xi32>,
    %swap3A_131 = arith.constant 0 : index
    %swap3A_132 = arith.constant 0 : index
    %swap3A_133 = vector.load %arg6[%swap3A_131, %swap3A_132] : memref<1024x8xf32, #tpu.memory_space<vmem>>, vector<1024x8xf32>
    tpu.vector_store %arg6[%swap3A_131, %swap3A_132], %select_n3A_128 {strides = array<i32>} : memref<1024x8xf32, #tpu.memory_space<vmem>>, vector<1024x8xf32>,
    %broadcast_in_dim3A_134 = arith.constant 0 : i32
    %broadcast_in_dim3A_135 = vector.broadcast %broadcast_in_dim3A_134 : i32 to vector<1x128xi32>
    %eq3A_136 = vector.broadcast %broadcast_in_dim3A_32 : vector<1024x1xi32> to vector<1024x128xi32>
    %eq3A_137 = arith.cmpi eq, %iota3A, %eq3A_136 : vector<1024x128xi32>
    %convert_element_type3A = arith.extui %eq3A_137 : vector<1024x128xi1> to vector<1024x128xi32>
    %reduce_sum3A_138 = arith.constant dense<0> : vector<128xi32>
    %reduce_sum3A_139 = vector.multi_reduction <add>, %convert_element_type3A, %reduce_sum3A_138 [0] : vector<1024x128xi32> to vector<128xi32>
    %broadcast_in_dim3A_140 = vector.shape_cast %reduce_sum3A_139 : vector<128xi32> to vector<1x128xi32>
    %add3A_141 = arith.addi %broadcast_in_dim3A_135, %broadcast_in_dim3A_140 : vector<1x128xi32>
    %eq3A_142 = vector.broadcast %broadcast_in_dim3A_53 : vector<1024x1xi32> to vector<1024x128xi32>
    %eq3A_143 = arith.cmpi eq, %iota3A, %eq3A_142 : vector<1024x128xi32>
    %convert_element_type3A_144 = arith.extui %eq3A_143 : vector<1024x128xi1> to vector<1024x128xi32>
    %reduce_sum3A_145 = arith.constant dense<0> : vector<128xi32>
    %reduce_sum3A_146 = vector.multi_reduction <add>, %convert_element_type3A_144, %reduce_sum3A_145 [0] : vector<1024x128xi32> to vector<128xi32>
    %broadcast_in_dim3A_147 = vector.shape_cast %reduce_sum3A_146 : vector<128xi32> to vector<1x128xi32>
    %add3A_148 = arith.addi %add3A_141, %broadcast_in_dim3A_147 : vector<1x128xi32>
    %eq3A_149 = vector.broadcast %broadcast_in_dim3A_75 : vector<1024x1xi32> to vector<1024x128xi32>
    %eq3A_150 = arith.cmpi eq, %iota3A, %eq3A_149 : vector<1024x128xi32>
    %convert_element_type3A_151 = arith.extui %eq3A_150 : vector<1024x128xi1> to vector<1024x128xi32>
    %reduce_sum3A_152 = arith.constant dense<0> : vector<128xi32>
    %reduce_sum3A_153 = vector.multi_reduction <add>, %convert_element_type3A_151, %reduce_sum3A_152 [0] : vector<1024x128xi32> to vector<128xi32>
    %broadcast_in_dim3A_154 = vector.shape_cast %reduce_sum3A_153 : vector<128xi32> to vector<1x128xi32>
    %add3A_155 = arith.addi %add3A_148, %broadcast_in_dim3A_154 : vector<1x128xi32>
    %broadcast_in_dim3A_156 = vector.shape_cast %add3A_155 : vector<1x128xi32> to vector<1x128xi32>
    %broadcast_in_dim3A_157 = vector.broadcast %broadcast_in_dim3A_156 : vector<1x128xi32> to vector<8x128xi32>
    %reduce_sum3A_158 = arith.constant dense<0.000000e+00> : vector<1024xf32>
    %reduce_sum3A_159 = vector.multi_reduction <add>, %select_n3A, %reduce_sum3A_158 [1] : vector<1024x128xf32> to vector<1024xf32>
    %broadcast_in_dim3A_160 = vector.shape_cast %reduce_sum3A_159 : vector<1024xf32> to vector<1024x1xf32>
    %div3A_161 = vector.broadcast %broadcast_in_dim3A_160 : vector<1024x1xf32> to vector<1024x128xf32>
    %div3A_162 = arith.divf %select_n3A, %div3A_161 : vector<1024x128xf32>
    %reduce_sum3A_163 = arith.constant dense<0.000000e+00> : vector<128xf32>
    %reduce_sum3A_164 = vector.multi_reduction <add>, %div3A_162, %reduce_sum3A_163 [0] : vector<1024x128xf32> to vector<128xf32>
    %broadcast_in_dim3A_165 = vector.shape_cast %reduce_sum3A_164 : vector<128xf32> to vector<1x128xf32>
    %broadcast_in_dim3A_166 = vector.shape_cast %broadcast_in_dim3A_165 : vector<1x128xf32> to vector<1x128xf32>
    %broadcast_in_dim3A_167 = vector.broadcast %broadcast_in_dim3A_166 : vector<1x128xf32> to vector<8x128xf32>
    %eq3A_168 = arith.constant 0 : i32
    %eq3A_169 = arith.cmpi eq, %arg0, %eq3A_168 : i32
    %convert_element_type3A_170 = arith.extui %eq3A_169 : i1 to i32
    %cond3A = arith.constant 0 : i32
    %cond3A_171 = arith.cmpi ne, %convert_element_type3A_170, %cond3A : i32
    scf.if %cond3A_171 {
      %swap3A_176 = arith.constant 0 : index
      %swap3A_177 = arith.constant 0 : index
      %swap3A_178 = vector.load %arg7[%swap3A_176, %swap3A_177] : memref<8x128xi32, #tpu.memory_space<vmem>>, vector<8x128xi32>
      tpu.vector_store %arg7[%swap3A_176, %swap3A_177], %broadcast_in_dim3A_157 {strides = array<i32>} : memref<8x128xi32, #tpu.memory_space<vmem>>, vector<8x128xi32>,
      %swap3A_179 = arith.constant 0 : index
      %swap3A_180 = arith.constant 0 : index
      %swap3A_181 = vector.load %arg8[%swap3A_179, %swap3A_180] : memref<8x128xf32, #tpu.memory_space<vmem>>, vector<8x128xf32>
      tpu.vector_store %arg8[%swap3A_179, %swap3A_180], %broadcast_in_dim3A_167 {strides = array<i32>} : memref<8x128xf32, #tpu.memory_space<vmem>>, vector<8x128xf32>,
    } else {
    }
    %ne3A = arith.constant 0 : i32
    %ne3A_172 = arith.cmpi ne, %arg0, %ne3A : i32
    %convert_element_type3A_173 = arith.extui %ne3A_172 : i1 to i32
    %cond3A_174 = arith.constant 0 : i32
    %cond3A_175 = arith.cmpi ne, %convert_element_type3A_173, %cond3A_174 : i32
    scf.if %cond3A_175 {
      %get3A_176 = arith.constant 0 : index
      %get3A_177 = arith.constant 0 : index
      %get3A_178 = vector.load %arg7[%get3A_176, %get3A_177] : memref<8x128xi32, #tpu.memory_space<vmem>>, vector<8x128xi32>
      %add3A_179 = arith.addi %get3A_178, %broadcast_in_dim3A_157 : vector<8x128xi32>
      %swap3A_180 = arith.constant 0 : index
      %swap3A_181 = arith.constant 0 : index
      %swap3A_182 = vector.load %arg7[%swap3A_180, %swap3A_181] : memref<8x128xi32, #tpu.memory_space<vmem>>, vector<8x128xi32>
      tpu.vector_store %arg7[%swap3A_180, %swap3A_181], %add3A_179 {strides = array<i32>} : memref<8x128xi32, #tpu.memory_space<vmem>>, vector<8x128xi32>,
      %get3A_183 = arith.constant 0 : index
      %get3A_184 = arith.constant 0 : index
      %get3A_185 = vector.load %arg8[%get3A_183, %get3A_184] : memref<8x128xf32, #tpu.memory_space<vmem>>, vector<8x128xf32>
      %add3A_186 = arith.addf %get3A_185, %broadcast_in_dim3A_167 : vector<8x128xf32>
      %swap3A_187 = arith.constant 0 : index
      %swap3A_188 = arith.constant 0 : index
      %swap3A_189 = vector.load %arg8[%swap3A_187, %swap3A_188] : memref<8x128xf32, #tpu.memory_space<vmem>>, vector<8x128xf32>
      tpu.vector_store %arg8[%swap3A_187, %swap3A_188], %add3A_186 {strides = array<i32>} : memref<8x128xf32, #tpu.memory_space<vmem>>, vector<8x128xf32>,
    } else {
    }
    return
  }
  func.func @transform_0(%arg0: i32) -> (i32, i32) {
    %c0_i32 = arith.constant 0 : i32
    %c0_i32_0 = arith.constant 0 : i32
    return %arg0, %c0_i32 : i32, i32
  }
  func.func @transform_1(%arg0: i32) -> (i32, i32) {
    %c0_i32 = arith.constant 0 : i32
    %c0_i32_0 = arith.constant 0 : i32
    %c0_i32_1 = arith.constant 0 : i32
    return %c0_i32, %c0_i32_0 : i32, i32
  }
  func.func @transform_2(%arg0: i32) -> (i32, i32) {
    %c0_i32 = arith.constant 0 : i32
    %c0_i32_0 = arith.constant 0 : i32
    %c0_i32_1 = arith.constant 0 : i32
    return %c0_i32, %c0_i32_0 : i32, i32
  }
  func.func @transform_3(%arg0: i32) -> (i32, i32) {
    %c0_i32 = arith.constant 0 : i32
    %c0_i32_0 = arith.constant 0 : i32
    %c0_i32_1 = arith.constant 0 : i32
    return %c0_i32, %c0_i32_0 : i32, i32
  }
  func.func @transform_4(%arg0: i32) -> (i32, i32) {
    %c0_i32 = arith.constant 0 : i32
    %c0_i32_0 = arith.constant 0 : i32
    return %arg0, %c0_i32 : i32, i32
  }
  func.func @transform_5(%arg0: i32) -> (i32, i32) {
    %c0_i32 = arith.constant 0 : i32
    %c0_i32_0 = arith.constant 0 : i32
    return %arg0, %c0_i32 : i32, i32
  }
  func.func @transform_6(%arg0: i32) -> (i32, i32) {
    %c0_i32 = arith.constant 0 : i32
    %c0_i32_0 = arith.constant 0 : i32
    %c0_i32_1 = arith.constant 0 : i32
    return %c0_i32, %c0_i32_0 : i32, i32
  }
  func.func @transform_7(%arg0: i32) -> (i32, i32) {
    %c0_i32 = arith.constant 0 : i32
    %c0_i32_0 = arith.constant 0 : i32
    %c0_i32_1 = arith.constant 0 : i32
    return %c0_i32, %c0_i32_0 : i32, i32
  }
}

module attributes {stable_mosaic.version = 14 : i64} {
  func.func @_routing_body(%arg0: i32, %arg1: memref<1x1x2048xi32, #tpu.memory_space<vmem>>, %arg2: memref<8x128xi32, #tpu.memory_space<vmem>>, %arg3: memref<8x128xf32, #tpu.memory_space<vmem>>, %arg4: memref<1x1x2048xi32, #tpu.memory_space<vmem>>, %arg5: memref<8x128xi32, #tpu.memory_space<vmem>>, %arg6: memref<8x128xf32, #tpu.memory_space<vmem>>, %arg7: memref<32x128xf32, #tpu.memory_space<vmem>>, %arg8: memref<32x128xf32, #tpu.memory_space<vmem>>) attributes {dimension_semantics = [#tpu.dimension_semantics<arbitrary>], iteration_bounds = array<i64: 12>, scalar_prefetch = 0 : i64, scratch_operands = 2 : i64, tpu.core_type = #tpu.core_type<tc>, window_params = [{transform_indices = @transform_0, window_bounds = array<i64: 1, 1, 2048>}, {pipeline_mode = #tpu.pipeline_mode<synchronous>, transform_indices = @transform_1, window_bounds = array<i64: 8, 128>}, {pipeline_mode = #tpu.pipeline_mode<synchronous>, transform_indices = @transform_2, window_bounds = array<i64: 8, 128>}, {transform_indices = @transform_3, window_bounds = array<i64: 1, 1, 2048>}, {pipeline_mode = #tpu.pipeline_mode<synchronous>, transform_indices = @transform_4, window_bounds = array<i64: 8, 128>}, {pipeline_mode = #tpu.pipeline_mode<synchronous>, transform_indices = @transform_5, window_bounds = array<i64: 8, 128>}]} {
    %eq3A = arith.constant 0 : i32
    %eq3A_0 = arith.cmpi eq, %arg0, %eq3A : i32
    %convert_element_type3A = arith.extui %eq3A_0 : i1 to i32
    %cond3A = arith.constant 0 : i32
    %cond3A_1 = arith.cmpi ne, %convert_element_type3A, %cond3A : i32
    scf.if %cond3A_1 {
      %get3A_44 = arith.constant 0 : index
      %get3A_45 = arith.constant 0 : index
      %get3A_46 = vector.load %arg2[%get3A_44, %get3A_45] : memref<8x128xi32, #tpu.memory_space<vmem>>, vector<1x128xi32>
      %convert_element_type3A_47 = arith.sitofp %get3A_46 : vector<1x128xi32> to vector<1x128xf32>
      %div3A = arith.constant 2.560000e+02 : f32
      %div3A_48 = vector.broadcast %div3A : f32 to vector<1x128xf32>
      %div3A_49 = arith.divf %convert_element_type3A_47, %div3A_48 : vector<1x128xf32>
      %ceil3A = math.ceil %div3A_49 : vector<1x128xf32>
      %mul3A_50 = arith.constant 2.560000e+02 : f32
      %mul3A_51 = vector.broadcast %mul3A_50 : f32 to vector<1x128xf32>
      %mul3A_52 = arith.mulf %ceil3A, %mul3A_51 : vector<1x128xf32>
      %iota3A_53 = tpu.iota {dimensions = array<i32: 0>} : vector<128x128xi32>
      %iota3A_54 = tpu.iota {dimensions = array<i32: 1>} : vector<128x128xi32>
      %eq3A_55 = arith.cmpi eq, %iota3A_53, %iota3A_54 : vector<128x128xi32>
      %convert_element_type3A_56 = arith.extui %eq3A_55 : vector<128x128xi1> to vector<128x128xi32>
      %convert_element_type3A_57 = arith.sitofp %convert_element_type3A_56 : vector<128x128xi32> to vector<128x128xf32>
      %dot_general3A_58 = arith.constant dense<0.000000e+00> : vector<128x1xf32>
      %dot_general3A_59 = tpu.matmul %convert_element_type3A_57, %mul3A_52, %dot_general3A_58 {dimension_numbers = #tpu.dot_dimension_numbers<[1], [1], [0], [0], [0, 0, 1, 0], [], []>, transpose_lhs_hint = false} : vector<128x128xf32>, vector<1x128xf32>, vector<128x1xf32> -> vector<128x1xf32>
      %slice3A = vector.extract_strided_slice %dot_general3A_59 {offsets = [0, 0], sizes = [32, 1], strides = [1, 1]} : vector<128x1xf32> to vector<32x1xf32>
      %iota3A_60 = tpu.iota {dimensions = array<i32: 0>} : vector<32x32xi32>
      %iota3A_61 = tpu.iota {dimensions = array<i32: 1>} : vector<32x32xi32>
      %lt3A_62 = arith.cmpi slt, %iota3A_61, %iota3A_60 : vector<32x32xi32>
      %convert_element_type3A_63 = arith.extui %lt3A_62 : vector<32x32xi1> to vector<32x32xi32>
      %convert_element_type3A_64 = arith.sitofp %convert_element_type3A_63 : vector<32x32xi32> to vector<32x32xf32>
      %dot_general3A_65 = arith.constant dense<0.000000e+00> : vector<32x1xf32>
      %dot_general3A_66 = tpu.matmul %convert_element_type3A_64, %slice3A, %dot_general3A_65 {dimension_numbers = #tpu.dot_dimension_numbers<[1], [0], [0], [1], [0, 0, 1, 1], [], []>, transpose_lhs_hint = false} : vector<32x32xf32>, vector<32x1xf32>, vector<32x1xf32> -> vector<32x1xf32>
      %broadcast_in_dim3A_67 = vector.shape_cast %dot_general3A_66 : vector<32x1xf32> to vector<32x1xf32>
      %broadcast_in_dim3A_68 = vector.broadcast %broadcast_in_dim3A_67 : vector<32x1xf32> to vector<32x128xf32>
      %swap3A_69 = arith.constant 0 : index
      %swap3A_70 = arith.constant 0 : index
      %swap3A_71 = vector.load %arg8[%swap3A_69, %swap3A_70] : memref<32x128xf32, #tpu.memory_space<vmem>>, vector<32x128xf32>
      tpu.vector_store %arg8[%swap3A_69, %swap3A_70], %broadcast_in_dim3A_68 {strides = array<i32>} : memref<32x128xf32, #tpu.memory_space<vmem>>, vector<32x128xf32>,
      %broadcast_in_dim3A_72 = arith.constant 0.000000e+00 : f32
      %broadcast_in_dim3A_73 = vector.broadcast %broadcast_in_dim3A_72 : f32 to vector<32x128xf32>
      %swap3A_74 = arith.constant 0 : index
      %swap3A_75 = arith.constant 0 : index
      %swap3A_76 = vector.load %arg7[%swap3A_74, %swap3A_75] : memref<32x128xf32, #tpu.memory_space<vmem>>, vector<32x128xf32>
      tpu.vector_store %arg7[%swap3A_74, %swap3A_75], %broadcast_in_dim3A_73 {strides = array<i32>} : memref<32x128xf32, #tpu.memory_space<vmem>>, vector<32x128xf32>,
      %iota3A_77 = tpu.iota {dimensions = array<i32: 1>} : vector<32x128xi32>
      %convert_element_type3A_78 = arith.sitofp %iota3A_77 : vector<32x128xi32> to vector<32x128xf32>
      %mul3A_79 = arith.constant 2.560000e+02 : f32
      %mul3A_80 = vector.broadcast %mul3A_79 : f32 to vector<32x128xf32>
      %mul3A_81 = arith.mulf %convert_element_type3A_78, %mul3A_80 : vector<32x128xf32>
      %iota3A_82 = tpu.iota {dimensions = array<i32: 0>} : vector<32x128xi32>
      %lt3A_83 = arith.constant 23 : i32
      %lt3A_84 = vector.broadcast %lt3A_83 : i32 to vector<32x128xi32>
      %lt3A_85 = arith.cmpi slt, %iota3A_82, %lt3A_84 : vector<32x128xi32>
      %get3A_86 = arith.constant 0 : index
      %get3A_87 = arith.constant 0 : index
      %get3A_88 = vector.load %arg8[%get3A_86, %get3A_87] : memref<32x128xf32, #tpu.memory_space<vmem>>, vector<32x128xf32>
      %le3A = arith.cmpf ole, %get3A_88, %mul3A_81 : vector<32x128xf32>
      %and3A = arith.andi %lt3A_85, %le3A : vector<32x128xi1>
      %jit3A = arith.constant 1.000000e+00 : f32
      %jit3A_89 = arith.constant 0.000000e+00 : f32
      %broadcast_in_dim3A_90 = vector.broadcast %jit3A : f32 to vector<32x128xf32>
      %broadcast_in_dim3A_91 = vector.broadcast %jit3A_89 : f32 to vector<32x128xf32>
      %select_n3A = arith.select %and3A, %broadcast_in_dim3A_90, %broadcast_in_dim3A_91 : vector<32x128xi1>, vector<32x128xf32>
      %reduce_sum3A_92 = arith.constant dense<0.000000e+00> : vector<128xf32>
      %reduce_sum3A_93 = vector.multi_reduction <add>, %select_n3A, %reduce_sum3A_92 [0] : vector<32x128xf32> to vector<128xf32>
      %broadcast_in_dim3A_94 = vector.shape_cast %reduce_sum3A_93 : vector<128xf32> to vector<1x128xf32>
      %sub3A = arith.constant 1.000000e+00 : f32
      %sub3A_95 = vector.broadcast %sub3A : f32 to vector<1x128xf32>
      %sub3A_96 = arith.subf %broadcast_in_dim3A_94, %sub3A_95 : vector<1x128xf32>
      %jit3A_97 = arith.constant 0.000000e+00 : f32
      %jit3A_98 = arith.constant 2.200000e+01 : f32
      %max3A = vector.broadcast %jit3A_97 : f32 to vector<1x128xf32>
      %max3A_99 = arith.maximumf %max3A, %sub3A_96 : vector<1x128xf32>
      %min3A = vector.broadcast %jit3A_98 : f32 to vector<1x128xf32>
      %min3A_100 = arith.minimumf %min3A, %max3A_99 : vector<1x128xf32>
      %broadcast_in_dim3A_101 = vector.shape_cast %min3A_100 : vector<1x128xf32> to vector<1x128xf32>
      %broadcast_in_dim3A_102 = vector.broadcast %broadcast_in_dim3A_101 : vector<1x128xf32> to vector<8x128xf32>
      %convert_element_type3A_103 = arith.fptosi %broadcast_in_dim3A_102 : vector<8x128xf32> to vector<8x128xi32>
      %swap3A_104 = arith.constant 0 : index
      %swap3A_105 = arith.constant 0 : index
      %swap3A_106 = vector.load %arg5[%swap3A_104, %swap3A_105] : memref<8x128xi32, #tpu.memory_space<vmem>>, vector<8x128xi32>
      tpu.vector_store %arg5[%swap3A_104, %swap3A_105], %convert_element_type3A_103 {strides = array<i32>} : memref<8x128xi32, #tpu.memory_space<vmem>>, vector<8x128xi32>,
      %iota3A_107 = tpu.iota {dimensions = array<i32: 1>} : vector<1x128xi32>
      %get3A_108 = arith.constant 0 : index
      %get3A_109 = arith.constant 0 : index
      %get3A_110 = vector.load %arg3[%get3A_108, %get3A_109] : memref<8x128xf32, #tpu.memory_space<vmem>>, vector<1x128xf32>
      %div3A_111 = arith.constant 8.192000e+03 : f32
      %div3A_112 = vector.broadcast %div3A_111 : f32 to vector<1x128xf32>
      %div3A_113 = arith.divf %get3A_110, %div3A_112 : vector<1x128xf32>
      %mul3A_114 = arith.constant 2.300000e+01 : f32
      %mul3A_115 = vector.broadcast %mul3A_114 : f32 to vector<1x128xf32>
      %mul3A_116 = arith.mulf %mul3A_115, %convert_element_type3A_47 : vector<1x128xf32>
      %div3A_117 = arith.constant 2.457600e+04 : f32
      %div3A_118 = vector.broadcast %div3A_117 : f32 to vector<1x128xf32>
      %div3A_119 = arith.divf %mul3A_116, %div3A_118 : vector<1x128xf32>
      %lt3A_120 = arith.constant 23 : i32
      %lt3A_121 = vector.broadcast %lt3A_120 : i32 to vector<1x128xi32>
      %lt3A_122 = arith.cmpi slt, %iota3A_107, %lt3A_121 : vector<1x128xi32>
      %mul3A_123 = arith.mulf %div3A_113, %div3A_119 : vector<1x128xf32>
      %jit3A_124 = arith.constant 0.000000e+00 : f32
      %broadcast_in_dim3A_125 = vector.broadcast %jit3A_124 : f32 to vector<1x128xf32>
      %select_n3A_126 = arith.select %lt3A_122, %mul3A_123, %broadcast_in_dim3A_125 : vector<1x128xi1>, vector<1x128xf32>
      %reduce_sum3A_127 = vector.shape_cast %select_n3A_126 : vector<1x128xf32> to vector<1x1x128xf32>
      %reduce_sum3A_128 = arith.constant dense<0.000000e+00> : vector<1xf32>
      %reduce_sum3A_129 = vector.multi_reduction <add>, %reduce_sum3A_127, %reduce_sum3A_128 [1, 2] : vector<1x1x128xf32> to vector<1xf32>
      %reduce_sum3A_130 = vector.shape_cast %reduce_sum3A_129 : vector<1xf32> to vector<1x1x1xf32>
      %reduce_sum3A_131 = vector.extract %reduce_sum3A_130[0, 0, 0] : f32 from vector<1x1x1xf32>
      %broadcast_in_dim3A_132 = vector.broadcast %reduce_sum3A_131 : f32 to vector<8x128xf32>
      %swap3A_133 = arith.constant 0 : index
      %swap3A_134 = arith.constant 0 : index
      %swap3A_135 = vector.load %arg6[%swap3A_133, %swap3A_134] : memref<8x128xf32, #tpu.memory_space<vmem>>, vector<8x128xf32>
      tpu.vector_store %arg6[%swap3A_133, %swap3A_134], %broadcast_in_dim3A_132 {strides = array<i32>} : memref<8x128xf32, #tpu.memory_space<vmem>>, vector<8x128xf32>,
    } else {
    }
    %get3A = arith.constant 0 : index
    %get3A_2 = arith.constant 0 : index
    %get3A_3 = arith.constant 0 : index
    %get3A_4 = vector.load %arg1[%get3A, %get3A_2, %get3A_3] : memref<1x1x2048xi32, #tpu.memory_space<vmem>>, vector<1x1x2048xi32>
    %reshape3A = vector.shape_cast %get3A_4 : vector<1x1x2048xi32> to vector<1x2048xi32>
    %iota3A = tpu.iota {dimensions = array<i32: 0>} : vector<32x2048xi32>
    %eq3A_5 = vector.broadcast %reshape3A : vector<1x2048xi32> to vector<32x2048xi32>
    %eq3A_6 = arith.cmpi eq, %iota3A, %eq3A_5 : vector<32x2048xi32>
    %convert_element_type3A_7 = arith.extui %eq3A_6 : vector<32x2048xi1> to vector<32x2048xi32>
    %convert_element_type3A_8 = arith.sitofp %convert_element_type3A_7 : vector<32x2048xi32> to vector<32x2048xf32>
    %iota3A_9 = tpu.iota {dimensions = array<i32: 0>} : vector<2048x2048xi32>
    %iota3A_10 = tpu.iota {dimensions = array<i32: 1>} : vector<2048x2048xi32>
    %lt3A = arith.cmpi slt, %iota3A_9, %iota3A_10 : vector<2048x2048xi32>
    %convert_element_type3A_11 = arith.extui %lt3A : vector<2048x2048xi1> to vector<2048x2048xi32>
    %convert_element_type3A_12 = arith.sitofp %convert_element_type3A_11 : vector<2048x2048xi32> to vector<2048x2048xf32>
    %dot_general3A = arith.constant dense<0.000000e+00> : vector<32x2048xf32>
    %dot_general3A_13 = tpu.matmul %convert_element_type3A_8, %convert_element_type3A_12, %dot_general3A {dimension_numbers = #tpu.dot_dimension_numbers<[1], [0], [0], [1], [0, 0, 1, 1], [], []>, transpose_lhs_hint = false} : vector<32x2048xf32>, vector<2048x2048xf32>, vector<32x2048xf32> -> vector<32x2048xf32>
    %mul3A = arith.mulf %convert_element_type3A_8, %dot_general3A_13 : vector<32x2048xf32>
    %reduce_sum3A = arith.constant dense<0.000000e+00> : vector<2048xf32>
    %reduce_sum3A_14 = vector.multi_reduction <add>, %mul3A, %reduce_sum3A [0] : vector<32x2048xf32> to vector<2048xf32>
    %broadcast_in_dim3A = vector.shape_cast %reduce_sum3A_14 : vector<2048xf32> to vector<1x2048xf32>
    %get3A_15 = arith.constant 0 : index
    %get3A_16 = arith.constant 0 : index
    %get3A_17 = vector.load %arg7[%get3A_15, %get3A_16] : memref<32x128xf32, #tpu.memory_space<vmem>>, vector<32x1xf32>
    %get3A_18 = arith.constant 0 : index
    %get3A_19 = arith.constant 0 : index
    %get3A_20 = vector.load %arg8[%get3A_18, %get3A_19] : memref<32x128xf32, #tpu.memory_space<vmem>>, vector<32x1xf32>
    %add3A = arith.addf %get3A_17, %get3A_20 : vector<32x1xf32>
    %mul3A_21 = vector.broadcast %add3A : vector<32x1xf32> to vector<32x2048xf32>
    %mul3A_22 = arith.mulf %convert_element_type3A_8, %mul3A_21 : vector<32x2048xf32>
    %reduce_sum3A_23 = arith.constant dense<0.000000e+00> : vector<2048xf32>
    %reduce_sum3A_24 = vector.multi_reduction <add>, %mul3A_22, %reduce_sum3A_23 [0] : vector<32x2048xf32> to vector<2048xf32>
    %broadcast_in_dim3A_25 = vector.shape_cast %reduce_sum3A_24 : vector<2048xf32> to vector<1x2048xf32>
    %add3A_26 = arith.addf %broadcast_in_dim3A, %broadcast_in_dim3A_25 : vector<1x2048xf32>
    %convert_element_type3A_27 = arith.fptosi %add3A_26 : vector<1x2048xf32> to vector<1x2048xi32>
    %reshape3A_28 = vector.shape_cast %convert_element_type3A_27 : vector<1x2048xi32> to vector<1x1x2048xi32>
    %swap3A = arith.constant 0 : index
    %swap3A_29 = arith.constant 0 : index
    %swap3A_30 = arith.constant 0 : index
    %swap3A_31 = vector.load %arg4[%swap3A, %swap3A_29, %swap3A_30] : memref<1x1x2048xi32, #tpu.memory_space<vmem>>, vector<1x1x2048xi32>
    tpu.vector_store %arg4[%swap3A, %swap3A_29, %swap3A_30], %reshape3A_28 {strides = array<i32>} : memref<1x1x2048xi32, #tpu.memory_space<vmem>>, vector<1x1x2048xi32>,
    %get3A_32 = arith.constant 0 : index
    %get3A_33 = arith.constant 0 : index
    %get3A_34 = vector.load %arg7[%get3A_32, %get3A_33] : memref<32x128xf32, #tpu.memory_space<vmem>>, vector<32x1xf32>
    %reduce_sum3A_35 = arith.constant dense<0.000000e+00> : vector<32xf32>
    %reduce_sum3A_36 = vector.multi_reduction <add>, %convert_element_type3A_8, %reduce_sum3A_35 [1] : vector<32x2048xf32> to vector<32xf32>
    %broadcast_in_dim3A_37 = vector.shape_cast %reduce_sum3A_36 : vector<32xf32> to vector<32x1xf32>
    %add3A_38 = arith.addf %get3A_34, %broadcast_in_dim3A_37 : vector<32x1xf32>
    %broadcast_in_dim3A_39 = vector.shape_cast %add3A_38 : vector<32x1xf32> to vector<32x1xf32>
    %broadcast_in_dim3A_40 = vector.broadcast %broadcast_in_dim3A_39 : vector<32x1xf32> to vector<32x128xf32>
    %swap3A_41 = arith.constant 0 : index
    %swap3A_42 = arith.constant 0 : index
    %swap3A_43 = vector.load %arg7[%swap3A_41, %swap3A_42] : memref<32x128xf32, #tpu.memory_space<vmem>>, vector<32x128xf32>
    tpu.vector_store %arg7[%swap3A_41, %swap3A_42], %broadcast_in_dim3A_40 {strides = array<i32>} : memref<32x128xf32, #tpu.memory_space<vmem>>, vector<32x128xf32>,
    return
  }
  func.func @transform_0(%arg0: i32) -> (i32, i32, i32) {
    %c0_i32 = arith.constant 0 : i32
    %c0_i32_0 = arith.constant 0 : i32
    %c0_i32_1 = arith.constant 0 : i32
    return %arg0, %c0_i32, %c0_i32_0 : i32, i32, i32
  }
  func.func @transform_1(%arg0: i32) -> (i32, i32) {
    %c0_i32 = arith.constant 0 : i32
    %c0_i32_0 = arith.constant 0 : i32
    %c0_i32_1 = arith.constant 0 : i32
    return %c0_i32, %c0_i32_0 : i32, i32
  }
  func.func @transform_2(%arg0: i32) -> (i32, i32) {
    %c0_i32 = arith.constant 0 : i32
    %c0_i32_0 = arith.constant 0 : i32
    %c0_i32_1 = arith.constant 0 : i32
    return %c0_i32, %c0_i32_0 : i32, i32
  }
  func.func @transform_3(%arg0: i32) -> (i32, i32, i32) {
    %c0_i32 = arith.constant 0 : i32
    %c0_i32_0 = arith.constant 0 : i32
    %c0_i32_1 = arith.constant 0 : i32
    return %arg0, %c0_i32, %c0_i32_0 : i32, i32, i32
  }
  func.func @transform_4(%arg0: i32) -> (i32, i32) {
    %c0_i32 = arith.constant 0 : i32
    %c0_i32_0 = arith.constant 0 : i32
    %c0_i32_1 = arith.constant 0 : i32
    return %c0_i32, %c0_i32_0 : i32, i32
  }
  func.func @transform_5(%arg0: i32) -> (i32, i32) {
    %c0_i32 = arith.constant 0 : i32
    %c0_i32_0 = arith.constant 0 : i32
    %c0_i32_1 = arith.constant 0 : i32
    return %c0_i32, %c0_i32_0 : i32, i32
  }
}

module attributes {stable_mosaic.version = 14 : i64} {
  func.func @_expert_body(%arg0: i32, %arg1: memref<118xi32, #tpu.memory_space<smem>>, %arg2: memref<256x768xf32, #tpu.memory_space<vmem>>, %arg3: memref<1x768x768xf32, #tpu.memory_space<vmem>>, %arg4: memref<1x1x768xf32, #tpu.memory_space<vmem>>, %arg5: memref<1x768x768xf32, #tpu.memory_space<vmem>>, %arg6: memref<1x1x768xf32, #tpu.memory_space<vmem>>, %arg7: memref<256x768xf32, #tpu.memory_space<vmem>>) attributes {dimension_semantics = [#tpu.dimension_semantics<arbitrary>], iteration_bounds = array<i64: 118>, scalar_prefetch = 1 : i64, scratch_operands = 0 : i64, tpu.core_type = #tpu.core_type<tc>, window_params = [{transform_indices = @transform_0, window_bounds = array<i64: 256, 768>}, {transform_indices = @transform_1, window_bounds = array<i64: 1, 768, 768>}, {transform_indices = @transform_2, window_bounds = array<i64: 1, 1, 768>}, {transform_indices = @transform_3, window_bounds = array<i64: 1, 768, 768>}, {transform_indices = @transform_4, window_bounds = array<i64: 1, 1, 768>}, {transform_indices = @transform_5, window_bounds = array<i64: 256, 768>}]} {
    %get3A = arith.constant 0 : index
    %get3A_0 = arith.constant 0 : index
    %get3A_1 = vector.load %arg2[%get3A, %get3A_0] : memref<256x768xf32, #tpu.memory_space<vmem>>, vector<256x768xf32>
    %get3A_2 = arith.constant 0 : index
    %get3A_3 = arith.constant 0 : index
    %get3A_4 = arith.constant 0 : index
    %get3A_5 = vector.load %arg3[%get3A_2, %get3A_3, %get3A_4] : memref<1x768x768xf32, #tpu.memory_space<vmem>>, vector<1x768x768xf32>
    %get3A_6 = vector.shape_cast %get3A_5 : vector<1x768x768xf32> to vector<768x768xf32>
    %dot_general3A = arith.constant dense<0.000000e+00> : vector<256x768xf32>
    %dot_general3A_7 = tpu.matmul %get3A_1, %get3A_6, %dot_general3A {dimension_numbers = #tpu.dot_dimension_numbers<[1], [0], [0], [1], [0, 0, 1, 1], [], []>, transpose_lhs_hint = false} : vector<256x768xf32>, vector<768x768xf32>, vector<256x768xf32> -> vector<256x768xf32>
    %get3A_8 = arith.constant 0 : index
    %get3A_9 = arith.constant 0 : index
    %get3A_10 = arith.constant 0 : index
    %get3A_11 = vector.load %arg4[%get3A_8, %get3A_9, %get3A_10] : memref<1x1x768xf32, #tpu.memory_space<vmem>>, vector<1x1x768xf32>
    %get3A_12 = vector.shape_cast %get3A_11 : vector<1x1x768xf32> to vector<1x768xf32>
    %add3A = vector.broadcast %get3A_12 : vector<1x768xf32> to vector<256x768xf32>
    %add3A_13 = arith.addf %dot_general3A_7, %add3A : vector<256x768xf32>
    %mul3A = arith.constant 5.000000e-01 : f32
    %mul3A_14 = vector.broadcast %mul3A : f32 to vector<256x768xf32>
    %mul3A_15 = arith.mulf %mul3A_14, %add3A_13 : vector<256x768xf32>
    %mul3A_16 = arith.constant 0.707106769 : f32
    %mul3A_17 = vector.broadcast %mul3A_16 : f32 to vector<256x768xf32>
    %mul3A_18 = arith.mulf %add3A_13, %mul3A_17 : vector<256x768xf32>
    %erf3A = math.erf %mul3A_18 : vector<256x768xf32>
    %add3A_19 = arith.constant 1.000000e+00 : f32
    %add3A_20 = vector.broadcast %add3A_19 : f32 to vector<256x768xf32>
    %add3A_21 = arith.addf %add3A_20, %erf3A : vector<256x768xf32>
    %mul3A_22 = arith.mulf %mul3A_15, %add3A_21 : vector<256x768xf32>
    %get3A_23 = arith.constant 0 : index
    %get3A_24 = arith.constant 0 : index
    %get3A_25 = arith.constant 0 : index
    %get3A_26 = vector.load %arg5[%get3A_23, %get3A_24, %get3A_25] : memref<1x768x768xf32, #tpu.memory_space<vmem>>, vector<1x768x768xf32>
    %get3A_27 = vector.shape_cast %get3A_26 : vector<1x768x768xf32> to vector<768x768xf32>
    %dot_general3A_28 = arith.constant dense<0.000000e+00> : vector<256x768xf32>
    %dot_general3A_29 = tpu.matmul %mul3A_22, %get3A_27, %dot_general3A_28 {dimension_numbers = #tpu.dot_dimension_numbers<[1], [0], [0], [1], [0, 0, 1, 1], [], []>, transpose_lhs_hint = false} : vector<256x768xf32>, vector<768x768xf32>, vector<256x768xf32> -> vector<256x768xf32>
    %get3A_30 = arith.constant 0 : index
    %get3A_31 = arith.constant 0 : index
    %get3A_32 = arith.constant 0 : index
    %get3A_33 = vector.load %arg6[%get3A_30, %get3A_31, %get3A_32] : memref<1x1x768xf32, #tpu.memory_space<vmem>>, vector<1x1x768xf32>
    %get3A_34 = vector.shape_cast %get3A_33 : vector<1x1x768xf32> to vector<1x768xf32>
    %add3A_35 = vector.broadcast %get3A_34 : vector<1x768xf32> to vector<256x768xf32>
    %add3A_36 = arith.addf %dot_general3A_29, %add3A_35 : vector<256x768xf32>
    %swap3A = arith.constant 0 : index
    %swap3A_37 = arith.constant 0 : index
    %swap3A_38 = vector.load %arg7[%swap3A, %swap3A_37] : memref<256x768xf32, #tpu.memory_space<vmem>>, vector<256x768xf32>
    tpu.vector_store %arg7[%swap3A, %swap3A_37], %add3A_36 {strides = array<i32>} : memref<256x768xf32, #tpu.memory_space<vmem>>, vector<256x768xf32>,
    return
  }
  func.func @transform_0(%arg0: i32, %arg1: memref<118xi32, #tpu.memory_space<smem>>) -> (i32, i32) {
    %c0_i32 = arith.constant 0 : i32
    %c0_i32_0 = arith.constant 0 : i32
    return %arg0, %c0_i32 : i32, i32
  }
  func.func @transform_1(%arg0: i32, %arg1: memref<118xi32, #tpu.memory_space<smem>>) -> (i32, i32, i32) {
    %get3A = arith.index_cast %arg0 : i32 to index
    %get3A_0 = memref.load %arg1[%get3A] : memref<118xi32, #tpu.memory_space<smem>>
    %c0_i32 = arith.constant 0 : i32
    %c0_i32_1 = arith.constant 0 : i32
    %c0_i32_2 = arith.constant 0 : i32
    return %get3A_0, %c0_i32, %c0_i32_1 : i32, i32, i32
  }
  func.func @transform_2(%arg0: i32, %arg1: memref<118xi32, #tpu.memory_space<smem>>) -> (i32, i32, i32) {
    %get3A = arith.index_cast %arg0 : i32 to index
    %get3A_0 = memref.load %arg1[%get3A] : memref<118xi32, #tpu.memory_space<smem>>
    %c0_i32 = arith.constant 0 : i32
    %c0_i32_1 = arith.constant 0 : i32
    %c0_i32_2 = arith.constant 0 : i32
    return %get3A_0, %c0_i32, %c0_i32_1 : i32, i32, i32
  }
  func.func @transform_3(%arg0: i32, %arg1: memref<118xi32, #tpu.memory_space<smem>>) -> (i32, i32, i32) {
    %get3A = arith.index_cast %arg0 : i32 to index
    %get3A_0 = memref.load %arg1[%get3A] : memref<118xi32, #tpu.memory_space<smem>>
    %c0_i32 = arith.constant 0 : i32
    %c0_i32_1 = arith.constant 0 : i32
    %c0_i32_2 = arith.constant 0 : i32
    return %get3A_0, %c0_i32, %c0_i32_1 : i32, i32, i32
  }
  func.func @transform_4(%arg0: i32, %arg1: memref<118xi32, #tpu.memory_space<smem>>) -> (i32, i32, i32) {
    %get3A = arith.index_cast %arg0 : i32 to index
    %get3A_0 = memref.load %arg1[%get3A] : memref<118xi32, #tpu.memory_space<smem>>
    %c0_i32 = arith.constant 0 : i32
    %c0_i32_1 = arith.constant 0 : i32
    %c0_i32_2 = arith.constant 0 : i32
    return %get3A_0, %c0_i32, %c0_i32_1 : i32, i32, i32
  }
  func.func @transform_5(%arg0: i32, %arg1: memref<118xi32, #tpu.memory_space<smem>>) -> (i32, i32) {
    %c0_i32 = arith.constant 0 : i32
    %c0_i32_0 = arith.constant 0 : i32
    return %arg0, %c0_i32 : i32, i32
  }
}

module attributes {stable_mosaic.version = 14 : i64} {
  func.func @_final_body(%arg0: i32, %arg1: memref<512x768xf32, #tpu.memory_space<vmem>>, %arg2: memref<768x768xf32, #tpu.memory_space<vmem>>, %arg3: memref<1x768xf32, #tpu.memory_space<vmem>>, %arg4: memref<768x768xf32, #tpu.memory_space<vmem>>, %arg5: memref<1x768xf32, #tpu.memory_space<vmem>>, %arg6: memref<3x512x768xf32, #tpu.memory_space<vmem>>, %arg7: memref<512x8xf32, #tpu.memory_space<vmem>>, %arg8: memref<512x768xf32, #tpu.memory_space<vmem>>) attributes {dimension_semantics = [#tpu.dimension_semantics<arbitrary>], iteration_bounds = array<i64: 16>, scalar_prefetch = 0 : i64, scratch_operands = 0 : i64, tpu.core_type = #tpu.core_type<tc>, window_params = [{transform_indices = @transform_0, window_bounds = array<i64: 512, 768>}, {pipeline_mode = #tpu.pipeline_mode<synchronous>, transform_indices = @transform_1, window_bounds = array<i64: 768, 768>}, {pipeline_mode = #tpu.pipeline_mode<synchronous>, transform_indices = @transform_2, window_bounds = array<i64: 1, 768>}, {pipeline_mode = #tpu.pipeline_mode<synchronous>, transform_indices = @transform_3, window_bounds = array<i64: 768, 768>}, {pipeline_mode = #tpu.pipeline_mode<synchronous>, transform_indices = @transform_4, window_bounds = array<i64: 1, 768>}, {transform_indices = @transform_5, window_bounds = array<i64: 3, 512, 768>}, {transform_indices = @transform_6, window_bounds = array<i64: 512, 8>}, {transform_indices = @transform_7, window_bounds = array<i64: 512, 768>}]} {
    %get3A = arith.constant 0 : index
    %get3A_0 = arith.constant 0 : index
    %get3A_1 = vector.load %arg1[%get3A, %get3A_0] : memref<512x768xf32, #tpu.memory_space<vmem>>, vector<512x768xf32>
    %get3A_2 = arith.constant 0 : index
    %get3A_3 = arith.constant 0 : index
    %get3A_4 = vector.load %arg2[%get3A_2, %get3A_3] : memref<768x768xf32, #tpu.memory_space<vmem>>, vector<768x768xf32>
    %dot_general3A = arith.constant dense<0.000000e+00> : vector<512x768xf32>
    %dot_general3A_5 = tpu.matmul %get3A_1, %get3A_4, %dot_general3A {dimension_numbers = #tpu.dot_dimension_numbers<[1], [0], [0], [1], [0, 0, 1, 1], [], []>, transpose_lhs_hint = false} : vector<512x768xf32>, vector<768x768xf32>, vector<512x768xf32> -> vector<512x768xf32>
    %get3A_6 = arith.constant 0 : index
    %get3A_7 = arith.constant 0 : index
    %get3A_8 = vector.load %arg3[%get3A_6, %get3A_7] : memref<1x768xf32, #tpu.memory_space<vmem>>, vector<1x768xf32>
    %add3A = vector.broadcast %get3A_8 : vector<1x768xf32> to vector<512x768xf32>
    %add3A_9 = arith.addf %dot_general3A_5, %add3A : vector<512x768xf32>
    %mul3A = arith.constant 5.000000e-01 : f32
    %mul3A_10 = vector.broadcast %mul3A : f32 to vector<512x768xf32>
    %mul3A_11 = arith.mulf %mul3A_10, %add3A_9 : vector<512x768xf32>
    %mul3A_12 = arith.constant 0.707106769 : f32
    %mul3A_13 = vector.broadcast %mul3A_12 : f32 to vector<512x768xf32>
    %mul3A_14 = arith.mulf %add3A_9, %mul3A_13 : vector<512x768xf32>
    %erf3A = math.erf %mul3A_14 : vector<512x768xf32>
    %add3A_15 = arith.constant 1.000000e+00 : f32
    %add3A_16 = vector.broadcast %add3A_15 : f32 to vector<512x768xf32>
    %add3A_17 = arith.addf %add3A_16, %erf3A : vector<512x768xf32>
    %mul3A_18 = arith.mulf %mul3A_11, %add3A_17 : vector<512x768xf32>
    %get3A_19 = arith.constant 0 : index
    %get3A_20 = arith.constant 0 : index
    %get3A_21 = vector.load %arg4[%get3A_19, %get3A_20] : memref<768x768xf32, #tpu.memory_space<vmem>>, vector<768x768xf32>
    %dot_general3A_22 = arith.constant dense<0.000000e+00> : vector<512x768xf32>
    %dot_general3A_23 = tpu.matmul %mul3A_18, %get3A_21, %dot_general3A_22 {dimension_numbers = #tpu.dot_dimension_numbers<[1], [0], [0], [1], [0, 0, 1, 1], [], []>, transpose_lhs_hint = false} : vector<512x768xf32>, vector<768x768xf32>, vector<512x768xf32> -> vector<512x768xf32>
    %get3A_24 = arith.constant 0 : index
    %get3A_25 = arith.constant 0 : index
    %get3A_26 = vector.load %arg5[%get3A_24, %get3A_25] : memref<1x768xf32, #tpu.memory_space<vmem>>, vector<1x768xf32>
    %add3A_27 = vector.broadcast %get3A_26 : vector<1x768xf32> to vector<512x768xf32>
    %add3A_28 = arith.addf %dot_general3A_23, %add3A_27 : vector<512x768xf32>
    %get3A_29 = arith.constant 0 : index
    %get3A_30 = arith.constant 0 : index
    %get3A_31 = vector.load %arg7[%get3A_29, %get3A_30] : memref<512x8xf32, #tpu.memory_space<vmem>>, vector<512x8xf32>
    %slice3A = vector.extract_strided_slice %get3A_31 {offsets = [0, 0], sizes = [512, 1], strides = [1, 1]} : vector<512x8xf32> to vector<512x1xf32>
    %get3A_32 = arith.constant 0 : index
    %get3A_33 = arith.constant 0 : index
    %get3A_34 = arith.constant 0 : index
    %get3A_35 = vector.load %arg6[%get3A_32, %get3A_33, %get3A_34] : memref<3x512x768xf32, #tpu.memory_space<vmem>>, vector<1x512x768xf32>
    %get3A_36 = vector.shape_cast %get3A_35 : vector<1x512x768xf32> to vector<512x768xf32>
    %mul3A_37 = vector.broadcast %slice3A : vector<512x1xf32> to vector<512x768xf32>
    %mul3A_38 = arith.mulf %mul3A_37, %get3A_36 : vector<512x768xf32>
    %add3A_39 = arith.addf %add3A_28, %mul3A_38 : vector<512x768xf32>
    %slice3A_40 = vector.extract_strided_slice %get3A_31 {offsets = [0, 1], sizes = [512, 1], strides = [1, 1]} : vector<512x8xf32> to vector<512x1xf32>
    %get3A_41 = arith.constant 1 : index
    %get3A_42 = arith.constant 0 : index
    %get3A_43 = arith.constant 0 : index
    %get3A_44 = vector.load %arg6[%get3A_41, %get3A_42, %get3A_43] : memref<3x512x768xf32, #tpu.memory_space<vmem>>, vector<1x512x768xf32>
    %get3A_45 = vector.shape_cast %get3A_44 : vector<1x512x768xf32> to vector<512x768xf32>
    %mul3A_46 = vector.broadcast %slice3A_40 : vector<512x1xf32> to vector<512x768xf32>
    %mul3A_47 = arith.mulf %mul3A_46, %get3A_45 : vector<512x768xf32>
    %add3A_48 = arith.addf %add3A_39, %mul3A_47 : vector<512x768xf32>
    %slice3A_49 = vector.extract_strided_slice %get3A_31 {offsets = [0, 2], sizes = [512, 1], strides = [1, 1]} : vector<512x8xf32> to vector<512x1xf32>
    %get3A_50 = arith.constant 2 : index
    %get3A_51 = arith.constant 0 : index
    %get3A_52 = arith.constant 0 : index
    %get3A_53 = vector.load %arg6[%get3A_50, %get3A_51, %get3A_52] : memref<3x512x768xf32, #tpu.memory_space<vmem>>, vector<1x512x768xf32>
    %get3A_54 = vector.shape_cast %get3A_53 : vector<1x512x768xf32> to vector<512x768xf32>
    %mul3A_55 = vector.broadcast %slice3A_49 : vector<512x1xf32> to vector<512x768xf32>
    %mul3A_56 = arith.mulf %mul3A_55, %get3A_54 : vector<512x768xf32>
    %add3A_57 = arith.addf %add3A_48, %mul3A_56 : vector<512x768xf32>
    %swap3A = arith.constant 0 : index
    %swap3A_58 = arith.constant 0 : index
    %swap3A_59 = vector.load %arg8[%swap3A, %swap3A_58] : memref<512x768xf32, #tpu.memory_space<vmem>>, vector<512x768xf32>
    tpu.vector_store %arg8[%swap3A, %swap3A_58], %add3A_57 {strides = array<i32>} : memref<512x768xf32, #tpu.memory_space<vmem>>, vector<512x768xf32>,
    return
  }
  func.func @transform_0(%arg0: i32) -> (i32, i32) {
    %c0_i32 = arith.constant 0 : i32
    %c0_i32_0 = arith.constant 0 : i32
    return %arg0, %c0_i32 : i32, i32
  }
  func.func @transform_1(%arg0: i32) -> (i32, i32) {
    %c0_i32 = arith.constant 0 : i32
    %c0_i32_0 = arith.constant 0 : i32
    %c0_i32_1 = arith.constant 0 : i32
    return %c0_i32, %c0_i32_0 : i32, i32
  }
  func.func @transform_2(%arg0: i32) -> (i32, i32) {
    %c0_i32 = arith.constant 0 : i32
    %c0_i32_0 = arith.constant 0 : i32
    %c0_i32_1 = arith.constant 0 : i32
    return %c0_i32, %c0_i32_0 : i32, i32
  }
  func.func @transform_3(%arg0: i32) -> (i32, i32) {
    %c0_i32 = arith.constant 0 : i32
    %c0_i32_0 = arith.constant 0 : i32
    %c0_i32_1 = arith.constant 0 : i32
    return %c0_i32, %c0_i32_0 : i32, i32
  }
  func.func @transform_4(%arg0: i32) -> (i32, i32) {
    %c0_i32 = arith.constant 0 : i32
    %c0_i32_0 = arith.constant 0 : i32
    %c0_i32_1 = arith.constant 0 : i32
    return %c0_i32, %c0_i32_0 : i32, i32
  }
  func.func @transform_5(%arg0: i32) -> (i32, i32, i32) {
    %c0_i32 = arith.constant 0 : i32
    %c0_i32_0 = arith.constant 0 : i32
    %c0_i32_1 = arith.constant 0 : i32
    return %c0_i32, %arg0, %c0_i32_0 : i32, i32, i32
  }
  func.func @transform_6(%arg0: i32) -> (i32, i32) {
    %c0_i32 = arith.constant 0 : i32
    %c0_i32_0 = arith.constant 0 : i32
    return %arg0, %c0_i32 : i32, i32
  }
  func.func @transform_7(%arg0: i32) -> (i32, i32) {
    %c0_i32 = arith.constant 0 : i32
    %c0_i32_0 = arith.constant 0 : i32
    return %arg0, %c0_i32 : i32, i32
  }
}

</mosaic_0001>

<sc_bundles>
// kernel: kernel.11.cloned.1.call-start
scs
__scs_entry_jumppad:
0x0: {  	(pc) =	sbr.rel $0x88, $3  }
0x1: {  	(tag) =	ssettag $0x0;
	lr =	simm.s32 $0x1  }
0x2: {  	[smem:$0x3F95] =	sst lr;
	_ =	strace $0xD0000000  }
0x3: {  	_ = 	snop  }
0x4: {  	_ = 	snop  }
0x5: {  	_ = 	snop  }
0x6: {  	_ = 	snop  }
0x7: {  	_ = 	snop  }
__scs_overlays_trampoline_lowered:
0x8: {  	[smem:$0x3FA4] =	sst s0  }
0x9: {  	[smem:$0x3FA5] =	sst s1  }
0xa: {  	[smem:$0x3FA6] =	sst s2  }
0xb: {  	[smem:$0x3FA7] =	sst s3  }
0xc: {  	[smem:$0x3FA8] =	sst s4  }
0xd: {  	[smem:$0x3FA9] =	sst s5  }
0xe: {  	[smem:$0x3FAA] =	sst s6  }
0xf: {  	[smem:$0x3FAB] =	sst s7  }
0x10: {  	[smem:$0x3FAC] =	sst s8  }
0x11: {  	[smem:$0x3FAD] =	sst s9;
	s0 =	simm.s32 @!p0 $0x0  }
0x12: {  	s1 =	sld [smem:$0x3F93];
	s0 =	simm.s32 @p0 $0x1  }
0x13: {  	[smem:$0x3FAE] =	sst s0;
	s0 =	simm.s32 @!p1 $0x0  }
0x14: {  	s2 =	sld [smem:$0x3F92];
	s0 =	simm.s32 @p1 $0x1  }
0x15: {  	[smem:$0x3FAF] =	sst s0;
	s0 =	simm.s32 @!p2 $0x0  }
0x16: {  	s3 =	sld [smem:$0x3FDB];
	s0 =	simm.s32 @p2 $0x1  }
0x17: {  	s4 =	simm.s32 $0x1BF5;
	[smem:$0x3FB1] =	sst s0  }
0x18: {  	s0 =	sld [smem:$0x3F94];
	_ =	swait.ge [sflag:s4], $0x0  }
0x19: {  	s7 =	sld [smem:$0x3F95]  }
0x1a: {  	s8 =	sadd.s32 $0xFFFFE003, lr  }
0x1b: {  	s9 =	sadd.s32 $0xFFFFFEF7, lr;
	s5 =	simm.s32 $0xFFFFFFFF;
	p2 =	slt.u32 s8, $0xFFFFF086  }
0x1c: {  	p1 =	slt.u32 s9, $0xF7A;
	s5 =	simm.s32 @!p2 $0x0  }
0x1d: {  	s5 =	simm.s32 @p1 $0x1;
	p0 =	seq.s32 s7, s2  }
0x1e: {  	s7 =	smul.u32 @!p0 $0xF7A, s2;
	p2 =	seq.s32 @!p0 s5, $0x0  }
0x1f: {  	s9 =	smul.u32 $0xF7A, s1;
	s8 =	simm.s32 @!p0 $0x1BF5;
	p2 =	por !p2, p0  }
0x20: {  	[sflag:s8] =	ssyncset.s32 @!p0 $0xFFFFF086;
	s6 =	sadd.s32 @!p0 s3, s7;
	s7 =	simm.s32 @!p0 $0x108  }
0x21: {  	s3 =	sadd.s32 s3, s9;
	s6 =	sadd.s32 @!p0 $0x88, s6;
	s7 =	simm.s32 @p2 $0x1082  }
0x22: {  	[simem:s7], [sflag:s8] =	dma.local @!p0 [hbm:s6], $0xF7A  }
0x23: {  	s9 =	sor.u32 $0xD0000000, s2;
	s6 =	simm.s32 $0x108;
	_ =	swait.ge @!p0 [sflag:s8], $0x0  }
0x24: {  	s3 =	sadd.s32 $0x88, s3;
	s6 =	simm.s32 @!p1 $0x1082;
	[sflag:s4] =	ssyncset.s32 $0xFFFFF086  }
0x25: {  	[simem:s6], [sflag:s4] =	dma.local [hbm:s3], $0xF7A  }
0x26: {  	[smem:$0x3F95] =	sst s1;
	(tag) =	ssettag s2;
	_ =	strace s9  }
0x27: {  	s1 =	sld [smem:$0x3FA5]  }
0x28: {  	s2 =	sld [smem:$0x3FA6]  }
0x29: {  	s4 =	sld [smem:$0x3FA8]  }
0x2a: {  	p0 =	seq.s32 s5, $0x0;
	s5 =	sld [smem:$0x3FA9]  }
0x2b: {  	s6 =	sld [smem:$0x3FAA]  }
0x2c: {  	s7 =	sld [smem:$0x3FAB]  }
0x2d: {  	s3 =	simm.s32 $0x108;
	s8 =	sld [smem:$0x3FAC]  }
0x2e: {  	s3 =	simm.s32 @!p0 $0x1082;
	s9 =	sld [smem:$0x3FAD]  }
0x2f: {  	lr =	sadd.s32 s0, s3;
	s0 =	sld [smem:$0x3FA4]  }
0x30: {  	s3 =	sld [smem:$0x3FA7]  }
0x31: {  	[smem:$0x3FB0] =	sst s10  }
0x32: {  	s10 =	sld [smem:$0x3FAE];
	_ =	sdelay $0x3  }
0x33: {  	p0 =	seq.s32 s10, $0x1;
	s10 =	sld [smem:$0x3FB0];
	_ =	sdelay $0x3  }
0x34: {  	[smem:$0x3FB0] =	sst s10  }
0x35: {  	s10 =	sld [smem:$0x3FAF];
	_ =	sdelay $0x3  }
0x36: {  	p1 =	seq.s32 s10, $0x1;
	s10 =	sld [smem:$0x3FB0];
	_ =	sdelay $0x3  }
0x37: {  	[smem:$0x3FB0] =	sst s10  }
0x38: {  	s10 =	sld [smem:$0x3FB1]  }
0x39: {  	_ = 	snop;
	(pc) =	sbr.ind lr, $3  }
0x3a: {  	_ = 	snop  }
0x3b: {  	_ = 	snop  }
0x3c: {  	p2 =	seq.s32 s10, $0x1;
	s10 =	sld [smem:$0x3FB0]  }
0x3d: {  	_ =	shalt  }
0x3e: {  	_ =	shalt  }
0x3f: {  	_ =	shalt  }
0x40: {  	_ =	shalt  }
0x41: {  	_ =	shalt  }
0x42: {  	_ =	shalt  }
0x43: {  	_ =	shalt  }
0x44: {  	_ =	shalt  }
0x45: {  	_ =	shalt  }
0x46: {  	_ =	shalt  }
0x47: {  	_ =	shalt  }
0x48: {  	_ =	shalt  }
0x49: {  	_ =	shalt  }
0x4a: {  	_ =	shalt  }
0x4b: {  	_ =	shalt  }
0x4c: {  	_ =	shalt  }
0x4d: {  	_ =	shalt  }
0x4e: {  	_ =	shalt  }
0x4f: {  	_ =	shalt  }
0x50: {  	_ =	shalt  }
0x51: {  	_ =	shalt  }
0x52: {  	_ =	shalt  }
0x53: {  	_ =	shalt  }
0x54: {  	_ =	shalt  }
0x55: {  	_ =	shalt  }
0x56: {  	_ =	shalt  }
0x57: {  	_ =	shalt  }
0x58: {  	_ =	shalt  }
0x59: {  	_ =	shalt  }
0x5a: {  	_ =	shalt  }
0x5b: {  	_ =	shalt  }
0x5c: {  	_ =	shalt  }
0x5d: {  	_ =	shalt  }
0x5e: {  	_ =	shalt  }
0x5f: {  	_ =	shalt  }
0x60: {  	_ =	shalt  }
0x61: {  	_ =	shalt  }
0x62: {  	_ =	shalt  }
0x63: {  	_ =	shalt  }
0x64: {  	_ =	shalt  }
0x65: {  	_ =	shalt  }
0x66: {  	_ =	shalt  }
0x67: {  	_ =	shalt  }
0x68: {  	_ =	shalt  }
0x69: {  	_ =	shalt  }
0x6a: {  	_ =	shalt  }
0x6b: {  	_ =	shalt  }
0x6c: {  	_ =	shalt  }
0x6d: {  	_ =	shalt  }
0x6e: {  	_ =	shalt  }
0x6f: {  	_ =	shalt  }
0x70: {  	_ =	shalt  }
0x71: {  	_ =	shalt  }
0x72: {  	_ =	shalt  }
0x73: {  	_ =	shalt  }
0x74: {  	_ =	shalt  }
0x75: {  	_ =	shalt  }
0x76: {  	_ =	shalt  }
0x77: {  	_ =	shalt  }
0x78: {  	_ =	shalt  }
0x79: {  	_ =	shalt  }
0x7a: {  	_ =	shalt  }
0x7b: {  	_ =	shalt  }
0x7c: {  	_ =	shalt  }
0x7d: {  	_ =	shalt  }
0x7e: {  	_ =	shalt  }
0x7f: {  	_ =	shalt  }
0x80: {  	_ =	shalt  }
0x81: {  	_ =	shalt  }
0x82: {  	_ =	shalt  }
0x83: {  	_ =	shalt  }
0x84: {  	_ =	shalt  }
0x85: {  	_ =	shalt  }
0x86: {  	_ =	shalt  }
0x87: {  	_ =	shalt  }
.Lfunc_end0:
.L_simem_size_0:
called_computation.1_lowered:
.L_overlay_start_0:
0x88: {  	s2 =	sld [smem:$0x3FD9]  }
0x89: {  	s3 =	sld [smem:$0x3FFE];
	_ =	sdelay $0x1  }
0x8a: {  	s1 =	srdreg.scid  }
0x8b: {  	s0 =	sand.u32 $0x1, s1  }
0x8c: {  	s16 =	sshll.u32 s0, $0xA;
	s2 =	sadd.s32 s3, s2  }
0x8d: {  	s2 =	sadd.s32 s2, s16  }
0x8e: {  	[smem:$0x3FBC] =	sst s2  }
0x8f: {  	_ = 	snop  }
0x90: {  	(tm) =	ssettm $0x1  }
0x91: {  	s17 =	sld [smem:$0x3FFB];
	_ =	sdelay $0x3  }
0x92: {  	_ =	strace s17  }
0x93: {  	s2 =	sld [smem:$0x3FFC];
	_ =	sdelay $0x3  }
0x94: {  	_ =	strace s2  }
0x95: {  	s2 =	sld [smem:$0x3FFD];
	_ =	sdelay $0x3  }
0x96: {  	_ =	strace s2  }
0x97: {  	_ =	strace $0x8FFFFFFF  }
0x98: {  	s18 =	sld [smem:$0x3FDB];
	_ =	sdelay $0x1  }
0x99: {  	s19 =	simm.s32 $_scs_section_size  }
0x9a: {  	s4 =	simm.s32 $_size__tile_overlayer_lowered;
	s5 =	simm.s32 $_tile_overlayer_lowered  }
0x9b: {  	s22 =	simm.s32 $0x1BFF;
	s21 =	sshll.u32 s5, $0x1;
	s2 =	sadd.s32 s19, s18  }
0x9c: {  	s6 =	simm.s32 $0x0;
	s20 =	sshll.u32 s4, $0x1;
	s4 =	sadd.s32 s21, s2  }
0x9d: {  	[timem:s6], [sflag:s22] =	dma.local [hbm:s4], s20  }
0x9e: {  	_ =	swait.ge [sflag:s22], s20  }
0x9f: {  	s3 =	ssub.s32 $0x0, s20;
	[sflag:s22] =	ssyncset.done $0x0  }
0xa0: {  	[sflag:s22] =	ssyncadd.s32 s3;
	_ =	sdelay $0x1  }
0xa1: {  	s23 =	simm.s32 $0x1B8B  }
0xa2: {  	_ =	swait.ge [sflag:s23], $0x1  }
0xa3: {  	[sflag:s23] =	ssyncset.done $0x0  }
0xa4: {  	s25 =	simm.s32 $0x1B8E;
	s24 =	sld [smem:$0x3FFE];
	[sflag:s23] =	ssyncadd.s32 $0xFFFFFFFF  }
0xa5: {  	s26 =	simm.s32 $execute0_lowered;
	[smem:$0x3FD2] =	sst s25  }
0xa6: {  	s4 =	sshll.u32 s26, $0x1;
	_ =	strace $0x80000049;
	[dreg:$0x1] =	wrdreg $0xFFFFFFFF  }
0xa7: {  	s28 =	simm.s32 $_size_execute0_lowered;
	s2 =	sadd.s32 s2, s4;
	[dreg:$0x0] =	wrdreg $0x0  }
0xa8: {  	s4 =	sshll.u32 s28, $0x1;
	[dreg:$0x2] =	wrdreg s2  }
0xa9: {  	[dreg:$0x3] =	wrdreg s4  }
0xaa: {  	[dreg:$0x4] =	wrdreg $0xC0  }
0xab: {  	_ =	task [dreg:s6], $0x5FFFF  }
0xac: {  	[dreg:$0x1] =	wrdreg $0xFFFFFFFF  }
0xad: {  	[dreg:$0x0] =	wrdreg $0x60  }
0xae: {  	[dreg:$0x2] =	wrdreg s24  }
0xaf: {  	[dreg:$0x3] =	wrdreg $0x9  }
0xb0: {  	_ =	task.clear_ibuf [dreg:s6], $0x4FFFF;
	_ =	strace $0x90000049  }
0xb1: {  	s29 =	simm.s32 $0x9;
	_ =	strace $0x8000004B  }
0xb2: {  	_ =	swait.ge [sflag:s29], $0x1  }
0xb3: {  	[sflag:s29] =	ssyncadd.s32 $0xFFFFFFFF  }
0xb4: {  	_ =	strace $0x9000004B  }
0xb5: {  	_ =	sfence  }
0xb6: {  	s30 =	sld [smem:$0x0];
	_ =	sdelay $0x2  }
0xb7: {  	s31 =	sshll.u32 s1, $0xD;
	s1 =	sshrl.u32 s1, $0x2  }
0xb8: {  	s3 =	sand.u32 $0x4000, s31;
	s1 =	sadd.s32 s1, s30  }
0xb9: {  	s0 =	sor.u32 s3, s0;
	s1 =	sshll.u32 s1, $0x11  }
0xba: {  	s0 =	sor.u32 s1, s0  }
0xbb: {  	s0 =	sadd.s32 $0x8F2B, s0  }
0xbc: {  	[sflag:s0] =	ssyncadd.remote.s32 $0x1  }
0xbd: {  	_ =	sfence.sel $0xFFFF  }
0xbe: {  	[dreg:$0x0] =	wrdreg $0xFFFFFFFF;
	(pc) =	sbr.abs _section_cstart, $3  }
0xbf: {  	[dreg:$0x1] =	wrdreg $0xFFFFFFFF  }
0xc0: {  	_ =	task.clear_ibuf [dreg:s6], $0x2FFFF;
	_ =	strace $0x9FFFFFFF  }
0xc1: {  	(tm) =	ssettm $0x7FFFFFFF  }
tec
execute0_lowered:
.L_overlay_start_1:
0x0: {  	(tag) =	ssettag $0x1  }
0x1: {  	s0 =	srdreg.scid  }
0x2: {  	s2 =	stileid.u32;
	s1 =	rddreg [dreg:$0x0]  }
0x3: {  	s0 =	sand.u32 $0x1, s0;
	s3 =	sshll.u32 s2, $0x6;
	s2 =	simm.s32 $0x0  }
0x4: {  	s30 =	simm.s32 $0x100;
	s4 =	sshll.u32 s0, $0x5;
	[smem:$0x7FF] =	sst s2  }
0x5: {  	s31 =	simm.s32 $0x200;
	s3 =	sor.u32 s4, s3;
	_ =	strace $0x8000004A  }
0x6: {  	[dreg:$0x11] =	wrdreg s30;
	s4 =	sadd.s32 s3, s1;
	s3 =	smul.u32 $0x1800, s3  }
0x7: {  	[dreg:$0x12] =	wrdreg s31;
	s5 =	sadd.s32 $0x2200, s4  }
0x8: {  	s15 =	sadd.s32 $0x2600, s4;
	s3 =	sshrl.u32 s3, $0x3;
	[dreg:$0x2] =	wrdreg s5  }
0x9: {  	s16 =	sadd.s32 $0x2A00, s4;
	[dreg:$0x3] =	wrdreg s15;
	s6 =	sadd.s32 s3, s1  }
0xa: {  	[dreg:$0x4] =	wrdreg s16;
	s17 =	sadd.s32 $0x3000, s6  }
0xb: {  	s18 =	sadd.s32 $0xC3000, s6;
	[dreg:$0x5] =	wrdreg s17  }
0xc: {  	s19 =	sadd.s32 $0x183000, s6;
	[dreg:$0x6] =	wrdreg s18  }
0xd: {  	s20 =	sadd.s32 $0x4800, s6;
	[dreg:$0x7] =	wrdreg s19  }
0xe: {  	s9 =	simm.s32 $0x1;
	s21 =	sadd.s32 $0xC4800, s6;
	[dreg:$0x8] =	wrdreg s20  }
0xf: {  	s10 =	simm.s32 $0x3;
	s22 =	sadd.s32 $0x184800, s6;
	[dreg:$0x9] =	wrdreg s21  }
0x10: {  	s11 =	simm.s32 $0x2;
	s23 =	sadd.s32 $0x6000, s6;
	[dreg:$0xa] =	wrdreg s22  }
0x11: {  	s12 =	simm.s32 $0x4;
	s24 =	sadd.s32 $0xC6000, s6;
	[dreg:$0xb] =	wrdreg s23  }
0x12: {  	s0 =	ssub.s32 $0x2, s0;
	s25 =	sadd.s32 $0x186000, s6;
	[dreg:$0xc] =	wrdreg s24  }
0x13: {  	s26 =	sshrl.u32 s0, $0x1;
	s28 =	sadd.s32 $0x7800, s6;
	[dreg:$0xd] =	wrdreg s25  }
0x14: {  	s0 =	ssub.s32 s0, s26;
	s29 =	sadd.s32 $0xC7800, s6;
	[dreg:$0xe] =	wrdreg s28  }
0x15: {  	v2 =	vlaneseq.u32;
	s4 =	sadd.s32 $0x2C7100, s1;
	s6 =	sadd.s32 $0x187800, s6;
	[dreg:$0xf] =	wrdreg s29  }
0x16: {  	vm0 =	vmmov $0xffff;
	v1 =	vshrl.u32 v2, $0x3;
	s5 =	sadd.s32 $0x2C7200, s1;
	s3 =	sadd.s32 $0x2C7000, s1;
	[dreg:$0x10] =	wrdreg s6  }
0x17: {  	v0 =	vand.u32 $0x7, v2;
	v2 =	vor.u32 $0x8, v2;
	v1 =	vmul.u32 $0x8, v1;
	s6 =	smax.u32 s0, $0x1;
	s18 =	simm.s32 $0x300;
	s0 =	simm.s32 $0xC300  }
.LBB2_1:
0x18: {  	s13 =	rddreg [dreg:$0x2];
	s1 =	simm.s32 $0x5  }
0x19: {  	[tilespmem:s2], [sflag:$0x5] =	stream.linear.gather [hbm4b:s13+s2], $0x100, $0x38;
	[tilespmem:$0x18300] =	vst v63  }
0x1a: {  	_ =	swait.ge [sflag:s1], $0x100  }
0x1b: {  	s22 =	rddreg [dreg:$0x3];
	[sflag:s1] =	ssyncset.done $0x0  }
0x1c: {  	s14 =	rddreg [dreg:$0x11];
	[sflag:s1] =	ssyncadd.s32 $0xFFFFFF00  }
0x1d: {  	[tilespmem:s14], [sflag:$0x5] =	stream.linear.gather [hbm4b:s22+s2], $0x100, $0x38;
	[tilespmem:$0x18300] =	vst v63  }
0x1e: {  	_ =	swait.ge [sflag:s1], $0x100  }
0x1f: {  	s23 =	rddreg [dreg:$0x4];
	[sflag:s1] =	ssyncset.done $0x0  }
0x20: {  	s24 =	rddreg [dreg:$0x12];
	[sflag:s1] =	ssyncadd.s32 $0xFFFFFF00  }
0x21: {  	[tilespmem:s24], [sflag:$0x5] =	stream.linear.gather [hbm4b:s23+s2], $0x100, $0x38;
	[tilespmem:$0x18300] =	vst v63  }
0x22: {  	_ =	swait.ge [sflag:s1], $0x100  }
0x23: {  	[sflag:s1] =	ssyncset.done $0x0  }
0x24: {  	[sflag:s1] =	ssyncadd.s32 $0xFFFFFF00  }
0x25: {  	v3 =	vld [tilespmem:$0x0];
	_ =	sdelay $0x4  }
0x26: {  	v4 =	vshrl.u32 v3, $0x3  }
0x27: {  	v4 =	vmul.u32 $0x30, v4  }
0x28: {  	v3 =	vand.u32 $0x7, v3  }
0x29: {  	v3 =	vor.u32 v3, v4  }
0x2a: {  	v4 =	vperm.xlane v3, v0;
	_ =	sdelay $0x1  }
0x2b: {  	v4 =	vadd.s32 v1, v4;
	_ =	sdelay $0x3  }
0x2c: {  	v3 =	vperm.xlane v3, v2  }
0x2d: {  	[tilespmem:s18], [sflag:$0x1] =	stream.indirect_vreg.gather [hbm4b:s3+s2], $0x80, v4, vm0, $0xb8;
	[tilespmem:$0x18300] =	vst v63  }
0x2e: {  	s25 =	simm.s32 $0xB00;
	v3 =	vadd.s32 v1, v3  }
0x2f: {  	[tilespmem:s25], [sflag:$0x1] =	stream.indirect_vreg.gather [hbm4b:s4+s2], $0x80, v4, vm0, $0xb8;
	[tilespmem:$0x18300] =	vst v63  }
0x30: {  	s26 =	simm.s32 $0x1300  }
0x31: {  	[tilespmem:s26], [sflag:$0x1] =	stream.indirect_vreg.gather [hbm4b:s5+s2], $0x80, v4, vm0, $0xb8;
	[tilespmem:$0x18300] =	vst v63  }
0x32: {  	s28 =	simm.s32 $0x1B00  }
0x33: {  	[tilespmem:s28], [sflag:$0x1] =	stream.indirect_vreg.gather [hbm4b:s3+s2], $0x80, v3, vm0, $0xb8;
	[tilespmem:$0x18300] =	vst v63  }
0x34: {  	s29 =	simm.s32 $0x2300  }
0x35: {  	[tilespmem:s29], [sflag:$0x1] =	stream.indirect_vreg.gather [hbm4b:s4+s2], $0x80, v3, vm0, $0xb8;
	[tilespmem:$0x18300] =	vst v63  }
0x36: {  	s30 =	simm.s32 $0x2B00  }
0x37: {  	[tilespmem:s30], [sflag:$0x1] =	stream.indirect_vreg.gather [hbm4b:s5+s2], $0x80, v3, vm0, $0xb8;
	[tilespmem:$0x18300] =	vst v63  }
0x38: {  	v3 =	vld [tilespmem:$0x10];
	_ =	sdelay $0x4  }
0x39: {  	v17 =	vshrl.u32 v3, $0x3  }
0x3a: {  	v4 =	vmul.u32 $0x30, v17  }
0x3b: {  	v3 =	vand.u32 $0x7, v3  }
0x3c: {  	v3 =	vor.u32 v3, v4  }
0x3d: {  	v4 =	vperm.xlane v3, v0;
	_ =	sdelay $0x1  }
0x3e: {  	v4 =	vadd.s32 v1, v4;
	_ =	sdelay $0x3  }
0x3f: {  	s31 =	simm.s32 $0x3300;
	v3 =	vperm.xlane v3, v2  }
0x40: {  	[tilespmem:s31], [sflag:$0x1] =	stream.indirect_vreg.gather [hbm4b:s3+s2], $0x80, v4, vm0, $0xb8;
	[tilespmem:$0x18300] =	vst v63  }
0x41: {  	s8 =	simm.s32 $0x3B00;
	v3 =	vadd.s32 v1, v3  }
0x42: {  	[tilespmem:s8], [sflag:$0x1] =	stream.indirect_vreg.gather [hbm4b:s4+s2], $0x80, v4, vm0, $0xb8;
	[tilespmem:$0x18300] =	vst v63  }
0x43: {  	s13 =	simm.s32 $0x4300  }
0x44: {  	[tilespmem:s13], [sflag:$0x1] =	stream.indirect_vreg.gather [hbm4b:s5+s2], $0x80, v4, vm0, $0xb8;
	[tilespmem:$0x18300] =	vst v63  }
0x45: {  	s14 =	simm.s32 $0x4B00  }
0x46: {  	[tilespmem:s14], [sflag:$0x1] =	stream.indirect_vreg.gather [hbm4b:s3+s2], $0x80, v3, vm0, $0xb8;
	[tilespmem:$0x18300] =	vst v63  }
0x47: {  	s16 =	simm.s32 $0x5300  }
0x48: {  	[tilespmem:s16], [sflag:$0x1] =	stream.indirect_vreg.gather [hbm4b:s4+s2], $0x80, v3, vm0, $0xb8;
	[tilespmem:$0x18300] =	vst v63  }
0x49: {  	s17 =	simm.s32 $0x5B00  }
0x4a: {  	[tilespmem:s17], [sflag:$0x1] =	stream.indirect_vreg.gather [hbm4b:s5+s2], $0x80, v3, vm0, $0xb8;
	[tilespmem:$0x18300] =	vst v63  }
0x4b: {  	v3 =	vld [tilespmem:$0x20];
	_ =	sdelay $0x4  }
0x4c: {  	v18 =	vshrl.u32 v3, $0x3  }
0x4d: {  	v4 =	vmul.u32 $0x30, v18  }
0x4e: {  	v3 =	vand.u32 $0x7, v3  }
0x4f: {  	v3 =	vor.u32 v3, v4  }
0x50: {  	v4 =	vperm.xlane v3, v0;
	_ =	sdelay $0x1  }
0x51: {  	v4 =	vadd.s32 v1, v4;
	_ =	sdelay $0x3  }
0x52: {  	s19 =	simm.s32 $0x6300;
	v3 =	vperm.xlane v3, v2  }
0x53: {  	[tilespmem:s19], [sflag:$0x1] =	stream.indirect_vreg.gather [hbm4b:s3+s2], $0x80, v4, vm0, $0xb8;
	[tilespmem:$0x18300] =	vst v63  }
0x54: {  	s20 =	simm.s32 $0x6B00;
	v3 =	vadd.s32 v1, v3  }
0x55: {  	[tilespmem:s20], [sflag:$0x1] =	stream.indirect_vreg.gather [hbm4b:s4+s2], $0x80, v4, vm0, $0xb8;
	[tilespmem:$0x18300] =	vst v63  }
0x56: {  	s21 =	simm.s32 $0x7300  }
0x57: {  	[tilespmem:s21], [sflag:$0x1] =	stream.indirect_vreg.gather [hbm4b:s5+s2], $0x80, v4, vm0, $0xb8;
	[tilespmem:$0x18300] =	vst v63  }
0x58: {  	s22 =	simm.s32 $0x7B00  }
0x59: {  	[tilespmem:s22], [sflag:$0x1] =	stream.indirect_vreg.gather [hbm4b:s3+s2], $0x80, v3, vm0, $0xb8;
	[tilespmem:$0x18300] =	vst v63  }
0x5a: {  	s23 =	simm.s32 $0x8300  }
0x5b: {  	[tilespmem:s23], [sflag:$0x1] =	stream.indirect_vreg.gather [hbm4b:s4+s2], $0x80, v3, vm0, $0xb8;
	[tilespmem:$0x18300] =	vst v63  }
0x5c: {  	s24 =	simm.s32 $0x8B00  }
0x5d: {  	[tilespmem:s24], [sflag:$0x1] =	stream.indirect_vreg.gather [hbm4b:s5+s2], $0x80, v3, vm0, $0xb8;
	[tilespmem:$0x18300] =	vst v63  }
0x5e: {  	v3 =	vld [tilespmem:$0x30];
	_ =	sdelay $0x4  }
0x5f: {  	v19 =	vshrl.u32 v3, $0x3  }
0x60: {  	v4 =	vmul.u32 $0x30, v19  }
0x61: {  	v3 =	vand.u32 $0x7, v3  }
0x62: {  	v3 =	vor.u32 v3, v4  }
0x63: {  	v4 =	vperm.xlane v3, v0;
	_ =	sdelay $0x1  }
0x64: {  	v4 =	vadd.s32 v1, v4;
	_ =	sdelay $0x3  }
0x65: {  	s25 =	simm.s32 $0x9300;
	v3 =	vperm.xlane v3, v2  }
0x66: {  	[tilespmem:s25], [sflag:$0x1] =	stream.indirect_vreg.gather [hbm4b:s3+s2], $0x80, v4, vm0, $0xb8;
	[tilespmem:$0x18300] =	vst v63  }
0x67: {  	s28 =	simm.s32 $0x9B00;
	v3 =	vadd.s32 v1, v3  }
0x68: {  	[tilespmem:s28], [sflag:$0x1] =	stream.indirect_vreg.gather [hbm4b:s4+s2], $0x80, v4, vm0, $0xb8;
	[tilespmem:$0x18300] =	vst v63  }
0x69: {  	s29 =	simm.s32 $0xA300  }
0x6a: {  	[tilespmem:s29], [sflag:$0x1] =	stream.indirect_vreg.gather [hbm4b:s5+s2], $0x80, v4, vm0, $0xb8;
	[tilespmem:$0x18300] =	vst v63  }
0x6b: {  	s30 =	simm.s32 $0xAB00  }
0x6c: {  	[tilespmem:s30], [sflag:$0x1] =	stream.indirect_vreg.gather [hbm4b:s3+s2], $0x80, v3, vm0, $0xb8;
	[tilespmem:$0x18300] =	vst v63  }
0x6d: {  	s8 =	simm.s32 $0xB300  }
0x6e: {  	[tilespmem:s8], [sflag:$0x1] =	stream.indirect_vreg.gather [hbm4b:s4+s2], $0x80, v3, vm0, $0xb8;
	[tilespmem:$0x18300] =	vst v63  }
0x6f: {  	s13 =	simm.s32 $0xBB00  }
0x70: {  	[tilespmem:s13], [sflag:$0x1] =	stream.indirect_vreg.gather [hbm4b:s5+s2], $0x80, v3, vm0, $0xb8;
	[tilespmem:$0x18300] =	vst v63  }
0x71: {  	v3 =	vld [tilespmem:$0x100];
	_ =	sdelay $0x4  }
0x72: {  	v20 =	vshrl.u32 v3, $0x3  }
0x73: {  	v4 =	vmul.u32 $0x30, v20  }
0x74: {  	v3 =	vand.u32 $0x7, v3  }
0x75: {  	v3 =	vor.u32 v3, v4  }
0x76: {  	v4 =	vperm.xlane v3, v0;
	_ =	sdelay $0x1  }
0x77: {  	v4 =	vadd.s32 v1, v4;
	_ =	sdelay $0x3  }
0x78: {  	v3 =	vperm.xlane v3, v2  }
0x79: {  	[tilespmem:s0], [sflag:$0x2] =	stream.indirect_vreg.gather [hbm4b:s3+s2], $0x80, v4, vm0, $0xb8;
	[tilespmem:$0x18300] =	vst v63  }
0x7a: {  	s14 =	simm.s32 $0xCB00;
	v3 =	vadd.s32 v1, v3  }
0x7b: {  	[tilespmem:s14], [sflag:$0x2] =	stream.indirect_vreg.gather [hbm4b:s4+s2], $0x80, v4, vm0, $0xb8;
	[tilespmem:$0x18300] =	vst v63  }
0x7c: {  	s17 =	simm.s32 $0xD300  }
0x7d: {  	[tilespmem:s17], [sflag:$0x2] =	stream.indirect_vreg.gather [hbm4b:s5+s2], $0x80, v4, vm0, $0xb8;
	[tilespmem:$0x18300] =	vst v63  }
0x7e: {  	s19 =	simm.s32 $0xDB00  }
0x7f: {  	[tilespmem:s19], [sflag:$0x2] =	stream.indirect_vreg.gather [hbm4b:s3+s2], $0x80, v3, vm0, $0xb8;
	[tilespmem:$0x18300] =	vst v63  }
0x80: {  	s20 =	simm.s32 $0xE300  }
0x81: {  	[tilespmem:s20], [sflag:$0x2] =	stream.indirect_vreg.gather [hbm4b:s4+s2], $0x80, v3, vm0, $0xb8;
	[tilespmem:$0x18300] =	vst v63  }
0x82: {  	s21 =	simm.s32 $0xEB00  }
0x83: {  	[tilespmem:s21], [sflag:$0x2] =	stream.indirect_vreg.gather [hbm4b:s5+s2], $0x80, v3, vm0, $0xb8;
	[tilespmem:$0x18300] =	vst v63  }
0x84: {  	v3 =	vld [tilespmem:$0x110];
	_ =	sdelay $0x4  }
0x85: {  	v21 =	vshrl.u32 v3, $0x3  }
0x86: {  	v4 =	vmul.u32 $0x30, v21  }
0x87: {  	v3 =	vand.u32 $0x7, v3  }
0x88: {  	v3 =	vor.u32 v3, v4  }
0x89: {  	v4 =	vperm.xlane v3, v0;
	_ =	sdelay $0x1  }
0x8a: {  	v4 =	vadd.s32 v1, v4;
	_ =	sdelay $0x3  }
0x8b: {  	s22 =	simm.s32 $0xF300;
	v3 =	vperm.xlane v3, v2  }
0x8c: {  	[tilespmem:s22], [sflag:$0x2] =	stream.indirect_vreg.gather [hbm4b:s3+s2], $0x80, v4, vm0, $0xb8;
	[tilespmem:$0x18300] =	vst v63  }
0x8d: {  	s23 =	simm.s32 $0xFB00;
	v3 =	vadd.s32 v1, v3  }
0x8e: {  	[tilespmem:s23], [sflag:$0x2] =	stream.indirect_vreg.gather [hbm4b:s4+s2], $0x80, v4, vm0, $0xb8;
	[tilespmem:$0x18300] =	vst v63  }
0x8f: {  	s24 =	simm.s32 $0x10300  }
0x90: {  	[tilespmem:s24], [sflag:$0x2] =	stream.indirect_vreg.gather [hbm4b:s5+s2], $0x80, v4, vm0, $0xb8;
	[tilespmem:$0x18300] =	vst v63  }
0x91: {  	s25 =	simm.s32 $0x10B00  }
0x92: {  	[tilespmem:s25], [sflag:$0x2] =	stream.indirect_vreg.gather [hbm4b:s3+s2], $0x80, v3, vm0, $0xb8;
	[tilespmem:$0x18300] =	vst v63  }
0x93: {  	s28 =	simm.s32 $0x11300  }
0x94: {  	[tilespmem:s28], [sflag:$0x2] =	stream.indirect_vreg.gather [hbm4b:s4+s2], $0x80, v3, vm0, $0xb8;
	[tilespmem:$0x18300] =	vst v63  }
0x95: {  	s29 =	simm.s32 $0x11B00  }
0x96: {  	[tilespmem:s29], [sflag:$0x2] =	stream.indirect_vreg.gather [hbm4b:s5+s2], $0x80, v3, vm0, $0xb8;
	[tilespmem:$0x18300] =	vst v63  }
0x97: {  	v3 =	vld [tilespmem:$0x120];
	_ =	sdelay $0x4  }
0x98: {  	v22 =	vshrl.u32 v3, $0x3  }
0x99: {  	v4 =	vmul.u32 $0x30, v22  }
0x9a: {  	v3 =	vand.u32 $0x7, v3  }
0x9b: {  	v3 =	vor.u32 v3, v4  }
0x9c: {  	v4 =	vperm.xlane v3, v0;
	_ =	sdelay $0x1  }
0x9d: {  	v4 =	vadd.s32 v1, v4;
	_ =	sdelay $0x3  }
0x9e: {  	s30 =	simm.s32 $0x12300;
	v3 =	vperm.xlane v3, v2  }
0x9f: {  	[tilespmem:s30], [sflag:$0x2] =	stream.indirect_vreg.gather [hbm4b:s3+s2], $0x80, v4, vm0, $0xb8;
	[tilespmem:$0x18300] =	vst v63  }
0xa0: {  	s8 =	simm.s32 $0x12B00;
	v3 =	vadd.s32 v1, v3  }
0xa1: {  	[tilespmem:s8], [sflag:$0x2] =	stream.indirect_vreg.gather [hbm4b:s4+s2], $0x80, v4, vm0, $0xb8;
	[tilespmem:$0x18300] =	vst v63  }
0xa2: {  	s17 =	simm.s32 $0x13300  }
0xa3: {  	[tilespmem:s17], [sflag:$0x2] =	stream.indirect_vreg.gather [hbm4b:s5+s2], $0x80, v4, vm0, $0xb8;
	[tilespmem:$0x18300] =	vst v63  }
0xa4: {  	s19 =	simm.s32 $0x13B00  }
0xa5: {  	[tilespmem:s19], [sflag:$0x2] =	stream.indirect_vreg.gather [hbm4b:s3+s2], $0x80, v3, vm0, $0xb8;
	[tilespmem:$0x18300] =	vst v63  }
0xa6: {  	s20 =	simm.s32 $0x14300  }
0xa7: {  	[tilespmem:s20], [sflag:$0x2] =	stream.indirect_vreg.gather [hbm4b:s4+s2], $0x80, v3, vm0, $0xb8;
	[tilespmem:$0x18300] =	vst v63  }
0xa8: {  	s21 =	simm.s32 $0x14B00  }
0xa9: {  	[tilespmem:s21], [sflag:$0x2] =	stream.indirect_vreg.gather [hbm4b:s5+s2], $0x80, v3, vm0, $0xb8;
	[tilespmem:$0x18300] =	vst v63  }
0xaa: {  	v3 =	vld [tilespmem:$0x130];
	_ =	sdelay $0x4  }
0xab: {  	v23 =	vshrl.u32 v3, $0x3  }
0xac: {  	v4 =	vmul.u32 $0x30, v23  }
0xad: {  	v3 =	vand.u32 $0x7, v3  }
0xae: {  	v3 =	vor.u32 v3, v4  }
0xaf: {  	v4 =	vperm.xlane v3, v0;
	_ =	sdelay $0x1  }
0xb0: {  	v4 =	vadd.s32 v1, v4;
	_ =	sdelay $0x3  }
0xb1: {  	s22 =	simm.s32 $0x15300;
	v3 =	vperm.xlane v3, v2  }
0xb2: {  	[tilespmem:s22], [sflag:$0x2] =	stream.indirect_vreg.gather [hbm4b:s3+s2], $0x80, v4, vm0, $0xb8;
	[tilespmem:$0x18300] =	vst v63  }
0xb3: {  	s23 =	simm.s32 $0x15B00;
	v3 =	vadd.s32 v1, v3  }
0xb4: {  	[tilespmem:s23], [sflag:$0x2] =	stream.indirect_vreg.gather [hbm4b:s4+s2], $0x80, v4, vm0, $0xb8;
	[tilespmem:$0x18300] =	vst v63  }
0xb5: {  	s24 =	simm.s32 $0x16300  }
0xb6: {  	[tilespmem:s24], [sflag:$0x2] =	stream.indirect_vreg.gather [hbm4b:s5+s2], $0x80, v4, vm0, $0xb8;
	[tilespmem:$0x18300] =	vst v63  }
0xb7: {  	s25 =	simm.s32 $0x16B00  }
0xb8: {  	[tilespmem:s25], [sflag:$0x2] =	stream.indirect_vreg.gather [hbm4b:s3+s2], $0x80, v3, vm0, $0xb8;
	[tilespmem:$0x18300] =	vst v63  }
0xb9: {  	s28 =	simm.s32 $0x17300  }
0xba: {  	[tilespmem:s28], [sflag:$0x2] =	stream.indirect_vreg.gather [hbm4b:s4+s2], $0x80, v3, vm0, $0xb8;
	[tilespmem:$0x18300] =	vst v63  }
0xbb: {  	s29 =	simm.s32 $0x17B00  }
0xbc: {  	[tilespmem:s29], [sflag:$0x2] =	stream.indirect_vreg.gather [hbm4b:s5+s2], $0x80, v3, vm0, $0xb8;
	[tilespmem:$0x18300] =	vst v63  }
0xbd: {  	_ =	swait.ge [sflag:s9], $0xC000  }
0xbe: {  	[sflag:s9] =	ssyncset.done $0x0  }
0xbf: {  	s30 =	rddreg [dreg:$0x5];
	[sflag:s9] =	ssyncadd.s32 $0xFFFF4000  }
0xc0: {  	[hbm4b:s30+s2] =	stream.linear.scatter [tilespmem:s18], [sflag:$0x3], $0xC000, $0x38;
	[tilespmem:$0x18300] =	vst v63  }
0xc1: {  	_ =	swait.ge [sflag:s10], $0xC000  }
0xc2: {  	[sflag:s10] =	ssyncset.done $0x0  }
0xc3: {  	[sflag:s10] =	ssyncadd.s32 $0xFFFF4000  }
0xc4: {  	v3 =	vld [tilespmem:$0x200];
	_ =	sdelay $0x4  }
0xc5: {  	v24 =	vshrl.u32 v3, $0x3  }
0xc6: {  	v4 =	vmul.u32 $0x30, v24  }
0xc7: {  	v3 =	vand.u32 $0x7, v3  }
0xc8: {  	v3 =	vor.u32 v3, v4  }
0xc9: {  	v4 =	vperm.xlane v3, v0;
	_ =	sdelay $0x1  }
0xca: {  	v4 =	vadd.s32 v1, v4;
	_ =	sdelay $0x3  }
0xcb: {  	v3 =	vperm.xlane v3, v2  }
0xcc: {  	[tilespmem:s18], [sflag:$0x1] =	stream.indirect_vreg.gather [hbm4b:s3+s2], $0x80, v4, vm0, $0xb8;
	[tilespmem:$0x18300] =	vst v63  }
0xcd: {  	s8 =	simm.s32 $0xB00;
	v3 =	vadd.s32 v1, v3  }
0xce: {  	[tilespmem:s8], [sflag:$0x1] =	stream.indirect_vreg.gather [hbm4b:s4+s2], $0x80, v4, vm0, $0xb8;
	[tilespmem:$0x18300] =	vst v63  }
0xcf: {  	s19 =	simm.s32 $0x1300  }
0xd0: {  	[tilespmem:s19], [sflag:$0x1] =	stream.indirect_vreg.gather [hbm4b:s5+s2], $0x80, v4, vm0, $0xb8;
	[tilespmem:$0x18300] =	vst v63  }
0xd1: {  	s20 =	simm.s32 $0x1B00  }
0xd2: {  	[tilespmem:s20], [sflag:$0x1] =	stream.indirect_vreg.gather [hbm4b:s3+s2], $0x80, v3, vm0, $0xb8;
	[tilespmem:$0x18300] =	vst v63  }
0xd3: {  	s21 =	simm.s32 $0x2300  }
0xd4: {  	[tilespmem:s21], [sflag:$0x1] =	stream.indirect_vreg.gather [hbm4b:s4+s2], $0x80, v3, vm0, $0xb8;
	[tilespmem:$0x18300] =	vst v63  }
0xd5: {  	s7 =	simm.s32 $0x2B00  }
0xd6: {  	[tilespmem:s7], [sflag:$0x1] =	stream.indirect_vreg.gather [hbm4b:s5+s2], $0x80, v3, vm0, $0xb8;
	[tilespmem:$0x18300] =	vst v63  }
0xd7: {  	v3 =	vld [tilespmem:$0x210];
	_ =	sdelay $0x4  }
0xd8: {  	v25 =	vshrl.u32 v3, $0x3  }
0xd9: {  	v4 =	vmul.u32 $0x30, v25  }
0xda: {  	v3 =	vand.u32 $0x7, v3  }
0xdb: {  	v3 =	vor.u32 v3, v4  }
0xdc: {  	v4 =	vperm.xlane v3, v0;
	_ =	sdelay $0x1  }
0xdd: {  	v4 =	vadd.s32 v1, v4;
	_ =	sdelay $0x3  }
0xde: {  	s15 =	simm.s32 $0x3300;
	v3 =	vperm.xlane v3, v2  }
0xdf: {  	[tilespmem:s15], [sflag:$0x1] =	stream.indirect_vreg.gather [hbm4b:s3+s2], $0x80, v4, vm0, $0xb8;
	[tilespmem:$0x18300] =	vst v63  }
0xe0: {  	s22 =	simm.s32 $0x3B00;
	v3 =	vadd.s32 v1, v3  }
0xe1: {  	[tilespmem:s22], [sflag:$0x1] =	stream.indirect_vreg.gather [hbm4b:s4+s2], $0x80, v4, vm0, $0xb8;
	[tilespmem:$0x18300] =	vst v63  }
0xe2: {  	s23 =	simm.s32 $0x4300  }
0xe3: {  	[tilespmem:s23], [sflag:$0x1] =	stream.indirect_vreg.gather [hbm4b:s5+s2], $0x80, v4, vm0, $0xb8;
	[tilespmem:$0x18300] =	vst v63  }
0xe4: {  	s24 =	simm.s32 $0x4B00  }
0xe5: {  	[tilespmem:s24], [sflag:$0x1] =	stream.indirect_vreg.gather [hbm4b:s3+s2], $0x80, v3, vm0, $0xb8;
	[tilespmem:$0x18300] =	vst v63  }
0xe6: {  	s25 =	simm.s32 $0x5300  }
0xe7: {  	[tilespmem:s25], [sflag:$0x1] =	stream.indirect_vreg.gather [hbm4b:s4+s2], $0x80, v3, vm0, $0xb8;
	[tilespmem:$0x18300] =	vst v63  }
0xe8: {  	s16 =	simm.s32 $0x5B00  }
0xe9: {  	[tilespmem:s16], [sflag:$0x1] =	stream.indirect_vreg.gather [hbm4b:s5+s2], $0x80, v3, vm0, $0xb8;
	[tilespmem:$0x18300] =	vst v63  }
0xea: {  	v3 =	vld [tilespmem:$0x220];
	_ =	sdelay $0x4  }
0xeb: {  	v26 =	vshrl.u32 v3, $0x3  }
0xec: {  	v4 =	vmul.u32 $0x30, v26  }
0xed: {  	v3 =	vand.u32 $0x7, v3  }
0xee: {  	v3 =	vor.u32 v3, v4  }
0xef: {  	v4 =	vperm.xlane v3, v0;
	_ =	sdelay $0x1  }
0xf0: {  	v4 =	vadd.s32 v1, v4;
	_ =	sdelay $0x3  }
0xf1: {  	s26 =	simm.s32 $0x6300;
	v3 =	vperm.xlane v3, v2  }
0xf2: {  	[tilespmem:s26], [sflag:$0x1] =	stream.indirect_vreg.gather [hbm4b:s3+s2], $0x80, v4, vm0, $0xb8;
	[tilespmem:$0x18300] =	vst v63  }
0xf3: {  	v3 =	vadd.s32 v1, v3;
	s26 =	simm.s32 $0x6B00  }
0xf4: {  	[tilespmem:s26], [sflag:$0x1] =	stream.indirect_vreg.gather [hbm4b:s4+s2], $0x80, v4, vm0, $0xb8;
	[tilespmem:$0x18300] =	vst v63  }
0xf5: {  	s28 =	simm.s32 $0x7300  }
0xf6: {  	[tilespmem:s28], [sflag:$0x1] =	stream.indirect_vreg.gather [hbm4b:s5+s2], $0x80, v4, vm0, $0xb8;
	[tilespmem:$0x18300] =	vst v63  }
0xf7: {  	s29 =	simm.s32 $0x7B00  }
0xf8: {  	[tilespmem:s29], [sflag:$0x1] =	stream.indirect_vreg.gather [hbm4b:s3+s2], $0x80, v3, vm0, $0xb8;
	[tilespmem:$0x18300] =	vst v63  }
0xf9: {  	s30 =	simm.s32 $0x8300  }
0xfa: {  	[tilespmem:s30], [sflag:$0x1] =	stream.indirect_vreg.gather [hbm4b:s4+s2], $0x80, v3, vm0, $0xb8;
	[tilespmem:$0x18300] =	vst v63  }
0xfb: {  	s31 =	simm.s32 $0x8B00  }
0xfc: {  	[tilespmem:s31], [sflag:$0x1] =	stream.indirect_vreg.gather [hbm4b:s5+s2], $0x80, v3, vm0, $0xb8;
	[tilespmem:$0x18300] =	vst v63  }
0xfd: {  	v3 =	vld [tilespmem:$0x230];
	_ =	sdelay $0x4  }
0xfe: {  	v27 =	vshrl.u32 v3, $0x3  }
0xff: {  	v4 =	vmul.u32 $0x30, v27  }
0x100: {  	v3 =	vand.u32 $0x7, v3  }
0x101: {  	v3 =	vor.u32 v3, v4  }
0x102: {  	v4 =	vperm.xlane v3, v0;
	_ =	sdelay $0x1  }
0x103: {  	v4 =	vadd.s32 v1, v4;
	_ =	sdelay $0x3  }
0x104: {  	s17 =	simm.s32 $0x9300;
	v3 =	vperm.xlane v3, v2  }
0x105: {  	[tilespmem:s17], [sflag:$0x1] =	stream.indirect_vreg.gather [hbm4b:s3+s2], $0x80, v4, vm0, $0xb8;
	[tilespmem:$0x18300] =	vst v63  }
0x106: {  	s31 =	simm.s32 $0x9B00;
	v3 =	vadd.s32 v1, v3  }
0x107: {  	[tilespmem:s31], [sflag:$0x1] =	stream.indirect_vreg.gather [hbm4b:s4+s2], $0x80, v4, vm0, $0xb8;
	[tilespmem:$0x18300] =	vst v63  }
0x108: {  	s7 =	simm.s32 $0xA300  }
0x109: {  	[tilespmem:s7], [sflag:$0x1] =	stream.indirect_vreg.gather [hbm4b:s5+s2], $0x80, v4, vm0, $0xb8;
	[tilespmem:$0x18300] =	vst v63  }
0x10a: {  	s15 =	simm.s32 $0xAB00  }
0x10b: {  	[tilespmem:s15], [sflag:$0x1] =	stream.indirect_vreg.gather [hbm4b:s3+s2], $0x80, v3, vm0, $0xb8;
	[tilespmem:$0x18300] =	vst v63  }
0x10c: {  	s16 =	simm.s32 $0xB300  }
0x10d: {  	[tilespmem:s16], [sflag:$0x1] =	stream.indirect_vreg.gather [hbm4b:s4+s2], $0x80, v3, vm0, $0xb8;
	[tilespmem:$0x18300] =	vst v63  }
0x10e: {  	s1 =	simm.s32 $0xBB00  }
0x10f: {  	[tilespmem:s1], [sflag:$0x1] =	stream.indirect_vreg.gather [hbm4b:s5+s2], $0x80, v3, vm0, $0xb8;
	[tilespmem:$0x18300] =	vst v63  }
0x110: {  	_ =	swait.ge [sflag:s11], $0xC000  }
0x111: {  	[sflag:s11] =	ssyncset.done $0x0  }
0x112: {  	s1 =	rddreg [dreg:$0x6];
	[sflag:s11] =	ssyncadd.s32 $0xFFFF4000  }
0x113: {  	[hbm4b:s1+s2] =	stream.linear.scatter [tilespmem:s0], [sflag:$0x4], $0xC000, $0x38;
	[tilespmem:$0x18300] =	vst v63  }
0x114: {  	_ =	swait.ge [sflag:s12], $0xC000  }
0x115: {  	[sflag:s12] =	ssyncset.done $0x0  }
0x116: {  	[sflag:s12] =	ssyncadd.s32 $0xFFFF4000  }
0x117: {  	v3 =	vld [tilespmem:$0x40];
	_ =	sdelay $0x4  }
0x118: {  	v28 =	vshrl.u32 v3, $0x3  }
0x119: {  	v4 =	vmul.u32 $0x30, v28  }
0x11a: {  	v3 =	vand.u32 $0x7, v3  }
0x11b: {  	v3 =	vor.u32 v3, v4  }
0x11c: {  	v4 =	vperm.xlane v3, v0;
	_ =	sdelay $0x1  }
0x11d: {  	v4 =	vadd.s32 v1, v4;
	_ =	sdelay $0x3  }
0x11e: {  	v3 =	vperm.xlane v3, v2  }
0x11f: {  	[tilespmem:s0], [sflag:$0x2] =	stream.indirect_vreg.gather [hbm4b:s3+s2], $0x80, v4, vm0, $0xb8;
	[tilespmem:$0x18300] =	vst v63  }
0x120: {  	s13 =	simm.s32 $0xCB00;
	v3 =	vadd.s32 v1, v3  }
0x121: {  	[tilespmem:s13], [sflag:$0x2] =	stream.indirect_vreg.gather [hbm4b:s4+s2], $0x80, v4, vm0, $0xb8;
	[tilespmem:$0x18300] =	vst v63  }
0x122: {  	s13 =	simm.s32 $0xD300  }
0x123: {  	[tilespmem:s13], [sflag:$0x2] =	stream.indirect_vreg.gather [hbm4b:s5+s2], $0x80, v4, vm0, $0xb8;
	[tilespmem:$0x18300] =	vst v63  }
0x124: {  	s13 =	simm.s32 $0xDB00  }
0x125: {  	[tilespmem:s13], [sflag:$0x2] =	stream.indirect_vreg.gather [hbm4b:s3+s2], $0x80, v3, vm0, $0xb8;
	[tilespmem:$0x18300] =	vst v63  }
0x126: {  	s13 =	simm.s32 $0xE300  }
0x127: {  	[tilespmem:s13], [sflag:$0x2] =	stream.indirect_vreg.gather [hbm4b:s4+s2], $0x80, v3, vm0, $0xb8;
	[tilespmem:$0x18300] =	vst v63  }
0x128: {  	s13 =	simm.s32 $0xEB00  }
0x129: {  	[tilespmem:s13], [sflag:$0x2] =	stream.indirect_vreg.gather [hbm4b:s5+s2], $0x80, v3, vm0, $0xb8;
	[tilespmem:$0x18300] =	vst v63  }
0x12a: {  	v3 =	vld [tilespmem:$0x50];
	_ =	sdelay $0x4  }
0x12b: {  	v29 =	vshrl.u32 v3, $0x3  }
0x12c: {  	v4 =	vmul.u32 $0x30, v29  }
0x12d: {  	v3 =	vand.u32 $0x7, v3  }
0x12e: {  	v3 =	vor.u32 v3, v4  }
0x12f: {  	v4 =	vperm.xlane v3, v0;
	_ =	sdelay $0x1  }
0x130: {  	v4 =	vadd.s32 v1, v4;
	_ =	sdelay $0x3  }
0x131: {  	s13 =	simm.s32 $0xF300;
	v3 =	vperm.xlane v3, v2  }
0x132: {  	[tilespmem:s13], [sflag:$0x2] =	stream.indirect_vreg.gather [hbm4b:s3+s2], $0x80, v4, vm0, $0xb8;
	[tilespmem:$0x18300] =	vst v63  }
0x133: {  	v3 =	vadd.s32 v1, v3;
	s13 =	simm.s32 $0xFB00  }
0x134: {  	[tilespmem:s13], [sflag:$0x2] =	stream.indirect_vreg.gather [hbm4b:s4+s2], $0x80, v4, vm0, $0xb8;
	[tilespmem:$0x18300] =	vst v63  }
0x135: {  	s13 =	simm.s32 $0x10300  }
0x136: {  	[tilespmem:s13], [sflag:$0x2] =	stream.indirect_vreg.gather [hbm4b:s5+s2], $0x80, v4, vm0, $0xb8;
	[tilespmem:$0x18300] =	vst v63  }
0x137: {  	s13 =	simm.s32 $0x10B00  }
0x138: {  	[tilespmem:s13], [sflag:$0x2] =	stream.indirect_vreg.gather [hbm4b:s3+s2], $0x80, v3, vm0, $0xb8;
	[tilespmem:$0x18300] =	vst v63  }
0x139: {  	s13 =	simm.s32 $0x11300  }
0x13a: {  	[tilespmem:s13], [sflag:$0x2] =	stream.indirect_vreg.gather [hbm4b:s4+s2], $0x80, v3, vm0, $0xb8;
	[tilespmem:$0x18300] =	vst v63  }
0x13b: {  	s14 =	simm.s32 $0x11B00  }
0x13c: {  	[tilespmem:s14], [sflag:$0x2] =	stream.indirect_vreg.gather [hbm4b:s5+s2], $0x80, v3, vm0, $0xb8;
	[tilespmem:$0x18300] =	vst v63  }
0x13d: {  	v3 =	vld [tilespmem:$0x60];
	_ =	sdelay $0x4  }
0x13e: {  	v30 =	vshrl.u32 v3, $0x3  }
0x13f: {  	v4 =	vmul.u32 $0x30, v30  }
0x140: {  	v3 =	vand.u32 $0x7, v3  }
0x141: {  	v3 =	vor.u32 v3, v4  }
0x142: {  	v4 =	vperm.xlane v3, v0;
	_ =	sdelay $0x1  }
0x143: {  	v4 =	vadd.s32 v1, v4;
	_ =	sdelay $0x3  }
0x144: {  	s14 =	simm.s32 $0x12300;
	v3 =	vperm.xlane v3, v2  }
0x145: {  	[tilespmem:s14], [sflag:$0x2] =	stream.indirect_vreg.gather [hbm4b:s3+s2], $0x80, v4, vm0, $0xb8;
	[tilespmem:$0x18300] =	vst v63  }
0x146: {  	v3 =	vadd.s32 v1, v3;
	s14 =	simm.s32 $0x12B00  }
0x147: {  	[tilespmem:s14], [sflag:$0x2] =	stream.indirect_vreg.gather [hbm4b:s4+s2], $0x80, v4, vm0, $0xb8;
	[tilespmem:$0x18300] =	vst v63  }
0x148: {  	s13 =	simm.s32 $0x13300  }
0x149: {  	[tilespmem:s13], [sflag:$0x2] =	stream.indirect_vreg.gather [hbm4b:s5+s2], $0x80, v4, vm0, $0xb8;
	[tilespmem:$0x18300] =	vst v63  }
0x14a: {  	s13 =	simm.s32 $0x13B00  }
0x14b: {  	[tilespmem:s13], [sflag:$0x2] =	stream.indirect_vreg.gather [hbm4b:s3+s2], $0x80, v3, vm0, $0xb8;
	[tilespmem:$0x18300] =	vst v63  }
0x14c: {  	s13 =	simm.s32 $0x14300  }
0x14d: {  	[tilespmem:s13], [sflag:$0x2] =	stream.indirect_vreg.gather [hbm4b:s4+s2], $0x80, v3, vm0, $0xb8;
	[tilespmem:$0x18300] =	vst v63  }
0x14e: {  	s13 =	simm.s32 $0x14B00  }
0x14f: {  	[tilespmem:s13], [sflag:$0x2] =	stream.indirect_vreg.gather [hbm4b:s5+s2], $0x80, v3, vm0, $0xb8;
	[tilespmem:$0x18300] =	vst v63  }
0x150: {  	v3 =	vld [tilespmem:$0x70];
	_ =	sdelay $0x4  }
0x151: {  	v31 =	vshrl.u32 v3, $0x3  }
0x152: {  	v4 =	vmul.u32 $0x30, v31  }
0x153: {  	v3 =	vand.u32 $0x7, v3  }
0x154: {  	v3 =	vor.u32 v3, v4  }
0x155: {  	v4 =	vperm.xlane v3, v0;
	_ =	sdelay $0x1  }
0x156: {  	v4 =	vadd.s32 v1, v4;
	_ =	sdelay $0x3  }
0x157: {  	s13 =	simm.s32 $0x15300;
	v3 =	vperm.xlane v3, v2  }
0x158: {  	[tilespmem:s13], [sflag:$0x2] =	stream.indirect_vreg.gather [hbm4b:s3+s2], $0x80, v4, vm0, $0xb8;
	[tilespmem:$0x18300] =	vst v63  }
0x159: {  	v3 =	vadd.s32 v1, v3;
	s13 =	simm.s32 $0x15B00  }
0x15a: {  	[tilespmem:s13], [sflag:$0x2] =	stream.indirect_vreg.gather [hbm4b:s4+s2], $0x80, v4, vm0, $0xb8;
	[tilespmem:$0x18300] =	vst v63  }
0x15b: {  	s13 =	simm.s32 $0x16300  }
0x15c: {  	[tilespmem:s13], [sflag:$0x2] =	stream.indirect_vreg.gather [hbm4b:s5+s2], $0x80, v4, vm0, $0xb8;
	[tilespmem:$0x18300] =	vst v63  }
0x15d: {  	s13 =	simm.s32 $0x16B00  }
0x15e: {  	[tilespmem:s13], [sflag:$0x2] =	stream.indirect_vreg.gather [hbm4b:s3+s2], $0x80, v3, vm0, $0xb8;
	[tilespmem:$0x18300] =	vst v63  }
0x15f: {  	s13 =	simm.s32 $0x17300  }
0x160: {  	[tilespmem:s13], [sflag:$0x2] =	stream.indirect_vreg.gather [hbm4b:s4+s2], $0x80, v3, vm0, $0xb8;
	[tilespmem:$0x18300] =	vst v63  }
0x161: {  	s13 =	simm.s32 $0x17B00  }
0x162: {  	[tilespmem:s13], [sflag:$0x2] =	stream.indirect_vreg.gather [hbm4b:s5+s2], $0x80, v3, vm0, $0xb8;
	[tilespmem:$0x18300] =	vst v63  }
0x163: {  	_ =	swait.ge [sflag:s9], $0xC000  }
0x164: {  	[sflag:s9] =	ssyncset.done $0x0  }
0x165: {  	s13 =	rddreg [dreg:$0x7];
	[sflag:s9] =	ssyncadd.s32 $0xFFFF4000  }
0x166: {  	[hbm4b:s13+s2] =	stream.linear.scatter [tilespmem:s18], [sflag:$0x3], $0xC000, $0x38;
	[tilespmem:$0x18300] =	vst v63  }
0x167: {  	_ =	swait.ge [sflag:s10], $0xC000  }
0x168: {  	[sflag:s10] =	ssyncset.done $0x0  }
0x169: {  	[sflag:s10] =	ssyncadd.s32 $0xFFFF4000  }
0x16a: {  	v3 =	vld [tilespmem:$0x140];
	_ =	sdelay $0x4  }
0x16b: {  	v32 =	vshrl.u32 v3, $0x3  }
0x16c: {  	v4 =	vmul.u32 $0x30, v32  }
0x16d: {  	v3 =	vand.u32 $0x7, v3  }
0x16e: {  	v3 =	vor.u32 v3, v4  }
0x16f: {  	v4 =	vperm.xlane v3, v0;
	_ =	sdelay $0x1  }
0x170: {  	v4 =	vadd.s32 v1, v4;
	_ =	sdelay $0x3  }
0x171: {  	v3 =	vperm.xlane v3, v2  }
0x172: {  	[tilespmem:s18], [sflag:$0x1] =	stream.indirect_vreg.gather [hbm4b:s3+s2], $0x80, v4, vm0, $0xb8;
	[tilespmem:$0x18300] =	vst v63  }
0x173: {  	v3 =	vadd.s32 v1, v3  }
0x174: {  	[tilespmem:s8], [sflag:$0x1] =	stream.indirect_vreg.gather [hbm4b:s4+s2], $0x80, v4, vm0, $0xb8;
	[tilespmem:$0x18300] =	vst v63  }
0x175: {  	_ = 	snop  }
0x176: {  	[tilespmem:s19], [sflag:$0x1] =	stream.indirect_vreg.gather [hbm4b:s5+s2], $0x80, v4, vm0, $0xb8;
	[tilespmem:$0x18300] =	vst v63  }
0x177: {  	_ = 	snop  }
0x178: {  	[tilespmem:s20], [sflag:$0x1] =	stream.indirect_vreg.gather [hbm4b:s3+s2], $0x80, v3, vm0, $0xb8;
	[tilespmem:$0x18300] =	vst v63  }
0x179: {  	_ = 	snop  }
0x17a: {  	[tilespmem:s21], [sflag:$0x1] =	stream.indirect_vreg.gather [hbm4b:s4+s2], $0x80, v3, vm0, $0xb8;
	[tilespmem:$0x18300] =	vst v63  }
0x17b: {  	s13 =	simm.s32 $0x2B00  }
0x17c: {  	[tilespmem:s13], [sflag:$0x1] =	stream.indirect_vreg.gather [hbm4b:s5+s2], $0x80, v3, vm0, $0xb8;
	[tilespmem:$0x18300] =	vst v63  }
0x17d: {  	v3 =	vld [tilespmem:$0x150];
	_ =	sdelay $0x4  }
0x17e: {  	v33 =	vshrl.u32 v3, $0x3  }
0x17f: {  	v4 =	vmul.u32 $0x30, v33  }
0x180: {  	v3 =	vand.u32 $0x7, v3  }
0x181: {  	v3 =	vor.u32 v3, v4  }
0x182: {  	v4 =	vperm.xlane v3, v0;
	_ =	sdelay $0x1  }
0x183: {  	v4 =	vadd.s32 v1, v4;
	_ =	sdelay $0x3  }
0x184: {  	s13 =	simm.s32 $0x3300;
	v3 =	vperm.xlane v3, v2  }
0x185: {  	[tilespmem:s13], [sflag:$0x1] =	stream.indirect_vreg.gather [hbm4b:s3+s2], $0x80, v4, vm0, $0xb8;
	[tilespmem:$0x18300] =	vst v63  }
0x186: {  	v3 =	vadd.s32 v1, v3  }
0x187: {  	[tilespmem:s22], [sflag:$0x1] =	stream.indirect_vreg.gather [hbm4b:s4+s2], $0x80, v4, vm0, $0xb8;
	[tilespmem:$0x18300] =	vst v63  }
0x188: {  	_ = 	snop  }
0x189: {  	[tilespmem:s23], [sflag:$0x1] =	stream.indirect_vreg.gather [hbm4b:s5+s2], $0x80, v4, vm0, $0xb8;
	[tilespmem:$0x18300] =	vst v63  }
0x18a: {  	_ = 	snop  }
0x18b: {  	[tilespmem:s24], [sflag:$0x1] =	stream.indirect_vreg.gather [hbm4b:s3+s2], $0x80, v3, vm0, $0xb8;
	[tilespmem:$0x18300] =	vst v63  }
0x18c: {  	_ = 	snop  }
0x18d: {  	[tilespmem:s25], [sflag:$0x1] =	stream.indirect_vreg.gather [hbm4b:s4+s2], $0x80, v3, vm0, $0xb8;
	[tilespmem:$0x18300] =	vst v63  }
0x18e: {  	s13 =	simm.s32 $0x5B00  }
0x18f: {  	[tilespmem:s13], [sflag:$0x1] =	stream.indirect_vreg.gather [hbm4b:s5+s2], $0x80, v3, vm0, $0xb8;
	[tilespmem:$0x18300] =	vst v63  }
0x190: {  	v3 =	vld [tilespmem:$0x160];
	_ =	sdelay $0x4  }
0x191: {  	v34 =	vshrl.u32 v3, $0x3  }
0x192: {  	v4 =	vmul.u32 $0x30, v34  }
0x193: {  	v3 =	vand.u32 $0x7, v3  }
0x194: {  	v3 =	vor.u32 v3, v4  }
0x195: {  	v4 =	vperm.xlane v3, v0;
	_ =	sdelay $0x1  }
0x196: {  	v4 =	vadd.s32 v1, v4;
	_ =	sdelay $0x3  }
0x197: {  	s13 =	simm.s32 $0x6300;
	v3 =	vperm.xlane v3, v2  }
0x198: {  	[tilespmem:s13], [sflag:$0x1] =	stream.indirect_vreg.gather [hbm4b:s3+s2], $0x80, v4, vm0, $0xb8;
	[tilespmem:$0x18300] =	vst v63  }
0x199: {  	v3 =	vadd.s32 v1, v3  }
0x19a: {  	[tilespmem:s26], [sflag:$0x1] =	stream.indirect_vreg.gather [hbm4b:s4+s2], $0x80, v4, vm0, $0xb8;
	[tilespmem:$0x18300] =	vst v63  }
0x19b: {  	_ = 	snop  }
0x19c: {  	[tilespmem:s28], [sflag:$0x1] =	stream.indirect_vreg.gather [hbm4b:s5+s2], $0x80, v4, vm0, $0xb8;
	[tilespmem:$0x18300] =	vst v63  }
0x19d: {  	_ = 	snop  }
0x19e: {  	[tilespmem:s29], [sflag:$0x1] =	stream.indirect_vreg.gather [hbm4b:s3+s2], $0x80, v3, vm0, $0xb8;
	[tilespmem:$0x18300] =	vst v63  }
0x19f: {  	_ = 	snop  }
0x1a0: {  	[tilespmem:s30], [sflag:$0x1] =	stream.indirect_vreg.gather [hbm4b:s4+s2], $0x80, v3, vm0, $0xb8;
	[tilespmem:$0x18300] =	vst v63  }
0x1a1: {  	s13 =	simm.s32 $0x8B00  }
0x1a2: {  	[tilespmem:s13], [sflag:$0x1] =	stream.indirect_vreg.gather [hbm4b:s5+s2], $0x80, v3, vm0, $0xb8;
	[tilespmem:$0x18300] =	vst v63  }
0x1a3: {  	v3 =	vld [tilespmem:$0x170];
	_ =	sdelay $0x4  }
0x1a4: {  	v35 =	vshrl.u32 v3, $0x3  }
0x1a5: {  	v4 =	vmul.u32 $0x30, v35  }
0x1a6: {  	v3 =	vand.u32 $0x7, v3  }
0x1a7: {  	v3 =	vor.u32 v3, v4  }
0x1a8: {  	v4 =	vperm.xlane v3, v0;
	_ =	sdelay $0x1  }
0x1a9: {  	v4 =	vadd.s32 v1, v4;
	_ =	sdelay $0x3  }
0x1aa: {  	v3 =	vperm.xlane v3, v2  }
0x1ab: {  	[tilespmem:s17], [sflag:$0x1] =	stream.indirect_vreg.gather [hbm4b:s3+s2], $0x80, v4, vm0, $0xb8;
	[tilespmem:$0x18300] =	vst v63  }
0x1ac: {  	v3 =	vadd.s32 v1, v3  }
0x1ad: {  	[tilespmem:s31], [sflag:$0x1] =	stream.indirect_vreg.gather [hbm4b:s4+s2], $0x80, v4, vm0, $0xb8;
	[tilespmem:$0x18300] =	vst v63  }
0x1ae: {  	_ = 	snop  }
0x1af: {  	[tilespmem:s7], [sflag:$0x1] =	stream.indirect_vreg.gather [hbm4b:s5+s2], $0x80, v4, vm0, $0xb8;
	[tilespmem:$0x18300] =	vst v63  }
0x1b0: {  	_ = 	snop  }
0x1b1: {  	[tilespmem:s15], [sflag:$0x1] =	stream.indirect_vreg.gather [hbm4b:s3+s2], $0x80, v3, vm0, $0xb8;
	[tilespmem:$0x18300] =	vst v63  }
0x1b2: {  	_ = 	snop  }
0x1b3: {  	[tilespmem:s16], [sflag:$0x1] =	stream.indirect_vreg.gather [hbm4b:s4+s2], $0x80, v3, vm0, $0xb8;
	[tilespmem:$0x18300] =	vst v63  }
0x1b4: {  	s15 =	simm.s32 $0xBB00  }
0x1b5: {  	[tilespmem:s15], [sflag:$0x1] =	stream.indirect_vreg.gather [hbm4b:s5+s2], $0x80, v3, vm0, $0xb8;
	[tilespmem:$0x18300] =	vst v63  }
0x1b6: {  	_ =	swait.ge [sflag:s11], $0xC000  }
0x1b7: {  	[sflag:s11] =	ssyncset.done $0x0  }
0x1b8: {  	s31 =	rddreg [dreg:$0x8];
	[sflag:s11] =	ssyncadd.s32 $0xFFFF4000  }
0x1b9: {  	[hbm4b:s31+s2] =	stream.linear.scatter [tilespmem:s0], [sflag:$0x4], $0xC000, $0x38;
	[tilespmem:$0x18300] =	vst v63  }
0x1ba: {  	_ =	swait.ge [sflag:s12], $0xC000  }
0x1bb: {  	[sflag:s12] =	ssyncset.done $0x0  }
0x1bc: {  	[sflag:s12] =	ssyncadd.s32 $0xFFFF4000  }
0x1bd: {  	v3 =	vld [tilespmem:$0x240];
	_ =	sdelay $0x4  }
0x1be: {  	v36 =	vshrl.u32 v3, $0x3  }
0x1bf: {  	v4 =	vmul.u32 $0x30, v36  }
0x1c0: {  	v3 =	vand.u32 $0x7, v3  }
0x1c1: {  	v3 =	vor.u32 v3, v4  }
0x1c2: {  	v4 =	vperm.xlane v3, v0;
	_ =	sdelay $0x1  }
0x1c3: {  	v4 =	vadd.s32 v1, v4;
	_ =	sdelay $0x3  }
0x1c4: {  	v3 =	vperm.xlane v3, v2  }
0x1c5: {  	[tilespmem:s0], [sflag:$0x2] =	stream.indirect_vreg.gather [hbm4b:s3+s2], $0x80, v4, vm0, $0xb8;
	[tilespmem:$0x18300] =	vst v63  }
0x1c6: {  	s1 =	simm.s32 $0xCB00;
	v3 =	vadd.s32 v1, v3  }
0x1c7: {  	[tilespmem:s1], [sflag:$0x2] =	stream.indirect_vreg.gather [hbm4b:s4+s2], $0x80, v4, vm0, $0xb8;
	[tilespmem:$0x18300] =	vst v63  }
0x1c8: {  	s13 =	simm.s32 $0xD300  }
0x1c9: {  	[tilespmem:s13], [sflag:$0x2] =	stream.indirect_vreg.gather [hbm4b:s5+s2], $0x80, v4, vm0, $0xb8;
	[tilespmem:$0x18300] =	vst v63  }
0x1ca: {  	s15 =	simm.s32 $0xDB00  }
0x1cb: {  	[tilespmem:s15], [sflag:$0x2] =	stream.indirect_vreg.gather [hbm4b:s3+s2], $0x80, v3, vm0, $0xb8;
	[tilespmem:$0x18300] =	vst v63  }
0x1cc: {  	s13 =	simm.s32 $0xE300  }
0x1cd: {  	[tilespmem:s13], [sflag:$0x2] =	stream.indirect_vreg.gather [hbm4b:s4+s2], $0x80, v3, vm0, $0xb8;
	[tilespmem:$0x18300] =	vst v63  }
0x1ce: {  	s13 =	simm.s32 $0xEB00  }
0x1cf: {  	[tilespmem:s13], [sflag:$0x2] =	stream.indirect_vreg.gather [hbm4b:s5+s2], $0x80, v3, vm0, $0xb8;
	[tilespmem:$0x18300] =	vst v63  }
0x1d0: {  	v3 =	vld [tilespmem:$0x250];
	_ =	sdelay $0x4  }
0x1d1: {  	v37 =	vshrl.u32 v3, $0x3  }
0x1d2: {  	v4 =	vmul.u32 $0x30, v37  }
0x1d3: {  	v3 =	vand.u32 $0x7, v3  }
0x1d4: {  	v3 =	vor.u32 v3, v4  }
0x1d5: {  	v4 =	vperm.xlane v3, v0;
	_ =	sdelay $0x1  }
0x1d6: {  	v4 =	vadd.s32 v1, v4;
	_ =	sdelay $0x3  }
0x1d7: {  	s13 =	simm.s32 $0xF300;
	v3 =	vperm.xlane v3, v2  }
0x1d8: {  	[tilespmem:s13], [sflag:$0x2] =	stream.indirect_vreg.gather [hbm4b:s3+s2], $0x80, v4, vm0, $0xb8;
	[tilespmem:$0x18300] =	vst v63  }
0x1d9: {  	v3 =	vadd.s32 v1, v3;
	s13 =	simm.s32 $0xFB00  }
0x1da: {  	[tilespmem:s13], [sflag:$0x2] =	stream.indirect_vreg.gather [hbm4b:s4+s2], $0x80, v4, vm0, $0xb8;
	[tilespmem:$0x18300] =	vst v63  }
0x1db: {  	s13 =	simm.s32 $0x10300  }
0x1dc: {  	[tilespmem:s13], [sflag:$0x2] =	stream.indirect_vreg.gather [hbm4b:s5+s2], $0x80, v4, vm0, $0xb8;
	[tilespmem:$0x18300] =	vst v63  }
0x1dd: {  	s13 =	simm.s32 $0x10B00  }
0x1de: {  	[tilespmem:s13], [sflag:$0x2] =	stream.indirect_vreg.gather [hbm4b:s3+s2], $0x80, v3, vm0, $0xb8;
	[tilespmem:$0x18300] =	vst v63  }
0x1df: {  	s13 =	simm.s32 $0x11300  }
0x1e0: {  	[tilespmem:s13], [sflag:$0x2] =	stream.indirect_vreg.gather [hbm4b:s4+s2], $0x80, v3, vm0, $0xb8;
	[tilespmem:$0x18300] =	vst v63  }
0x1e1: {  	s13 =	simm.s32 $0x11B00  }
0x1e2: {  	[tilespmem:s13], [sflag:$0x2] =	stream.indirect_vreg.gather [hbm4b:s5+s2], $0x80, v3, vm0, $0xb8;
	[tilespmem:$0x18300] =	vst v63  }
0x1e3: {  	v3 =	vld [tilespmem:$0x260];
	_ =	sdelay $0x4  }
0x1e4: {  	v38 =	vshrl.u32 v3, $0x3  }
0x1e5: {  	v4 =	vmul.u32 $0x30, v38  }
0x1e6: {  	v3 =	vand.u32 $0x7, v3  }
0x1e7: {  	v3 =	vor.u32 v3, v4  }
0x1e8: {  	v4 =	vperm.xlane v3, v0;
	_ =	sdelay $0x1  }
0x1e9: {  	v4 =	vadd.s32 v1, v4;
	_ =	sdelay $0x3  }
0x1ea: {  	s13 =	simm.s32 $0x12300;
	v3 =	vperm.xlane v3, v2  }
0x1eb: {  	[tilespmem:s13], [sflag:$0x2] =	stream.indirect_vreg.gather [hbm4b:s3+s2], $0x80, v4, vm0, $0xb8;
	[tilespmem:$0x18300] =	vst v63  }
0x1ec: {  	s14 =	simm.s32 $0x12B00;
	v3 =	vadd.s32 v1, v3  }
0x1ed: {  	[tilespmem:s14], [sflag:$0x2] =	stream.indirect_vreg.gather [hbm4b:s4+s2], $0x80, v4, vm0, $0xb8;
	[tilespmem:$0x18300] =	vst v63  }
0x1ee: {  	s13 =	simm.s32 $0x13300  }
0x1ef: {  	[tilespmem:s13], [sflag:$0x2] =	stream.indirect_vreg.gather [hbm4b:s5+s2], $0x80, v4, vm0, $0xb8;
	[tilespmem:$0x18300] =	vst v63  }
0x1f0: {  	s13 =	simm.s32 $0x13B00  }
0x1f1: {  	[tilespmem:s13], [sflag:$0x2] =	stream.indirect_vreg.gather [hbm4b:s3+s2], $0x80, v3, vm0, $0xb8;
	[tilespmem:$0x18300] =	vst v63  }
0x1f2: {  	s13 =	simm.s32 $0x14300  }
0x1f3: {  	[tilespmem:s13], [sflag:$0x2] =	stream.indirect_vreg.gather [hbm4b:s4+s2], $0x80, v3, vm0, $0xb8;
	[tilespmem:$0x18300] =	vst v63  }
0x1f4: {  	s13 =	simm.s32 $0x14B00  }
0x1f5: {  	[tilespmem:s13], [sflag:$0x2] =	stream.indirect_vreg.gather [hbm4b:s5+s2], $0x80, v3, vm0, $0xb8;
	[tilespmem:$0x18300] =	vst v63  }
0x1f6: {  	v3 =	vld [tilespmem:$0x270];
	_ =	sdelay $0x4  }
0x1f7: {  	v39 =	vshrl.u32 v3, $0x3  }
0x1f8: {  	v4 =	vmul.u32 $0x30, v39  }
0x1f9: {  	v3 =	vand.u32 $0x7, v3  }
0x1fa: {  	v3 =	vor.u32 v3, v4  }
0x1fb: {  	v4 =	vperm.xlane v3, v0;
	_ =	sdelay $0x1  }
0x1fc: {  	v4 =	vadd.s32 v1, v4;
	_ =	sdelay $0x3  }
0x1fd: {  	s13 =	simm.s32 $0x15300;
	v3 =	vperm.xlane v3, v2  }
0x1fe: {  	[tilespmem:s13], [sflag:$0x2] =	stream.indirect_vreg.gather [hbm4b:s3+s2], $0x80, v4, vm0, $0xb8;
	[tilespmem:$0x18300] =	vst v63  }
0x1ff: {  	v3 =	vadd.s32 v1, v3;
	s13 =	simm.s32 $0x15B00  }
0x200: {  	[tilespmem:s13], [sflag:$0x2] =	stream.indirect_vreg.gather [hbm4b:s4+s2], $0x80, v4, vm0, $0xb8;
	[tilespmem:$0x18300] =	vst v63  }
0x201: {  	s13 =	simm.s32 $0x16300  }
0x202: {  	[tilespmem:s13], [sflag:$0x2] =	stream.indirect_vreg.gather [hbm4b:s5+s2], $0x80, v4, vm0, $0xb8;
	[tilespmem:$0x18300] =	vst v63  }
0x203: {  	s13 =	simm.s32 $0x16B00  }
0x204: {  	[tilespmem:s13], [sflag:$0x2] =	stream.indirect_vreg.gather [hbm4b:s3+s2], $0x80, v3, vm0, $0xb8;
	[tilespmem:$0x18300] =	vst v63  }
0x205: {  	s13 =	simm.s32 $0x17300  }
0x206: {  	[tilespmem:s13], [sflag:$0x2] =	stream.indirect_vreg.gather [hbm4b:s4+s2], $0x80, v3, vm0, $0xb8;
	[tilespmem:$0x18300] =	vst v63  }
0x207: {  	s13 =	simm.s32 $0x17B00  }
0x208: {  	[tilespmem:s13], [sflag:$0x2] =	stream.indirect_vreg.gather [hbm4b:s5+s2], $0x80, v3, vm0, $0xb8;
	[tilespmem:$0x18300] =	vst v63  }
0x209: {  	_ =	swait.ge [sflag:s9], $0xC000  }
0x20a: {  	[sflag:s9] =	ssyncset.done $0x0  }
0x20b: {  	s13 =	rddreg [dreg:$0x9];
	[sflag:s9] =	ssyncadd.s32 $0xFFFF4000  }
0x20c: {  	[hbm4b:s13+s2] =	stream.linear.scatter [tilespmem:s18], [sflag:$0x3], $0xC000, $0x38;
	[tilespmem:$0x18300] =	vst v63  }
0x20d: {  	_ =	swait.ge [sflag:s10], $0xC000  }
0x20e: {  	[sflag:s10] =	ssyncset.done $0x0  }
0x20f: {  	[sflag:s10] =	ssyncadd.s32 $0xFFFF4000  }
0x210: {  	v3 =	vld [tilespmem:$0x80];
	_ =	sdelay $0x4  }
0x211: {  	v40 =	vshrl.u32 v3, $0x3  }
0x212: {  	v4 =	vmul.u32 $0x30, v40  }
0x213: {  	v3 =	vand.u32 $0x7, v3  }
0x214: {  	v3 =	vor.u32 v3, v4  }
0x215: {  	v4 =	vperm.xlane v3, v0;
	_ =	sdelay $0x1  }
0x216: {  	v4 =	vadd.s32 v1, v4;
	_ =	sdelay $0x3  }
0x217: {  	v3 =	vperm.xlane v3, v2  }
0x218: {  	[tilespmem:s18], [sflag:$0x1] =	stream.indirect_vreg.gather [hbm4b:s3+s2], $0x80, v4, vm0, $0xb8;
	[tilespmem:$0x18300] =	vst v63  }
0x219: {  	s8 =	simm.s32 $0xB00;
	v3 =	vadd.s32 v1, v3  }
0x21a: {  	[tilespmem:s8], [sflag:$0x1] =	stream.indirect_vreg.gather [hbm4b:s4+s2], $0x80, v4, vm0, $0xb8;
	[tilespmem:$0x18300] =	vst v63  }
0x21b: {  	s19 =	simm.s32 $0x1300  }
0x21c: {  	[tilespmem:s19], [sflag:$0x1] =	stream.indirect_vreg.gather [hbm4b:s5+s2], $0x80, v4, vm0, $0xb8;
	[tilespmem:$0x18300] =	vst v63  }
0x21d: {  	s20 =	simm.s32 $0x1B00  }
0x21e: {  	[tilespmem:s20], [sflag:$0x1] =	stream.indirect_vreg.gather [hbm4b:s3+s2], $0x80, v3, vm0, $0xb8;
	[tilespmem:$0x18300] =	vst v63  }
0x21f: {  	s21 =	simm.s32 $0x2300  }
0x220: {  	[tilespmem:s21], [sflag:$0x1] =	stream.indirect_vreg.gather [hbm4b:s4+s2], $0x80, v3, vm0, $0xb8;
	[tilespmem:$0x18300] =	vst v63  }
0x221: {  	s13 =	simm.s32 $0x2B00  }
0x222: {  	[tilespmem:s13], [sflag:$0x1] =	stream.indirect_vreg.gather [hbm4b:s5+s2], $0x80, v3, vm0, $0xb8;
	[tilespmem:$0x18300] =	vst v63  }
0x223: {  	v3 =	vld [tilespmem:$0x90];
	_ =	sdelay $0x4  }
0x224: {  	v41 =	vshrl.u32 v3, $0x3  }
0x225: {  	v4 =	vmul.u32 $0x30, v41  }
0x226: {  	v3 =	vand.u32 $0x7, v3  }
0x227: {  	v3 =	vor.u32 v3, v4  }
0x228: {  	v4 =	vperm.xlane v3, v0;
	_ =	sdelay $0x1  }
0x229: {  	v4 =	vadd.s32 v1, v4;
	_ =	sdelay $0x3  }
0x22a: {  	s13 =	simm.s32 $0x3300;
	v3 =	vperm.xlane v3, v2  }
0x22b: {  	[tilespmem:s13], [sflag:$0x1] =	stream.indirect_vreg.gather [hbm4b:s3+s2], $0x80, v4, vm0, $0xb8;
	[tilespmem:$0x18300] =	vst v63  }
0x22c: {  	s22 =	simm.s32 $0x3B00;
	v3 =	vadd.s32 v1, v3  }
0x22d: {  	[tilespmem:s22], [sflag:$0x1] =	stream.indirect_vreg.gather [hbm4b:s4+s2], $0x80, v4, vm0, $0xb8;
	[tilespmem:$0x18300] =	vst v63  }
0x22e: {  	s23 =	simm.s32 $0x4300  }
0x22f: {  	[tilespmem:s23], [sflag:$0x1] =	stream.indirect_vreg.gather [hbm4b:s5+s2], $0x80, v4, vm0, $0xb8;
	[tilespmem:$0x18300] =	vst v63  }
0x230: {  	s24 =	simm.s32 $0x4B00  }
0x231: {  	[tilespmem:s24], [sflag:$0x1] =	stream.indirect_vreg.gather [hbm4b:s3+s2], $0x80, v3, vm0, $0xb8;
	[tilespmem:$0x18300] =	vst v63  }
0x232: {  	s25 =	simm.s32 $0x5300  }
0x233: {  	[tilespmem:s25], [sflag:$0x1] =	stream.indirect_vreg.gather [hbm4b:s4+s2], $0x80, v3, vm0, $0xb8;
	[tilespmem:$0x18300] =	vst v63  }
0x234: {  	s13 =	simm.s32 $0x5B00  }
0x235: {  	[tilespmem:s13], [sflag:$0x1] =	stream.indirect_vreg.gather [hbm4b:s5+s2], $0x80, v3, vm0, $0xb8;
	[tilespmem:$0x18300] =	vst v63  }
0x236: {  	v3 =	vld [tilespmem:$0xA0];
	_ =	sdelay $0x4  }
0x237: {  	v42 =	vshrl.u32 v3, $0x3  }
0x238: {  	v4 =	vmul.u32 $0x30, v42  }
0x239: {  	v3 =	vand.u32 $0x7, v3  }
0x23a: {  	v3 =	vor.u32 v3, v4  }
0x23b: {  	v4 =	vperm.xlane v3, v0;
	_ =	sdelay $0x1  }
0x23c: {  	v4 =	vadd.s32 v1, v4;
	_ =	sdelay $0x3  }
0x23d: {  	s13 =	simm.s32 $0x6300;
	v3 =	vperm.xlane v3, v2  }
0x23e: {  	[tilespmem:s13], [sflag:$0x1] =	stream.indirect_vreg.gather [hbm4b:s3+s2], $0x80, v4, vm0, $0xb8;
	[tilespmem:$0x18300] =	vst v63  }
0x23f: {  	s26 =	simm.s32 $0x6B00;
	v3 =	vadd.s32 v1, v3  }
0x240: {  	[tilespmem:s26], [sflag:$0x1] =	stream.indirect_vreg.gather [hbm4b:s4+s2], $0x80, v4, vm0, $0xb8;
	[tilespmem:$0x18300] =	vst v63  }
0x241: {  	s28 =	simm.s32 $0x7300  }
0x242: {  	[tilespmem:s28], [sflag:$0x1] =	stream.indirect_vreg.gather [hbm4b:s5+s2], $0x80, v4, vm0, $0xb8;
	[tilespmem:$0x18300] =	vst v63  }
0x243: {  	s29 =	simm.s32 $0x7B00  }
0x244: {  	[tilespmem:s29], [sflag:$0x1] =	stream.indirect_vreg.gather [hbm4b:s3+s2], $0x80, v3, vm0, $0xb8;
	[tilespmem:$0x18300] =	vst v63  }
0x245: {  	s30 =	simm.s32 $0x8300  }
0x246: {  	[tilespmem:s30], [sflag:$0x1] =	stream.indirect_vreg.gather [hbm4b:s4+s2], $0x80, v3, vm0, $0xb8;
	[tilespmem:$0x18300] =	vst v63  }
0x247: {  	s13 =	simm.s32 $0x8B00  }
0x248: {  	[tilespmem:s13], [sflag:$0x1] =	stream.indirect_vreg.gather [hbm4b:s5+s2], $0x80, v3, vm0, $0xb8;
	[tilespmem:$0x18300] =	vst v63  }
0x249: {  	v3 =	vld [tilespmem:$0xB0];
	_ =	sdelay $0x4  }
0x24a: {  	v43 =	vshrl.u32 v3, $0x3  }
0x24b: {  	v4 =	vmul.u32 $0x30, v43  }
0x24c: {  	v3 =	vand.u32 $0x7, v3  }
0x24d: {  	v3 =	vor.u32 v3, v4  }
0x24e: {  	v4 =	vperm.xlane v3, v0;
	_ =	sdelay $0x1  }
0x24f: {  	v4 =	vadd.s32 v1, v4;
	_ =	sdelay $0x3  }
0x250: {  	s13 =	simm.s32 $0x9300;
	v3 =	vperm.xlane v3, v2  }
0x251: {  	[tilespmem:s13], [sflag:$0x1] =	stream.indirect_vreg.gather [hbm4b:s3+s2], $0x80, v4, vm0, $0xb8;
	[tilespmem:$0x18300] =	vst v63  }
0x252: {  	s17 =	simm.s32 $0x9B00;
	v3 =	vadd.s32 v1, v3  }
0x253: {  	[tilespmem:s17], [sflag:$0x1] =	stream.indirect_vreg.gather [hbm4b:s4+s2], $0x80, v4, vm0, $0xb8;
	[tilespmem:$0x18300] =	vst v63  }
0x254: {  	s13 =	simm.s32 $0xA300  }
0x255: {  	[tilespmem:s13], [sflag:$0x1] =	stream.indirect_vreg.gather [hbm4b:s5+s2], $0x80, v4, vm0, $0xb8;
	[tilespmem:$0x18300] =	vst v63  }
0x256: {  	s7 =	simm.s32 $0xAB00  }
0x257: {  	[tilespmem:s7], [sflag:$0x1] =	stream.indirect_vreg.gather [hbm4b:s3+s2], $0x80, v3, vm0, $0xb8;
	[tilespmem:$0x18300] =	vst v63  }
0x258: {  	s16 =	simm.s32 $0xB300  }
0x259: {  	[tilespmem:s16], [sflag:$0x1] =	stream.indirect_vreg.gather [hbm4b:s4+s2], $0x80, v3, vm0, $0xb8;
	[tilespmem:$0x18300] =	vst v63  }
0x25a: {  	s13 =	simm.s32 $0xBB00  }
0x25b: {  	[tilespmem:s13], [sflag:$0x1] =	stream.indirect_vreg.gather [hbm4b:s5+s2], $0x80, v3, vm0, $0xb8;
	[tilespmem:$0x18300] =	vst v63  }
0x25c: {  	_ =	swait.ge [sflag:s11], $0xC000  }
0x25d: {  	[sflag:s11] =	ssyncset.done $0x0  }
0x25e: {  	s16 =	rddreg [dreg:$0xa];
	[sflag:s11] =	ssyncadd.s32 $0xFFFF4000  }
0x25f: {  	[hbm4b:s16+s2] =	stream.linear.scatter [tilespmem:s0], [sflag:$0x4], $0xC000, $0x38;
	[tilespmem:$0x18300] =	vst v63  }
0x260: {  	_ =	swait.ge [sflag:s12], $0xC000  }
0x261: {  	[sflag:s12] =	ssyncset.done $0x0  }
0x262: {  	[sflag:s12] =	ssyncadd.s32 $0xFFFF4000  }
0x263: {  	v3 =	vld [tilespmem:$0x180];
	_ =	sdelay $0x4  }
0x264: {  	v44 =	vshrl.u32 v3, $0x3  }
0x265: {  	v4 =	vmul.u32 $0x30, v44  }
0x266: {  	v3 =	vand.u32 $0x7, v3  }
0x267: {  	v3 =	vor.u32 v3, v4  }
0x268: {  	v4 =	vperm.xlane v3, v0;
	_ =	sdelay $0x1  }
0x269: {  	v4 =	vadd.s32 v1, v4;
	_ =	sdelay $0x3  }
0x26a: {  	v3 =	vperm.xlane v3, v2  }
0x26b: {  	[tilespmem:s0], [sflag:$0x2] =	stream.indirect_vreg.gather [hbm4b:s3+s2], $0x80, v4, vm0, $0xb8;
	[tilespmem:$0x18300] =	vst v63  }
0x26c: {  	s31 =	simm.s32 $0xCB00;
	v3 =	vadd.s32 v1, v3  }
0x26d: {  	[tilespmem:s31], [sflag:$0x2] =	stream.indirect_vreg.gather [hbm4b:s4+s2], $0x80, v4, vm0, $0xb8;
	[tilespmem:$0x18300] =	vst v63  }
0x26e: {  	s1 =	simm.s32 $0xD300  }
0x26f: {  	[tilespmem:s1], [sflag:$0x2] =	stream.indirect_vreg.gather [hbm4b:s5+s2], $0x80, v4, vm0, $0xb8;
	[tilespmem:$0x18300] =	vst v63  }
0x270: {  	s15 =	simm.s32 $0xDB00  }
0x271: {  	[tilespmem:s15], [sflag:$0x2] =	stream.indirect_vreg.gather [hbm4b:s3+s2], $0x80, v3, vm0, $0xb8;
	[tilespmem:$0x18300] =	vst v63  }
0x272: {  	s7 =	simm.s32 $0xE300  }
0x273: {  	[tilespmem:s7], [sflag:$0x2] =	stream.indirect_vreg.gather [hbm4b:s4+s2], $0x80, v3, vm0, $0xb8;
	[tilespmem:$0x18300] =	vst v63  }
0x274: {  	s13 =	simm.s32 $0xEB00  }
0x275: {  	[tilespmem:s13], [sflag:$0x2] =	stream.indirect_vreg.gather [hbm4b:s5+s2], $0x80, v3, vm0, $0xb8;
	[tilespmem:$0x18300] =	vst v63  }
0x276: {  	v3 =	vld [tilespmem:$0x190];
	_ =	sdelay $0x4  }
0x277: {  	v45 =	vshrl.u32 v3, $0x3  }
0x278: {  	v4 =	vmul.u32 $0x30, v45  }
0x279: {  	v3 =	vand.u32 $0x7, v3  }
0x27a: {  	v3 =	vor.u32 v3, v4  }
0x27b: {  	v4 =	vperm.xlane v3, v0;
	_ =	sdelay $0x1  }
0x27c: {  	v4 =	vadd.s32 v1, v4;
	_ =	sdelay $0x3  }
0x27d: {  	s15 =	simm.s32 $0xF300;
	v3 =	vperm.xlane v3, v2  }
0x27e: {  	[tilespmem:s15], [sflag:$0x2] =	stream.indirect_vreg.gather [hbm4b:s3+s2], $0x80, v4, vm0, $0xb8;
	[tilespmem:$0x18300] =	vst v63  }
0x27f: {  	s7 =	simm.s32 $0xFB00;
	v3 =	vadd.s32 v1, v3  }
0x280: {  	[tilespmem:s7], [sflag:$0x2] =	stream.indirect_vreg.gather [hbm4b:s4+s2], $0x80, v4, vm0, $0xb8;
	[tilespmem:$0x18300] =	vst v63  }
0x281: {  	s13 =	simm.s32 $0x10300  }
0x282: {  	[tilespmem:s13], [sflag:$0x2] =	stream.indirect_vreg.gather [hbm4b:s5+s2], $0x80, v4, vm0, $0xb8;
	[tilespmem:$0x18300] =	vst v63  }
0x283: {  	s15 =	simm.s32 $0x10B00  }
0x284: {  	[tilespmem:s15], [sflag:$0x2] =	stream.indirect_vreg.gather [hbm4b:s3+s2], $0x80, v3, vm0, $0xb8;
	[tilespmem:$0x18300] =	vst v63  }
0x285: {  	s7 =	simm.s32 $0x11300  }
0x286: {  	[tilespmem:s7], [sflag:$0x2] =	stream.indirect_vreg.gather [hbm4b:s4+s2], $0x80, v3, vm0, $0xb8;
	[tilespmem:$0x18300] =	vst v63  }
0x287: {  	s13 =	simm.s32 $0x11B00  }
0x288: {  	[tilespmem:s13], [sflag:$0x2] =	stream.indirect_vreg.gather [hbm4b:s5+s2], $0x80, v3, vm0, $0xb8;
	[tilespmem:$0x18300] =	vst v63  }
0x289: {  	v3 =	vld [tilespmem:$0x1A0];
	_ =	sdelay $0x4  }
0x28a: {  	v46 =	vshrl.u32 v3, $0x3  }
0x28b: {  	v4 =	vmul.u32 $0x30, v46  }
0x28c: {  	v3 =	vand.u32 $0x7, v3  }
0x28d: {  	v3 =	vor.u32 v3, v4  }
0x28e: {  	v4 =	vperm.xlane v3, v0;
	_ =	sdelay $0x1  }
0x28f: {  	v4 =	vadd.s32 v1, v4;
	_ =	sdelay $0x3  }
0x290: {  	s15 =	simm.s32 $0x12300;
	v3 =	vperm.xlane v3, v2  }
0x291: {  	[tilespmem:s15], [sflag:$0x2] =	stream.indirect_vreg.gather [hbm4b:s3+s2], $0x80, v4, vm0, $0xb8;
	[tilespmem:$0x18300] =	vst v63  }
0x292: {  	s14 =	simm.s32 $0x12B00;
	v3 =	vadd.s32 v1, v3  }
0x293: {  	[tilespmem:s14], [sflag:$0x2] =	stream.indirect_vreg.gather [hbm4b:s4+s2], $0x80, v4, vm0, $0xb8;
	[tilespmem:$0x18300] =	vst v63  }
0x294: {  	s7 =	simm.s32 $0x13300  }
0x295: {  	[tilespmem:s7], [sflag:$0x2] =	stream.indirect_vreg.gather [hbm4b:s5+s2], $0x80, v4, vm0, $0xb8;
	[tilespmem:$0x18300] =	vst v63  }
0x296: {  	s13 =	simm.s32 $0x13B00  }
0x297: {  	[tilespmem:s13], [sflag:$0x2] =	stream.indirect_vreg.gather [hbm4b:s3+s2], $0x80, v3, vm0, $0xb8;
	[tilespmem:$0x18300] =	vst v63  }
0x298: {  	s14 =	simm.s32 $0x14300  }
0x299: {  	[tilespmem:s14], [sflag:$0x2] =	stream.indirect_vreg.gather [hbm4b:s4+s2], $0x80, v3, vm0, $0xb8;
	[tilespmem:$0x18300] =	vst v63  }
0x29a: {  	s15 =	simm.s32 $0x14B00  }
0x29b: {  	[tilespmem:s15], [sflag:$0x2] =	stream.indirect_vreg.gather [hbm4b:s5+s2], $0x80, v3, vm0, $0xb8;
	[tilespmem:$0x18300] =	vst v63  }
0x29c: {  	v3 =	vld [tilespmem:$0x1B0];
	_ =	sdelay $0x4  }
0x29d: {  	v47 =	vshrl.u32 v3, $0x3  }
0x29e: {  	v4 =	vmul.u32 $0x30, v47  }
0x29f: {  	v3 =	vand.u32 $0x7, v3  }
0x2a0: {  	v3 =	vor.u32 v3, v4  }
0x2a1: {  	v4 =	vperm.xlane v3, v0;
	_ =	sdelay $0x1  }
0x2a2: {  	v4 =	vadd.s32 v1, v4;
	_ =	sdelay $0x3  }
0x2a3: {  	s7 =	simm.s32 $0x15300;
	v3 =	vperm.xlane v3, v2  }
0x2a4: {  	[tilespmem:s7], [sflag:$0x2] =	stream.indirect_vreg.gather [hbm4b:s3+s2], $0x80, v4, vm0, $0xb8;
	[tilespmem:$0x18300] =	vst v63  }
0x2a5: {  	s13 =	simm.s32 $0x15B00;
	v3 =	vadd.s32 v1, v3  }
0x2a6: {  	[tilespmem:s13], [sflag:$0x2] =	stream.indirect_vreg.gather [hbm4b:s4+s2], $0x80, v4, vm0, $0xb8;
	[tilespmem:$0x18300] =	vst v63  }
0x2a7: {  	s14 =	simm.s32 $0x16300  }
0x2a8: {  	[tilespmem:s14], [sflag:$0x2] =	stream.indirect_vreg.gather [hbm4b:s5+s2], $0x80, v4, vm0, $0xb8;
	[tilespmem:$0x18300] =	vst v63  }
0x2a9: {  	s15 =	simm.s32 $0x16B00  }
0x2aa: {  	[tilespmem:s15], [sflag:$0x2] =	stream.indirect_vreg.gather [hbm4b:s3+s2], $0x80, v3, vm0, $0xb8;
	[tilespmem:$0x18300] =	vst v63  }
0x2ab: {  	s7 =	simm.s32 $0x17300  }
0x2ac: {  	[tilespmem:s7], [sflag:$0x2] =	stream.indirect_vreg.gather [hbm4b:s4+s2], $0x80, v3, vm0, $0xb8;
	[tilespmem:$0x18300] =	vst v63  }
0x2ad: {  	s13 =	simm.s32 $0x17B00  }
0x2ae: {  	[tilespmem:s13], [sflag:$0x2] =	stream.indirect_vreg.gather [hbm4b:s5+s2], $0x80, v3, vm0, $0xb8;
	[tilespmem:$0x18300] =	vst v63  }
0x2af: {  	_ =	swait.ge [sflag:s9], $0xC000  }
0x2b0: {  	[sflag:s9] =	ssyncset.done $0x0  }
0x2b1: {  	s14 =	rddreg [dreg:$0xb];
	[sflag:s9] =	ssyncadd.s32 $0xFFFF4000  }
0x2b2: {  	[hbm4b:s14+s2] =	stream.linear.scatter [tilespmem:s18], [sflag:$0x3], $0xC000, $0x38;
	[tilespmem:$0x18300] =	vst v63  }
0x2b3: {  	_ =	swait.ge [sflag:s10], $0xC000  }
0x2b4: {  	[sflag:s10] =	ssyncset.done $0x0  }
0x2b5: {  	[sflag:s10] =	ssyncadd.s32 $0xFFFF4000  }
0x2b6: {  	v3 =	vld [tilespmem:$0x280];
	_ =	sdelay $0x4  }
0x2b7: {  	v48 =	vshrl.u32 v3, $0x3  }
0x2b8: {  	v4 =	vmul.u32 $0x30, v48  }
0x2b9: {  	v3 =	vand.u32 $0x7, v3  }
0x2ba: {  	v3 =	vor.u32 v3, v4  }
0x2bb: {  	v4 =	vperm.xlane v3, v0;
	_ =	sdelay $0x1  }
0x2bc: {  	v4 =	vadd.s32 v1, v4;
	_ =	sdelay $0x3  }
0x2bd: {  	v3 =	vperm.xlane v3, v2  }
0x2be: {  	[tilespmem:s18], [sflag:$0x1] =	stream.indirect_vreg.gather [hbm4b:s3+s2], $0x80, v4, vm0, $0xb8;
	[tilespmem:$0x18300] =	vst v63  }
0x2bf: {  	s8 =	simm.s32 $0xB00;
	v3 =	vadd.s32 v1, v3  }
0x2c0: {  	[tilespmem:s8], [sflag:$0x1] =	stream.indirect_vreg.gather [hbm4b:s4+s2], $0x80, v4, vm0, $0xb8;
	[tilespmem:$0x18300] =	vst v63  }
0x2c1: {  	s19 =	simm.s32 $0x1300  }
0x2c2: {  	[tilespmem:s19], [sflag:$0x1] =	stream.indirect_vreg.gather [hbm4b:s5+s2], $0x80, v4, vm0, $0xb8;
	[tilespmem:$0x18300] =	vst v63  }
0x2c3: {  	s20 =	simm.s32 $0x1B00  }
0x2c4: {  	[tilespmem:s20], [sflag:$0x1] =	stream.indirect_vreg.gather [hbm4b:s3+s2], $0x80, v3, vm0, $0xb8;
	[tilespmem:$0x18300] =	vst v63  }
0x2c5: {  	s21 =	simm.s32 $0x2300  }
0x2c6: {  	[tilespmem:s21], [sflag:$0x1] =	stream.indirect_vreg.gather [hbm4b:s4+s2], $0x80, v3, vm0, $0xb8;
	[tilespmem:$0x18300] =	vst v63  }
0x2c7: {  	s15 =	simm.s32 $0x2B00  }
0x2c8: {  	[tilespmem:s15], [sflag:$0x1] =	stream.indirect_vreg.gather [hbm4b:s5+s2], $0x80, v3, vm0, $0xb8;
	[tilespmem:$0x18300] =	vst v63  }
0x2c9: {  	v3 =	vld [tilespmem:$0x290];
	_ =	sdelay $0x4  }
0x2ca: {  	v49 =	vshrl.u32 v3, $0x3  }
0x2cb: {  	v4 =	vmul.u32 $0x30, v49  }
0x2cc: {  	v3 =	vand.u32 $0x7, v3  }
0x2cd: {  	v3 =	vor.u32 v3, v4  }
0x2ce: {  	v4 =	vperm.xlane v3, v0;
	_ =	sdelay $0x1  }
0x2cf: {  	v4 =	vadd.s32 v1, v4;
	_ =	sdelay $0x3  }
0x2d0: {  	s21 =	simm.s32 $0x3300;
	v3 =	vperm.xlane v3, v2  }
0x2d1: {  	[tilespmem:s21], [sflag:$0x1] =	stream.indirect_vreg.gather [hbm4b:s3+s2], $0x80, v4, vm0, $0xb8;
	[tilespmem:$0x18300] =	vst v63  }
0x2d2: {  	s22 =	simm.s32 $0x3B00;
	v3 =	vadd.s32 v1, v3  }
0x2d3: {  	[tilespmem:s22], [sflag:$0x1] =	stream.indirect_vreg.gather [hbm4b:s4+s2], $0x80, v4, vm0, $0xb8;
	[tilespmem:$0x18300] =	vst v63  }
0x2d4: {  	s23 =	simm.s32 $0x4300  }
0x2d5: {  	[tilespmem:s23], [sflag:$0x1] =	stream.indirect_vreg.gather [hbm4b:s5+s2], $0x80, v4, vm0, $0xb8;
	[tilespmem:$0x18300] =	vst v63  }
0x2d6: {  	s24 =	simm.s32 $0x4B00  }
0x2d7: {  	[tilespmem:s24], [sflag:$0x1] =	stream.indirect_vreg.gather [hbm4b:s3+s2], $0x80, v3, vm0, $0xb8;
	[tilespmem:$0x18300] =	vst v63  }
0x2d8: {  	s25 =	simm.s32 $0x5300  }
0x2d9: {  	[tilespmem:s25], [sflag:$0x1] =	stream.indirect_vreg.gather [hbm4b:s4+s2], $0x80, v3, vm0, $0xb8;
	[tilespmem:$0x18300] =	vst v63  }
0x2da: {  	s25 =	simm.s32 $0x5B00  }
0x2db: {  	[tilespmem:s25], [sflag:$0x1] =	stream.indirect_vreg.gather [hbm4b:s5+s2], $0x80, v3, vm0, $0xb8;
	[tilespmem:$0x18300] =	vst v63  }
0x2dc: {  	v3 =	vld [tilespmem:$0x2A0];
	_ =	sdelay $0x4  }
0x2dd: {  	v50 =	vshrl.u32 v3, $0x3  }
0x2de: {  	v4 =	vmul.u32 $0x30, v50  }
0x2df: {  	v3 =	vand.u32 $0x7, v3  }
0x2e0: {  	v3 =	vor.u32 v3, v4  }
0x2e1: {  	v4 =	vperm.xlane v3, v0;
	_ =	sdelay $0x1  }
0x2e2: {  	v4 =	vadd.s32 v1, v4;
	_ =	sdelay $0x3  }
0x2e3: {  	s13 =	simm.s32 $0x6300;
	v3 =	vperm.xlane v3, v2  }
0x2e4: {  	[tilespmem:s13], [sflag:$0x1] =	stream.indirect_vreg.gather [hbm4b:s3+s2], $0x80, v4, vm0, $0xb8;
	[tilespmem:$0x18300] =	vst v63  }
0x2e5: {  	s26 =	simm.s32 $0x6B00;
	v3 =	vadd.s32 v1, v3  }
0x2e6: {  	[tilespmem:s26], [sflag:$0x1] =	stream.indirect_vreg.gather [hbm4b:s4+s2], $0x80, v4, vm0, $0xb8;
	[tilespmem:$0x18300] =	vst v63  }
0x2e7: {  	s28 =	simm.s32 $0x7300  }
0x2e8: {  	[tilespmem:s28], [sflag:$0x1] =	stream.indirect_vreg.gather [hbm4b:s5+s2], $0x80, v4, vm0, $0xb8;
	[tilespmem:$0x18300] =	vst v63  }
0x2e9: {  	s29 =	simm.s32 $0x7B00  }
0x2ea: {  	[tilespmem:s29], [sflag:$0x1] =	stream.indirect_vreg.gather [hbm4b:s3+s2], $0x80, v3, vm0, $0xb8;
	[tilespmem:$0x18300] =	vst v63  }
0x2eb: {  	s30 =	simm.s32 $0x8300  }
0x2ec: {  	[tilespmem:s30], [sflag:$0x1] =	stream.indirect_vreg.gather [hbm4b:s4+s2], $0x80, v3, vm0, $0xb8;
	[tilespmem:$0x18300] =	vst v63  }
0x2ed: {  	s14 =	simm.s32 $0x8B00  }
0x2ee: {  	[tilespmem:s14], [sflag:$0x1] =	stream.indirect_vreg.gather [hbm4b:s5+s2], $0x80, v3, vm0, $0xb8;
	[tilespmem:$0x18300] =	vst v63  }
0x2ef: {  	v3 =	vld [tilespmem:$0x2B0];
	_ =	sdelay $0x4  }
0x2f0: {  	v51 =	vshrl.u32 v3, $0x3  }
0x2f1: {  	v4 =	vmul.u32 $0x30, v51  }
0x2f2: {  	v3 =	vand.u32 $0x7, v3  }
0x2f3: {  	v3 =	vor.u32 v3, v4  }
0x2f4: {  	v4 =	vperm.xlane v3, v0;
	_ =	sdelay $0x1  }
0x2f5: {  	v4 =	vadd.s32 v1, v4;
	_ =	sdelay $0x3  }
0x2f6: {  	s15 =	simm.s32 $0x9300;
	v3 =	vperm.xlane v3, v2  }
0x2f7: {  	[tilespmem:s15], [sflag:$0x1] =	stream.indirect_vreg.gather [hbm4b:s3+s2], $0x80, v4, vm0, $0xb8;
	[tilespmem:$0x18300] =	vst v63  }
0x2f8: {  	s17 =	simm.s32 $0x9B00;
	v3 =	vadd.s32 v1, v3  }
0x2f9: {  	[tilespmem:s17], [sflag:$0x1] =	stream.indirect_vreg.gather [hbm4b:s4+s2], $0x80, v4, vm0, $0xb8;
	[tilespmem:$0x18300] =	vst v63  }
0x2fa: {  	s17 =	simm.s32 $0xA300  }
0x2fb: {  	[tilespmem:s17], [sflag:$0x1] =	stream.indirect_vreg.gather [hbm4b:s5+s2], $0x80, v4, vm0, $0xb8;
	[tilespmem:$0x18300] =	vst v63  }
0x2fc: {  	s14 =	simm.s32 $0xAB00  }
0x2fd: {  	[tilespmem:s14], [sflag:$0x1] =	stream.indirect_vreg.gather [hbm4b:s3+s2], $0x80, v3, vm0, $0xb8;
	[tilespmem:$0x18300] =	vst v63  }
0x2fe: {  	s15 =	simm.s32 $0xB300  }
0x2ff: {  	[tilespmem:s15], [sflag:$0x1] =	stream.indirect_vreg.gather [hbm4b:s4+s2], $0x80, v3, vm0, $0xb8;
	[tilespmem:$0x18300] =	vst v63  }
0x300: {  	s14 =	simm.s32 $0xBB00  }
0x301: {  	[tilespmem:s14], [sflag:$0x1] =	stream.indirect_vreg.gather [hbm4b:s5+s2], $0x80, v3, vm0, $0xb8;
	[tilespmem:$0x18300] =	vst v63  }
0x302: {  	_ =	swait.ge [sflag:s11], $0xC000  }
0x303: {  	[sflag:s11] =	ssyncset.done $0x0  }
0x304: {  	s14 =	rddreg [dreg:$0xc];
	[sflag:s11] =	ssyncadd.s32 $0xFFFF4000  }
0x305: {  	[hbm4b:s14+s2] =	stream.linear.scatter [tilespmem:s0], [sflag:$0x4], $0xC000, $0x38;
	[tilespmem:$0x18300] =	vst v63  }
0x306: {  	_ =	swait.ge [sflag:s12], $0xC000  }
0x307: {  	[sflag:s12] =	ssyncset.done $0x0  }
0x308: {  	[sflag:s12] =	ssyncadd.s32 $0xFFFF4000  }
0x309: {  	v3 =	vld [tilespmem:$0xC0];
	_ =	sdelay $0x4  }
0x30a: {  	v52 =	vshrl.u32 v3, $0x3  }
0x30b: {  	v4 =	vmul.u32 $0x30, v52  }
0x30c: {  	v3 =	vand.u32 $0x7, v3  }
0x30d: {  	v3 =	vor.u32 v3, v4  }
0x30e: {  	v4 =	vperm.xlane v3, v0;
	_ =	sdelay $0x1  }
0x30f: {  	v4 =	vadd.s32 v1, v4;
	_ =	sdelay $0x3  }
0x310: {  	v3 =	vperm.xlane v3, v2  }
0x311: {  	[tilespmem:s0], [sflag:$0x2] =	stream.indirect_vreg.gather [hbm4b:s3+s2], $0x80, v4, vm0, $0xb8;
	[tilespmem:$0x18300] =	vst v63  }
0x312: {  	s31 =	simm.s32 $0xCB00;
	v3 =	vadd.s32 v1, v3  }
0x313: {  	[tilespmem:s31], [sflag:$0x2] =	stream.indirect_vreg.gather [hbm4b:s4+s2], $0x80, v4, vm0, $0xb8;
	[tilespmem:$0x18300] =	vst v63  }
0x314: {  	s16 =	simm.s32 $0xD300  }
0x315: {  	[tilespmem:s16], [sflag:$0x2] =	stream.indirect_vreg.gather [hbm4b:s5+s2], $0x80, v4, vm0, $0xb8;
	[tilespmem:$0x18300] =	vst v63  }
0x316: {  	s16 =	simm.s32 $0xDB00  }
0x317: {  	[tilespmem:s16], [sflag:$0x2] =	stream.indirect_vreg.gather [hbm4b:s3+s2], $0x80, v3, vm0, $0xb8;
	[tilespmem:$0x18300] =	vst v63  }
0x318: {  	s13 =	simm.s32 $0xE300  }
0x319: {  	[tilespmem:s13], [sflag:$0x2] =	stream.indirect_vreg.gather [hbm4b:s4+s2], $0x80, v3, vm0, $0xb8;
	[tilespmem:$0x18300] =	vst v63  }
0x31a: {  	s13 =	simm.s32 $0xEB00  }
0x31b: {  	[tilespmem:s13], [sflag:$0x2] =	stream.indirect_vreg.gather [hbm4b:s5+s2], $0x80, v3, vm0, $0xb8;
	[tilespmem:$0x18300] =	vst v63  }
0x31c: {  	v3 =	vld [tilespmem:$0xD0];
	_ =	sdelay $0x4  }
0x31d: {  	v53 =	vshrl.u32 v3, $0x3  }
0x31e: {  	v4 =	vmul.u32 $0x30, v53  }
0x31f: {  	v3 =	vand.u32 $0x7, v3  }
0x320: {  	v3 =	vor.u32 v3, v4  }
0x321: {  	v4 =	vperm.xlane v3, v0;
	_ =	sdelay $0x1  }
0x322: {  	v4 =	vadd.s32 v1, v4;
	_ =	sdelay $0x3  }
0x323: {  	s13 =	simm.s32 $0xF300;
	v3 =	vperm.xlane v3, v2  }
0x324: {  	[tilespmem:s13], [sflag:$0x2] =	stream.indirect_vreg.gather [hbm4b:s3+s2], $0x80, v4, vm0, $0xb8;
	[tilespmem:$0x18300] =	vst v63  }
0x325: {  	v3 =	vadd.s32 v1, v3;
	s13 =	simm.s32 $0xFB00  }
0x326: {  	[tilespmem:s13], [sflag:$0x2] =	stream.indirect_vreg.gather [hbm4b:s4+s2], $0x80, v4, vm0, $0xb8;
	[tilespmem:$0x18300] =	vst v63  }
0x327: {  	s13 =	simm.s32 $0x10300  }
0x328: {  	[tilespmem:s13], [sflag:$0x2] =	stream.indirect_vreg.gather [hbm4b:s5+s2], $0x80, v4, vm0, $0xb8;
	[tilespmem:$0x18300] =	vst v63  }
0x329: {  	s13 =	simm.s32 $0x10B00  }
0x32a: {  	[tilespmem:s13], [sflag:$0x2] =	stream.indirect_vreg.gather [hbm4b:s3+s2], $0x80, v3, vm0, $0xb8;
	[tilespmem:$0x18300] =	vst v63  }
0x32b: {  	s13 =	simm.s32 $0x11300  }
0x32c: {  	[tilespmem:s13], [sflag:$0x2] =	stream.indirect_vreg.gather [hbm4b:s4+s2], $0x80, v3, vm0, $0xb8;
	[tilespmem:$0x18300] =	vst v63  }
0x32d: {  	s13 =	simm.s32 $0x11B00  }
0x32e: {  	[tilespmem:s13], [sflag:$0x2] =	stream.indirect_vreg.gather [hbm4b:s5+s2], $0x80, v3, vm0, $0xb8;
	[tilespmem:$0x18300] =	vst v63  }
0x32f: {  	v3 =	vld [tilespmem:$0xE0];
	_ =	sdelay $0x4  }
0x330: {  	v54 =	vshrl.u32 v3, $0x3  }
0x331: {  	v4 =	vmul.u32 $0x30, v54  }
0x332: {  	v3 =	vand.u32 $0x7, v3  }
0x333: {  	v3 =	vor.u32 v3, v4  }
0x334: {  	v4 =	vperm.xlane v3, v0;
	_ =	sdelay $0x1  }
0x335: {  	v4 =	vadd.s32 v1, v4;
	_ =	sdelay $0x3  }
0x336: {  	s13 =	simm.s32 $0x12300;
	v3 =	vperm.xlane v3, v2  }
0x337: {  	[tilespmem:s13], [sflag:$0x2] =	stream.indirect_vreg.gather [hbm4b:s3+s2], $0x80, v4, vm0, $0xb8;
	[tilespmem:$0x18300] =	vst v63  }
0x338: {  	v3 =	vadd.s32 v1, v3;
	s13 =	simm.s32 $0x12B00  }
0x339: {  	[tilespmem:s13], [sflag:$0x2] =	stream.indirect_vreg.gather [hbm4b:s4+s2], $0x80, v4, vm0, $0xb8;
	[tilespmem:$0x18300] =	vst v63  }
0x33a: {  	s13 =	simm.s32 $0x13300  }
0x33b: {  	[tilespmem:s13], [sflag:$0x2] =	stream.indirect_vreg.gather [hbm4b:s5+s2], $0x80, v4, vm0, $0xb8;
	[tilespmem:$0x18300] =	vst v63  }
0x33c: {  	s13 =	simm.s32 $0x13B00  }
0x33d: {  	[tilespmem:s13], [sflag:$0x2] =	stream.indirect_vreg.gather [hbm4b:s3+s2], $0x80, v3, vm0, $0xb8;
	[tilespmem:$0x18300] =	vst v63  }
0x33e: {  	s13 =	simm.s32 $0x14300  }
0x33f: {  	[tilespmem:s13], [sflag:$0x2] =	stream.indirect_vreg.gather [hbm4b:s4+s2], $0x80, v3, vm0, $0xb8;
	[tilespmem:$0x18300] =	vst v63  }
0x340: {  	s13 =	simm.s32 $0x14B00  }
0x341: {  	[tilespmem:s13], [sflag:$0x2] =	stream.indirect_vreg.gather [hbm4b:s5+s2], $0x80, v3, vm0, $0xb8;
	[tilespmem:$0x18300] =	vst v63  }
0x342: {  	v3 =	vld [tilespmem:$0xF0];
	_ =	sdelay $0x4  }
0x343: {  	v55 =	vshrl.u32 v3, $0x3  }
0x344: {  	v4 =	vmul.u32 $0x30, v55  }
0x345: {  	v3 =	vand.u32 $0x7, v3  }
0x346: {  	v3 =	vor.u32 v3, v4  }
0x347: {  	v4 =	vperm.xlane v3, v0;
	_ =	sdelay $0x1  }
0x348: {  	v4 =	vadd.s32 v1, v4;
	_ =	sdelay $0x3  }
0x349: {  	s13 =	simm.s32 $0x15300;
	v3 =	vperm.xlane v3, v2  }
0x34a: {  	[tilespmem:s13], [sflag:$0x2] =	stream.indirect_vreg.gather [hbm4b:s3+s2], $0x80, v4, vm0, $0xb8;
	[tilespmem:$0x18300] =	vst v63  }
0x34b: {  	v3 =	vadd.s32 v1, v3;
	s13 =	simm.s32 $0x15B00  }
0x34c: {  	[tilespmem:s13], [sflag:$0x2] =	stream.indirect_vreg.gather [hbm4b:s4+s2], $0x80, v4, vm0, $0xb8;
	[tilespmem:$0x18300] =	vst v63  }
0x34d: {  	s13 =	simm.s32 $0x16300  }
0x34e: {  	[tilespmem:s13], [sflag:$0x2] =	stream.indirect_vreg.gather [hbm4b:s5+s2], $0x80, v4, vm0, $0xb8;
	[tilespmem:$0x18300] =	vst v63  }
0x34f: {  	s13 =	simm.s32 $0x16B00  }
0x350: {  	[tilespmem:s13], [sflag:$0x2] =	stream.indirect_vreg.gather [hbm4b:s3+s2], $0x80, v3, vm0, $0xb8;
	[tilespmem:$0x18300] =	vst v63  }
0x351: {  	s13 =	simm.s32 $0x17300  }
0x352: {  	[tilespmem:s13], [sflag:$0x2] =	stream.indirect_vreg.gather [hbm4b:s4+s2], $0x80, v3, vm0, $0xb8;
	[tilespmem:$0x18300] =	vst v63  }
0x353: {  	s13 =	simm.s32 $0x17B00  }
0x354: {  	[tilespmem:s13], [sflag:$0x2] =	stream.indirect_vreg.gather [hbm4b:s5+s2], $0x80, v3, vm0, $0xb8;
	[tilespmem:$0x18300] =	vst v63  }
0x355: {  	_ =	swait.ge [sflag:s9], $0xC000  }
0x356: {  	[sflag:s9] =	ssyncset.done $0x0  }
0x357: {  	s13 =	rddreg [dreg:$0xd];
	[sflag:s9] =	ssyncadd.s32 $0xFFFF4000  }
0x358: {  	[hbm4b:s13+s2] =	stream.linear.scatter [tilespmem:s18], [sflag:$0x3], $0xC000, $0x38;
	[tilespmem:$0x18300] =	vst v63  }
0x359: {  	_ =	swait.ge [sflag:s10], $0xC000  }
0x35a: {  	[sflag:s10] =	ssyncset.done $0x0  }
0x35b: {  	[sflag:s10] =	ssyncadd.s32 $0xFFFF4000  }
0x35c: {  	v3 =	vld [tilespmem:$0x1C0];
	_ =	sdelay $0x4  }
0x35d: {  	v56 =	vshrl.u32 v3, $0x3  }
0x35e: {  	v4 =	vmul.u32 $0x30, v56  }
0x35f: {  	v3 =	vand.u32 $0x7, v3  }
0x360: {  	v3 =	vor.u32 v3, v4  }
0x361: {  	v4 =	vperm.xlane v3, v0;
	_ =	sdelay $0x1  }
0x362: {  	v4 =	vadd.s32 v1, v4;
	_ =	sdelay $0x3  }
0x363: {  	v3 =	vperm.xlane v3, v2  }
0x364: {  	[tilespmem:s18], [sflag:$0x1] =	stream.indirect_vreg.gather [hbm4b:s3+s2], $0x80, v4, vm0, $0xb8;
	[tilespmem:$0x18300] =	vst v63  }
0x365: {  	s1 =	simm.s32 $0xB00;
	v3 =	vadd.s32 v1, v3  }
0x366: {  	[tilespmem:s1], [sflag:$0x1] =	stream.indirect_vreg.gather [hbm4b:s4+s2], $0x80, v4, vm0, $0xb8;
	[tilespmem:$0x18300] =	vst v63  }
0x367: {  	s8 =	simm.s32 $0x1300  }
0x368: {  	[tilespmem:s8], [sflag:$0x1] =	stream.indirect_vreg.gather [hbm4b:s5+s2], $0x80, v4, vm0, $0xb8;
	[tilespmem:$0x18300] =	vst v63  }
0x369: {  	s19 =	simm.s32 $0x1B00  }
0x36a: {  	[tilespmem:s19], [sflag:$0x1] =	stream.indirect_vreg.gather [hbm4b:s3+s2], $0x80, v3, vm0, $0xb8;
	[tilespmem:$0x18300] =	vst v63  }
0x36b: {  	s20 =	simm.s32 $0x2300  }
0x36c: {  	[tilespmem:s20], [sflag:$0x1] =	stream.indirect_vreg.gather [hbm4b:s4+s2], $0x80, v3, vm0, $0xb8;
	[tilespmem:$0x18300] =	vst v63  }
0x36d: {  	s19 =	simm.s32 $0x2B00  }
0x36e: {  	[tilespmem:s19], [sflag:$0x1] =	stream.indirect_vreg.gather [hbm4b:s5+s2], $0x80, v3, vm0, $0xb8;
	[tilespmem:$0x18300] =	vst v63  }
0x36f: {  	v3 =	vld [tilespmem:$0x1D0];
	_ =	sdelay $0x4  }
0x370: {  	v57 =	vshrl.u32 v3, $0x3  }
0x371: {  	v4 =	vmul.u32 $0x30, v57  }
0x372: {  	v3 =	vand.u32 $0x7, v3  }
0x373: {  	v3 =	vor.u32 v3, v4  }
0x374: {  	v4 =	vperm.xlane v3, v0;
	_ =	sdelay $0x1  }
0x375: {  	v4 =	vadd.s32 v1, v4;
	_ =	sdelay $0x3  }
0x376: {  	s20 =	simm.s32 $0x3300;
	v3 =	vperm.xlane v3, v2  }
0x377: {  	[tilespmem:s20], [sflag:$0x1] =	stream.indirect_vreg.gather [hbm4b:s3+s2], $0x80, v4, vm0, $0xb8;
	[tilespmem:$0x18300] =	vst v63  }
0x378: {  	s21 =	simm.s32 $0x3B00;
	v3 =	vadd.s32 v1, v3  }
0x379: {  	[tilespmem:s21], [sflag:$0x1] =	stream.indirect_vreg.gather [hbm4b:s4+s2], $0x80, v4, vm0, $0xb8;
	[tilespmem:$0x18300] =	vst v63  }
0x37a: {  	s22 =	simm.s32 $0x4300  }
0x37b: {  	[tilespmem:s22], [sflag:$0x1] =	stream.indirect_vreg.gather [hbm4b:s5+s2], $0x80, v4, vm0, $0xb8;
	[tilespmem:$0x18300] =	vst v63  }
0x37c: {  	s23 =	simm.s32 $0x4B00  }
0x37d: {  	[tilespmem:s23], [sflag:$0x1] =	stream.indirect_vreg.gather [hbm4b:s3+s2], $0x80, v3, vm0, $0xb8;
	[tilespmem:$0x18300] =	vst v63  }
0x37e: {  	s24 =	simm.s32 $0x5300  }
0x37f: {  	[tilespmem:s24], [sflag:$0x1] =	stream.indirect_vreg.gather [hbm4b:s4+s2], $0x80, v3, vm0, $0xb8;
	[tilespmem:$0x18300] =	vst v63  }
0x380: {  	s22 =	simm.s32 $0x5B00  }
0x381: {  	[tilespmem:s22], [sflag:$0x1] =	stream.indirect_vreg.gather [hbm4b:s5+s2], $0x80, v3, vm0, $0xb8;
	[tilespmem:$0x18300] =	vst v63  }
0x382: {  	v3 =	vld [tilespmem:$0x1E0];
	_ =	sdelay $0x4  }
0x383: {  	v58 =	vshrl.u32 v3, $0x3  }
0x384: {  	v4 =	vmul.u32 $0x30, v58  }
0x385: {  	v3 =	vand.u32 $0x7, v3  }
0x386: {  	v3 =	vor.u32 v3, v4  }
0x387: {  	v4 =	vperm.xlane v3, v0;
	_ =	sdelay $0x1  }
0x388: {  	v4 =	vadd.s32 v1, v4;
	_ =	sdelay $0x3  }
0x389: {  	s23 =	simm.s32 $0x6300;
	v3 =	vperm.xlane v3, v2  }
0x38a: {  	[tilespmem:s23], [sflag:$0x1] =	stream.indirect_vreg.gather [hbm4b:s3+s2], $0x80, v4, vm0, $0xb8;
	[tilespmem:$0x18300] =	vst v63  }
0x38b: {  	s25 =	simm.s32 $0x6B00;
	v3 =	vadd.s32 v1, v3  }
0x38c: {  	[tilespmem:s25], [sflag:$0x1] =	stream.indirect_vreg.gather [hbm4b:s4+s2], $0x80, v4, vm0, $0xb8;
	[tilespmem:$0x18300] =	vst v63  }
0x38d: {  	s26 =	simm.s32 $0x7300  }
0x38e: {  	[tilespmem:s26], [sflag:$0x1] =	stream.indirect_vreg.gather [hbm4b:s5+s2], $0x80, v4, vm0, $0xb8;
	[tilespmem:$0x18300] =	vst v63  }
0x38f: {  	s28 =	simm.s32 $0x7B00  }
0x390: {  	[tilespmem:s28], [sflag:$0x1] =	stream.indirect_vreg.gather [hbm4b:s3+s2], $0x80, v3, vm0, $0xb8;
	[tilespmem:$0x18300] =	vst v63  }
0x391: {  	s29 =	simm.s32 $0x8300  }
0x392: {  	[tilespmem:s29], [sflag:$0x1] =	stream.indirect_vreg.gather [hbm4b:s4+s2], $0x80, v3, vm0, $0xb8;
	[tilespmem:$0x18300] =	vst v63  }
0x393: {  	s24 =	simm.s32 $0x8B00  }
0x394: {  	[tilespmem:s24], [sflag:$0x1] =	stream.indirect_vreg.gather [hbm4b:s5+s2], $0x80, v3, vm0, $0xb8;
	[tilespmem:$0x18300] =	vst v63  }
0x395: {  	v3 =	vld [tilespmem:$0x1F0];
	_ =	sdelay $0x4  }
0x396: {  	v59 =	vshrl.u32 v3, $0x3  }
0x397: {  	v4 =	vmul.u32 $0x30, v59  }
0x398: {  	v3 =	vand.u32 $0x7, v3  }
0x399: {  	v3 =	vor.u32 v3, v4  }
0x39a: {  	v4 =	vperm.xlane v3, v0;
	_ =	sdelay $0x1  }
0x39b: {  	v4 =	vadd.s32 v1, v4;
	_ =	sdelay $0x3  }
0x39c: {  	s7 =	simm.s32 $0x9300;
	v3 =	vperm.xlane v3, v2  }
0x39d: {  	[tilespmem:s7], [sflag:$0x1] =	stream.indirect_vreg.gather [hbm4b:s3+s2], $0x80, v4, vm0, $0xb8;
	[tilespmem:$0x18300] =	vst v63  }
0x39e: {  	s30 =	simm.s32 $0x9B00;
	v3 =	vadd.s32 v1, v3  }
0x39f: {  	[tilespmem:s30], [sflag:$0x1] =	stream.indirect_vreg.gather [hbm4b:s4+s2], $0x80, v4, vm0, $0xb8;
	[tilespmem:$0x18300] =	vst v63  }
0x3a0: {  	s25 =	simm.s32 $0xA300  }
0x3a1: {  	[tilespmem:s25], [sflag:$0x1] =	stream.indirect_vreg.gather [hbm4b:s5+s2], $0x80, v4, vm0, $0xb8;
	[tilespmem:$0x18300] =	vst v63  }
0x3a2: {  	s17 =	simm.s32 $0xAB00  }
0x3a3: {  	[tilespmem:s17], [sflag:$0x1] =	stream.indirect_vreg.gather [hbm4b:s3+s2], $0x80, v3, vm0, $0xb8;
	[tilespmem:$0x18300] =	vst v63  }
0x3a4: {  	s15 =	simm.s32 $0xB300  }
0x3a5: {  	[tilespmem:s15], [sflag:$0x1] =	stream.indirect_vreg.gather [hbm4b:s4+s2], $0x80, v3, vm0, $0xb8;
	[tilespmem:$0x18300] =	vst v63  }
0x3a6: {  	s26 =	simm.s32 $0xBB00  }
0x3a7: {  	[tilespmem:s26], [sflag:$0x1] =	stream.indirect_vreg.gather [hbm4b:s5+s2], $0x80, v3, vm0, $0xb8;
	[tilespmem:$0x18300] =	vst v63  }
0x3a8: {  	_ =	swait.ge [sflag:s11], $0xC000  }
0x3a9: {  	[sflag:s11] =	ssyncset.done $0x0  }
0x3aa: {  	s28 =	rddreg [dreg:$0xe];
	[sflag:s11] =	ssyncadd.s32 $0xFFFF4000  }
0x3ab: {  	[hbm4b:s28+s2] =	stream.linear.scatter [tilespmem:s0], [sflag:$0x4], $0xC000, $0x38;
	[tilespmem:$0x18300] =	vst v63  }
0x3ac: {  	_ =	swait.ge [sflag:s12], $0xC000  }
0x3ad: {  	[sflag:s12] =	ssyncset.done $0x0  }
0x3ae: {  	[sflag:s12] =	ssyncadd.s32 $0xFFFF4000  }
0x3af: {  	v3 =	vld [tilespmem:$0x2C0];
	_ =	sdelay $0x4  }
0x3b0: {  	v60 =	vshrl.u32 v3, $0x3  }
0x3b1: {  	v4 =	vmul.u32 $0x30, v60  }
0x3b2: {  	v3 =	vand.u32 $0x7, v3  }
0x3b3: {  	v3 =	vor.u32 v3, v4  }
0x3b4: {  	v4 =	vperm.xlane v3, v0;
	_ =	sdelay $0x1  }
0x3b5: {  	v4 =	vadd.s32 v1, v4;
	_ =	sdelay $0x3  }
0x3b6: {  	v3 =	vperm.xlane v3, v2  }
0x3b7: {  	[tilespmem:s0], [sflag:$0x2] =	stream.indirect_vreg.gather [hbm4b:s3+s2], $0x80, v4, vm0, $0xb8;
	[tilespmem:$0x18300] =	vst v63  }
0x3b8: {  	s31 =	simm.s32 $0xCB00;
	v3 =	vadd.s32 v1, v3  }
0x3b9: {  	[tilespmem:s31], [sflag:$0x2] =	stream.indirect_vreg.gather [hbm4b:s4+s2], $0x80, v4, vm0, $0xb8;
	[tilespmem:$0x18300] =	vst v63  }
0x3ba: {  	s14 =	simm.s32 $0xD300  }
0x3bb: {  	[tilespmem:s14], [sflag:$0x2] =	stream.indirect_vreg.gather [hbm4b:s5+s2], $0x80, v4, vm0, $0xb8;
	[tilespmem:$0x18300] =	vst v63  }
0x3bc: {  	s16 =	simm.s32 $0xDB00  }
0x3bd: {  	[tilespmem:s16], [sflag:$0x2] =	stream.indirect_vreg.gather [hbm4b:s3+s2], $0x80, v3, vm0, $0xb8;
	[tilespmem:$0x18300] =	vst v63  }
0x3be: {  	s29 =	simm.s32 $0xE300  }
0x3bf: {  	[tilespmem:s29], [sflag:$0x2] =	stream.indirect_vreg.gather [hbm4b:s4+s2], $0x80, v3, vm0, $0xb8;
	[tilespmem:$0x18300] =	vst v63  }
0x3c0: {  	s30 =	simm.s32 $0xEB00  }
0x3c1: {  	[tilespmem:s30], [sflag:$0x2] =	stream.indirect_vreg.gather [hbm4b:s5+s2], $0x80, v3, vm0, $0xb8;
	[tilespmem:$0x18300] =	vst v63  }
0x3c2: {  	v3 =	vld [tilespmem:$0x2D0];
	_ =	sdelay $0x4  }
0x3c3: {  	v61 =	vshrl.u32 v3, $0x3  }
0x3c4: {  	v4 =	vmul.u32 $0x30, v61  }
0x3c5: {  	v3 =	vand.u32 $0x7, v3  }
0x3c6: {  	v3 =	vor.u32 v3, v4  }
0x3c7: {  	v4 =	vperm.xlane v3, v0;
	_ =	sdelay $0x1  }
0x3c8: {  	v4 =	vadd.s32 v1, v4;
	_ =	sdelay $0x3  }
0x3c9: {  	s31 =	simm.s32 $0xF300;
	v3 =	vperm.xlane v3, v2  }
0x3ca: {  	[tilespmem:s31], [sflag:$0x2] =	stream.indirect_vreg.gather [hbm4b:s3+s2], $0x80, v4, vm0, $0xb8;
	[tilespmem:$0x18300] =	vst v63  }
0x3cb: {  	s7 =	simm.s32 $0xFB00;
	v3 =	vadd.s32 v1, v3  }
0x3cc: {  	[tilespmem:s7], [sflag:$0x2] =	stream.indirect_vreg.gather [hbm4b:s4+s2], $0x80, v4, vm0, $0xb8;
	[tilespmem:$0x18300] =	vst v63  }
0x3cd: {  	s8 =	simm.s32 $0x10300  }
0x3ce: {  	[tilespmem:s8], [sflag:$0x2] =	stream.indirect_vreg.gather [hbm4b:s5+s2], $0x80, v4, vm0, $0xb8;
	[tilespmem:$0x18300] =	vst v63  }
0x3cf: {  	s13 =	simm.s32 $0x10B00  }
0x3d0: {  	[tilespmem:s13], [sflag:$0x2] =	stream.indirect_vreg.gather [hbm4b:s3+s2], $0x80, v3, vm0, $0xb8;
	[tilespmem:$0x18300] =	vst v63  }
0x3d1: {  	s14 =	simm.s32 $0x11300  }
0x3d2: {  	[tilespmem:s14], [sflag:$0x2] =	stream.indirect_vreg.gather [hbm4b:s4+s2], $0x80, v3, vm0, $0xb8;
	[tilespmem:$0x18300] =	vst v63  }
0x3d3: {  	s15 =	simm.s32 $0x11B00  }
0x3d4: {  	[tilespmem:s15], [sflag:$0x2] =	stream.indirect_vreg.gather [hbm4b:s5+s2], $0x80, v3, vm0, $0xb8;
	[tilespmem:$0x18300] =	vst v63  }
0x3d5: {  	v3 =	vld [tilespmem:$0x2E0];
	_ =	sdelay $0x4  }
0x3d6: {  	v62 =	vshrl.u32 v3, $0x3  }
0x3d7: {  	v4 =	vmul.u32 $0x30, v62  }
0x3d8: {  	v3 =	vand.u32 $0x7, v3  }
0x3d9: {  	v3 =	vor.u32 v3, v4  }
0x3da: {  	v4 =	vperm.xlane v3, v0;
	_ =	sdelay $0x1  }
0x3db: {  	v4 =	vadd.s32 v1, v4;
	_ =	sdelay $0x3  }
0x3dc: {  	s16 =	simm.s32 $0x12300;
	v3 =	vperm.xlane v3, v2  }
0x3dd: {  	[tilespmem:s16], [sflag:$0x2] =	stream.indirect_vreg.gather [hbm4b:s3+s2], $0x80, v4, vm0, $0xb8;
	[tilespmem:$0x18300] =	vst v63  }
0x3de: {  	s17 =	simm.s32 $0x12B00;
	v3 =	vadd.s32 v1, v3  }
0x3df: {  	[tilespmem:s17], [sflag:$0x2] =	stream.indirect_vreg.gather [hbm4b:s4+s2], $0x80, v4, vm0, $0xb8;
	[tilespmem:$0x18300] =	vst v63  }
0x3e0: {  	s19 =	simm.s32 $0x13300  }
0x3e1: {  	[tilespmem:s19], [sflag:$0x2] =	stream.indirect_vreg.gather [hbm4b:s5+s2], $0x80, v4, vm0, $0xb8;
	[tilespmem:$0x18300] =	vst v63  }
0x3e2: {  	s20 =	simm.s32 $0x13B00  }
0x3e3: {  	[tilespmem:s20], [sflag:$0x2] =	stream.indirect_vreg.gather [hbm4b:s3+s2], $0x80, v3, vm0, $0xb8;
	[tilespmem:$0x18300] =	vst v63  }
0x3e4: {  	s21 =	simm.s32 $0x14300  }
0x3e5: {  	[tilespmem:s21], [sflag:$0x2] =	stream.indirect_vreg.gather [hbm4b:s4+s2], $0x80, v3, vm0, $0xb8;
	[tilespmem:$0x18300] =	vst v63  }
0x3e6: {  	s22 =	simm.s32 $0x14B00  }
0x3e7: {  	[tilespmem:s22], [sflag:$0x2] =	stream.indirect_vreg.gather [hbm4b:s5+s2], $0x80, v3, vm0, $0xb8;
	[tilespmem:$0x18300] =	vst v63  }
0x3e8: {  	v3 =	vld [tilespmem:$0x2F0];
	_ =	sdelay $0x4  }
0x3e9: {  	v63 =	vshrl.u32 v3, $0x3  }
0x3ea: {  	v4 =	vmul.u32 $0x30, v63  }
0x3eb: {  	v3 =	vand.u32 $0x7, v3  }
0x3ec: {  	v3 =	vor.u32 v3, v4  }
0x3ed: {  	v4 =	vperm.xlane v3, v0;
	_ =	sdelay $0x1  }
0x3ee: {  	v4 =	vadd.s32 v1, v4;
	_ =	sdelay $0x3  }
0x3ef: {  	s23 =	simm.s32 $0x15300;
	v3 =	vperm.xlane v3, v2  }
0x3f0: {  	[tilespmem:s23], [sflag:$0x2] =	stream.indirect_vreg.gather [hbm4b:s3+s2], $0x80, v4, vm0, $0xb8;
	[tilespmem:$0x18300] =	vst v63  }
0x3f1: {  	s24 =	simm.s32 $0x15B00;
	v3 =	vadd.s32 v1, v3  }
0x3f2: {  	[tilespmem:s24], [sflag:$0x2] =	stream.indirect_vreg.gather [hbm4b:s4+s2], $0x80, v4, vm0, $0xb8;
	[tilespmem:$0x18300] =	vst v63  }
0x3f3: {  	s25 =	simm.s32 $0x16300  }
0x3f4: {  	[tilespmem:s25], [sflag:$0x2] =	stream.indirect_vreg.gather [hbm4b:s5+s2], $0x80, v4, vm0, $0xb8;
	[tilespmem:$0x18300] =	vst v63  }
0x3f5: {  	s26 =	simm.s32 $0x16B00  }
0x3f6: {  	[tilespmem:s26], [sflag:$0x2] =	stream.indirect_vreg.gather [hbm4b:s3+s2], $0x80, v3, vm0, $0xb8;
	[tilespmem:$0x18300] =	vst v63  }
0x3f7: {  	s28 =	simm.s32 $0x17300  }
0x3f8: {  	[tilespmem:s28], [sflag:$0x2] =	stream.indirect_vreg.gather [hbm4b:s4+s2], $0x80, v3, vm0, $0xb8;
	[tilespmem:$0x18300] =	vst v63  }
0x3f9: {  	s29 =	simm.s32 $0x17B00  }
0x3fa: {  	[tilespmem:s29], [sflag:$0x2] =	stream.indirect_vreg.gather [hbm4b:s5+s2], $0x80, v3, vm0, $0xb8;
	[tilespmem:$0x18300] =	vst v63  }
0x3fb: {  	_ =	swait.ge [sflag:s9], $0xC000  }
0x3fc: {  	[sflag:s9] =	ssyncset.done $0x0  }
0x3fd: {  	s30 =	rddreg [dreg:$0xf];
	[sflag:s9] =	ssyncadd.s32 $0xFFFF4000  }
0x3fe: {  	[hbm4b:s30+s2] =	stream.linear.scatter [tilespmem:s18], [sflag:$0x3], $0xC000, $0x38;
	[tilespmem:$0x18300] =	vst v63  }
0x3ff: {  	_ =	swait.ge [sflag:s11], $0xC000  }
0x400: {  	[sflag:s11] =	ssyncset.done $0x0  }
0x401: {  	s31 =	rddreg [dreg:$0x10];
	[sflag:s11] =	ssyncadd.s32 $0xFFFF4000  }
0x402: {  	[hbm4b:s31+s2] =	stream.linear.scatter [tilespmem:s0], [sflag:$0x4], $0xC000, $0x38;
	[tilespmem:$0x18300] =	vst v63  }
0x403: {  	p0 =	sne.s32 s6, $0x1;
	_ =	swait.ge [sflag:s10], $0xC000  }
.Ltmp0:
0x404: {  	[sflag:s10] =	ssyncset.done $0x0;
	(pc) =	sbr.rel @p0 .LBB2_1-.Ltmp0, $4  }
0x405: {  	[sflag:s10] =	ssyncadd.s32 $0xFFFF4000  }
0x406: {  	_ =	swait.ge [sflag:s12], $0xC000  }
0x407: {  	[sflag:s12] =	ssyncset.done $0x0  }
0x408: {  	s6 =	sadd.s32 $0xFFFFFFFF, s6;
	[sflag:s12] =	ssyncadd.s32 $0xFFFF4000  }
0x409: {  	_ =	sfence.sel $0x180000  }
0x40a: {  	[bflag:$0x0] =	sbarrier.arrive $0xFFFF  }
0x40b: {  	_ =	strace $0x9000004A  }
0x40c: {  	s0 =	stileid.u32;
	[bflag:$0x2] =	sbarrier.arrive $0xFFFF  }
0x40d: {  	p0 =	sne.s32 s0, $0x0;
	s0 =	rddreg [dreg:$0x1]  }
0x40e: {  	s0 =	sadd.s32 @!p0 $0x100000, s0  }
0x40f: {  	[sflag:s0] =	ssyncadd.tile.s32 @!p0 $0x1;
	_ =	shalt  }
.Lfunc_end2:
_tile_overlayer_lowered:
.L_overlay_start_2:
0x410: {  	(tag) =	ssettag $0x2  }
0x411: {  	s0 =	rddreg [dreg:$0x0];
	s2 =	stileid.u32  }
0x412: {  	s1 =	rddreg [dreg:$0x1];
	p0 =	sne.s32 s2, $0x0  }
0x413: {  	s3 =	rddreg [dreg:$0x2];
	[bflag:$0x3] =	sbarrier.arrive $0xFFFF;
	s2 =	simm.s32 @!p0 $0x1C05  }
0x414: {  	[timem:s3], [sflag:s2] =	dma.local @!p0 [hbm:s0], s1  }
0x415: {  	s0 =	simm.s32 @!p0 $0x5  }
0x416: {  	_ =	swait.ge @!p0 [sflag:s0], s1  }
0x417: {  	s1 =	ssub.s32 @!p0 $0x0, s1;
	[sflag:s0] =	ssyncset.done @!p0 $0x0  }
0x418: {  	[sflag:s0] =	ssyncadd.s32 @!p0 s1  }
0x419: {  	[bflag:$0x3] =	sbarrier.arrive $0xFFFF  }
0x41a: {  	_ =	shalt  }

// kernel: kernel.8.cloned.1.call-start
scs
__scs_entry_jumppad:
0x0: {  	(pc) =	sbr.rel $0x88, $3  }
0x1: {  	(tag) =	ssettag $0x0;
	lr =	simm.s32 $0x1  }
0x2: {  	[smem:$0x3F95] =	sst lr;
	_ =	strace $0xD0000000  }
0x3: {  	_ = 	snop  }
0x4: {  	_ = 	snop  }
0x5: {  	_ = 	snop  }
0x6: {  	_ = 	snop  }
0x7: {  	_ = 	snop  }
__scs_overlays_trampoline_lowered:
0x8: {  	[smem:$0x3FA4] =	sst s0  }
0x9: {  	[smem:$0x3FA5] =	sst s1  }
0xa: {  	[smem:$0x3FA6] =	sst s2  }
0xb: {  	[smem:$0x3FA7] =	sst s3  }
0xc: {  	[smem:$0x3FA8] =	sst s4  }
0xd: {  	[smem:$0x3FA9] =	sst s5  }
0xe: {  	[smem:$0x3FAA] =	sst s6  }
0xf: {  	[smem:$0x3FAB] =	sst s7  }
0x10: {  	[smem:$0x3FAC] =	sst s8  }
0x11: {  	[smem:$0x3FAD] =	sst s9;
	s0 =	simm.s32 @!p0 $0x0  }
0x12: {  	s1 =	sld [smem:$0x3F93];
	s0 =	simm.s32 @p0 $0x1  }
0x13: {  	[smem:$0x3FAE] =	sst s0;
	s0 =	simm.s32 @!p1 $0x0  }
0x14: {  	s2 =	sld [smem:$0x3F92];
	s0 =	simm.s32 @p1 $0x1  }
0x15: {  	[smem:$0x3FAF] =	sst s0;
	s0 =	simm.s32 @!p2 $0x0  }
0x16: {  	s3 =	sld [smem:$0x3FDB];
	s0 =	simm.s32 @p2 $0x1  }
0x17: {  	s4 =	simm.s32 $0x1BF5;
	[smem:$0x3FB1] =	sst s0  }
0x18: {  	s0 =	sld [smem:$0x3F94];
	_ =	swait.ge [sflag:s4], $0x0  }
0x19: {  	s7 =	sld [smem:$0x3F95]  }
0x1a: {  	s8 =	sadd.s32 $0xFFFFE003, lr  }
0x1b: {  	s9 =	sadd.s32 $0xFFFFFEF7, lr;
	s5 =	simm.s32 $0xFFFFFFFF;
	p2 =	slt.u32 s8, $0xFFFFF086  }
0x1c: {  	p1 =	slt.u32 s9, $0xF7A;
	s5 =	simm.s32 @!p2 $0x0  }
0x1d: {  	s5 =	simm.s32 @p1 $0x1;
	p0 =	seq.s32 s7, s2  }
0x1e: {  	s7 =	smul.u32 @!p0 $0xF7A, s2;
	p2 =	seq.s32 @!p0 s5, $0x0  }
0x1f: {  	s9 =	smul.u32 $0xF7A, s1;
	s8 =	simm.s32 @!p0 $0x1BF5;
	p2 =	por !p2, p0  }
0x20: {  	[sflag:s8] =	ssyncset.s32 @!p0 $0xFFFFF086;
	s6 =	sadd.s32 @!p0 s3, s7;
	s7 =	simm.s32 @!p0 $0x108  }
0x21: {  	s3 =	sadd.s32 s3, s9;
	s6 =	sadd.s32 @!p0 $0x88, s6;
	s7 =	simm.s32 @p2 $0x1082  }
0x22: {  	[simem:s7], [sflag:s8] =	dma.local @!p0 [hbm:s6], $0xF7A  }
0x23: {  	s9 =	sor.u32 $0xD0000000, s2;
	s6 =	simm.s32 $0x108;
	_ =	swait.ge @!p0 [sflag:s8], $0x0  }
0x24: {  	s3 =	sadd.s32 $0x88, s3;
	s6 =	simm.s32 @!p1 $0x1082;
	[sflag:s4] =	ssyncset.s32 $0xFFFFF086  }
0x25: {  	[simem:s6], [sflag:s4] =	dma.local [hbm:s3], $0xF7A  }
0x26: {  	[smem:$0x3F95] =	sst s1;
	(tag) =	ssettag s2;
	_ =	strace s9  }
0x27: {  	s1 =	sld [smem:$0x3FA5]  }
0x28: {  	s2 =	sld [smem:$0x3FA6]  }
0x29: {  	s4 =	sld [smem:$0x3FA8]  }
0x2a: {  	p0 =	seq.s32 s5, $0x0;
	s5 =	sld [smem:$0x3FA9]  }
0x2b: {  	s6 =	sld [smem:$0x3FAA]  }
0x2c: {  	s7 =	sld [smem:$0x3FAB]  }
0x2d: {  	s3 =	simm.s32 $0x108;
	s8 =	sld [smem:$0x3FAC]  }
0x2e: {  	s3 =	simm.s32 @!p0 $0x1082;
	s9 =	sld [smem:$0x3FAD]  }
0x2f: {  	lr =	sadd.s32 s0, s3;
	s0 =	sld [smem:$0x3FA4]  }
0x30: {  	s3 =	sld [smem:$0x3FA7]  }
0x31: {  	[smem:$0x3FB0] =	sst s10  }
0x32: {  	s10 =	sld [smem:$0x3FAE];
	_ =	sdelay $0x3  }
0x33: {  	p0 =	seq.s32 s10, $0x1;
	s10 =	sld [smem:$0x3FB0];
	_ =	sdelay $0x3  }
0x34: {  	[smem:$0x3FB0] =	sst s10  }
0x35: {  	s10 =	sld [smem:$0x3FAF];
	_ =	sdelay $0x3  }
0x36: {  	p1 =	seq.s32 s10, $0x1;
	s10 =	sld [smem:$0x3FB0];
	_ =	sdelay $0x3  }
0x37: {  	[smem:$0x3FB0] =	sst s10  }
0x38: {  	s10 =	sld [smem:$0x3FB1]  }
0x39: {  	_ = 	snop;
	(pc) =	sbr.ind lr, $3  }
0x3a: {  	_ = 	snop  }
0x3b: {  	_ = 	snop  }
0x3c: {  	p2 =	seq.s32 s10, $0x1;
	s10 =	sld [smem:$0x3FB0]  }
0x3d: {  	_ =	shalt  }
0x3e: {  	_ =	shalt  }
0x3f: {  	_ =	shalt  }
0x40: {  	_ =	shalt  }
0x41: {  	_ =	shalt  }
0x42: {  	_ =	shalt  }
0x43: {  	_ =	shalt  }
0x44: {  	_ =	shalt  }
0x45: {  	_ =	shalt  }
0x46: {  	_ =	shalt  }
0x47: {  	_ =	shalt  }
0x48: {  	_ =	shalt  }
0x49: {  	_ =	shalt  }
0x4a: {  	_ =	shalt  }
0x4b: {  	_ =	shalt  }
0x4c: {  	_ =	shalt  }
0x4d: {  	_ =	shalt  }
0x4e: {  	_ =	shalt  }
0x4f: {  	_ =	shalt  }
0x50: {  	_ =	shalt  }
0x51: {  	_ =	shalt  }
0x52: {  	_ =	shalt  }
0x53: {  	_ =	shalt  }
0x54: {  	_ =	shalt  }
0x55: {  	_ =	shalt  }
0x56: {  	_ =	shalt  }
0x57: {  	_ =	shalt  }
0x58: {  	_ =	shalt  }
0x59: {  	_ =	shalt  }
0x5a: {  	_ =	shalt  }
0x5b: {  	_ =	shalt  }
0x5c: {  	_ =	shalt  }
0x5d: {  	_ =	shalt  }
0x5e: {  	_ =	shalt  }
0x5f: {  	_ =	shalt  }
0x60: {  	_ =	shalt  }
0x61: {  	_ =	shalt  }
0x62: {  	_ =	shalt  }
0x63: {  	_ =	shalt  }
0x64: {  	_ =	shalt  }
0x65: {  	_ =	shalt  }
0x66: {  	_ =	shalt  }
0x67: {  	_ =	shalt  }
0x68: {  	_ =	shalt  }
0x69: {  	_ =	shalt  }
0x6a: {  	_ =	shalt  }
0x6b: {  	_ =	shalt  }
0x6c: {  	_ =	shalt  }
0x6d: {  	_ =	shalt  }
0x6e: {  	_ =	shalt  }
0x6f: {  	_ =	shalt  }
0x70: {  	_ =	shalt  }
0x71: {  	_ =	shalt  }
0x72: {  	_ =	shalt  }
0x73: {  	_ =	shalt  }
0x74: {  	_ =	shalt  }
0x75: {  	_ =	shalt  }
0x76: {  	_ =	shalt  }
0x77: {  	_ =	shalt  }
0x78: {  	_ =	shalt  }
0x79: {  	_ =	shalt  }
0x7a: {  	_ =	shalt  }
0x7b: {  	_ =	shalt  }
0x7c: {  	_ =	shalt  }
0x7d: {  	_ =	shalt  }
0x7e: {  	_ =	shalt  }
0x7f: {  	_ =	shalt  }
0x80: {  	_ =	shalt  }
0x81: {  	_ =	shalt  }
0x82: {  	_ =	shalt  }
0x83: {  	_ =	shalt  }
0x84: {  	_ =	shalt  }
0x85: {  	_ =	shalt  }
0x86: {  	_ =	shalt  }
0x87: {  	_ =	shalt  }
.Lfunc_end0:
.L_simem_size_0:
called_computation_lowered:
.L_overlay_start_0:
0x88: {  	s2 =	sld [smem:$0x3FD9]  }
0x89: {  	s3 =	sld [smem:$0x3FFE];
	_ =	sdelay $0x1  }
0x8a: {  	s1 =	srdreg.scid  }
0x8b: {  	s0 =	sand.u32 $0x1, s1  }
0x8c: {  	s17 =	sshll.u32 s0, $0xA;
	s2 =	sadd.s32 s3, s2  }
0x8d: {  	s2 =	sadd.s32 s2, s17  }
0x8e: {  	[smem:$0x3FBC] =	sst s2  }
0x8f: {  	_ = 	snop  }
0x90: {  	s2 =	sld [smem:$0x3FC9];
	(tm) =	ssettm $0x1  }
0x91: {  	s18 =	sld [smem:$0x3FFB];
	_ =	sdelay $0x3  }
0x92: {  	_ =	strace s18  }
0x93: {  	s3 =	sld [smem:$0x3FFC];
	_ =	sdelay $0x3  }
0x94: {  	_ =	strace s3  }
0x95: {  	s3 =	sld [smem:$0x3FFD];
	_ =	sdelay $0x3  }
0x96: {  	_ =	strace s3  }
0x97: {  	_ =	strace $0x8FFFFFFF  }
0x98: {  	s19 =	sld [smem:$0x3FDB];
	_ =	sdelay $0x1  }
0x99: {  	s4 =	simm.s32 $_scs_section_size  }
0x9a: {  	s5 =	simm.s32 $_size__tile_overlayer_lowered;
	s6 =	simm.s32 $_tile_overlayer_lowered  }
0x9b: {  	s22 =	simm.s32 $0x1BFF;
	s21 =	sshll.u32 s6, $0x1;
	s3 =	sadd.s32 s4, s19  }
0x9c: {  	s7 =	simm.s32 $0x0;
	s20 =	sshll.u32 s5, $0x1;
	s5 =	sadd.s32 s21, s3  }
0x9d: {  	[timem:s7], [sflag:s22] =	dma.local [hbm:s5], s20  }
0x9e: {  	_ =	swait.ge [sflag:s22], s20  }
0x9f: {  	s4 =	ssub.s32 $0x0, s20;
	[sflag:s22] =	ssyncset.done $0x0  }
0xa0: {  	[sflag:s22] =	ssyncadd.s32 s4;
	_ =	sdelay $0x1  }
0xa1: {  	s23 =	simm.s32 $0x1B8B  }
0xa2: {  	_ =	swait.ge [sflag:s23], $0x1  }
0xa3: {  	[sflag:s23] =	ssyncset.done $0x0  }
0xa4: {  	s25 =	simm.s32 $0x1B8E;
	s24 =	sld [smem:$0x3FFE];
	[sflag:s23] =	ssyncadd.s32 $0xFFFFFFFF  }
0xa5: {  	s26 =	simm.s32 $execute0_lowered;
	[smem:$0x3FD2] =	sst s25  }
0xa6: {  	s5 =	sshll.u32 s26, $0x1;
	_ =	strace $0x80000046;
	[dreg:$0x1] =	wrdreg $0xFFFFFFFF  }
0xa7: {  	s28 =	simm.s32 $_size_execute0_lowered;
	s3 =	sadd.s32 s3, s5;
	[dreg:$0x0] =	wrdreg $0x0  }
0xa8: {  	s5 =	sshll.u32 s28, $0x1;
	[dreg:$0x2] =	wrdreg s3  }
0xa9: {  	[dreg:$0x3] =	wrdreg s5  }
0xaa: {  	[dreg:$0x4] =	wrdreg $0xC0  }
0xab: {  	_ =	task [dreg:s7], $0x5FFFF  }
0xac: {  	[dreg:$0x1] =	wrdreg $0xFFFFFFFF  }
0xad: {  	[dreg:$0x0] =	wrdreg $0x60  }
0xae: {  	[dreg:$0x2] =	wrdreg s2  }
0xaf: {  	[dreg:$0x3] =	wrdreg s24  }
0xb0: {  	[dreg:$0x4] =	wrdreg $0x9  }
0xb1: {  	_ =	task.clear_ibuf [dreg:s7], $0x5FFFF;
	_ =	strace $0x90000046  }
0xb2: {  	s29 =	simm.s32 $0x9;
	_ =	strace $0x80000048  }
0xb3: {  	_ =	swait.ge [sflag:s29], $0x1  }
0xb4: {  	[sflag:s29] =	ssyncadd.s32 $0xFFFFFFFF  }
0xb5: {  	_ =	strace $0x90000048  }
0xb6: {  	_ =	sfence  }
0xb7: {  	s30 =	sld [smem:$0x0];
	_ =	sdelay $0x2  }
0xb8: {  	s31 =	sshll.u32 s1, $0xD;
	s1 =	sshrl.u32 s1, $0x2  }
0xb9: {  	s3 =	sand.u32 $0x4000, s31;
	s1 =	sadd.s32 s1, s30  }
0xba: {  	s0 =	sor.u32 s3, s0;
	s1 =	sshll.u32 s1, $0x11  }
0xbb: {  	s0 =	sor.u32 s1, s0  }
0xbc: {  	s0 =	sadd.s32 $0x8F2B, s0  }
0xbd: {  	[sflag:s0] =	ssyncadd.remote.s32 $0x1  }
0xbe: {  	_ =	sfence.sel $0xFFFF  }
0xbf: {  	[dreg:$0x0] =	wrdreg $0xFFFFFFFF;
	(pc) =	sbr.abs _section_cstart, $3  }
0xc0: {  	[dreg:$0x1] =	wrdreg $0xFFFFFFFF  }
0xc1: {  	_ =	task.clear_ibuf [dreg:s7], $0x2FFFF;
	_ =	strace $0x9FFFFFFF  }
0xc2: {  	(tm) =	ssettm $0x7FFFFFFF  }
0xc3: {  	_ =	shalt  }
tec
execute0_lowered:
.L_overlay_start_1:
0x0: {  	(tag) =	ssettag $0x1  }
0x1: {  	s0 =	srdreg.scid;
	s1 =	rddreg [dreg:$0x0]  }
0x2: {  	s2 =	stileid.u32;
	s4 =	rddreg [dreg:$0x1];
	s28 =	simm.s32 $0x18000  }
0x3: {  	s30 =	simm.s32 $0x18100;
	s31 =	simm.s32 $0x18200;
	s29 =	simm.s32 $0x3  }
0x4: {  	s0 =	sand.u32 $0x1, s0;
	s3 =	sshll.u32 s2, $0x6;
	s2 =	simm.s32 $0x0  }
0x5: {  	s5 =	sshll.u32 s0, $0x5;
	[smem:$0x7FF] =	sst s2;
	s0 =	ssub.s32 $0x2, s0  }
0x6: {  	s3 =	sor.u32 s5, s3;
	_ =	strace $0x80000047;
	[dreg:$0x9] =	wrdreg s28  }
0x7: {  	s25 =	sshrl.u32 s0, $0x1;
	[dreg:$0xa] =	wrdreg s30;
	s5 =	sadd.s32 s3, s4  }
0x8: {  	[dreg:$0xb] =	wrdreg s31;
	s7 =	smul.u32 $0x300, s3;
	s6 =	sadd.s32 $0x2200, s5  }
0x9: {  	s8 =	smul.u32 $0x1800, s3;
	s22 =	sadd.s32 $0x2600, s5;
	[dreg:$0x3] =	wrdreg s6  }
0xa: {  	s3 =	sadd.s32 $0x3000, s4;
	s5 =	sadd.s32 $0x2A00, s5;
	[dreg:$0x4] =	wrdreg s22  }
0xb: {  	s7 =	sadd.s32 s1, s7;
	s23 =	sshrl.u32 s8, $0x3;
	[dreg:$0x5] =	wrdreg s5  }
0xc: {  	[dreg:$0xc] =	wrdreg s7;
	s24 =	sadd.s32 $0x1800, s7;
	s1 =	sadd.s32 s1, s23  }
0xd: {  	v2 =	vlaneseq.u32;
	s0 =	ssub.s32 s0, s25;
	[dreg:$0x6] =	wrdreg s24;
	s26 =	sadd.s32 $0x3000, s1  }
0xe: {  	vm0 =	vmmov $0xffff;
	v1 =	vshrl.u32 v2, $0x3;
	s5 =	sadd.s32 $0x3100, s4;
	s1 =	sadd.s32 $0x4800, s1;
	[dreg:$0x7] =	wrdreg s26  }
0xf: {  	v0 =	vand.u32 $0x7, v2;
	v2 =	vor.u32 $0x8, v2;
	v1 =	vmul.u32 $0x8, v1;
	s6 =	sadd.s32 $0x3200, s4;
	s7 =	smax.u32 s0, $0x1;
	[dreg:$0x8] =	wrdreg s1  }
.LBB2_1:
0x10: {  	[dreg:$0xd] =	wrdreg s7  }
0x11: {  	s9 =	rddreg [dreg:$0x3]  }
0x12: {  	s10 =	rddreg [dreg:$0x9]  }
0x13: {  	[tilespmem:s10], [sflag:$0x3] =	stream.linear.gather [hbm4b:s9+s2], $0x100, $0x38;
	[tilespmem:$0x18300] =	vst v63  }
0x14: {  	_ =	swait.ge [sflag:s29], $0x100  }
0x15: {  	s15 =	rddreg [dreg:$0x4];
	[sflag:s29] =	ssyncset.done $0x0  }
0x16: {  	s16 =	rddreg [dreg:$0xa];
	[sflag:s29] =	ssyncadd.s32 $0xFFFFFF00  }
0x17: {  	[tilespmem:s16], [sflag:$0x3] =	stream.linear.gather [hbm4b:s15+s2], $0x100, $0x38;
	[tilespmem:$0x18300] =	vst v63  }
0x18: {  	_ =	swait.ge [sflag:s29], $0x100  }
0x19: {  	s17 =	rddreg [dreg:$0x5];
	[sflag:s29] =	ssyncset.done $0x0  }
0x1a: {  	s18 =	rddreg [dreg:$0xb];
	[sflag:s29] =	ssyncadd.s32 $0xFFFFFF00  }
0x1b: {  	[tilespmem:s18], [sflag:$0x3] =	stream.linear.gather [hbm4b:s17+s2], $0x100, $0x38;
	[tilespmem:$0x18300] =	vst v63  }
0x1c: {  	_ =	swait.ge [sflag:s29], $0x100  }
0x1d: {  	[sflag:s29] =	ssyncset.done $0x0  }
0x1e: {  	s19 =	rddreg [dreg:$0xc];
	[sflag:s29] =	ssyncadd.s32 $0xFFFFFF00  }
0x1f: {  	[tilespmem:s2], [sflag:$0x3] =	stream.linear.gather [hbm4b:s19+s2], $0xC000, $0x38;
	[tilespmem:$0x18300] =	vst v63  }
0x20: {  	_ =	swait.ge [sflag:s29], $0xC000  }
0x21: {  	[sflag:s29] =	ssyncset.done $0x0  }
0x22: {  	[sflag:s29] =	ssyncadd.s32 $0xFFFF4000  }
0x23: {  	v3 =	vld [tilespmem:$0x18000];
	_ =	sdelay $0x4  }
0x24: {  	v4 =	vshrl.u32 v3, $0x3  }
0x25: {  	v4 =	vmul.u32 $0x30, v4  }
0x26: {  	v3 =	vand.u32 $0x7, v3  }
0x27: {  	v3 =	vor.u32 v3, v4  }
0x28: {  	v4 =	vperm.xlane v3, v0;
	_ =	sdelay $0x1  }
0x29: {  	v4 =	vadd.s32 v1, v4;
	_ =	sdelay $0x3  }
0x2a: {  	v3 =	vperm.xlane v3, v2  }
0x2b: {  	[hbm4b:s3+s2] =	stream.indirect_vreg.scatter [tilespmem:s2], [sflag:$0x1], $0x80, v4, vm0, $0xb8;
	[tilespmem:$0x18300] =	vst v63  }
0x2c: {  	s0 =	simm.s32 $0x800;
	v3 =	vadd.s32 v1, v3  }
0x2d: {  	[hbm4b:s5+s2] =	stream.indirect_vreg.scatter [tilespmem:s0], [sflag:$0x1], $0x80, v4, vm0, $0xb8;
	[tilespmem:$0x18300] =	vst v63  }
0x2e: {  	s20 =	simm.s32 $0x1000  }
0x2f: {  	[hbm4b:s6+s2] =	stream.indirect_vreg.scatter [tilespmem:s20], [sflag:$0x1], $0x80, v4, vm0, $0xb8;
	[tilespmem:$0x18300] =	vst v63  }
0x30: {  	s21 =	simm.s32 $0x1800  }
0x31: {  	[hbm4b:s3+s2] =	stream.indirect_vreg.scatter [tilespmem:s21], [sflag:$0x1], $0x80, v3, vm0, $0xb8;
	[tilespmem:$0x18300] =	vst v63  }
0x32: {  	s22 =	simm.s32 $0x2000  }
0x33: {  	[hbm4b:s5+s2] =	stream.indirect_vreg.scatter [tilespmem:s22], [sflag:$0x1], $0x80, v3, vm0, $0xb8;
	[tilespmem:$0x18300] =	vst v63  }
0x34: {  	s23 =	simm.s32 $0x2800  }
0x35: {  	[hbm4b:s6+s2] =	stream.indirect_vreg.scatter [tilespmem:s23], [sflag:$0x1], $0x80, v3, vm0, $0xb8;
	[tilespmem:$0x18300] =	vst v63  }
0x36: {  	v3 =	vld [tilespmem:$0x18010];
	_ =	sdelay $0x4  }
0x37: {  	v17 =	vshrl.u32 v3, $0x3  }
0x38: {  	v4 =	vmul.u32 $0x30, v17  }
0x39: {  	v3 =	vand.u32 $0x7, v3  }
0x3a: {  	v3 =	vor.u32 v3, v4  }
0x3b: {  	v4 =	vperm.xlane v3, v0;
	_ =	sdelay $0x1  }
0x3c: {  	v4 =	vadd.s32 v1, v4;
	_ =	sdelay $0x3  }
0x3d: {  	s24 =	simm.s32 $0x3000;
	v3 =	vperm.xlane v3, v2  }
0x3e: {  	[hbm4b:s3+s2] =	stream.indirect_vreg.scatter [tilespmem:s24], [sflag:$0x1], $0x80, v4, vm0, $0xb8;
	[tilespmem:$0x18300] =	vst v63  }
0x3f: {  	s25 =	simm.s32 $0x3800;
	v3 =	vadd.s32 v1, v3  }
0x40: {  	[hbm4b:s5+s2] =	stream.indirect_vreg.scatter [tilespmem:s25], [sflag:$0x1], $0x80, v4, vm0, $0xb8;
	[tilespmem:$0x18300] =	vst v63  }
0x41: {  	s26 =	simm.s32 $0x4000  }
0x42: {  	[hbm4b:s6+s2] =	stream.indirect_vreg.scatter [tilespmem:s26], [sflag:$0x1], $0x80, v4, vm0, $0xb8;
	[tilespmem:$0x18300] =	vst v63  }
0x43: {  	s28 =	simm.s32 $0x4800  }
0x44: {  	[hbm4b:s3+s2] =	stream.indirect_vreg.scatter [tilespmem:s28], [sflag:$0x1], $0x80, v3, vm0, $0xb8;
	[tilespmem:$0x18300] =	vst v63  }
0x45: {  	s30 =	simm.s32 $0x5000  }
0x46: {  	[hbm4b:s5+s2] =	stream.indirect_vreg.scatter [tilespmem:s30], [sflag:$0x1], $0x80, v3, vm0, $0xb8;
	[tilespmem:$0x18300] =	vst v63  }
0x47: {  	s31 =	simm.s32 $0x5800  }
0x48: {  	[hbm4b:s6+s2] =	stream.indirect_vreg.scatter [tilespmem:s31], [sflag:$0x1], $0x80, v3, vm0, $0xb8;
	[tilespmem:$0x18300] =	vst v63  }
0x49: {  	v3 =	vld [tilespmem:$0x18020];
	_ =	sdelay $0x4  }
0x4a: {  	v18 =	vshrl.u32 v3, $0x3  }
0x4b: {  	v4 =	vmul.u32 $0x30, v18  }
0x4c: {  	v3 =	vand.u32 $0x7, v3  }
0x4d: {  	v3 =	vor.u32 v3, v4  }
0x4e: {  	v4 =	vperm.xlane v3, v0;
	_ =	sdelay $0x1  }
0x4f: {  	v4 =	vadd.s32 v1, v4;
	_ =	sdelay $0x3  }
0x50: {  	s8 =	simm.s32 $0x6000;
	v3 =	vperm.xlane v3, v2  }
0x51: {  	[hbm4b:s3+s2] =	stream.indirect_vreg.scatter [tilespmem:s8], [sflag:$0x1], $0x80, v4, vm0, $0xb8;
	[tilespmem:$0x18300] =	vst v63  }
0x52: {  	s15 =	simm.s32 $0x6800;
	v3 =	vadd.s32 v1, v3  }
0x53: {  	[hbm4b:s5+s2] =	stream.indirect_vreg.scatter [tilespmem:s15], [sflag:$0x1], $0x80, v4, vm0, $0xb8;
	[tilespmem:$0x18300] =	vst v63  }
0x54: {  	s16 =	simm.s32 $0x7000  }
0x55: {  	[hbm4b:s6+s2] =	stream.indirect_vreg.scatter [tilespmem:s16], [sflag:$0x1], $0x80, v4, vm0, $0xb8;
	[tilespmem:$0x18300] =	vst v63  }
0x56: {  	s17 =	simm.s32 $0x7800  }
0x57: {  	[hbm4b:s3+s2] =	stream.indirect_vreg.scatter [tilespmem:s17], [sflag:$0x1], $0x80, v3, vm0, $0xb8;
	[tilespmem:$0x18300] =	vst v63  }
0x58: {  	s18 =	simm.s32 $0x8000  }
0x59: {  	[hbm4b:s5+s2] =	stream.indirect_vreg.scatter [tilespmem:s18], [sflag:$0x1], $0x80, v3, vm0, $0xb8;
	[tilespmem:$0x18300] =	vst v63  }
0x5a: {  	s19 =	simm.s32 $0x8800  }
0x5b: {  	[hbm4b:s6+s2] =	stream.indirect_vreg.scatter [tilespmem:s19], [sflag:$0x1], $0x80, v3, vm0, $0xb8;
	[tilespmem:$0x18300] =	vst v63  }
0x5c: {  	v3 =	vld [tilespmem:$0x18030];
	_ =	sdelay $0x4  }
0x5d: {  	v19 =	vshrl.u32 v3, $0x3  }
0x5e: {  	v4 =	vmul.u32 $0x30, v19  }
0x5f: {  	v3 =	vand.u32 $0x7, v3  }
0x60: {  	v3 =	vor.u32 v3, v4  }
0x61: {  	v4 =	vperm.xlane v3, v0;
	_ =	sdelay $0x1  }
0x62: {  	v4 =	vadd.s32 v1, v4;
	_ =	sdelay $0x3  }
0x63: {  	s20 =	simm.s32 $0x9000;
	v3 =	vperm.xlane v3, v2  }
0x64: {  	[hbm4b:s3+s2] =	stream.indirect_vreg.scatter [tilespmem:s20], [sflag:$0x1], $0x80, v4, vm0, $0xb8;
	[tilespmem:$0x18300] =	vst v63  }
0x65: {  	s21 =	simm.s32 $0x9800;
	v3 =	vadd.s32 v1, v3  }
0x66: {  	[hbm4b:s5+s2] =	stream.indirect_vreg.scatter [tilespmem:s21], [sflag:$0x1], $0x80, v4, vm0, $0xb8;
	[tilespmem:$0x18300] =	vst v63  }
0x67: {  	s22 =	simm.s32 $0xA000  }
0x68: {  	[hbm4b:s6+s2] =	stream.indirect_vreg.scatter [tilespmem:s22], [sflag:$0x1], $0x80, v4, vm0, $0xb8;
	[tilespmem:$0x18300] =	vst v63  }
0x69: {  	s23 =	simm.s32 $0xA800  }
0x6a: {  	[hbm4b:s3+s2] =	stream.indirect_vreg.scatter [tilespmem:s23], [sflag:$0x1], $0x80, v3, vm0, $0xb8;
	[tilespmem:$0x18300] =	vst v63  }
0x6b: {  	s30 =	simm.s32 $0xB000  }
0x6c: {  	[hbm4b:s5+s2] =	stream.indirect_vreg.scatter [tilespmem:s30], [sflag:$0x1], $0x80, v3, vm0, $0xb8;
	[tilespmem:$0x18300] =	vst v63  }
0x6d: {  	s31 =	simm.s32 $0xB800  }
0x6e: {  	[hbm4b:s6+s2] =	stream.indirect_vreg.scatter [tilespmem:s31], [sflag:$0x1], $0x80, v3, vm0, $0xb8;
	[tilespmem:$0x18300] =	vst v63  }
0x6f: {  	v3 =	vld [tilespmem:$0x18100];
	_ =	sdelay $0x4  }
0x70: {  	v20 =	vshrl.u32 v3, $0x3  }
0x71: {  	v4 =	vmul.u32 $0x30, v20  }
0x72: {  	v3 =	vand.u32 $0x7, v3  }
0x73: {  	v3 =	vor.u32 v3, v4  }
0x74: {  	v4 =	vperm.xlane v3, v0;
	_ =	sdelay $0x1  }
0x75: {  	v4 =	vadd.s32 v1, v4;
	_ =	sdelay $0x3  }
0x76: {  	v3 =	vperm.xlane v3, v2  }
0x77: {  	[hbm4b:s3+s2] =	stream.indirect_vreg.scatter [tilespmem:s2], [sflag:$0x1], $0x80, v4, vm0, $0xb8;
	[tilespmem:$0x18300] =	vst v63  }
0x78: {  	s7 =	simm.s32 $0x800;
	v3 =	vadd.s32 v1, v3  }
0x79: {  	[hbm4b:s5+s2] =	stream.indirect_vreg.scatter [tilespmem:s7], [sflag:$0x1], $0x80, v4, vm0, $0xb8;
	[tilespmem:$0x18300] =	vst v63  }
0x7a: {  	s9 =	simm.s32 $0x1000  }
0x7b: {  	[hbm4b:s6+s2] =	stream.indirect_vreg.scatter [tilespmem:s9], [sflag:$0x1], $0x80, v4, vm0, $0xb8;
	[tilespmem:$0x18300] =	vst v63  }
0x7c: {  	s10 =	simm.s32 $0x1800  }
0x7d: {  	[hbm4b:s3+s2] =	stream.indirect_vreg.scatter [tilespmem:s10], [sflag:$0x1], $0x80, v3, vm0, $0xb8;
	[tilespmem:$0x18300] =	vst v63  }
0x7e: {  	s0 =	simm.s32 $0x2000  }
0x7f: {  	[hbm4b:s5+s2] =	stream.indirect_vreg.scatter [tilespmem:s0], [sflag:$0x1], $0x80, v3, vm0, $0xb8;
	[tilespmem:$0x18300] =	vst v63  }
0x80: {  	s1 =	simm.s32 $0x2800  }
0x81: {  	[hbm4b:s6+s2] =	stream.indirect_vreg.scatter [tilespmem:s1], [sflag:$0x1], $0x80, v3, vm0, $0xb8;
	[tilespmem:$0x18300] =	vst v63  }
0x82: {  	v3 =	vld [tilespmem:$0x18110];
	_ =	sdelay $0x4  }
0x83: {  	v21 =	vshrl.u32 v3, $0x3  }
0x84: {  	v4 =	vmul.u32 $0x30, v21  }
0x85: {  	v3 =	vand.u32 $0x7, v3  }
0x86: {  	v3 =	vor.u32 v3, v4  }
0x87: {  	v4 =	vperm.xlane v3, v0;
	_ =	sdelay $0x1  }
0x88: {  	v4 =	vadd.s32 v1, v4;
	_ =	sdelay $0x3  }
0x89: {  	s4 =	simm.s32 $0x3000;
	v3 =	vperm.xlane v3, v2  }
0x8a: {  	[hbm4b:s3+s2] =	stream.indirect_vreg.scatter [tilespmem:s4], [sflag:$0x1], $0x80, v4, vm0, $0xb8;
	[tilespmem:$0x18300] =	vst v63  }
0x8b: {  	s11 =	simm.s32 $0x3800;
	v3 =	vadd.s32 v1, v3  }
0x8c: {  	[hbm4b:s5+s2] =	stream.indirect_vreg.scatter [tilespmem:s11], [sflag:$0x1], $0x80, v4, vm0, $0xb8;
	[tilespmem:$0x18300] =	vst v63  }
0x8d: {  	s12 =	simm.s32 $0x4000  }
0x8e: {  	[hbm4b:s6+s2] =	stream.indirect_vreg.scatter [tilespmem:s12], [sflag:$0x1], $0x80, v4, vm0, $0xb8;
	[tilespmem:$0x18300] =	vst v63  }
0x8f: {  	s13 =	simm.s32 $0x4800  }
0x90: {  	[hbm4b:s3+s2] =	stream.indirect_vreg.scatter [tilespmem:s13], [sflag:$0x1], $0x80, v3, vm0, $0xb8;
	[tilespmem:$0x18300] =	vst v63  }
0x91: {  	s14 =	simm.s32 $0x5000  }
0x92: {  	[hbm4b:s5+s2] =	stream.indirect_vreg.scatter [tilespmem:s14], [sflag:$0x1], $0x80, v3, vm0, $0xb8;
	[tilespmem:$0x18300] =	vst v63  }
0x93: {  	s24 =	simm.s32 $0x5800  }
0x94: {  	[hbm4b:s6+s2] =	stream.indirect_vreg.scatter [tilespmem:s24], [sflag:$0x1], $0x80, v3, vm0, $0xb8;
	[tilespmem:$0x18300] =	vst v63  }
0x95: {  	v3 =	vld [tilespmem:$0x18120];
	_ =	sdelay $0x4  }
0x96: {  	v22 =	vshrl.u32 v3, $0x3  }
0x97: {  	v4 =	vmul.u32 $0x30, v22  }
0x98: {  	v3 =	vand.u32 $0x7, v3  }
0x99: {  	v3 =	vor.u32 v3, v4  }
0x9a: {  	v4 =	vperm.xlane v3, v0;
	_ =	sdelay $0x1  }
0x9b: {  	v4 =	vadd.s32 v1, v4;
	_ =	sdelay $0x3  }
0x9c: {  	s25 =	simm.s32 $0x6000;
	v3 =	vperm.xlane v3, v2  }
0x9d: {  	[hbm4b:s3+s2] =	stream.indirect_vreg.scatter [tilespmem:s25], [sflag:$0x1], $0x80, v4, vm0, $0xb8;
	[tilespmem:$0x18300] =	vst v63  }
0x9e: {  	s15 =	simm.s32 $0x6800;
	v3 =	vadd.s32 v1, v3  }
0x9f: {  	[hbm4b:s5+s2] =	stream.indirect_vreg.scatter [tilespmem:s15], [sflag:$0x1], $0x80, v4, vm0, $0xb8;
	[tilespmem:$0x18300] =	vst v63  }
0xa0: {  	s16 =	simm.s32 $0x7000  }
0xa1: {  	[hbm4b:s6+s2] =	stream.indirect_vreg.scatter [tilespmem:s16], [sflag:$0x1], $0x80, v4, vm0, $0xb8;
	[tilespmem:$0x18300] =	vst v63  }
0xa2: {  	s17 =	simm.s32 $0x7800  }
0xa3: {  	[hbm4b:s3+s2] =	stream.indirect_vreg.scatter [tilespmem:s17], [sflag:$0x1], $0x80, v3, vm0, $0xb8;
	[tilespmem:$0x18300] =	vst v63  }
0xa4: {  	s18 =	simm.s32 $0x8000  }
0xa5: {  	[hbm4b:s5+s2] =	stream.indirect_vreg.scatter [tilespmem:s18], [sflag:$0x1], $0x80, v3, vm0, $0xb8;
	[tilespmem:$0x18300] =	vst v63  }
0xa6: {  	s26 =	simm.s32 $0x8800  }
0xa7: {  	[hbm4b:s6+s2] =	stream.indirect_vreg.scatter [tilespmem:s26], [sflag:$0x1], $0x80, v3, vm0, $0xb8;
	[tilespmem:$0x18300] =	vst v63  }
0xa8: {  	v3 =	vld [tilespmem:$0x18130];
	_ =	sdelay $0x4  }
0xa9: {  	v23 =	vshrl.u32 v3, $0x3  }
0xaa: {  	v4 =	vmul.u32 $0x30, v23  }
0xab: {  	v3 =	vand.u32 $0x7, v3  }
0xac: {  	v3 =	vor.u32 v3, v4  }
0xad: {  	v4 =	vperm.xlane v3, v0;
	_ =	sdelay $0x1  }
0xae: {  	v4 =	vadd.s32 v1, v4;
	_ =	sdelay $0x3  }
0xaf: {  	s28 =	simm.s32 $0x9000;
	v3 =	vperm.xlane v3, v2  }
0xb0: {  	[hbm4b:s3+s2] =	stream.indirect_vreg.scatter [tilespmem:s28], [sflag:$0x1], $0x80, v4, vm0, $0xb8;
	[tilespmem:$0x18300] =	vst v63  }
0xb1: {  	s19 =	simm.s32 $0x9800;
	v3 =	vadd.s32 v1, v3  }
0xb2: {  	[hbm4b:s5+s2] =	stream.indirect_vreg.scatter [tilespmem:s19], [sflag:$0x1], $0x80, v4, vm0, $0xb8;
	[tilespmem:$0x18300] =	vst v63  }
0xb3: {  	s20 =	simm.s32 $0xA000  }
0xb4: {  	[hbm4b:s6+s2] =	stream.indirect_vreg.scatter [tilespmem:s20], [sflag:$0x1], $0x80, v4, vm0, $0xb8;
	[tilespmem:$0x18300] =	vst v63  }
0xb5: {  	s8 =	simm.s32 $0xA800  }
0xb6: {  	[hbm4b:s3+s2] =	stream.indirect_vreg.scatter [tilespmem:s8], [sflag:$0x1], $0x80, v3, vm0, $0xb8;
	[tilespmem:$0x18300] =	vst v63  }
0xb7: {  	s21 =	simm.s32 $0xB000  }
0xb8: {  	[hbm4b:s5+s2] =	stream.indirect_vreg.scatter [tilespmem:s21], [sflag:$0x1], $0x80, v3, vm0, $0xb8;
	[tilespmem:$0x18300] =	vst v63  }
0xb9: {  	s30 =	simm.s32 $0xB800  }
0xba: {  	[hbm4b:s6+s2] =	stream.indirect_vreg.scatter [tilespmem:s30], [sflag:$0x1], $0x80, v3, vm0, $0xb8;
	[tilespmem:$0x18300] =	vst v63  }
0xbb: {  	v3 =	vld [tilespmem:$0x18200];
	_ =	sdelay $0x4  }
0xbc: {  	v24 =	vshrl.u32 v3, $0x3  }
0xbd: {  	v4 =	vmul.u32 $0x30, v24  }
0xbe: {  	v3 =	vand.u32 $0x7, v3  }
0xbf: {  	v3 =	vor.u32 v3, v4  }
0xc0: {  	v4 =	vperm.xlane v3, v0;
	_ =	sdelay $0x1  }
0xc1: {  	v4 =	vadd.s32 v1, v4;
	_ =	sdelay $0x3  }
0xc2: {  	v3 =	vperm.xlane v3, v2  }
0xc3: {  	[hbm4b:s3+s2] =	stream.indirect_vreg.scatter [tilespmem:s2], [sflag:$0x1], $0x80, v4, vm0, $0xb8;
	[tilespmem:$0x18300] =	vst v63  }
0xc4: {  	v3 =	vadd.s32 v1, v3  }
0xc5: {  	[hbm4b:s5+s2] =	stream.indirect_vreg.scatter [tilespmem:s7], [sflag:$0x1], $0x80, v4, vm0, $0xb8;
	[tilespmem:$0x18300] =	vst v63  }
0xc6: {  	_ = 	snop  }
0xc7: {  	[hbm4b:s6+s2] =	stream.indirect_vreg.scatter [tilespmem:s9], [sflag:$0x1], $0x80, v4, vm0, $0xb8;
	[tilespmem:$0x18300] =	vst v63  }
0xc8: {  	_ = 	snop  }
0xc9: {  	[hbm4b:s3+s2] =	stream.indirect_vreg.scatter [tilespmem:s10], [sflag:$0x1], $0x80, v3, vm0, $0xb8;
	[tilespmem:$0x18300] =	vst v63  }
0xca: {  	_ = 	snop  }
0xcb: {  	[hbm4b:s5+s2] =	stream.indirect_vreg.scatter [tilespmem:s0], [sflag:$0x1], $0x80, v3, vm0, $0xb8;
	[tilespmem:$0x18300] =	vst v63  }
0xcc: {  	s22 =	simm.s32 $0x2800  }
0xcd: {  	[hbm4b:s6+s2] =	stream.indirect_vreg.scatter [tilespmem:s22], [sflag:$0x1], $0x80, v3, vm0, $0xb8;
	[tilespmem:$0x18300] =	vst v63  }
0xce: {  	v3 =	vld [tilespmem:$0x18210];
	_ =	sdelay $0x4  }
0xcf: {  	v25 =	vshrl.u32 v3, $0x3  }
0xd0: {  	v4 =	vmul.u32 $0x30, v25  }
0xd1: {  	v3 =	vand.u32 $0x7, v3  }
0xd2: {  	v3 =	vor.u32 v3, v4  }
0xd3: {  	v4 =	vperm.xlane v3, v0;
	_ =	sdelay $0x1  }
0xd4: {  	v4 =	vadd.s32 v1, v4;
	_ =	sdelay $0x3  }
0xd5: {  	s23 =	simm.s32 $0x3000;
	v3 =	vperm.xlane v3, v2  }
0xd6: {  	[hbm4b:s3+s2] =	stream.indirect_vreg.scatter [tilespmem:s23], [sflag:$0x1], $0x80, v4, vm0, $0xb8;
	[tilespmem:$0x18300] =	vst v63  }
0xd7: {  	s1 =	simm.s32 $0x3800;
	v3 =	vadd.s32 v1, v3  }
0xd8: {  	[hbm4b:s5+s2] =	stream.indirect_vreg.scatter [tilespmem:s1], [sflag:$0x1], $0x80, v4, vm0, $0xb8;
	[tilespmem:$0x18300] =	vst v63  }
0xd9: {  	s4 =	simm.s32 $0x4000  }
0xda: {  	[hbm4b:s6+s2] =	stream.indirect_vreg.scatter [tilespmem:s4], [sflag:$0x1], $0x80, v4, vm0, $0xb8;
	[tilespmem:$0x18300] =	vst v63  }
0xdb: {  	s11 =	simm.s32 $0x4800  }
0xdc: {  	[hbm4b:s3+s2] =	stream.indirect_vreg.scatter [tilespmem:s11], [sflag:$0x1], $0x80, v3, vm0, $0xb8;
	[tilespmem:$0x18300] =	vst v63  }
0xdd: {  	s12 =	simm.s32 $0x5000  }
0xde: {  	[hbm4b:s5+s2] =	stream.indirect_vreg.scatter [tilespmem:s12], [sflag:$0x1], $0x80, v3, vm0, $0xb8;
	[tilespmem:$0x18300] =	vst v63  }
0xdf: {  	s24 =	simm.s32 $0x5800  }
0xe0: {  	[hbm4b:s6+s2] =	stream.indirect_vreg.scatter [tilespmem:s24], [sflag:$0x1], $0x80, v3, vm0, $0xb8;
	[tilespmem:$0x18300] =	vst v63  }
0xe1: {  	v3 =	vld [tilespmem:$0x18220];
	_ =	sdelay $0x4  }
0xe2: {  	v26 =	vshrl.u32 v3, $0x3  }
0xe3: {  	v4 =	vmul.u32 $0x30, v26  }
0xe4: {  	v3 =	vand.u32 $0x7, v3  }
0xe5: {  	v3 =	vor.u32 v3, v4  }
0xe6: {  	v4 =	vperm.xlane v3, v0;
	_ =	sdelay $0x1  }
0xe7: {  	v4 =	vadd.s32 v1, v4;
	_ =	sdelay $0x3  }
0xe8: {  	s25 =	simm.s32 $0x6000;
	v3 =	vperm.xlane v3, v2  }
0xe9: {  	[hbm4b:s3+s2] =	stream.indirect_vreg.scatter [tilespmem:s25], [sflag:$0x1], $0x80, v4, vm0, $0xb8;
	[tilespmem:$0x18300] =	vst v63  }
0xea: {  	s13 =	simm.s32 $0x6800;
	v3 =	vadd.s32 v1, v3  }
0xeb: {  	[hbm4b:s5+s2] =	stream.indirect_vreg.scatter [tilespmem:s13], [sflag:$0x1], $0x80, v4, vm0, $0xb8;
	[tilespmem:$0x18300] =	vst v63  }
0xec: {  	s14 =	simm.s32 $0x7000  }
0xed: {  	[hbm4b:s6+s2] =	stream.indirect_vreg.scatter [tilespmem:s14], [sflag:$0x1], $0x80, v4, vm0, $0xb8;
	[tilespmem:$0x18300] =	vst v63  }
0xee: {  	s15 =	simm.s32 $0x7800  }
0xef: {  	[hbm4b:s3+s2] =	stream.indirect_vreg.scatter [tilespmem:s15], [sflag:$0x1], $0x80, v3, vm0, $0xb8;
	[tilespmem:$0x18300] =	vst v63  }
0xf0: {  	s16 =	simm.s32 $0x8000  }
0xf1: {  	[hbm4b:s5+s2] =	stream.indirect_vreg.scatter [tilespmem:s16], [sflag:$0x1], $0x80, v3, vm0, $0xb8;
	[tilespmem:$0x18300] =	vst v63  }
0xf2: {  	s26 =	simm.s32 $0x8800  }
0xf3: {  	[hbm4b:s6+s2] =	stream.indirect_vreg.scatter [tilespmem:s26], [sflag:$0x1], $0x80, v3, vm0, $0xb8;
	[tilespmem:$0x18300] =	vst v63  }
0xf4: {  	v3 =	vld [tilespmem:$0x18230];
	_ =	sdelay $0x4  }
0xf5: {  	v27 =	vshrl.u32 v3, $0x3  }
0xf6: {  	v4 =	vmul.u32 $0x30, v27  }
0xf7: {  	v3 =	vand.u32 $0x7, v3  }
0xf8: {  	v3 =	vor.u32 v3, v4  }
0xf9: {  	v4 =	vperm.xlane v3, v0;
	_ =	sdelay $0x1  }
0xfa: {  	v4 =	vadd.s32 v1, v4;
	_ =	sdelay $0x3  }
0xfb: {  	s17 =	simm.s32 $0x9000;
	v3 =	vperm.xlane v3, v2  }
0xfc: {  	[hbm4b:s3+s2] =	stream.indirect_vreg.scatter [tilespmem:s17], [sflag:$0x1], $0x80, v4, vm0, $0xb8;
	[tilespmem:$0x18300] =	vst v63  }
0xfd: {  	s18 =	simm.s32 $0x9800;
	v3 =	vadd.s32 v1, v3  }
0xfe: {  	[hbm4b:s5+s2] =	stream.indirect_vreg.scatter [tilespmem:s18], [sflag:$0x1], $0x80, v4, vm0, $0xb8;
	[tilespmem:$0x18300] =	vst v63  }
0xff: {  	s19 =	simm.s32 $0xA000  }
0x100: {  	[hbm4b:s6+s2] =	stream.indirect_vreg.scatter [tilespmem:s19], [sflag:$0x1], $0x80, v4, vm0, $0xb8;
	[tilespmem:$0x18300] =	vst v63  }
0x101: {  	s20 =	simm.s32 $0xA800  }
0x102: {  	[hbm4b:s3+s2] =	stream.indirect_vreg.scatter [tilespmem:s20], [sflag:$0x1], $0x80, v3, vm0, $0xb8;
	[tilespmem:$0x18300] =	vst v63  }
0x103: {  	s21 =	simm.s32 $0xB000  }
0x104: {  	[hbm4b:s5+s2] =	stream.indirect_vreg.scatter [tilespmem:s21], [sflag:$0x1], $0x80, v3, vm0, $0xb8;
	[tilespmem:$0x18300] =	vst v63  }
0x105: {  	s31 =	simm.s32 $0xB800  }
0x106: {  	[hbm4b:s6+s2] =	stream.indirect_vreg.scatter [tilespmem:s31], [sflag:$0x1], $0x80, v3, vm0, $0xb8;
	[tilespmem:$0x18300] =	vst v63  }
0x107: {  	s13 =	rddreg [dreg:$0x6];
	s14 =	simm.s32 $0xC000  }
0x108: {  	[tilespmem:s14], [sflag:$0x3] =	stream.linear.gather [hbm4b:s13+s2], $0xC000, $0x38;
	[tilespmem:$0x18300] =	vst v63  }
0x109: {  	_ =	swait.ge [sflag:s29], $0xC000  }
0x10a: {  	[sflag:s29] =	ssyncset.done $0x0  }
0x10b: {  	[sflag:s29] =	ssyncadd.s32 $0xFFFF4000  }
0x10c: {  	v3 =	vld [tilespmem:$0x18040];
	_ =	sdelay $0x4  }
0x10d: {  	v28 =	vshrl.u32 v3, $0x3  }
0x10e: {  	v4 =	vmul.u32 $0x30, v28  }
0x10f: {  	v3 =	vand.u32 $0x7, v3  }
0x110: {  	v3 =	vor.u32 v3, v4  }
0x111: {  	v4 =	vperm.xlane v3, v0;
	_ =	sdelay $0x1  }
0x112: {  	v4 =	vadd.s32 v1, v4;
	_ =	sdelay $0x3  }
0x113: {  	s10 =	simm.s32 $0xC000;
	v3 =	vperm.xlane v3, v2  }
0x114: {  	[hbm4b:s3+s2] =	stream.indirect_vreg.scatter [tilespmem:s10], [sflag:$0x2], $0x80, v4, vm0, $0xb8;
	[tilespmem:$0x18300] =	vst v63  }
0x115: {  	s15 =	simm.s32 $0xC800;
	v3 =	vadd.s32 v1, v3  }
0x116: {  	[hbm4b:s5+s2] =	stream.indirect_vreg.scatter [tilespmem:s15], [sflag:$0x2], $0x80, v4, vm0, $0xb8;
	[tilespmem:$0x18300] =	vst v63  }
0x117: {  	s16 =	simm.s32 $0xD000  }
0x118: {  	[hbm4b:s6+s2] =	stream.indirect_vreg.scatter [tilespmem:s16], [sflag:$0x2], $0x80, v4, vm0, $0xb8;
	[tilespmem:$0x18300] =	vst v63  }
0x119: {  	s17 =	simm.s32 $0xD800  }
0x11a: {  	[hbm4b:s3+s2] =	stream.indirect_vreg.scatter [tilespmem:s17], [sflag:$0x2], $0x80, v3, vm0, $0xb8;
	[tilespmem:$0x18300] =	vst v63  }
0x11b: {  	s18 =	simm.s32 $0xE000  }
0x11c: {  	[hbm4b:s5+s2] =	stream.indirect_vreg.scatter [tilespmem:s18], [sflag:$0x2], $0x80, v3, vm0, $0xb8;
	[tilespmem:$0x18300] =	vst v63  }
0x11d: {  	s19 =	simm.s32 $0xE800  }
0x11e: {  	[hbm4b:s6+s2] =	stream.indirect_vreg.scatter [tilespmem:s19], [sflag:$0x2], $0x80, v3, vm0, $0xb8;
	[tilespmem:$0x18300] =	vst v63  }
0x11f: {  	v3 =	vld [tilespmem:$0x18050];
	_ =	sdelay $0x4  }
0x120: {  	v29 =	vshrl.u32 v3, $0x3  }
0x121: {  	v4 =	vmul.u32 $0x30, v29  }
0x122: {  	v3 =	vand.u32 $0x7, v3  }
0x123: {  	v3 =	vor.u32 v3, v4  }
0x124: {  	v4 =	vperm.xlane v3, v0;
	_ =	sdelay $0x1  }
0x125: {  	v4 =	vadd.s32 v1, v4;
	_ =	sdelay $0x3  }
0x126: {  	s20 =	simm.s32 $0xF000;
	v3 =	vperm.xlane v3, v2  }
0x127: {  	[hbm4b:s3+s2] =	stream.indirect_vreg.scatter [tilespmem:s20], [sflag:$0x2], $0x80, v4, vm0, $0xb8;
	[tilespmem:$0x18300] =	vst v63  }
0x128: {  	s21 =	simm.s32 $0xF800;
	v3 =	vadd.s32 v1, v3  }
0x129: {  	[hbm4b:s5+s2] =	stream.indirect_vreg.scatter [tilespmem:s21], [sflag:$0x2], $0x80, v4, vm0, $0xb8;
	[tilespmem:$0x18300] =	vst v63  }
0x12a: {  	s22 =	simm.s32 $0x10000  }
0x12b: {  	[hbm4b:s6+s2] =	stream.indirect_vreg.scatter [tilespmem:s22], [sflag:$0x2], $0x80, v4, vm0, $0xb8;
	[tilespmem:$0x18300] =	vst v63  }
0x12c: {  	s23 =	simm.s32 $0x10800  }
0x12d: {  	[hbm4b:s3+s2] =	stream.indirect_vreg.scatter [tilespmem:s23], [sflag:$0x2], $0x80, v3, vm0, $0xb8;
	[tilespmem:$0x18300] =	vst v63  }
0x12e: {  	s25 =	simm.s32 $0x11000  }
0x12f: {  	[hbm4b:s5+s2] =	stream.indirect_vreg.scatter [tilespmem:s25], [sflag:$0x2], $0x80, v3, vm0, $0xb8;
	[tilespmem:$0x18300] =	vst v63  }
0x130: {  	s26 =	simm.s32 $0x11800  }
0x131: {  	[hbm4b:s6+s2] =	stream.indirect_vreg.scatter [tilespmem:s26], [sflag:$0x2], $0x80, v3, vm0, $0xb8;
	[tilespmem:$0x18300] =	vst v63  }
0x132: {  	v3 =	vld [tilespmem:$0x18060];
	_ =	sdelay $0x4  }
0x133: {  	v30 =	vshrl.u32 v3, $0x3  }
0x134: {  	v4 =	vmul.u32 $0x30, v30  }
0x135: {  	v3 =	vand.u32 $0x7, v3  }
0x136: {  	v3 =	vor.u32 v3, v4  }
0x137: {  	v4 =	vperm.xlane v3, v0;
	_ =	sdelay $0x1  }
0x138: {  	v4 =	vadd.s32 v1, v4;
	_ =	sdelay $0x3  }
0x139: {  	s28 =	simm.s32 $0x12000;
	v3 =	vperm.xlane v3, v2  }
0x13a: {  	[hbm4b:s3+s2] =	stream.indirect_vreg.scatter [tilespmem:s28], [sflag:$0x2], $0x80, v4, vm0, $0xb8;
	[tilespmem:$0x18300] =	vst v63  }
0x13b: {  	s30 =	simm.s32 $0x12800;
	v3 =	vadd.s32 v1, v3  }
0x13c: {  	[hbm4b:s5+s2] =	stream.indirect_vreg.scatter [tilespmem:s30], [sflag:$0x2], $0x80, v4, vm0, $0xb8;
	[tilespmem:$0x18300] =	vst v63  }
0x13d: {  	s31 =	simm.s32 $0x13000  }
0x13e: {  	[hbm4b:s6+s2] =	stream.indirect_vreg.scatter [tilespmem:s31], [sflag:$0x2], $0x80, v4, vm0, $0xb8;
	[tilespmem:$0x18300] =	vst v63  }
0x13f: {  	s0 =	simm.s32 $0x13800  }
0x140: {  	[hbm4b:s3+s2] =	stream.indirect_vreg.scatter [tilespmem:s0], [sflag:$0x2], $0x80, v3, vm0, $0xb8;
	[tilespmem:$0x18300] =	vst v63  }
0x141: {  	s1 =	simm.s32 $0x14000  }
0x142: {  	[hbm4b:s5+s2] =	stream.indirect_vreg.scatter [tilespmem:s1], [sflag:$0x2], $0x80, v3, vm0, $0xb8;
	[tilespmem:$0x18300] =	vst v63  }
0x143: {  	s8 =	simm.s32 $0x14800  }
0x144: {  	[hbm4b:s6+s2] =	stream.indirect_vreg.scatter [tilespmem:s8], [sflag:$0x2], $0x80, v3, vm0, $0xb8;
	[tilespmem:$0x18300] =	vst v63  }
0x145: {  	v3 =	vld [tilespmem:$0x18070];
	_ =	sdelay $0x4  }
0x146: {  	v31 =	vshrl.u32 v3, $0x3  }
0x147: {  	v4 =	vmul.u32 $0x30, v31  }
0x148: {  	v3 =	vand.u32 $0x7, v3  }
0x149: {  	v3 =	vor.u32 v3, v4  }
0x14a: {  	v4 =	vperm.xlane v3, v0;
	_ =	sdelay $0x1  }
0x14b: {  	v4 =	vadd.s32 v1, v4;
	_ =	sdelay $0x3  }
0x14c: {  	s21 =	simm.s32 $0x15000;
	v3 =	vperm.xlane v3, v2  }
0x14d: {  	[hbm4b:s3+s2] =	stream.indirect_vreg.scatter [tilespmem:s21], [sflag:$0x2], $0x80, v4, vm0, $0xb8;
	[tilespmem:$0x18300] =	vst v63  }
0x14e: {  	s22 =	simm.s32 $0x15800;
	v3 =	vadd.s32 v1, v3  }
0x14f: {  	[hbm4b:s5+s2] =	stream.indirect_vreg.scatter [tilespmem:s22], [sflag:$0x2], $0x80, v4, vm0, $0xb8;
	[tilespmem:$0x18300] =	vst v63  }
0x150: {  	s23 =	simm.s32 $0x16000  }
0x151: {  	[hbm4b:s6+s2] =	stream.indirect_vreg.scatter [tilespmem:s23], [sflag:$0x2], $0x80, v4, vm0, $0xb8;
	[tilespmem:$0x18300] =	vst v63  }
0x152: {  	s28 =	simm.s32 $0x16800  }
0x153: {  	[hbm4b:s3+s2] =	stream.indirect_vreg.scatter [tilespmem:s28], [sflag:$0x2], $0x80, v3, vm0, $0xb8;
	[tilespmem:$0x18300] =	vst v63  }
0x154: {  	s0 =	simm.s32 $0x17000  }
0x155: {  	[hbm4b:s5+s2] =	stream.indirect_vreg.scatter [tilespmem:s0], [sflag:$0x2], $0x80, v3, vm0, $0xb8;
	[tilespmem:$0x18300] =	vst v63  }
0x156: {  	s1 =	simm.s32 $0x17800  }
0x157: {  	[hbm4b:s6+s2] =	stream.indirect_vreg.scatter [tilespmem:s1], [sflag:$0x2], $0x80, v3, vm0, $0xb8;
	[tilespmem:$0x18300] =	vst v63  }
0x158: {  	v3 =	vld [tilespmem:$0x18140];
	_ =	sdelay $0x4  }
0x159: {  	v32 =	vshrl.u32 v3, $0x3  }
0x15a: {  	v4 =	vmul.u32 $0x30, v32  }
0x15b: {  	v3 =	vand.u32 $0x7, v3  }
0x15c: {  	v3 =	vor.u32 v3, v4  }
0x15d: {  	v4 =	vperm.xlane v3, v0;
	_ =	sdelay $0x1  }
0x15e: {  	v4 =	vadd.s32 v1, v4;
	_ =	sdelay $0x3  }
0x15f: {  	v3 =	vperm.xlane v3, v2  }
0x160: {  	[hbm4b:s3+s2] =	stream.indirect_vreg.scatter [tilespmem:s10], [sflag:$0x2], $0x80, v4, vm0, $0xb8;
	[tilespmem:$0x18300] =	vst v63  }
0x161: {  	s7 =	simm.s32 $0xC800;
	v3 =	vadd.s32 v1, v3  }
0x162: {  	[hbm4b:s5+s2] =	stream.indirect_vreg.scatter [tilespmem:s7], [sflag:$0x2], $0x80, v4, vm0, $0xb8;
	[tilespmem:$0x18300] =	vst v63  }
0x163: {  	s11 =	simm.s32 $0xD000  }
0x164: {  	[hbm4b:s6+s2] =	stream.indirect_vreg.scatter [tilespmem:s11], [sflag:$0x2], $0x80, v4, vm0, $0xb8;
	[tilespmem:$0x18300] =	vst v63  }
0x165: {  	s9 =	simm.s32 $0xD800  }
0x166: {  	[hbm4b:s3+s2] =	stream.indirect_vreg.scatter [tilespmem:s9], [sflag:$0x2], $0x80, v3, vm0, $0xb8;
	[tilespmem:$0x18300] =	vst v63  }
0x167: {  	s12 =	simm.s32 $0xE000  }
0x168: {  	[hbm4b:s5+s2] =	stream.indirect_vreg.scatter [tilespmem:s12], [sflag:$0x2], $0x80, v3, vm0, $0xb8;
	[tilespmem:$0x18300] =	vst v63  }
0x169: {  	s4 =	simm.s32 $0xE800  }
0x16a: {  	[hbm4b:s6+s2] =	stream.indirect_vreg.scatter [tilespmem:s4], [sflag:$0x2], $0x80, v3, vm0, $0xb8;
	[tilespmem:$0x18300] =	vst v63  }
0x16b: {  	v3 =	vld [tilespmem:$0x18150];
	_ =	sdelay $0x4  }
0x16c: {  	v33 =	vshrl.u32 v3, $0x3  }
0x16d: {  	v4 =	vmul.u32 $0x30, v33  }
0x16e: {  	v3 =	vand.u32 $0x7, v3  }
0x16f: {  	v3 =	vor.u32 v3, v4  }
0x170: {  	v4 =	vperm.xlane v3, v0;
	_ =	sdelay $0x1  }
0x171: {  	v4 =	vadd.s32 v1, v4;
	_ =	sdelay $0x3  }
0x172: {  	s24 =	simm.s32 $0xF000;
	v3 =	vperm.xlane v3, v2  }
0x173: {  	[hbm4b:s3+s2] =	stream.indirect_vreg.scatter [tilespmem:s24], [sflag:$0x2], $0x80, v4, vm0, $0xb8;
	[tilespmem:$0x18300] =	vst v63  }
0x174: {  	s13 =	simm.s32 $0xF800;
	v3 =	vadd.s32 v1, v3  }
0x175: {  	[hbm4b:s5+s2] =	stream.indirect_vreg.scatter [tilespmem:s13], [sflag:$0x2], $0x80, v4, vm0, $0xb8;
	[tilespmem:$0x18300] =	vst v63  }
0x176: {  	s14 =	simm.s32 $0x10000  }
0x177: {  	[hbm4b:s6+s2] =	stream.indirect_vreg.scatter [tilespmem:s14], [sflag:$0x2], $0x80, v4, vm0, $0xb8;
	[tilespmem:$0x18300] =	vst v63  }
0x178: {  	s15 =	simm.s32 $0x10800  }
0x179: {  	[hbm4b:s3+s2] =	stream.indirect_vreg.scatter [tilespmem:s15], [sflag:$0x2], $0x80, v3, vm0, $0xb8;
	[tilespmem:$0x18300] =	vst v63  }
0x17a: {  	s16 =	simm.s32 $0x11000  }
0x17b: {  	[hbm4b:s5+s2] =	stream.indirect_vreg.scatter [tilespmem:s16], [sflag:$0x2], $0x80, v3, vm0, $0xb8;
	[tilespmem:$0x18300] =	vst v63  }
0x17c: {  	s25 =	simm.s32 $0x11800  }
0x17d: {  	[hbm4b:s6+s2] =	stream.indirect_vreg.scatter [tilespmem:s25], [sflag:$0x2], $0x80, v3, vm0, $0xb8;
	[tilespmem:$0x18300] =	vst v63  }
0x17e: {  	v3 =	vld [tilespmem:$0x18160];
	_ =	sdelay $0x4  }
0x17f: {  	v34 =	vshrl.u32 v3, $0x3  }
0x180: {  	v4 =	vmul.u32 $0x30, v34  }
0x181: {  	v3 =	vand.u32 $0x7, v3  }
0x182: {  	v3 =	vor.u32 v3, v4  }
0x183: {  	v4 =	vperm.xlane v3, v0;
	_ =	sdelay $0x1  }
0x184: {  	v4 =	vadd.s32 v1, v4;
	_ =	sdelay $0x3  }
0x185: {  	s26 =	simm.s32 $0x12000;
	v3 =	vperm.xlane v3, v2  }
0x186: {  	[hbm4b:s3+s2] =	stream.indirect_vreg.scatter [tilespmem:s26], [sflag:$0x2], $0x80, v4, vm0, $0xb8;
	[tilespmem:$0x18300] =	vst v63  }
0x187: {  	s17 =	simm.s32 $0x12800;
	v3 =	vadd.s32 v1, v3  }
0x188: {  	[hbm4b:s5+s2] =	stream.indirect_vreg.scatter [tilespmem:s17], [sflag:$0x2], $0x80, v4, vm0, $0xb8;
	[tilespmem:$0x18300] =	vst v63  }
0x189: {  	s18 =	simm.s32 $0x13000  }
0x18a: {  	[hbm4b:s6+s2] =	stream.indirect_vreg.scatter [tilespmem:s18], [sflag:$0x2], $0x80, v4, vm0, $0xb8;
	[tilespmem:$0x18300] =	vst v63  }
0x18b: {  	s19 =	simm.s32 $0x13800  }
0x18c: {  	[hbm4b:s3+s2] =	stream.indirect_vreg.scatter [tilespmem:s19], [sflag:$0x2], $0x80, v3, vm0, $0xb8;
	[tilespmem:$0x18300] =	vst v63  }
0x18d: {  	s20 =	simm.s32 $0x14000  }
0x18e: {  	[hbm4b:s5+s2] =	stream.indirect_vreg.scatter [tilespmem:s20], [sflag:$0x2], $0x80, v3, vm0, $0xb8;
	[tilespmem:$0x18300] =	vst v63  }
0x18f: {  	s30 =	simm.s32 $0x14800  }
0x190: {  	[hbm4b:s6+s2] =	stream.indirect_vreg.scatter [tilespmem:s30], [sflag:$0x2], $0x80, v3, vm0, $0xb8;
	[tilespmem:$0x18300] =	vst v63  }
0x191: {  	v3 =	vld [tilespmem:$0x18170];
	_ =	sdelay $0x4  }
0x192: {  	v35 =	vshrl.u32 v3, $0x3  }
0x193: {  	v4 =	vmul.u32 $0x30, v35  }
0x194: {  	v3 =	vand.u32 $0x7, v3  }
0x195: {  	v3 =	vor.u32 v3, v4  }
0x196: {  	v4 =	vperm.xlane v3, v0;
	_ =	sdelay $0x1  }
0x197: {  	v4 =	vadd.s32 v1, v4;
	_ =	sdelay $0x3  }
0x198: {  	s31 =	simm.s32 $0x15000;
	v3 =	vperm.xlane v3, v2  }
0x199: {  	[hbm4b:s3+s2] =	stream.indirect_vreg.scatter [tilespmem:s31], [sflag:$0x2], $0x80, v4, vm0, $0xb8;
	[tilespmem:$0x18300] =	vst v63  }
0x19a: {  	s8 =	simm.s32 $0x15800;
	v3 =	vadd.s32 v1, v3  }
0x19b: {  	[hbm4b:s5+s2] =	stream.indirect_vreg.scatter [tilespmem:s8], [sflag:$0x2], $0x80, v4, vm0, $0xb8;
	[tilespmem:$0x18300] =	vst v63  }
0x19c: {  	s21 =	simm.s32 $0x16000  }
0x19d: {  	[hbm4b:s6+s2] =	stream.indirect_vreg.scatter [tilespmem:s21], [sflag:$0x2], $0x80, v4, vm0, $0xb8;
	[tilespmem:$0x18300] =	vst v63  }
0x19e: {  	s22 =	simm.s32 $0x16800  }
0x19f: {  	[hbm4b:s3+s2] =	stream.indirect_vreg.scatter [tilespmem:s22], [sflag:$0x2], $0x80, v3, vm0, $0xb8;
	[tilespmem:$0x18300] =	vst v63  }
0x1a0: {  	s23 =	simm.s32 $0x17000  }
0x1a1: {  	[hbm4b:s5+s2] =	stream.indirect_vreg.scatter [tilespmem:s23], [sflag:$0x2], $0x80, v3, vm0, $0xb8;
	[tilespmem:$0x18300] =	vst v63  }
0x1a2: {  	s0 =	simm.s32 $0x17800  }
0x1a3: {  	[hbm4b:s6+s2] =	stream.indirect_vreg.scatter [tilespmem:s0], [sflag:$0x2], $0x80, v3, vm0, $0xb8;
	[tilespmem:$0x18300] =	vst v63  }
0x1a4: {  	v3 =	vld [tilespmem:$0x18240];
	_ =	sdelay $0x4  }
0x1a5: {  	v36 =	vshrl.u32 v3, $0x3  }
0x1a6: {  	v4 =	vmul.u32 $0x30, v36  }
0x1a7: {  	v3 =	vand.u32 $0x7, v3  }
0x1a8: {  	v3 =	vor.u32 v3, v4  }
0x1a9: {  	v4 =	vperm.xlane v3, v0;
	_ =	sdelay $0x1  }
0x1aa: {  	v4 =	vadd.s32 v1, v4;
	_ =	sdelay $0x3  }
0x1ab: {  	v3 =	vperm.xlane v3, v2  }
0x1ac: {  	[hbm4b:s3+s2] =	stream.indirect_vreg.scatter [tilespmem:s10], [sflag:$0x2], $0x80, v4, vm0, $0xb8;
	[tilespmem:$0x18300] =	vst v63  }
0x1ad: {  	v3 =	vadd.s32 v1, v3  }
0x1ae: {  	[hbm4b:s5+s2] =	stream.indirect_vreg.scatter [tilespmem:s7], [sflag:$0x2], $0x80, v4, vm0, $0xb8;
	[tilespmem:$0x18300] =	vst v63  }
0x1af: {  	_ = 	snop  }
0x1b0: {  	[hbm4b:s6+s2] =	stream.indirect_vreg.scatter [tilespmem:s11], [sflag:$0x2], $0x80, v4, vm0, $0xb8;
	[tilespmem:$0x18300] =	vst v63  }
0x1b1: {  	_ = 	snop  }
0x1b2: {  	[hbm4b:s3+s2] =	stream.indirect_vreg.scatter [tilespmem:s9], [sflag:$0x2], $0x80, v3, vm0, $0xb8;
	[tilespmem:$0x18300] =	vst v63  }
0x1b3: {  	s1 =	simm.s32 $0xE000  }
0x1b4: {  	[hbm4b:s5+s2] =	stream.indirect_vreg.scatter [tilespmem:s1], [sflag:$0x2], $0x80, v3, vm0, $0xb8;
	[tilespmem:$0x18300] =	vst v63  }
0x1b5: {  	s4 =	simm.s32 $0xE800  }
0x1b6: {  	[hbm4b:s6+s2] =	stream.indirect_vreg.scatter [tilespmem:s4], [sflag:$0x2], $0x80, v3, vm0, $0xb8;
	[tilespmem:$0x18300] =	vst v63  }
0x1b7: {  	v3 =	vld [tilespmem:$0x18250];
	_ =	sdelay $0x4  }
0x1b8: {  	v37 =	vshrl.u32 v3, $0x3  }
0x1b9: {  	v4 =	vmul.u32 $0x30, v37  }
0x1ba: {  	v3 =	vand.u32 $0x7, v3  }
0x1bb: {  	v3 =	vor.u32 v3, v4  }
0x1bc: {  	v4 =	vperm.xlane v3, v0;
	_ =	sdelay $0x1  }
0x1bd: {  	v4 =	vadd.s32 v1, v4;
	_ =	sdelay $0x3  }
0x1be: {  	s24 =	simm.s32 $0xF000;
	v3 =	vperm.xlane v3, v2  }
0x1bf: {  	[hbm4b:s3+s2] =	stream.indirect_vreg.scatter [tilespmem:s24], [sflag:$0x2], $0x80, v4, vm0, $0xb8;
	[tilespmem:$0x18300] =	vst v63  }
0x1c0: {  	s12 =	simm.s32 $0xF800;
	v3 =	vadd.s32 v1, v3  }
0x1c1: {  	[hbm4b:s5+s2] =	stream.indirect_vreg.scatter [tilespmem:s12], [sflag:$0x2], $0x80, v4, vm0, $0xb8;
	[tilespmem:$0x18300] =	vst v63  }
0x1c2: {  	s13 =	simm.s32 $0x10000  }
0x1c3: {  	[hbm4b:s6+s2] =	stream.indirect_vreg.scatter [tilespmem:s13], [sflag:$0x2], $0x80, v4, vm0, $0xb8;
	[tilespmem:$0x18300] =	vst v63  }
0x1c4: {  	s14 =	simm.s32 $0x10800  }
0x1c5: {  	[hbm4b:s3+s2] =	stream.indirect_vreg.scatter [tilespmem:s14], [sflag:$0x2], $0x80, v3, vm0, $0xb8;
	[tilespmem:$0x18300] =	vst v63  }
0x1c6: {  	s15 =	simm.s32 $0x11000  }
0x1c7: {  	[hbm4b:s5+s2] =	stream.indirect_vreg.scatter [tilespmem:s15], [sflag:$0x2], $0x80, v3, vm0, $0xb8;
	[tilespmem:$0x18300] =	vst v63  }
0x1c8: {  	s25 =	simm.s32 $0x11800  }
0x1c9: {  	[hbm4b:s6+s2] =	stream.indirect_vreg.scatter [tilespmem:s25], [sflag:$0x2], $0x80, v3, vm0, $0xb8;
	[tilespmem:$0x18300] =	vst v63  }
0x1ca: {  	v3 =	vld [tilespmem:$0x18260];
	_ =	sdelay $0x4  }
0x1cb: {  	v38 =	vshrl.u32 v3, $0x3  }
0x1cc: {  	v4 =	vmul.u32 $0x30, v38  }
0x1cd: {  	v3 =	vand.u32 $0x7, v3  }
0x1ce: {  	v3 =	vor.u32 v3, v4  }
0x1cf: {  	v4 =	vperm.xlane v3, v0;
	_ =	sdelay $0x1  }
0x1d0: {  	v4 =	vadd.s32 v1, v4;
	_ =	sdelay $0x3  }
0x1d1: {  	s26 =	simm.s32 $0x12000;
	v3 =	vperm.xlane v3, v2  }
0x1d2: {  	[hbm4b:s3+s2] =	stream.indirect_vreg.scatter [tilespmem:s26], [sflag:$0x2], $0x80, v4, vm0, $0xb8;
	[tilespmem:$0x18300] =	vst v63  }
0x1d3: {  	s16 =	simm.s32 $0x12800;
	v3 =	vadd.s32 v1, v3  }
0x1d4: {  	[hbm4b:s5+s2] =	stream.indirect_vreg.scatter [tilespmem:s16], [sflag:$0x2], $0x80, v4, vm0, $0xb8;
	[tilespmem:$0x18300] =	vst v63  }
0x1d5: {  	s17 =	simm.s32 $0x13000  }
0x1d6: {  	[hbm4b:s6+s2] =	stream.indirect_vreg.scatter [tilespmem:s17], [sflag:$0x2], $0x80, v4, vm0, $0xb8;
	[tilespmem:$0x18300] =	vst v63  }
0x1d7: {  	s18 =	simm.s32 $0x13800  }
0x1d8: {  	[hbm4b:s3+s2] =	stream.indirect_vreg.scatter [tilespmem:s18], [sflag:$0x2], $0x80, v3, vm0, $0xb8;
	[tilespmem:$0x18300] =	vst v63  }
0x1d9: {  	s19 =	simm.s32 $0x14000  }
0x1da: {  	[hbm4b:s5+s2] =	stream.indirect_vreg.scatter [tilespmem:s19], [sflag:$0x2], $0x80, v3, vm0, $0xb8;
	[tilespmem:$0x18300] =	vst v63  }
0x1db: {  	s28 =	simm.s32 $0x14800  }
0x1dc: {  	[hbm4b:s6+s2] =	stream.indirect_vreg.scatter [tilespmem:s28], [sflag:$0x2], $0x80, v3, vm0, $0xb8;
	[tilespmem:$0x18300] =	vst v63  }
0x1dd: {  	v3 =	vld [tilespmem:$0x18270];
	_ =	sdelay $0x4  }
0x1de: {  	v39 =	vshrl.u32 v3, $0x3  }
0x1df: {  	v4 =	vmul.u32 $0x30, v39  }
0x1e0: {  	v3 =	vand.u32 $0x7, v3  }
0x1e1: {  	v3 =	vor.u32 v3, v4  }
0x1e2: {  	v4 =	vperm.xlane v3, v0;
	_ =	sdelay $0x1  }
0x1e3: {  	v4 =	vadd.s32 v1, v4;
	_ =	sdelay $0x3  }
0x1e4: {  	s30 =	simm.s32 $0x15000;
	v3 =	vperm.xlane v3, v2  }
0x1e5: {  	[hbm4b:s3+s2] =	stream.indirect_vreg.scatter [tilespmem:s30], [sflag:$0x2], $0x80, v4, vm0, $0xb8;
	[tilespmem:$0x18300] =	vst v63  }
0x1e6: {  	s20 =	simm.s32 $0x15800;
	v3 =	vadd.s32 v1, v3  }
0x1e7: {  	[hbm4b:s5+s2] =	stream.indirect_vreg.scatter [tilespmem:s20], [sflag:$0x2], $0x80, v4, vm0, $0xb8;
	[tilespmem:$0x18300] =	vst v63  }
0x1e8: {  	s31 =	simm.s32 $0x16000  }
0x1e9: {  	[hbm4b:s6+s2] =	stream.indirect_vreg.scatter [tilespmem:s31], [sflag:$0x2], $0x80, v4, vm0, $0xb8;
	[tilespmem:$0x18300] =	vst v63  }
0x1ea: {  	s21 =	simm.s32 $0x16800  }
0x1eb: {  	[hbm4b:s3+s2] =	stream.indirect_vreg.scatter [tilespmem:s21], [sflag:$0x2], $0x80, v3, vm0, $0xb8;
	[tilespmem:$0x18300] =	vst v63  }
0x1ec: {  	s22 =	simm.s32 $0x17000  }
0x1ed: {  	[hbm4b:s5+s2] =	stream.indirect_vreg.scatter [tilespmem:s22], [sflag:$0x2], $0x80, v3, vm0, $0xb8;
	[tilespmem:$0x18300] =	vst v63  }
0x1ee: {  	s23 =	simm.s32 $0x17800;
	s1 =	simm.s32 $0x1  }
0x1ef: {  	[hbm4b:s6+s2] =	stream.indirect_vreg.scatter [tilespmem:s23], [sflag:$0x2], $0x80, v3, vm0, $0xb8;
	[tilespmem:$0x18300] =	vst v63  }
0x1f0: {  	_ =	swait.ge [sflag:s1], $0xC000  }
0x1f1: {  	[sflag:s1] =	ssyncset.done $0x0  }
0x1f2: {  	[sflag:s1] =	ssyncadd.s32 $0xFFFF4000  }
0x1f3: {  	_ =	swait.ge [sflag:s1], $0xC000  }
0x1f4: {  	[sflag:s1] =	ssyncset.done $0x0  }
0x1f5: {  	[sflag:s1] =	ssyncadd.s32 $0xFFFF4000  }
0x1f6: {  	_ =	swait.ge [sflag:s1], $0xC000  }
0x1f7: {  	[sflag:s1] =	ssyncset.done $0x0  }
0x1f8: {  	s4 =	rddreg [dreg:$0x7];
	[sflag:s1] =	ssyncadd.s32 $0xFFFF4000  }
0x1f9: {  	[tilespmem:s2], [sflag:$0x3] =	stream.linear.gather [hbm4b:s4+s2], $0xC000, $0x38;
	[tilespmem:$0x18300] =	vst v63  }
0x1fa: {  	_ =	swait.ge [sflag:s29], $0xC000  }
0x1fb: {  	[sflag:s29] =	ssyncset.done $0x0  }
0x1fc: {  	[sflag:s29] =	ssyncadd.s32 $0xFFFF4000  }
0x1fd: {  	v3 =	vld [tilespmem:$0x18080];
	_ =	sdelay $0x4  }
0x1fe: {  	v40 =	vshrl.u32 v3, $0x3  }
0x1ff: {  	v4 =	vmul.u32 $0x30, v40  }
0x200: {  	v3 =	vand.u32 $0x7, v3  }
0x201: {  	v3 =	vor.u32 v3, v4  }
0x202: {  	v4 =	vperm.xlane v3, v0;
	_ =	sdelay $0x1  }
0x203: {  	v4 =	vadd.s32 v1, v4;
	_ =	sdelay $0x3  }
0x204: {  	v3 =	vperm.xlane v3, v2  }
0x205: {  	[hbm4b:s3+s2] =	stream.indirect_vreg.scatter [tilespmem:s2], [sflag:$0x1], $0x80, v4, vm0, $0xb8;
	[tilespmem:$0x18300] =	vst v63  }
0x206: {  	s0 =	simm.s32 $0x800;
	v3 =	vadd.s32 v1, v3  }
0x207: {  	[hbm4b:s5+s2] =	stream.indirect_vreg.scatter [tilespmem:s0], [sflag:$0x1], $0x80, v4, vm0, $0xb8;
	[tilespmem:$0x18300] =	vst v63  }
0x208: {  	s7 =	simm.s32 $0x1000  }
0x209: {  	[hbm4b:s6+s2] =	stream.indirect_vreg.scatter [tilespmem:s7], [sflag:$0x1], $0x80, v4, vm0, $0xb8;
	[tilespmem:$0x18300] =	vst v63  }
0x20a: {  	s9 =	simm.s32 $0x1800  }
0x20b: {  	[hbm4b:s3+s2] =	stream.indirect_vreg.scatter [tilespmem:s9], [sflag:$0x1], $0x80, v3, vm0, $0xb8;
	[tilespmem:$0x18300] =	vst v63  }
0x20c: {  	s4 =	simm.s32 $0x2000  }
0x20d: {  	[hbm4b:s5+s2] =	stream.indirect_vreg.scatter [tilespmem:s4], [sflag:$0x1], $0x80, v3, vm0, $0xb8;
	[tilespmem:$0x18300] =	vst v63  }
0x20e: {  	s21 =	simm.s32 $0x2800  }
0x20f: {  	[hbm4b:s6+s2] =	stream.indirect_vreg.scatter [tilespmem:s21], [sflag:$0x1], $0x80, v3, vm0, $0xb8;
	[tilespmem:$0x18300] =	vst v63  }
0x210: {  	v3 =	vld [tilespmem:$0x18090];
	_ =	sdelay $0x4  }
0x211: {  	v41 =	vshrl.u32 v3, $0x3  }
0x212: {  	v4 =	vmul.u32 $0x30, v41  }
0x213: {  	v3 =	vand.u32 $0x7, v3  }
0x214: {  	v3 =	vor.u32 v3, v4  }
0x215: {  	v4 =	vperm.xlane v3, v0;
	_ =	sdelay $0x1  }
0x216: {  	v4 =	vadd.s32 v1, v4;
	_ =	sdelay $0x3  }
0x217: {  	s22 =	simm.s32 $0x3000;
	v3 =	vperm.xlane v3, v2  }
0x218: {  	[hbm4b:s3+s2] =	stream.indirect_vreg.scatter [tilespmem:s22], [sflag:$0x1], $0x80, v4, vm0, $0xb8;
	[tilespmem:$0x18300] =	vst v63  }
0x219: {  	s8 =	simm.s32 $0x3800;
	v3 =	vadd.s32 v1, v3  }
0x21a: {  	[hbm4b:s5+s2] =	stream.indirect_vreg.scatter [tilespmem:s8], [sflag:$0x1], $0x80, v4, vm0, $0xb8;
	[tilespmem:$0x18300] =	vst v63  }
0x21b: {  	s10 =	simm.s32 $0x4000  }
0x21c: {  	[hbm4b:s6+s2] =	stream.indirect_vreg.scatter [tilespmem:s10], [sflag:$0x1], $0x80, v4, vm0, $0xb8;
	[tilespmem:$0x18300] =	vst v63  }
0x21d: {  	s11 =	simm.s32 $0x4800  }
0x21e: {  	[hbm4b:s3+s2] =	stream.indirect_vreg.scatter [tilespmem:s11], [sflag:$0x1], $0x80, v3, vm0, $0xb8;
	[tilespmem:$0x18300] =	vst v63  }
0x21f: {  	s12 =	simm.s32 $0x5000  }
0x220: {  	[hbm4b:s5+s2] =	stream.indirect_vreg.scatter [tilespmem:s12], [sflag:$0x1], $0x80, v3, vm0, $0xb8;
	[tilespmem:$0x18300] =	vst v63  }
0x221: {  	s23 =	simm.s32 $0x5800  }
0x222: {  	[hbm4b:s6+s2] =	stream.indirect_vreg.scatter [tilespmem:s23], [sflag:$0x1], $0x80, v3, vm0, $0xb8;
	[tilespmem:$0x18300] =	vst v63  }
0x223: {  	v3 =	vld [tilespmem:$0x180A0];
	_ =	sdelay $0x4  }
0x224: {  	v42 =	vshrl.u32 v3, $0x3  }
0x225: {  	v4 =	vmul.u32 $0x30, v42  }
0x226: {  	v3 =	vand.u32 $0x7, v3  }
0x227: {  	v3 =	vor.u32 v3, v4  }
0x228: {  	v4 =	vperm.xlane v3, v0;
	_ =	sdelay $0x1  }
0x229: {  	v4 =	vadd.s32 v1, v4;
	_ =	sdelay $0x3  }
0x22a: {  	s24 =	simm.s32 $0x6000;
	v3 =	vperm.xlane v3, v2  }
0x22b: {  	[hbm4b:s3+s2] =	stream.indirect_vreg.scatter [tilespmem:s24], [sflag:$0x1], $0x80, v4, vm0, $0xb8;
	[tilespmem:$0x18300] =	vst v63  }
0x22c: {  	s13 =	simm.s32 $0x6800;
	v3 =	vadd.s32 v1, v3  }
0x22d: {  	[hbm4b:s5+s2] =	stream.indirect_vreg.scatter [tilespmem:s13], [sflag:$0x1], $0x80, v4, vm0, $0xb8;
	[tilespmem:$0x18300] =	vst v63  }
0x22e: {  	s14 =	simm.s32 $0x7000  }
0x22f: {  	[hbm4b:s6+s2] =	stream.indirect_vreg.scatter [tilespmem:s14], [sflag:$0x1], $0x80, v4, vm0, $0xb8;
	[tilespmem:$0x18300] =	vst v63  }
0x230: {  	s15 =	simm.s32 $0x7800  }
0x231: {  	[hbm4b:s3+s2] =	stream.indirect_vreg.scatter [tilespmem:s15], [sflag:$0x1], $0x80, v3, vm0, $0xb8;
	[tilespmem:$0x18300] =	vst v63  }
0x232: {  	s16 =	simm.s32 $0x8000  }
0x233: {  	[hbm4b:s5+s2] =	stream.indirect_vreg.scatter [tilespmem:s16], [sflag:$0x1], $0x80, v3, vm0, $0xb8;
	[tilespmem:$0x18300] =	vst v63  }
0x234: {  	s25 =	simm.s32 $0x8800  }
0x235: {  	[hbm4b:s6+s2] =	stream.indirect_vreg.scatter [tilespmem:s25], [sflag:$0x1], $0x80, v3, vm0, $0xb8;
	[tilespmem:$0x18300] =	vst v63  }
0x236: {  	v3 =	vld [tilespmem:$0x180B0];
	_ =	sdelay $0x4  }
0x237: {  	v43 =	vshrl.u32 v3, $0x3  }
0x238: {  	v4 =	vmul.u32 $0x30, v43  }
0x239: {  	v3 =	vand.u32 $0x7, v3  }
0x23a: {  	v3 =	vor.u32 v3, v4  }
0x23b: {  	v4 =	vperm.xlane v3, v0;
	_ =	sdelay $0x1  }
0x23c: {  	v4 =	vadd.s32 v1, v4;
	_ =	sdelay $0x3  }
0x23d: {  	s26 =	simm.s32 $0x9000;
	v3 =	vperm.xlane v3, v2  }
0x23e: {  	[hbm4b:s3+s2] =	stream.indirect_vreg.scatter [tilespmem:s26], [sflag:$0x1], $0x80, v4, vm0, $0xb8;
	[tilespmem:$0x18300] =	vst v63  }
0x23f: {  	s17 =	simm.s32 $0x9800;
	v3 =	vadd.s32 v1, v3  }
0x240: {  	[hbm4b:s5+s2] =	stream.indirect_vreg.scatter [tilespmem:s17], [sflag:$0x1], $0x80, v4, vm0, $0xb8;
	[tilespmem:$0x18300] =	vst v63  }
0x241: {  	s18 =	simm.s32 $0xA000  }
0x242: {  	[hbm4b:s6+s2] =	stream.indirect_vreg.scatter [tilespmem:s18], [sflag:$0x1], $0x80, v4, vm0, $0xb8;
	[tilespmem:$0x18300] =	vst v63  }
0x243: {  	s19 =	simm.s32 $0xA800  }
0x244: {  	[hbm4b:s3+s2] =	stream.indirect_vreg.scatter [tilespmem:s19], [sflag:$0x1], $0x80, v3, vm0, $0xb8;
	[tilespmem:$0x18300] =	vst v63  }
0x245: {  	s20 =	simm.s32 $0xB000  }
0x246: {  	[hbm4b:s5+s2] =	stream.indirect_vreg.scatter [tilespmem:s20], [sflag:$0x1], $0x80, v3, vm0, $0xb8;
	[tilespmem:$0x18300] =	vst v63  }
0x247: {  	s28 =	simm.s32 $0xB800  }
0x248: {  	[hbm4b:s6+s2] =	stream.indirect_vreg.scatter [tilespmem:s28], [sflag:$0x1], $0x80, v3, vm0, $0xb8;
	[tilespmem:$0x18300] =	vst v63  }
0x249: {  	v3 =	vld [tilespmem:$0x18180];
	_ =	sdelay $0x4  }
0x24a: {  	v44 =	vshrl.u32 v3, $0x3  }
0x24b: {  	v4 =	vmul.u32 $0x30, v44  }
0x24c: {  	v3 =	vand.u32 $0x7, v3  }
0x24d: {  	v3 =	vor.u32 v3, v4  }
0x24e: {  	v4 =	vperm.xlane v3, v0;
	_ =	sdelay $0x1  }
0x24f: {  	v4 =	vadd.s32 v1, v4;
	_ =	sdelay $0x3  }
0x250: {  	v3 =	vperm.xlane v3, v2  }
0x251: {  	[hbm4b:s3+s2] =	stream.indirect_vreg.scatter [tilespmem:s2], [sflag:$0x1], $0x80, v4, vm0, $0xb8;
	[tilespmem:$0x18300] =	vst v63  }
0x252: {  	v3 =	vadd.s32 v1, v3  }
0x253: {  	[hbm4b:s5+s2] =	stream.indirect_vreg.scatter [tilespmem:s0], [sflag:$0x1], $0x80, v4, vm0, $0xb8;
	[tilespmem:$0x18300] =	vst v63  }
0x254: {  	_ = 	snop  }
0x255: {  	[hbm4b:s6+s2] =	stream.indirect_vreg.scatter [tilespmem:s7], [sflag:$0x1], $0x80, v4, vm0, $0xb8;
	[tilespmem:$0x18300] =	vst v63  }
0x256: {  	_ = 	snop  }
0x257: {  	[hbm4b:s3+s2] =	stream.indirect_vreg.scatter [tilespmem:s9], [sflag:$0x1], $0x80, v3, vm0, $0xb8;
	[tilespmem:$0x18300] =	vst v63  }
0x258: {  	_ = 	snop  }
0x259: {  	[hbm4b:s5+s2] =	stream.indirect_vreg.scatter [tilespmem:s4], [sflag:$0x1], $0x80, v3, vm0, $0xb8;
	[tilespmem:$0x18300] =	vst v63  }
0x25a: {  	_ = 	snop  }
0x25b: {  	[hbm4b:s6+s2] =	stream.indirect_vreg.scatter [tilespmem:s21], [sflag:$0x1], $0x80, v3, vm0, $0xb8;
	[tilespmem:$0x18300] =	vst v63  }
0x25c: {  	v3 =	vld [tilespmem:$0x18190];
	_ =	sdelay $0x4  }
0x25d: {  	v45 =	vshrl.u32 v3, $0x3  }
0x25e: {  	v4 =	vmul.u32 $0x30, v45  }
0x25f: {  	v3 =	vand.u32 $0x7, v3  }
0x260: {  	v3 =	vor.u32 v3, v4  }
0x261: {  	v4 =	vperm.xlane v3, v0;
	_ =	sdelay $0x1  }
0x262: {  	v4 =	vadd.s32 v1, v4;
	_ =	sdelay $0x3  }
0x263: {  	v3 =	vperm.xlane v3, v2  }
0x264: {  	[hbm4b:s3+s2] =	stream.indirect_vreg.scatter [tilespmem:s22], [sflag:$0x1], $0x80, v4, vm0, $0xb8;
	[tilespmem:$0x18300] =	vst v63  }
0x265: {  	v3 =	vadd.s32 v1, v3  }
0x266: {  	[hbm4b:s5+s2] =	stream.indirect_vreg.scatter [tilespmem:s8], [sflag:$0x1], $0x80, v4, vm0, $0xb8;
	[tilespmem:$0x18300] =	vst v63  }
0x267: {  	_ = 	snop  }
0x268: {  	[hbm4b:s6+s2] =	stream.indirect_vreg.scatter [tilespmem:s10], [sflag:$0x1], $0x80, v4, vm0, $0xb8;
	[tilespmem:$0x18300] =	vst v63  }
0x269: {  	_ = 	snop  }
0x26a: {  	[hbm4b:s3+s2] =	stream.indirect_vreg.scatter [tilespmem:s11], [sflag:$0x1], $0x80, v3, vm0, $0xb8;
	[tilespmem:$0x18300] =	vst v63  }
0x26b: {  	_ = 	snop  }
0x26c: {  	[hbm4b:s5+s2] =	stream.indirect_vreg.scatter [tilespmem:s12], [sflag:$0x1], $0x80, v3, vm0, $0xb8;
	[tilespmem:$0x18300] =	vst v63  }
0x26d: {  	_ = 	snop  }
0x26e: {  	[hbm4b:s6+s2] =	stream.indirect_vreg.scatter [tilespmem:s23], [sflag:$0x1], $0x80, v3, vm0, $0xb8;
	[tilespmem:$0x18300] =	vst v63  }
0x26f: {  	v3 =	vld [tilespmem:$0x181A0];
	_ =	sdelay $0x4  }
0x270: {  	v46 =	vshrl.u32 v3, $0x3  }
0x271: {  	v4 =	vmul.u32 $0x30, v46  }
0x272: {  	v3 =	vand.u32 $0x7, v3  }
0x273: {  	v3 =	vor.u32 v3, v4  }
0x274: {  	v4 =	vperm.xlane v3, v0;
	_ =	sdelay $0x1  }
0x275: {  	v4 =	vadd.s32 v1, v4;
	_ =	sdelay $0x3  }
0x276: {  	v3 =	vperm.xlane v3, v2  }
0x277: {  	[hbm4b:s3+s2] =	stream.indirect_vreg.scatter [tilespmem:s24], [sflag:$0x1], $0x80, v4, vm0, $0xb8;
	[tilespmem:$0x18300] =	vst v63  }
0x278: {  	v3 =	vadd.s32 v1, v3  }
0x279: {  	[hbm4b:s5+s2] =	stream.indirect_vreg.scatter [tilespmem:s13], [sflag:$0x1], $0x80, v4, vm0, $0xb8;
	[tilespmem:$0x18300] =	vst v63  }
0x27a: {  	_ = 	snop  }
0x27b: {  	[hbm4b:s6+s2] =	stream.indirect_vreg.scatter [tilespmem:s14], [sflag:$0x1], $0x80, v4, vm0, $0xb8;
	[tilespmem:$0x18300] =	vst v63  }
0x27c: {  	_ = 	snop  }
0x27d: {  	[hbm4b:s3+s2] =	stream.indirect_vreg.scatter [tilespmem:s15], [sflag:$0x1], $0x80, v3, vm0, $0xb8;
	[tilespmem:$0x18300] =	vst v63  }
0x27e: {  	_ = 	snop  }
0x27f: {  	[hbm4b:s5+s2] =	stream.indirect_vreg.scatter [tilespmem:s16], [sflag:$0x1], $0x80, v3, vm0, $0xb8;
	[tilespmem:$0x18300] =	vst v63  }
0x280: {  	_ = 	snop  }
0x281: {  	[hbm4b:s6+s2] =	stream.indirect_vreg.scatter [tilespmem:s25], [sflag:$0x1], $0x80, v3, vm0, $0xb8;
	[tilespmem:$0x18300] =	vst v63  }
0x282: {  	v3 =	vld [tilespmem:$0x181B0];
	_ =	sdelay $0x4  }
0x283: {  	v47 =	vshrl.u32 v3, $0x3  }
0x284: {  	v4 =	vmul.u32 $0x30, v47  }
0x285: {  	v3 =	vand.u32 $0x7, v3  }
0x286: {  	v3 =	vor.u32 v3, v4  }
0x287: {  	v4 =	vperm.xlane v3, v0;
	_ =	sdelay $0x1  }
0x288: {  	v4 =	vadd.s32 v1, v4;
	_ =	sdelay $0x3  }
0x289: {  	v3 =	vperm.xlane v3, v2  }
0x28a: {  	[hbm4b:s3+s2] =	stream.indirect_vreg.scatter [tilespmem:s26], [sflag:$0x1], $0x80, v4, vm0, $0xb8;
	[tilespmem:$0x18300] =	vst v63  }
0x28b: {  	v3 =	vadd.s32 v1, v3  }
0x28c: {  	[hbm4b:s5+s2] =	stream.indirect_vreg.scatter [tilespmem:s17], [sflag:$0x1], $0x80, v4, vm0, $0xb8;
	[tilespmem:$0x18300] =	vst v63  }
0x28d: {  	_ = 	snop  }
0x28e: {  	[hbm4b:s6+s2] =	stream.indirect_vreg.scatter [tilespmem:s18], [sflag:$0x1], $0x80, v4, vm0, $0xb8;
	[tilespmem:$0x18300] =	vst v63  }
0x28f: {  	_ = 	snop  }
0x290: {  	[hbm4b:s3+s2] =	stream.indirect_vreg.scatter [tilespmem:s19], [sflag:$0x1], $0x80, v3, vm0, $0xb8;
	[tilespmem:$0x18300] =	vst v63  }
0x291: {  	_ = 	snop  }
0x292: {  	[hbm4b:s5+s2] =	stream.indirect_vreg.scatter [tilespmem:s20], [sflag:$0x1], $0x80, v3, vm0, $0xb8;
	[tilespmem:$0x18300] =	vst v63  }
0x293: {  	_ = 	snop  }
0x294: {  	[hbm4b:s6+s2] =	stream.indirect_vreg.scatter [tilespmem:s28], [sflag:$0x1], $0x80, v3, vm0, $0xb8;
	[tilespmem:$0x18300] =	vst v63  }
0x295: {  	v3 =	vld [tilespmem:$0x18280];
	_ =	sdelay $0x4  }
0x296: {  	v48 =	vshrl.u32 v3, $0x3  }
0x297: {  	v4 =	vmul.u32 $0x30, v48  }
0x298: {  	v3 =	vand.u32 $0x7, v3  }
0x299: {  	v3 =	vor.u32 v3, v4  }
0x29a: {  	v4 =	vperm.xlane v3, v0;
	_ =	sdelay $0x1  }
0x29b: {  	v4 =	vadd.s32 v1, v4;
	_ =	sdelay $0x3  }
0x29c: {  	v3 =	vperm.xlane v3, v2  }
0x29d: {  	[hbm4b:s3+s2] =	stream.indirect_vreg.scatter [tilespmem:s2], [sflag:$0x1], $0x80, v4, vm0, $0xb8;
	[tilespmem:$0x18300] =	vst v63  }
0x29e: {  	s0 =	simm.s32 $0x800;
	v3 =	vadd.s32 v1, v3  }
0x29f: {  	[hbm4b:s5+s2] =	stream.indirect_vreg.scatter [tilespmem:s0], [sflag:$0x1], $0x80, v4, vm0, $0xb8;
	[tilespmem:$0x18300] =	vst v63  }
0x2a0: {  	s7 =	simm.s32 $0x1000  }
0x2a1: {  	[hbm4b:s6+s2] =	stream.indirect_vreg.scatter [tilespmem:s7], [sflag:$0x1], $0x80, v4, vm0, $0xb8;
	[tilespmem:$0x18300] =	vst v63  }
0x2a2: {  	s9 =	simm.s32 $0x1800  }
0x2a3: {  	[hbm4b:s3+s2] =	stream.indirect_vreg.scatter [tilespmem:s9], [sflag:$0x1], $0x80, v3, vm0, $0xb8;
	[tilespmem:$0x18300] =	vst v63  }
0x2a4: {  	s4 =	simm.s32 $0x2000  }
0x2a5: {  	[hbm4b:s5+s2] =	stream.indirect_vreg.scatter [tilespmem:s4], [sflag:$0x1], $0x80, v3, vm0, $0xb8;
	[tilespmem:$0x18300] =	vst v63  }
0x2a6: {  	s21 =	simm.s32 $0x2800  }
0x2a7: {  	[hbm4b:s6+s2] =	stream.indirect_vreg.scatter [tilespmem:s21], [sflag:$0x1], $0x80, v3, vm0, $0xb8;
	[tilespmem:$0x18300] =	vst v63  }
0x2a8: {  	v3 =	vld [tilespmem:$0x18290];
	_ =	sdelay $0x4  }
0x2a9: {  	v49 =	vshrl.u32 v3, $0x3  }
0x2aa: {  	v4 =	vmul.u32 $0x30, v49  }
0x2ab: {  	v3 =	vand.u32 $0x7, v3  }
0x2ac: {  	v3 =	vor.u32 v3, v4  }
0x2ad: {  	v4 =	vperm.xlane v3, v0;
	_ =	sdelay $0x1  }
0x2ae: {  	v4 =	vadd.s32 v1, v4;
	_ =	sdelay $0x3  }
0x2af: {  	s22 =	simm.s32 $0x3000;
	v3 =	vperm.xlane v3, v2  }
0x2b0: {  	[hbm4b:s3+s2] =	stream.indirect_vreg.scatter [tilespmem:s22], [sflag:$0x1], $0x80, v4, vm0, $0xb8;
	[tilespmem:$0x18300] =	vst v63  }
0x2b1: {  	s8 =	simm.s32 $0x3800;
	v3 =	vadd.s32 v1, v3  }
0x2b2: {  	[hbm4b:s5+s2] =	stream.indirect_vreg.scatter [tilespmem:s8], [sflag:$0x1], $0x80, v4, vm0, $0xb8;
	[tilespmem:$0x18300] =	vst v63  }
0x2b3: {  	s10 =	simm.s32 $0x4000  }
0x2b4: {  	[hbm4b:s6+s2] =	stream.indirect_vreg.scatter [tilespmem:s10], [sflag:$0x1], $0x80, v4, vm0, $0xb8;
	[tilespmem:$0x18300] =	vst v63  }
0x2b5: {  	s11 =	simm.s32 $0x4800  }
0x2b6: {  	[hbm4b:s3+s2] =	stream.indirect_vreg.scatter [tilespmem:s11], [sflag:$0x1], $0x80, v3, vm0, $0xb8;
	[tilespmem:$0x18300] =	vst v63  }
0x2b7: {  	s12 =	simm.s32 $0x5000  }
0x2b8: {  	[hbm4b:s5+s2] =	stream.indirect_vreg.scatter [tilespmem:s12], [sflag:$0x1], $0x80, v3, vm0, $0xb8;
	[tilespmem:$0x18300] =	vst v63  }
0x2b9: {  	s23 =	simm.s32 $0x5800  }
0x2ba: {  	[hbm4b:s6+s2] =	stream.indirect_vreg.scatter [tilespmem:s23], [sflag:$0x1], $0x80, v3, vm0, $0xb8;
	[tilespmem:$0x18300] =	vst v63  }
0x2bb: {  	v3 =	vld [tilespmem:$0x182A0];
	_ =	sdelay $0x4  }
0x2bc: {  	v50 =	vshrl.u32 v3, $0x3  }
0x2bd: {  	v4 =	vmul.u32 $0x30, v50  }
0x2be: {  	v3 =	vand.u32 $0x7, v3  }
0x2bf: {  	v3 =	vor.u32 v3, v4  }
0x2c0: {  	v4 =	vperm.xlane v3, v0;
	_ =	sdelay $0x1  }
0x2c1: {  	v4 =	vadd.s32 v1, v4;
	_ =	sdelay $0x3  }
0x2c2: {  	s24 =	simm.s32 $0x6000;
	v3 =	vperm.xlane v3, v2  }
0x2c3: {  	[hbm4b:s3+s2] =	stream.indirect_vreg.scatter [tilespmem:s24], [sflag:$0x1], $0x80, v4, vm0, $0xb8;
	[tilespmem:$0x18300] =	vst v63  }
0x2c4: {  	s13 =	simm.s32 $0x6800;
	v3 =	vadd.s32 v1, v3  }
0x2c5: {  	[hbm4b:s5+s2] =	stream.indirect_vreg.scatter [tilespmem:s13], [sflag:$0x1], $0x80, v4, vm0, $0xb8;
	[tilespmem:$0x18300] =	vst v63  }
0x2c6: {  	s14 =	simm.s32 $0x7000  }
0x2c7: {  	[hbm4b:s6+s2] =	stream.indirect_vreg.scatter [tilespmem:s14], [sflag:$0x1], $0x80, v4, vm0, $0xb8;
	[tilespmem:$0x18300] =	vst v63  }
0x2c8: {  	s15 =	simm.s32 $0x7800  }
0x2c9: {  	[hbm4b:s3+s2] =	stream.indirect_vreg.scatter [tilespmem:s15], [sflag:$0x1], $0x80, v3, vm0, $0xb8;
	[tilespmem:$0x18300] =	vst v63  }
0x2ca: {  	s16 =	simm.s32 $0x8000  }
0x2cb: {  	[hbm4b:s5+s2] =	stream.indirect_vreg.scatter [tilespmem:s16], [sflag:$0x1], $0x80, v3, vm0, $0xb8;
	[tilespmem:$0x18300] =	vst v63  }
0x2cc: {  	s25 =	simm.s32 $0x8800  }
0x2cd: {  	[hbm4b:s6+s2] =	stream.indirect_vreg.scatter [tilespmem:s25], [sflag:$0x1], $0x80, v3, vm0, $0xb8;
	[tilespmem:$0x18300] =	vst v63  }
0x2ce: {  	v3 =	vld [tilespmem:$0x182B0];
	_ =	sdelay $0x4  }
0x2cf: {  	v51 =	vshrl.u32 v3, $0x3  }
0x2d0: {  	v4 =	vmul.u32 $0x30, v51  }
0x2d1: {  	v3 =	vand.u32 $0x7, v3  }
0x2d2: {  	v3 =	vor.u32 v3, v4  }
0x2d3: {  	v4 =	vperm.xlane v3, v0;
	_ =	sdelay $0x1  }
0x2d4: {  	v4 =	vadd.s32 v1, v4;
	_ =	sdelay $0x3  }
0x2d5: {  	s26 =	simm.s32 $0x9000;
	v3 =	vperm.xlane v3, v2  }
0x2d6: {  	[hbm4b:s3+s2] =	stream.indirect_vreg.scatter [tilespmem:s26], [sflag:$0x1], $0x80, v4, vm0, $0xb8;
	[tilespmem:$0x18300] =	vst v63  }
0x2d7: {  	s17 =	simm.s32 $0x9800;
	v3 =	vadd.s32 v1, v3  }
0x2d8: {  	[hbm4b:s5+s2] =	stream.indirect_vreg.scatter [tilespmem:s17], [sflag:$0x1], $0x80, v4, vm0, $0xb8;
	[tilespmem:$0x18300] =	vst v63  }
0x2d9: {  	s18 =	simm.s32 $0xA000  }
0x2da: {  	[hbm4b:s6+s2] =	stream.indirect_vreg.scatter [tilespmem:s18], [sflag:$0x1], $0x80, v4, vm0, $0xb8;
	[tilespmem:$0x18300] =	vst v63  }
0x2db: {  	s19 =	simm.s32 $0xA800  }
0x2dc: {  	[hbm4b:s3+s2] =	stream.indirect_vreg.scatter [tilespmem:s19], [sflag:$0x1], $0x80, v3, vm0, $0xb8;
	[tilespmem:$0x18300] =	vst v63  }
0x2dd: {  	s20 =	simm.s32 $0xB000  }
0x2de: {  	[hbm4b:s5+s2] =	stream.indirect_vreg.scatter [tilespmem:s20], [sflag:$0x1], $0x80, v3, vm0, $0xb8;
	[tilespmem:$0x18300] =	vst v63  }
0x2df: {  	s28 =	simm.s32 $0xB800;
	s4 =	simm.s32 $0x2  }
0x2e0: {  	[hbm4b:s6+s2] =	stream.indirect_vreg.scatter [tilespmem:s28], [sflag:$0x1], $0x80, v3, vm0, $0xb8;
	[tilespmem:$0x18300] =	vst v63  }
0x2e1: {  	_ =	swait.ge [sflag:s4], $0xC000  }
0x2e2: {  	[sflag:s4] =	ssyncset.done $0x0  }
0x2e3: {  	[sflag:s4] =	ssyncadd.s32 $0xFFFF4000  }
0x2e4: {  	_ =	swait.ge [sflag:s4], $0xC000  }
0x2e5: {  	[sflag:s4] =	ssyncset.done $0x0  }
0x2e6: {  	[sflag:s4] =	ssyncadd.s32 $0xFFFF4000  }
0x2e7: {  	_ =	swait.ge [sflag:s4], $0xC000  }
0x2e8: {  	[sflag:s4] =	ssyncset.done $0x0  }
0x2e9: {  	s8 =	simm.s32 $0xC000;
	s7 =	rddreg [dreg:$0x8];
	[sflag:s4] =	ssyncadd.s32 $0xFFFF4000  }
0x2ea: {  	[tilespmem:s8], [sflag:$0x3] =	stream.linear.gather [hbm4b:s7+s2], $0xC000, $0x38;
	[tilespmem:$0x18300] =	vst v63  }
0x2eb: {  	_ =	swait.ge [sflag:s29], $0xC000  }
0x2ec: {  	[sflag:s29] =	ssyncset.done $0x0  }
0x2ed: {  	[sflag:s29] =	ssyncadd.s32 $0xFFFF4000  }
0x2ee: {  	v3 =	vld [tilespmem:$0x180C0];
	_ =	sdelay $0x4  }
0x2ef: {  	v52 =	vshrl.u32 v3, $0x3  }
0x2f0: {  	v4 =	vmul.u32 $0x30, v52  }
0x2f1: {  	v3 =	vand.u32 $0x7, v3  }
0x2f2: {  	v3 =	vor.u32 v3, v4  }
0x2f3: {  	v4 =	vperm.xlane v3, v0;
	_ =	sdelay $0x1  }
0x2f4: {  	v4 =	vadd.s32 v1, v4;
	_ =	sdelay $0x3  }
0x2f5: {  	v3 =	vperm.xlane v3, v2  }
0x2f6: {  	[hbm4b:s3+s2] =	stream.indirect_vreg.scatter [tilespmem:s8], [sflag:$0x2], $0x80, v4, vm0, $0xb8;
	[tilespmem:$0x18300] =	vst v63  }
0x2f7: {  	s7 =	simm.s32 $0xC800;
	v3 =	vadd.s32 v1, v3  }
0x2f8: {  	[hbm4b:s5+s2] =	stream.indirect_vreg.scatter [tilespmem:s7], [sflag:$0x2], $0x80, v4, vm0, $0xb8;
	[tilespmem:$0x18300] =	vst v63  }
0x2f9: {  	s9 =	simm.s32 $0xD000  }
0x2fa: {  	[hbm4b:s6+s2] =	stream.indirect_vreg.scatter [tilespmem:s9], [sflag:$0x2], $0x80, v4, vm0, $0xb8;
	[tilespmem:$0x18300] =	vst v63  }
0x2fb: {  	s11 =	simm.s32 $0xD800  }
0x2fc: {  	[hbm4b:s3+s2] =	stream.indirect_vreg.scatter [tilespmem:s11], [sflag:$0x2], $0x80, v3, vm0, $0xb8;
	[tilespmem:$0x18300] =	vst v63  }
0x2fd: {  	s0 =	simm.s32 $0xE000  }
0x2fe: {  	[hbm4b:s5+s2] =	stream.indirect_vreg.scatter [tilespmem:s0], [sflag:$0x2], $0x80, v3, vm0, $0xb8;
	[tilespmem:$0x18300] =	vst v63  }
0x2ff: {  	s8 =	simm.s32 $0xE800  }
0x300: {  	[hbm4b:s6+s2] =	stream.indirect_vreg.scatter [tilespmem:s8], [sflag:$0x2], $0x80, v3, vm0, $0xb8;
	[tilespmem:$0x18300] =	vst v63  }
0x301: {  	v3 =	vld [tilespmem:$0x180D0];
	_ =	sdelay $0x4  }
0x302: {  	v53 =	vshrl.u32 v3, $0x3  }
0x303: {  	v4 =	vmul.u32 $0x30, v53  }
0x304: {  	v3 =	vand.u32 $0x7, v3  }
0x305: {  	v3 =	vor.u32 v3, v4  }
0x306: {  	v4 =	vperm.xlane v3, v0;
	_ =	sdelay $0x1  }
0x307: {  	v4 =	vadd.s32 v1, v4;
	_ =	sdelay $0x3  }
0x308: {  	s24 =	simm.s32 $0xF000;
	v3 =	vperm.xlane v3, v2  }
0x309: {  	[hbm4b:s3+s2] =	stream.indirect_vreg.scatter [tilespmem:s24], [sflag:$0x2], $0x80, v4, vm0, $0xb8;
	[tilespmem:$0x18300] =	vst v63  }
0x30a: {  	s12 =	simm.s32 $0xF800;
	v3 =	vadd.s32 v1, v3  }
0x30b: {  	[hbm4b:s5+s2] =	stream.indirect_vreg.scatter [tilespmem:s12], [sflag:$0x2], $0x80, v4, vm0, $0xb8;
	[tilespmem:$0x18300] =	vst v63  }
0x30c: {  	s13 =	simm.s32 $0x10000  }
0x30d: {  	[hbm4b:s6+s2] =	stream.indirect_vreg.scatter [tilespmem:s13], [sflag:$0x2], $0x80, v4, vm0, $0xb8;
	[tilespmem:$0x18300] =	vst v63  }
0x30e: {  	s14 =	simm.s32 $0x10800  }
0x30f: {  	[hbm4b:s3+s2] =	stream.indirect_vreg.scatter [tilespmem:s14], [sflag:$0x2], $0x80, v3, vm0, $0xb8;
	[tilespmem:$0x18300] =	vst v63  }
0x310: {  	s15 =	simm.s32 $0x11000  }
0x311: {  	[hbm4b:s5+s2] =	stream.indirect_vreg.scatter [tilespmem:s15], [sflag:$0x2], $0x80, v3, vm0, $0xb8;
	[tilespmem:$0x18300] =	vst v63  }
0x312: {  	s25 =	simm.s32 $0x11800  }
0x313: {  	[hbm4b:s6+s2] =	stream.indirect_vreg.scatter [tilespmem:s25], [sflag:$0x2], $0x80, v3, vm0, $0xb8;
	[tilespmem:$0x18300] =	vst v63  }
0x314: {  	v3 =	vld [tilespmem:$0x180E0];
	_ =	sdelay $0x4  }
0x315: {  	v54 =	vshrl.u32 v3, $0x3  }
0x316: {  	v4 =	vmul.u32 $0x30, v54  }
0x317: {  	v3 =	vand.u32 $0x7, v3  }
0x318: {  	v3 =	vor.u32 v3, v4  }
0x319: {  	v4 =	vperm.xlane v3, v0;
	_ =	sdelay $0x1  }
0x31a: {  	v4 =	vadd.s32 v1, v4;
	_ =	sdelay $0x3  }
0x31b: {  	s26 =	simm.s32 $0x12000;
	v3 =	vperm.xlane v3, v2  }
0x31c: {  	[hbm4b:s3+s2] =	stream.indirect_vreg.scatter [tilespmem:s26], [sflag:$0x2], $0x80, v4, vm0, $0xb8;
	[tilespmem:$0x18300] =	vst v63  }
0x31d: {  	s16 =	simm.s32 $0x12800;
	v3 =	vadd.s32 v1, v3  }
0x31e: {  	[hbm4b:s5+s2] =	stream.indirect_vreg.scatter [tilespmem:s16], [sflag:$0x2], $0x80, v4, vm0, $0xb8;
	[tilespmem:$0x18300] =	vst v63  }
0x31f: {  	s17 =	simm.s32 $0x13000  }
0x320: {  	[hbm4b:s6+s2] =	stream.indirect_vreg.scatter [tilespmem:s17], [sflag:$0x2], $0x80, v4, vm0, $0xb8;
	[tilespmem:$0x18300] =	vst v63  }
0x321: {  	s18 =	simm.s32 $0x13800  }
0x322: {  	[hbm4b:s3+s2] =	stream.indirect_vreg.scatter [tilespmem:s18], [sflag:$0x2], $0x80, v3, vm0, $0xb8;
	[tilespmem:$0x18300] =	vst v63  }
0x323: {  	s19 =	simm.s32 $0x14000  }
0x324: {  	[hbm4b:s5+s2] =	stream.indirect_vreg.scatter [tilespmem:s19], [sflag:$0x2], $0x80, v3, vm0, $0xb8;
	[tilespmem:$0x18300] =	vst v63  }
0x325: {  	s28 =	simm.s32 $0x14800  }
0x326: {  	[hbm4b:s6+s2] =	stream.indirect_vreg.scatter [tilespmem:s28], [sflag:$0x2], $0x80, v3, vm0, $0xb8;
	[tilespmem:$0x18300] =	vst v63  }
0x327: {  	v3 =	vld [tilespmem:$0x180F0];
	_ =	sdelay $0x4  }
0x328: {  	v55 =	vshrl.u32 v3, $0x3  }
0x329: {  	v4 =	vmul.u32 $0x30, v55  }
0x32a: {  	v3 =	vand.u32 $0x7, v3  }
0x32b: {  	v3 =	vor.u32 v3, v4  }
0x32c: {  	v4 =	vperm.xlane v3, v0;
	_ =	sdelay $0x1  }
0x32d: {  	v4 =	vadd.s32 v1, v4;
	_ =	sdelay $0x3  }
0x32e: {  	v3 =	vperm.xlane v3, v2  }
0x32f: {  	[hbm4b:s3+s2] =	stream.indirect_vreg.scatter [tilespmem:s30], [sflag:$0x2], $0x80, v4, vm0, $0xb8;
	[tilespmem:$0x18300] =	vst v63  }
0x330: {  	s20 =	simm.s32 $0x15800;
	v3 =	vadd.s32 v1, v3  }
0x331: {  	[hbm4b:s5+s2] =	stream.indirect_vreg.scatter [tilespmem:s20], [sflag:$0x2], $0x80, v4, vm0, $0xb8;
	[tilespmem:$0x18300] =	vst v63  }
0x332: {  	_ = 	snop  }
0x333: {  	[hbm4b:s6+s2] =	stream.indirect_vreg.scatter [tilespmem:s31], [sflag:$0x2], $0x80, v4, vm0, $0xb8;
	[tilespmem:$0x18300] =	vst v63  }
0x334: {  	s21 =	simm.s32 $0x16800  }
0x335: {  	[hbm4b:s3+s2] =	stream.indirect_vreg.scatter [tilespmem:s21], [sflag:$0x2], $0x80, v3, vm0, $0xb8;
	[tilespmem:$0x18300] =	vst v63  }
0x336: {  	s22 =	simm.s32 $0x17000  }
0x337: {  	[hbm4b:s5+s2] =	stream.indirect_vreg.scatter [tilespmem:s22], [sflag:$0x2], $0x80, v3, vm0, $0xb8;
	[tilespmem:$0x18300] =	vst v63  }
0x338: {  	s23 =	simm.s32 $0x17800  }
0x339: {  	[hbm4b:s6+s2] =	stream.indirect_vreg.scatter [tilespmem:s23], [sflag:$0x2], $0x80, v3, vm0, $0xb8;
	[tilespmem:$0x18300] =	vst v63  }
0x33a: {  	v3 =	vld [tilespmem:$0x181C0];
	_ =	sdelay $0x4  }
0x33b: {  	v56 =	vshrl.u32 v3, $0x3  }
0x33c: {  	v4 =	vmul.u32 $0x30, v56  }
0x33d: {  	v3 =	vand.u32 $0x7, v3  }
0x33e: {  	v3 =	vor.u32 v3, v4  }
0x33f: {  	v4 =	vperm.xlane v3, v0;
	_ =	sdelay $0x1  }
0x340: {  	v4 =	vadd.s32 v1, v4;
	_ =	sdelay $0x3  }
0x341: {  	s10 =	simm.s32 $0xC000;
	v3 =	vperm.xlane v3, v2  }
0x342: {  	[hbm4b:s3+s2] =	stream.indirect_vreg.scatter [tilespmem:s10], [sflag:$0x2], $0x80, v4, vm0, $0xb8;
	[tilespmem:$0x18300] =	vst v63  }
0x343: {  	v3 =	vadd.s32 v1, v3  }
0x344: {  	[hbm4b:s5+s2] =	stream.indirect_vreg.scatter [tilespmem:s7], [sflag:$0x2], $0x80, v4, vm0, $0xb8;
	[tilespmem:$0x18300] =	vst v63  }
0x345: {  	_ = 	snop  }
0x346: {  	[hbm4b:s6+s2] =	stream.indirect_vreg.scatter [tilespmem:s9], [sflag:$0x2], $0x80, v4, vm0, $0xb8;
	[tilespmem:$0x18300] =	vst v63  }
0x347: {  	_ = 	snop  }
0x348: {  	[hbm4b:s3+s2] =	stream.indirect_vreg.scatter [tilespmem:s11], [sflag:$0x2], $0x80, v3, vm0, $0xb8;
	[tilespmem:$0x18300] =	vst v63  }
0x349: {  	_ = 	snop  }
0x34a: {  	[hbm4b:s5+s2] =	stream.indirect_vreg.scatter [tilespmem:s0], [sflag:$0x2], $0x80, v3, vm0, $0xb8;
	[tilespmem:$0x18300] =	vst v63  }
0x34b: {  	_ = 	snop  }
0x34c: {  	[hbm4b:s6+s2] =	stream.indirect_vreg.scatter [tilespmem:s8], [sflag:$0x2], $0x80, v3, vm0, $0xb8;
	[tilespmem:$0x18300] =	vst v63  }
0x34d: {  	v3 =	vld [tilespmem:$0x181D0];
	_ =	sdelay $0x4  }
0x34e: {  	v57 =	vshrl.u32 v3, $0x3  }
0x34f: {  	v4 =	vmul.u32 $0x30, v57  }
0x350: {  	v3 =	vand.u32 $0x7, v3  }
0x351: {  	v3 =	vor.u32 v3, v4  }
0x352: {  	v4 =	vperm.xlane v3, v0;
	_ =	sdelay $0x1  }
0x353: {  	v4 =	vadd.s32 v1, v4;
	_ =	sdelay $0x3  }
0x354: {  	v3 =	vperm.xlane v3, v2  }
0x355: {  	[hbm4b:s3+s2] =	stream.indirect_vreg.scatter [tilespmem:s24], [sflag:$0x2], $0x80, v4, vm0, $0xb8;
	[tilespmem:$0x18300] =	vst v63  }
0x356: {  	v3 =	vadd.s32 v1, v3  }
0x357: {  	[hbm4b:s5+s2] =	stream.indirect_vreg.scatter [tilespmem:s12], [sflag:$0x2], $0x80, v4, vm0, $0xb8;
	[tilespmem:$0x18300] =	vst v63  }
0x358: {  	_ = 	snop  }
0x359: {  	[hbm4b:s6+s2] =	stream.indirect_vreg.scatter [tilespmem:s13], [sflag:$0x2], $0x80, v4, vm0, $0xb8;
	[tilespmem:$0x18300] =	vst v63  }
0x35a: {  	_ = 	snop  }
0x35b: {  	[hbm4b:s3+s2] =	stream.indirect_vreg.scatter [tilespmem:s14], [sflag:$0x2], $0x80, v3, vm0, $0xb8;
	[tilespmem:$0x18300] =	vst v63  }
0x35c: {  	_ = 	snop  }
0x35d: {  	[hbm4b:s5+s2] =	stream.indirect_vreg.scatter [tilespmem:s15], [sflag:$0x2], $0x80, v3, vm0, $0xb8;
	[tilespmem:$0x18300] =	vst v63  }
0x35e: {  	_ = 	snop  }
0x35f: {  	[hbm4b:s6+s2] =	stream.indirect_vreg.scatter [tilespmem:s25], [sflag:$0x2], $0x80, v3, vm0, $0xb8;
	[tilespmem:$0x18300] =	vst v63  }
0x360: {  	v3 =	vld [tilespmem:$0x181E0];
	_ =	sdelay $0x4  }
0x361: {  	v58 =	vshrl.u32 v3, $0x3  }
0x362: {  	v4 =	vmul.u32 $0x30, v58  }
0x363: {  	v3 =	vand.u32 $0x7, v3  }
0x364: {  	v3 =	vor.u32 v3, v4  }
0x365: {  	v4 =	vperm.xlane v3, v0;
	_ =	sdelay $0x1  }
0x366: {  	v4 =	vadd.s32 v1, v4;
	_ =	sdelay $0x3  }
0x367: {  	v3 =	vperm.xlane v3, v2  }
0x368: {  	[hbm4b:s3+s2] =	stream.indirect_vreg.scatter [tilespmem:s26], [sflag:$0x2], $0x80, v4, vm0, $0xb8;
	[tilespmem:$0x18300] =	vst v63  }
0x369: {  	v3 =	vadd.s32 v1, v3  }
0x36a: {  	[hbm4b:s5+s2] =	stream.indirect_vreg.scatter [tilespmem:s16], [sflag:$0x2], $0x80, v4, vm0, $0xb8;
	[tilespmem:$0x18300] =	vst v63  }
0x36b: {  	_ = 	snop  }
0x36c: {  	[hbm4b:s6+s2] =	stream.indirect_vreg.scatter [tilespmem:s17], [sflag:$0x2], $0x80, v4, vm0, $0xb8;
	[tilespmem:$0x18300] =	vst v63  }
0x36d: {  	_ = 	snop  }
0x36e: {  	[hbm4b:s3+s2] =	stream.indirect_vreg.scatter [tilespmem:s18], [sflag:$0x2], $0x80, v3, vm0, $0xb8;
	[tilespmem:$0x18300] =	vst v63  }
0x36f: {  	_ = 	snop  }
0x370: {  	[hbm4b:s5+s2] =	stream.indirect_vreg.scatter [tilespmem:s19], [sflag:$0x2], $0x80, v3, vm0, $0xb8;
	[tilespmem:$0x18300] =	vst v63  }
0x371: {  	_ = 	snop  }
0x372: {  	[hbm4b:s6+s2] =	stream.indirect_vreg.scatter [tilespmem:s28], [sflag:$0x2], $0x80, v3, vm0, $0xb8;
	[tilespmem:$0x18300] =	vst v63  }
0x373: {  	v3 =	vld [tilespmem:$0x181F0];
	_ =	sdelay $0x4  }
0x374: {  	v59 =	vshrl.u32 v3, $0x3  }
0x375: {  	v4 =	vmul.u32 $0x30, v59  }
0x376: {  	v3 =	vand.u32 $0x7, v3  }
0x377: {  	v3 =	vor.u32 v3, v4  }
0x378: {  	v4 =	vperm.xlane v3, v0;
	_ =	sdelay $0x1  }
0x379: {  	v4 =	vadd.s32 v1, v4;
	_ =	sdelay $0x3  }
0x37a: {  	v3 =	vperm.xlane v3, v2  }
0x37b: {  	[hbm4b:s3+s2] =	stream.indirect_vreg.scatter [tilespmem:s30], [sflag:$0x2], $0x80, v4, vm0, $0xb8;
	[tilespmem:$0x18300] =	vst v63  }
0x37c: {  	v3 =	vadd.s32 v1, v3  }
0x37d: {  	[hbm4b:s5+s2] =	stream.indirect_vreg.scatter [tilespmem:s20], [sflag:$0x2], $0x80, v4, vm0, $0xb8;
	[tilespmem:$0x18300] =	vst v63  }
0x37e: {  	_ = 	snop  }
0x37f: {  	[hbm4b:s6+s2] =	stream.indirect_vreg.scatter [tilespmem:s31], [sflag:$0x2], $0x80, v4, vm0, $0xb8;
	[tilespmem:$0x18300] =	vst v63  }
0x380: {  	_ = 	snop  }
0x381: {  	[hbm4b:s3+s2] =	stream.indirect_vreg.scatter [tilespmem:s21], [sflag:$0x2], $0x80, v3, vm0, $0xb8;
	[tilespmem:$0x18300] =	vst v63  }
0x382: {  	_ = 	snop  }
0x383: {  	[hbm4b:s5+s2] =	stream.indirect_vreg.scatter [tilespmem:s22], [sflag:$0x2], $0x80, v3, vm0, $0xb8;
	[tilespmem:$0x18300] =	vst v63  }
0x384: {  	_ = 	snop  }
0x385: {  	[hbm4b:s6+s2] =	stream.indirect_vreg.scatter [tilespmem:s23], [sflag:$0x2], $0x80, v3, vm0, $0xb8;
	[tilespmem:$0x18300] =	vst v63  }
0x386: {  	v3 =	vld [tilespmem:$0x182C0];
	_ =	sdelay $0x4  }
0x387: {  	v60 =	vshrl.u32 v3, $0x3  }
0x388: {  	v4 =	vmul.u32 $0x30, v60  }
0x389: {  	v3 =	vand.u32 $0x7, v3  }
0x38a: {  	v3 =	vor.u32 v3, v4  }
0x38b: {  	v4 =	vperm.xlane v3, v0;
	_ =	sdelay $0x1  }
0x38c: {  	v4 =	vadd.s32 v1, v4;
	_ =	sdelay $0x3  }
0x38d: {  	v3 =	vperm.xlane v3, v2  }
0x38e: {  	[hbm4b:s3+s2] =	stream.indirect_vreg.scatter [tilespmem:s10], [sflag:$0x2], $0x80, v4, vm0, $0xb8;
	[tilespmem:$0x18300] =	vst v63  }
0x38f: {  	s7 =	simm.s32 $0xC800;
	v3 =	vadd.s32 v1, v3  }
0x390: {  	[hbm4b:s5+s2] =	stream.indirect_vreg.scatter [tilespmem:s7], [sflag:$0x2], $0x80, v4, vm0, $0xb8;
	[tilespmem:$0x18300] =	vst v63  }
0x391: {  	s9 =	simm.s32 $0xD000  }
0x392: {  	[hbm4b:s6+s2] =	stream.indirect_vreg.scatter [tilespmem:s9], [sflag:$0x2], $0x80, v4, vm0, $0xb8;
	[tilespmem:$0x18300] =	vst v63  }
0x393: {  	s11 =	simm.s32 $0xD800  }
0x394: {  	[hbm4b:s3+s2] =	stream.indirect_vreg.scatter [tilespmem:s11], [sflag:$0x2], $0x80, v3, vm0, $0xb8;
	[tilespmem:$0x18300] =	vst v63  }
0x395: {  	s0 =	simm.s32 $0xE000  }
0x396: {  	[hbm4b:s5+s2] =	stream.indirect_vreg.scatter [tilespmem:s0], [sflag:$0x2], $0x80, v3, vm0, $0xb8;
	[tilespmem:$0x18300] =	vst v63  }
0x397: {  	s8 =	simm.s32 $0xE800  }
0x398: {  	[hbm4b:s6+s2] =	stream.indirect_vreg.scatter [tilespmem:s8], [sflag:$0x2], $0x80, v3, vm0, $0xb8;
	[tilespmem:$0x18300] =	vst v63  }
0x399: {  	v3 =	vld [tilespmem:$0x182D0];
	_ =	sdelay $0x4  }
0x39a: {  	v61 =	vshrl.u32 v3, $0x3  }
0x39b: {  	v4 =	vmul.u32 $0x30, v61  }
0x39c: {  	v3 =	vand.u32 $0x7, v3  }
0x39d: {  	v3 =	vor.u32 v3, v4  }
0x39e: {  	v4 =	vperm.xlane v3, v0;
	_ =	sdelay $0x1  }
0x39f: {  	v4 =	vadd.s32 v1, v4;
	_ =	sdelay $0x3  }
0x3a0: {  	s24 =	simm.s32 $0xF000;
	v3 =	vperm.xlane v3, v2  }
0x3a1: {  	[hbm4b:s3+s2] =	stream.indirect_vreg.scatter [tilespmem:s24], [sflag:$0x2], $0x80, v4, vm0, $0xb8;
	[tilespmem:$0x18300] =	vst v63  }
0x3a2: {  	s12 =	simm.s32 $0xF800;
	v3 =	vadd.s32 v1, v3  }
0x3a3: {  	[hbm4b:s5+s2] =	stream.indirect_vreg.scatter [tilespmem:s12], [sflag:$0x2], $0x80, v4, vm0, $0xb8;
	[tilespmem:$0x18300] =	vst v63  }
0x3a4: {  	s13 =	simm.s32 $0x10000  }
0x3a5: {  	[hbm4b:s6+s2] =	stream.indirect_vreg.scatter [tilespmem:s13], [sflag:$0x2], $0x80, v4, vm0, $0xb8;
	[tilespmem:$0x18300] =	vst v63  }
0x3a6: {  	s14 =	simm.s32 $0x10800  }
0x3a7: {  	[hbm4b:s3+s2] =	stream.indirect_vreg.scatter [tilespmem:s14], [sflag:$0x2], $0x80, v3, vm0, $0xb8;
	[tilespmem:$0x18300] =	vst v63  }
0x3a8: {  	s15 =	simm.s32 $0x11000  }
0x3a9: {  	[hbm4b:s5+s2] =	stream.indirect_vreg.scatter [tilespmem:s15], [sflag:$0x2], $0x80, v3, vm0, $0xb8;
	[tilespmem:$0x18300] =	vst v63  }
0x3aa: {  	s25 =	simm.s32 $0x11800  }
0x3ab: {  	[hbm4b:s6+s2] =	stream.indirect_vreg.scatter [tilespmem:s25], [sflag:$0x2], $0x80, v3, vm0, $0xb8;
	[tilespmem:$0x18300] =	vst v63  }
0x3ac: {  	v3 =	vld [tilespmem:$0x182E0];
	_ =	sdelay $0x4  }
0x3ad: {  	v62 =	vshrl.u32 v3, $0x3  }
0x3ae: {  	v4 =	vmul.u32 $0x30, v62  }
0x3af: {  	v3 =	vand.u32 $0x7, v3  }
0x3b0: {  	v3 =	vor.u32 v3, v4  }
0x3b1: {  	v4 =	vperm.xlane v3, v0;
	_ =	sdelay $0x1  }
0x3b2: {  	v4 =	vadd.s32 v1, v4;
	_ =	sdelay $0x3  }
0x3b3: {  	s26 =	simm.s32 $0x12000;
	v3 =	vperm.xlane v3, v2  }
0x3b4: {  	[hbm4b:s3+s2] =	stream.indirect_vreg.scatter [tilespmem:s26], [sflag:$0x2], $0x80, v4, vm0, $0xb8;
	[tilespmem:$0x18300] =	vst v63  }
0x3b5: {  	s16 =	simm.s32 $0x12800;
	v3 =	vadd.s32 v1, v3  }
0x3b6: {  	[hbm4b:s5+s2] =	stream.indirect_vreg.scatter [tilespmem:s16], [sflag:$0x2], $0x80, v4, vm0, $0xb8;
	[tilespmem:$0x18300] =	vst v63  }
0x3b7: {  	s17 =	simm.s32 $0x13000  }
0x3b8: {  	[hbm4b:s6+s2] =	stream.indirect_vreg.scatter [tilespmem:s17], [sflag:$0x2], $0x80, v4, vm0, $0xb8;
	[tilespmem:$0x18300] =	vst v63  }
0x3b9: {  	s18 =	simm.s32 $0x13800  }
0x3ba: {  	[hbm4b:s3+s2] =	stream.indirect_vreg.scatter [tilespmem:s18], [sflag:$0x2], $0x80, v3, vm0, $0xb8;
	[tilespmem:$0x18300] =	vst v63  }
0x3bb: {  	s19 =	simm.s32 $0x14000  }
0x3bc: {  	[hbm4b:s5+s2] =	stream.indirect_vreg.scatter [tilespmem:s19], [sflag:$0x2], $0x80, v3, vm0, $0xb8;
	[tilespmem:$0x18300] =	vst v63  }
0x3bd: {  	s28 =	simm.s32 $0x14800  }
0x3be: {  	[hbm4b:s6+s2] =	stream.indirect_vreg.scatter [tilespmem:s28], [sflag:$0x2], $0x80, v3, vm0, $0xb8;
	[tilespmem:$0x18300] =	vst v63  }
0x3bf: {  	v3 =	vld [tilespmem:$0x182F0];
	_ =	sdelay $0x4  }
0x3c0: {  	v63 =	vshrl.u32 v3, $0x3  }
0x3c1: {  	v4 =	vmul.u32 $0x30, v63  }
0x3c2: {  	v3 =	vand.u32 $0x7, v3  }
0x3c3: {  	v3 =	vor.u32 v3, v4  }
0x3c4: {  	v4 =	vperm.xlane v3, v0;
	_ =	sdelay $0x1  }
0x3c5: {  	v4 =	vadd.s32 v1, v4;
	_ =	sdelay $0x3  }
0x3c6: {  	v3 =	vperm.xlane v3, v2  }
0x3c7: {  	[hbm4b:s3+s2] =	stream.indirect_vreg.scatter [tilespmem:s30], [sflag:$0x2], $0x80, v4, vm0, $0xb8;
	[tilespmem:$0x18300] =	vst v63  }
0x3c8: {  	s20 =	simm.s32 $0x15800;
	v3 =	vadd.s32 v1, v3  }
0x3c9: {  	[hbm4b:s5+s2] =	stream.indirect_vreg.scatter [tilespmem:s20], [sflag:$0x2], $0x80, v4, vm0, $0xb8;
	[tilespmem:$0x18300] =	vst v63  }
0x3ca: {  	_ = 	snop  }
0x3cb: {  	[hbm4b:s6+s2] =	stream.indirect_vreg.scatter [tilespmem:s31], [sflag:$0x2], $0x80, v4, vm0, $0xb8;
	[tilespmem:$0x18300] =	vst v63  }
0x3cc: {  	s21 =	simm.s32 $0x16800  }
0x3cd: {  	[hbm4b:s3+s2] =	stream.indirect_vreg.scatter [tilespmem:s21], [sflag:$0x2], $0x80, v3, vm0, $0xb8;
	[tilespmem:$0x18300] =	vst v63  }
0x3ce: {  	s22 =	simm.s32 $0x17000  }
0x3cf: {  	[hbm4b:s5+s2] =	stream.indirect_vreg.scatter [tilespmem:s22], [sflag:$0x2], $0x80, v3, vm0, $0xb8;
	[tilespmem:$0x18300] =	vst v63  }
0x3d0: {  	s23 =	simm.s32 $0x17800  }
0x3d1: {  	[hbm4b:s6+s2] =	stream.indirect_vreg.scatter [tilespmem:s23], [sflag:$0x2], $0x80, v3, vm0, $0xb8;
	[tilespmem:$0x18300] =	vst v63  }
0x3d2: {  	s10 =	rddreg [dreg:$0xd];
	_ =	swait.ge [sflag:s1], $0xC000  }
0x3d3: {  	[sflag:s1] =	ssyncset.done $0x0  }
0x3d4: {  	[sflag:s1] =	ssyncadd.s32 $0xFFFF4000  }
0x3d5: {  	_ =	swait.ge [sflag:s1], $0xC000  }
0x3d6: {  	[sflag:s1] =	ssyncset.done $0x0  }
0x3d7: {  	[sflag:s1] =	ssyncadd.s32 $0xFFFF4000  }
0x3d8: {  	_ =	swait.ge [sflag:s1], $0xC000  }
0x3d9: {  	[sflag:s1] =	ssyncset.done $0x0  }
0x3da: {  	[sflag:s1] =	ssyncadd.s32 $0xFFFF4000  }
0x3db: {  	_ =	swait.ge [sflag:s4], $0xC000  }
0x3dc: {  	[sflag:s4] =	ssyncset.done $0x0  }
0x3dd: {  	[sflag:s4] =	ssyncadd.s32 $0xFFFF4000  }
0x3de: {  	p0 =	sne.s32 s10, $0x1;
	_ =	swait.ge [sflag:s4], $0xC000  }
.Ltmp0:
0x3df: {  	[sflag:s4] =	ssyncset.done $0x0;
	(pc) =	sbr.rel @p0 .LBB2_1-.Ltmp0, $4  }
0x3e0: {  	[sflag:s4] =	ssyncadd.s32 $0xFFFF4000  }
0x3e1: {  	_ =	swait.ge [sflag:s4], $0xC000  }
0x3e2: {  	[sflag:s4] =	ssyncset.done $0x0  }
0x3e3: {  	s7 =	sadd.s32 $0xFFFFFFFF, s10;
	[sflag:s4] =	ssyncadd.s32 $0xFFFF4000  }
0x3e4: {  	_ =	sfence.sel $0x180000  }
0x3e5: {  	[bflag:$0x0] =	sbarrier.arrive $0xFFFF  }
0x3e6: {  	_ =	strace $0x90000047  }
0x3e7: {  	s0 =	stileid.u32;
	[bflag:$0x2] =	sbarrier.arrive $0xFFFF  }
0x3e8: {  	p0 =	sne.s32 s0, $0x0;
	s0 =	rddreg [dreg:$0x2]  }
0x3e9: {  	s0 =	sadd.s32 @!p0 $0x100000, s0  }
0x3ea: {  	[sflag:s0] =	ssyncadd.tile.s32 @!p0 $0x1;
	_ =	shalt  }
.Lfunc_end2:
_tile_overlayer_lowered:
.L_overlay_start_2:
0x3eb: {  	(tag) =	ssettag $0x2  }
0x3ec: {  	s0 =	rddreg [dreg:$0x0];
	s2 =	stileid.u32  }
0x3ed: {  	s1 =	rddreg [dreg:$0x1];
	p0 =	sne.s32 s2, $0x0  }
0x3ee: {  	s3 =	rddreg [dreg:$0x2];
	[bflag:$0x3] =	sbarrier.arrive $0xFFFF;
	s2 =	simm.s32 @!p0 $0x1C03  }
0x3ef: {  	[timem:s3], [sflag:s2] =	dma.local @!p0 [hbm:s0], s1  }
0x3f0: {  	s0 =	simm.s32 @!p0 $0x3  }
0x3f1: {  	_ =	swait.ge @!p0 [sflag:s0], s1  }
0x3f2: {  	s1 =	ssub.s32 @!p0 $0x0, s1;
	[sflag:s0] =	ssyncset.done @!p0 $0x0  }
0x3f3: {  	[sflag:s0] =	ssyncadd.s32 @!p0 s1  }
0x3f4: {  	[bflag:$0x3] =	sbarrier.arrive $0xFFFF  }
0x3f5: {  	_ =	shalt  }

</sc_bundles>
